<compile_context>
chip_gen: v7x
topology: tpu7x:2x2x1
jax: 0.10.2.dev20260603
libtpu: 0.0.44.dev20260713+nightly
codegen_flags: <defaults>
</compile_context>

<pallas_src>
import jax
import jax.numpy as jnp
from jax import lax
from jax.experimental import pallas as pl
from jax.experimental.pallas import tpu as pltpu
from jax.experimental.pallas import tpu_sc as plsc

_N, _E, _D, _H, _DE = 10000, 320000, 128, 128, 108
_NC, _NS, _L = 2, 16, 16
_NW = _NC * _NS
_EPW = _E // _NW
_C = 80
_NCH = _EPW // _C
_RPT = 624

_BE = 16000


def _etype_body(attrT_ref, out_ref):
    i = pl.program_id(0)
    a = attrT_ref[...]
    iota = lax.broadcasted_iota(jnp.int32, (1, _DE), 1).astype(jnp.float32)
    et = lax.dot_general(iota, a, (((1,), (0,)), ((), ())),
                         preferred_element_type=jnp.float32)
    pos = lax.broadcasted_iota(jnp.int32, (1, _BE), 1) + i * _BE
    bias = (pos // _EPW) * _DE
    out_ref[pl.ds(i * _BE, _BE)] = (et.astype(jnp.int32) + bias).reshape(_BE)


def _etype_call(edge_attr):
    grid = _E // _BE
    out = pl.pallas_call(
        _etype_body,
        grid=(grid,),
        in_specs=[pl.BlockSpec((_DE, _BE), lambda i: (0, i))],
        out_specs=pl.BlockSpec((_E,), lambda i: (0,)),
        out_shape=jax.ShapeDtypeStruct((_E,), jnp.int32),
    )(edge_attr.T)
    return out


_BN1 = 1000


def _xe_body(x_ref, we_ref, xe_ref):
    wx = we_ref[...][:, :_D]
    xe_ref[...] = lax.dot_general(
        x_ref[...], wx, (((1,), (1,)), ((), ())),
        preferred_element_type=jnp.float32)


def _xe_call(x, W_edge):
    return pl.pallas_call(
        _xe_body,
        grid=(_N // _BN1,),
        in_specs=[
            pl.BlockSpec((_BN1, _D), lambda i: (i, 0)),
            pl.BlockSpec((_H, _D + _DE), lambda i: (0, 0)),
        ],
        out_specs=pl.BlockSpec((_BN1, _H), lambda i: (i, 0)),
        out_shape=jax.ShapeDtypeStruct((_N, _H), jnp.float32),
    )(x, W_edge)


def _sc_body(xe_hbm, table_hbm, src_hbm, et_hbm, dst_hbm, out_hbm,
             src_v, et_v, dst_v, msg_v, agg_sh,
             semse, semd, semg, semt, semh, semsc):
    cid = lax.axis_index("c")
    sid = lax.axis_index("s")
    wid = cid * _NS + sid

    for r in range(16):
        for k in range(_H // _L):
            msg_v[0, r, pl.ds(k * _L, _L)] = jnp.zeros((_L,), jnp.float32)

    base = sid * _RPT

    @pl.loop(0, _RPT // 16)
    def _z(r):
        pltpu.sync_copy(msg_v.at[0, pl.ds(0, 16)],
                        agg_sh.at[pl.ds(base + r * 16, 16)])

    @pl.when(sid == _NS - 1)
    def _ztail():
        pltpu.sync_copy(msg_v.at[0, pl.ds(0, 16)],
                        agg_sh.at[pl.ds(_NS * _RPT, 16)])

    plsc.subcore_barrier()

    ebase = wid * _EPW

    def _idx_se(j, slot):
        off = ebase + j * _C
        pltpu.async_copy(src_hbm.at[pl.ds(off, _C)], src_v.at[slot],
                         semse.at[slot])
        pltpu.async_copy(et_hbm.at[pl.ds(off, _C)], et_v.at[slot],
                         semse.at[slot])

    def _idx_d(j):
        off = ebase + j * _C
        pltpu.async_copy(dst_hbm.at[pl.ds(off, _C)], dst_v.at[j % 3],
                         semd.at[j % 3])

    def _wait_se(slot):
        pltpu.make_async_copy(src_hbm.at[pl.ds(0, _C)], src_v.at[slot],
                              semse.at[slot]).wait()
        pltpu.make_async_copy(et_hbm.at[pl.ds(0, _C)], et_v.at[slot],
                              semse.at[slot]).wait()

    _idx_se(0, 0)
    _idx_d(0)
    _idx_se(1, 1)
    _idx_d(1)
    _wait_se(0)
    pltpu.async_copy(table_hbm.at[et_v.at[0, pl.ds(0, _C // 2)]],
                     msg_v.at[0, pl.ds(0, _C // 2)], semg.at[0])
    pltpu.async_copy(table_hbm.at[et_v.at[0, pl.ds(_C // 2, _C // 2)]],
                     msg_v.at[0, pl.ds(_C // 2, _C // 2)], semt.at[0])

    @pl.loop(0, _NCH)
    def _chunk(i):
        b = i % 2
        nb = 1 - b
        pltpu.make_async_copy(table_hbm.at[et_v.at[b, pl.ds(0, _C // 2)]],
                              msg_v.at[b, pl.ds(0, _C // 2)],
                              semg.at[b]).wait()
        pltpu.async_copy(xe_hbm.at[src_v.at[b, pl.ds(0, _C // 2)]],
                         msg_v.at[b, pl.ds(0, _C // 2)], semh.at[b, 0],
                         add=True)
        pltpu.make_async_copy(table_hbm.at[et_v.at[b, pl.ds(_C // 2, _C // 2)]],
                              msg_v.at[b, pl.ds(_C // 2, _C // 2)],
                              semt.at[b]).wait()
        pltpu.async_copy(xe_hbm.at[src_v.at[b, pl.ds(_C // 2, _C // 2)]],
                         msg_v.at[b, pl.ds(_C // 2, _C // 2)], semh.at[b, 1],
                         add=True)

        @pl.when(i >= 1)
        def _wsc():
            pltpu.make_async_copy(msg_v.at[nb], agg_sh.at[dst_v.at[(i + 2) % 3]],
                                  semsc.at[nb]).wait()

        @pl.when(i + 1 < _NCH)
        def _pf1():
            _wait_se(nb)
            pltpu.make_async_copy(dst_hbm.at[pl.ds(0, _C)],
                                  dst_v.at[(i + 1) % 3],
                                  semd.at[(i + 1) % 3]).wait()
            pltpu.async_copy(table_hbm.at[et_v.at[nb, pl.ds(0, _C // 2)]],
                             msg_v.at[nb, pl.ds(0, _C // 2)], semg.at[nb])
            pltpu.async_copy(table_hbm.at[et_v.at[nb, pl.ds(_C // 2, _C // 2)]],
                             msg_v.at[nb, pl.ds(_C // 2, _C // 2)], semt.at[nb])

        pltpu.make_async_copy(xe_hbm.at[src_v.at[b, pl.ds(0, _C // 2)]],
                              msg_v.at[b, pl.ds(0, _C // 2)],
                              semh.at[b, 0]).wait()

        @plsc.parallel_loop(0, _C // 2, unroll=8)
        def _edge0(e):
            for k in range(_H // _L):
                s = pl.ds(k * _L, _L)
                msg_v[b, e, s] = jnp.maximum(msg_v[b, e, s], 0.0)

        pltpu.make_async_copy(xe_hbm.at[src_v.at[b, pl.ds(_C // 2, _C // 2)]],
                              msg_v.at[b, pl.ds(_C // 2, _C // 2)],
                              semh.at[b, 1]).wait()

        @pl.when(i + 2 < _NCH)
        def _pf2():
            _idx_se(i + 2, b)
            _idx_d(i + 2)

        @plsc.parallel_loop(_C // 2, _C, unroll=8)
        def _edge1(e):
            for k in range(_H // _L):
                s = pl.ds(k * _L, _L)
                msg_v[b, e, s] = jnp.maximum(msg_v[b, e, s], 0.0)

        pltpu.async_copy(msg_v.at[b], agg_sh.at[dst_v.at[i % 3]],
                         semsc.at[b], add=True)

    pltpu.make_async_copy(msg_v.at[(_NCH - 1) % 2],
                          agg_sh.at[dst_v.at[(_NCH - 1) % 3]],
                          semsc.at[(_NCH - 1) % 2]).wait()

    plsc.subcore_barrier()
    pltpu.sync_copy(agg_sh.at[pl.ds(base, _RPT)],
                    out_hbm.at[cid, pl.ds(base, _RPT)])

    @pl.when(sid == _NS - 1)
    def _ftail():
        pltpu.sync_copy(agg_sh.at[pl.ds(_NS * _RPT, 16)],
                        out_hbm.at[cid, pl.ds(_NS * _RPT, 16)])


def _sc_call(xe, table, src, et, dst):
    mesh = plsc.VectorSubcoreMesh(
        core_axis_name="c", subcore_axis_name="s",
        num_cores=_NC, num_subcores=_NS)
    fn = pl.kernel(
        _sc_body,
        out_type=jax.ShapeDtypeStruct((_NC, _N, _H), jnp.float32),
        mesh=mesh,
        compiler_params=pltpu.CompilerParams(use_tc_tiling_on_sc=True),
        scratch_types=[
            pltpu.VMEM((2, _C), jnp.int32),
            pltpu.VMEM((2, _C), jnp.int32),
            pltpu.VMEM((3, _C), jnp.int32),
            pltpu.VMEM((2, _C, _H), jnp.float32),
            pltpu.VMEM_SHARED((_N, _H), jnp.float32),
            pltpu.SemaphoreType.DMA((2,)),
            pltpu.SemaphoreType.DMA((3,)),
            pltpu.SemaphoreType.DMA((2,)),
            pltpu.SemaphoreType.DMA((2,)),
            pltpu.SemaphoreType.DMA((2, 2)),
            pltpu.SemaphoreType.DMA((2,)),
        ],
    )
    return fn(xe, table, src, et, dst)


_BN2 = 1000


def _post_body(eps_ref, x_ref, p0_ref, p1_ref, w1_ref, w2_ref, g_ref, b_ref,
               out_ref, h1_s, st_s):
    p = pl.program_id(0)
    i = pl.program_id(1)

    @pl.when(p == 0)
    def _acc():
        e = eps_ref[0, 0]
        pre = (1.0 + e) * x_ref[...] + p0_ref[...] + p1_ref[...]
        h1 = lax.dot_general(pre, w1_ref[...], (((1,), (1,)), ((), ())),
                             preferred_element_type=jnp.float32)
        h1_s[pl.ds(i * _BN2, _BN2), :] = h1

        @pl.when(i == 0)
        def _init():
            st_s[...] = jnp.zeros_like(st_s)

        st_s[0:1, :] += jnp.sum(h1, axis=0, keepdims=True)
        st_s[1:2, :] += jnp.sum(h1 * h1, axis=0, keepdims=True)
        out_ref[...] = h1

    @pl.when(p == 1)
    def _norm():
        mean = st_s[0:1, :] / float(_N)
        var = st_s[1:2, :] / float(_N) - mean * mean
        rstd = lax.rsqrt(var + 1e-5)
        h1 = h1_s[pl.ds(i * _BN2, _BN2), :]
        h = (h1 - mean) * (rstd * g_ref[...]) + b_ref[...]
        h = jnp.maximum(h, 0.0)
        out_ref[...] = lax.dot_general(h, w2_ref[...], (((1,), (1,)), ((), ())),
                                       preferred_element_type=jnp.float32)


def _post_call(eps, x, p0, p1, W1, W2, gamma, beta):
    nb = _N // _BN2
    return pl.pallas_call(
        _post_body,
        grid=(2, nb),
        in_specs=[
            pl.BlockSpec((1, 1), lambda p, i: (0, 0)),
            pl.BlockSpec((_BN2, _D), lambda p, i: (i, 0)),
            pl.BlockSpec((_BN2, _H), lambda p, i: (i, 0)),
            pl.BlockSpec((_BN2, _H), lambda p, i: (i, 0)),
            pl.BlockSpec((_H, _D), lambda p, i: (0, 0)),
            pl.BlockSpec((_H, _H), lambda p, i: (0, 0)),
            pl.BlockSpec((1, _H), lambda p, i: (0, 0)),
            pl.BlockSpec((1, _H), lambda p, i: (0, 0)),
        ],
        out_specs=pl.BlockSpec((_BN2, _H), lambda p, i: (i, 0)),
        out_shape=jax.ShapeDtypeStruct((_N, _H), jnp.float32),
        scratch_shapes=[
            pltpu.VMEM((_N, _H), jnp.float32),
            pltpu.VMEM((8, _H), jnp.float32),
        ],
    )(eps.reshape(1, 1), x, p0, p1, W1, W2,
      gamma.reshape(1, _H), beta.reshape(1, _H))


def kernel(x, edge_index, edge_attr, eps, W_edge, b_edge, W1, W2,
           bn_gamma, bn_beta):
    table = W_edge[:, _D:].T + b_edge[None, :]
    table = jnp.tile(table, (_NW, 1))
    et = _etype_call(edge_attr)
    xe = _xe_call(x, W_edge)
    parts = _sc_call(xe, table, edge_index[0], et, edge_index[1])
    return _post_call(eps, x, parts[0], parts[1], W1, W2, bn_gamma, bn_beta)

# --- scband reference (transcript-rebuilt; emitter-appended) ---
"""Pipeline reference for scband-graph-model-42975442764407 (READ-ONLY COPY).

The authoritative reference and input builder live on the scoring server;
editing this copy changes nothing except your own understanding.
"""

import jax, jax.numpy as jnp
import numpy as np

N = 10000      # n_nodes
E = 320000     # n_edges
D = 128        # input_dim
H = 128        # hidden_dim
O = 128        # output_dim
DE = 108       # edge one-hot dim (from code: hidden_dim + 108)


def setup_inputs(seed: int = 0) -> dict:
    key = jax.random.key(seed)
    ks = jax.random.split(key, 10)
    x = jax.random.normal(ks[0], (N, D), dtype=jnp.float32)
    edge_index = jax.random.randint(ks[1], (2, E), 0, N, dtype=jnp.int32)
    edge_types = jax.random.randint(ks[2], (E,), 0, DE, dtype=jnp.int32)
    edge_attr = jax.nn.one_hot(edge_types, DE, dtype=jnp.float32)
    # learned params (xavier-ish init)
    W_edge = jax.random.normal(ks[3], (H, H + DE), dtype=jnp.float32) * (2.0 / (H + DE + H)) ** 0.5
    b_edge = jnp.zeros((H,), dtype=jnp.float32)
    W1 = jax.random.normal(ks[4], (H, D), dtype=jnp.float32) * (2.0 / (D + H)) ** 0.5
    W2 = jax.random.normal(ks[5], (O, H), dtype=jnp.float32) * (2.0 / (H + O)) ** 0.5
    bn_gamma = jnp.ones((H,), dtype=jnp.float32)
    bn_beta = jnp.zeros((H,), dtype=jnp.float32)
    eps = jnp.zeros((1,), dtype=jnp.float32)  # GIN epsilon buffer (init_eps=0)
    return {
        'x': x, 'edge_index': edge_index, 'edge_attr': edge_attr,
        'eps': eps, 'W_edge': W_edge, 'b_edge': b_edge,
        'W1': W1, 'W2': W2, 'bn_gamma': bn_gamma, 'bn_beta': bn_beta,
    }


def reference(x, edge_index, edge_attr, eps, W_edge, b_edge, W1, W2, bn_gamma, bn_beta):
    # NodeAggregateGIN (GIN with edge features, tensorized):
    #   per-edge: e_ji = edge_linear(cat(h_src, onehot_edge)); msg = ReLU(e_ji)
    #   per-node: agg_i = sum_{j in N(i)} msg_ji   (message/organize_neighbors loop -> segment_sum)
    #   h_i' = MLP((1 + eps) * h_i + agg_i), MLP = Linear -> BatchNorm1d -> ReLU -> Linear
    src = edge_index[0]
    dst = edge_index[1]
    h_src = jnp.take(x, src, axis=0)                       # gather [E, D]
    edge_in = jnp.concatenate([h_src, edge_attr], axis=-1)  # [E, D+DE]
    path_emb = edge_in @ W_edge.T + b_edge                  # edge_linear
    msgs = jax.nn.relu(path_emb)                            # self.message: F.relu(...)
    agg = jax.ops.segment_sum(msgs, dst, num_segments=x.shape[0])  # scatter-add [N, H]
    pre = (1.0 + eps[0]) * x + agg                          # GIN update
    h1 = pre @ W1.T                                         # MLP layer1 (bias=False)
    mean = jnp.mean(h1, axis=0)
    var = jnp.var(h1, axis=0)
    h1 = (h1 - mean) / jnp.sqrt(var + 1e-5) * bn_gamma + bn_beta  # BatchNorm1d (train mode)
    h1 = jax.nn.relu(h1)
    out = h1 @ W2.T                                         # MLP layer2 (bias=False)
    return out

if __name__ == "__main__":
    import jax
    _d = setup_inputs()
    print(jax.jit(kernel)(*tuple(_d.values())))

</pallas_src>

<mosaic_0001>
#map = affine_map<(d0, d1) -> (0, 0)>
#map1 = affine_map<(d0, d1) -> (0)>
#map2 = affine_map<(d0, d1) -> (0, 0, 0)>
module attributes {stable_mosaic.version = 14 : i64} {
  func.func @_sc_body(%arg0: i32, %arg1: i32, %arg2: memref<10000x128xf32, #tpu.memory_space<hbm>>, %arg3: memref<3456x128xf32, #tpu.memory_space<hbm>>, %arg4: memref<320000xi32, #tpu.memory_space<hbm>>, %arg5: memref<320000xi32, #tpu.memory_space<hbm>>, %arg6: memref<320000xi32, #tpu.memory_space<hbm>>, %arg7: memref<2x10000x128xf32, #tpu.memory_space<hbm>>, %arg8: memref<2x80xi32, #tpu.memory_space<vmem>>, %arg9: memref<2x80xi32, #tpu.memory_space<vmem>>, %arg10: memref<3x80xi32, #tpu.memory_space<vmem>>, %arg11: memref<2x80x128xf32, #tpu.memory_space<vmem>>, %arg12: memref<10000x128xf32, #tpu.memory_space<vmem_shared>>, %arg13: memref<2x!tpu.dma_semaphore, #tpu.memory_space<semaphore_mem>>, %arg14: memref<3x!tpu.dma_semaphore, #tpu.memory_space<semaphore_mem>>, %arg15: memref<2x!tpu.dma_semaphore, #tpu.memory_space<semaphore_mem>>, %arg16: memref<2x!tpu.dma_semaphore, #tpu.memory_space<semaphore_mem>>, %arg17: memref<2x2x!tpu.dma_semaphore, #tpu.memory_space<semaphore_mem>>, %arg18: memref<2x!tpu.dma_semaphore, #tpu.memory_space<semaphore_mem>>) attributes {dimension_semantics = [#tpu.dimension_semantics<core_parallel>, #tpu.dimension_semantics<subcore_parallel>], iteration_bounds = array<i64: 2, 16>, scalar_prefetch = 0 : i64, scratch_operands = 11 : i64, tpu.core_type = #tpu.core_type<sc_vector_subcore>, window_params = [{transform_indices = #map}, {transform_indices = #map}, {transform_indices = #map1}, {transform_indices = #map1}, {transform_indices = #map1}, {transform_indices = #map2}]} {
    %mul3A = arith.constant 16 : i32
    %mul3A_0 = arith.muli %arg0, %mul3A : i32
    %add3A = arith.addi %mul3A_0, %arg1 : i32
    %broadcast_in_dim3A = arith.constant 0.000000e+00 : f32
    %broadcast_in_dim3A_1 = vector.broadcast %broadcast_in_dim3A : f32 to vector<16xf32>
    %swap3A = arith.constant 0 : i32
    %swap3A_2 = arith.constant 0 : i32
    %swap3A_3 = arith.index_cast %swap3A : i32 to index
    %swap3A_4 = arith.index_cast %swap3A_2 : i32 to index
    %swap3A_5 = arith.constant 0 : index
    %swap3A_6 = tpu.vector_load %arg11[%swap3A_3, %swap3A_4, %swap3A_5] {strides = array<i32>} : memref<2x80x128xf32, #tpu.memory_space<vmem>>, vector<1x1x16xf32>,
    %swap3A_7 = vector.shape_cast %swap3A_6 : vector<1x1x16xf32> to vector<16xf32>
    %swap3A_8 = vector.shape_cast %broadcast_in_dim3A_1 : vector<16xf32> to vector<1x1x16xf32>
    tpu.vector_store %arg11[%swap3A_3, %swap3A_4, %swap3A_5], %swap3A_8 {strides = array<i32>} : memref<2x80x128xf32, #tpu.memory_space<vmem>>, vector<1x1x16xf32>,
    %broadcast_in_dim3A_9 = arith.constant 0.000000e+00 : f32
    %broadcast_in_dim3A_10 = vector.broadcast %broadcast_in_dim3A_9 : f32 to vector<16xf32>
    %swap3A_11 = arith.constant 0 : i32
    %swap3A_12 = arith.constant 0 : i32
    %swap3A_13 = arith.index_cast %swap3A_11 : i32 to index
    %swap3A_14 = arith.index_cast %swap3A_12 : i32 to index
    %swap3A_15 = arith.constant 16 : index
    %swap3A_16 = tpu.vector_load %arg11[%swap3A_13, %swap3A_14, %swap3A_15] {strides = array<i32>} : memref<2x80x128xf32, #tpu.memory_space<vmem>>, vector<1x1x16xf32>,
    %swap3A_17 = vector.shape_cast %swap3A_16 : vector<1x1x16xf32> to vector<16xf32>
    %swap3A_18 = vector.shape_cast %broadcast_in_dim3A_10 : vector<16xf32> to vector<1x1x16xf32>
    tpu.vector_store %arg11[%swap3A_13, %swap3A_14, %swap3A_15], %swap3A_18 {strides = array<i32>} : memref<2x80x128xf32, #tpu.memory_space<vmem>>, vector<1x1x16xf32>,
    %broadcast_in_dim3A_19 = arith.constant 0.000000e+00 : f32
    %broadcast_in_dim3A_20 = vector.broadcast %broadcast_in_dim3A_19 : f32 to vector<16xf32>
    %swap3A_21 = arith.constant 0 : i32
    %swap3A_22 = arith.constant 0 : i32
    %swap3A_23 = arith.index_cast %swap3A_21 : i32 to index
    %swap3A_24 = arith.index_cast %swap3A_22 : i32 to index
    %swap3A_25 = arith.constant 32 : index
    %swap3A_26 = tpu.vector_load %arg11[%swap3A_23, %swap3A_24, %swap3A_25] {strides = array<i32>} : memref<2x80x128xf32, #tpu.memory_space<vmem>>, vector<1x1x16xf32>,
    %swap3A_27 = vector.shape_cast %swap3A_26 : vector<1x1x16xf32> to vector<16xf32>
    %swap3A_28 = vector.shape_cast %broadcast_in_dim3A_20 : vector<16xf32> to vector<1x1x16xf32>
    tpu.vector_store %arg11[%swap3A_23, %swap3A_24, %swap3A_25], %swap3A_28 {strides = array<i32>} : memref<2x80x128xf32, #tpu.memory_space<vmem>>, vector<1x1x16xf32>,
    %broadcast_in_dim3A_29 = arith.constant 0.000000e+00 : f32
    %broadcast_in_dim3A_30 = vector.broadcast %broadcast_in_dim3A_29 : f32 to vector<16xf32>
    %swap3A_31 = arith.constant 0 : i32
    %swap3A_32 = arith.constant 0 : i32
    %swap3A_33 = arith.index_cast %swap3A_31 : i32 to index
    %swap3A_34 = arith.index_cast %swap3A_32 : i32 to index
    %swap3A_35 = arith.constant 48 : index
    %swap3A_36 = tpu.vector_load %arg11[%swap3A_33, %swap3A_34, %swap3A_35] {strides = array<i32>} : memref<2x80x128xf32, #tpu.memory_space<vmem>>, vector<1x1x16xf32>,
    %swap3A_37 = vector.shape_cast %swap3A_36 : vector<1x1x16xf32> to vector<16xf32>
    %swap3A_38 = vector.shape_cast %broadcast_in_dim3A_30 : vector<16xf32> to vector<1x1x16xf32>
    tpu.vector_store %arg11[%swap3A_33, %swap3A_34, %swap3A_35], %swap3A_38 {strides = array<i32>} : memref<2x80x128xf32, #tpu.memory_space<vmem>>, vector<1x1x16xf32>,
    %broadcast_in_dim3A_39 = arith.constant 0.000000e+00 : f32
    %broadcast_in_dim3A_40 = vector.broadcast %broadcast_in_dim3A_39 : f32 to vector<16xf32>
    %swap3A_41 = arith.constant 0 : i32
    %swap3A_42 = arith.constant 0 : i32
    %swap3A_43 = arith.index_cast %swap3A_41 : i32 to index
    %swap3A_44 = arith.index_cast %swap3A_42 : i32 to index
    %swap3A_45 = arith.constant 64 : index
    %swap3A_46 = tpu.vector_load %arg11[%swap3A_43, %swap3A_44, %swap3A_45] {strides = array<i32>} : memref<2x80x128xf32, #tpu.memory_space<vmem>>, vector<1x1x16xf32>,
    %swap3A_47 = vector.shape_cast %swap3A_46 : vector<1x1x16xf32> to vector<16xf32>
    %swap3A_48 = vector.shape_cast %broadcast_in_dim3A_40 : vector<16xf32> to vector<1x1x16xf32>
    tpu.vector_store %arg11[%swap3A_43, %swap3A_44, %swap3A_45], %swap3A_48 {strides = array<i32>} : memref<2x80x128xf32, #tpu.memory_space<vmem>>, vector<1x1x16xf32>,
    %broadcast_in_dim3A_49 = arith.constant 0.000000e+00 : f32
    %broadcast_in_dim3A_50 = vector.broadcast %broadcast_in_dim3A_49 : f32 to vector<16xf32>
    %swap3A_51 = arith.constant 0 : i32
    %swap3A_52 = arith.constant 0 : i32
    %swap3A_53 = arith.index_cast %swap3A_51 : i32 to index
    %swap3A_54 = arith.index_cast %swap3A_52 : i32 to index
    %swap3A_55 = arith.constant 80 : index
    %swap3A_56 = tpu.vector_load %arg11[%swap3A_53, %swap3A_54, %swap3A_55] {strides = array<i32>} : memref<2x80x128xf32, #tpu.memory_space<vmem>>, vector<1x1x16xf32>,
    %swap3A_57 = vector.shape_cast %swap3A_56 : vector<1x1x16xf32> to vector<16xf32>
    %swap3A_58 = vector.shape_cast %broadcast_in_dim3A_50 : vector<16xf32> to vector<1x1x16xf32>
    tpu.vector_store %arg11[%swap3A_53, %swap3A_54, %swap3A_55], %swap3A_58 {strides = array<i32>} : memref<2x80x128xf32, #tpu.memory_space<vmem>>, vector<1x1x16xf32>,
    %broadcast_in_dim3A_59 = arith.constant 0.000000e+00 : f32
    %broadcast_in_dim3A_60 = vector.broadcast %broadcast_in_dim3A_59 : f32 to vector<16xf32>
    %swap3A_61 = arith.constant 0 : i32
    %swap3A_62 = arith.constant 0 : i32
    %swap3A_63 = arith.index_cast %swap3A_61 : i32 to index
    %swap3A_64 = arith.index_cast %swap3A_62 : i32 to index
    %swap3A_65 = arith.constant 96 : index
    %swap3A_66 = tpu.vector_load %arg11[%swap3A_63, %swap3A_64, %swap3A_65] {strides = array<i32>} : memref<2x80x128xf32, #tpu.memory_space<vmem>>, vector<1x1x16xf32>,
    %swap3A_67 = vector.shape_cast %swap3A_66 : vector<1x1x16xf32> to vector<16xf32>
    %swap3A_68 = vector.shape_cast %broadcast_in_dim3A_60 : vector<16xf32> to vector<1x1x16xf32>
    tpu.vector_store %arg11[%swap3A_63, %swap3A_64, %swap3A_65], %swap3A_68 {strides = array<i32>} : memref<2x80x128xf32, #tpu.memory_space<vmem>>, vector<1x1x16xf32>,
    %broadcast_in_dim3A_69 = arith.constant 0.000000e+00 : f32
    %broadcast_in_dim3A_70 = vector.broadcast %broadcast_in_dim3A_69 : f32 to vector<16xf32>
    %swap3A_71 = arith.constant 0 : i32
    %swap3A_72 = arith.constant 0 : i32
    %swap3A_73 = arith.index_cast %swap3A_71 : i32 to index
    %swap3A_74 = arith.index_cast %swap3A_72 : i32 to index
    %swap3A_75 = arith.constant 112 : index
    %swap3A_76 = tpu.vector_load %arg11[%swap3A_73, %swap3A_74, %swap3A_75] {strides = array<i32>} : memref<2x80x128xf32, #tpu.memory_space<vmem>>, vector<1x1x16xf32>,
    %swap3A_77 = vector.shape_cast %swap3A_76 : vector<1x1x16xf32> to vector<16xf32>
    %swap3A_78 = vector.shape_cast %broadcast_in_dim3A_70 : vector<16xf32> to vector<1x1x16xf32>
    tpu.vector_store %arg11[%swap3A_73, %swap3A_74, %swap3A_75], %swap3A_78 {strides = array<i32>} : memref<2x80x128xf32, #tpu.memory_space<vmem>>, vector<1x1x16xf32>,
    %broadcast_in_dim3A_79 = arith.constant 0.000000e+00 : f32
    %broadcast_in_dim3A_80 = vector.broadcast %broadcast_in_dim3A_79 : f32 to vector<16xf32>
    %swap3A_81 = arith.constant 0 : i32
    %swap3A_82 = arith.constant 1 : i32
    %swap3A_83 = arith.index_cast %swap3A_81 : i32 to index
    %swap3A_84 = arith.index_cast %swap3A_82 : i32 to index
    %swap3A_85 = arith.constant 0 : index
    %swap3A_86 = tpu.vector_load %arg11[%swap3A_83, %swap3A_84, %swap3A_85] {strides = array<i32>} : memref<2x80x128xf32, #tpu.memory_space<vmem>>, vector<1x1x16xf32>,
    %swap3A_87 = vector.shape_cast %swap3A_86 : vector<1x1x16xf32> to vector<16xf32>
    %swap3A_88 = vector.shape_cast %broadcast_in_dim3A_80 : vector<16xf32> to vector<1x1x16xf32>
    tpu.vector_store %arg11[%swap3A_83, %swap3A_84, %swap3A_85], %swap3A_88 {strides = array<i32>} : memref<2x80x128xf32, #tpu.memory_space<vmem>>, vector<1x1x16xf32>,
    %broadcast_in_dim3A_89 = arith.constant 0.000000e+00 : f32
    %broadcast_in_dim3A_90 = vector.broadcast %broadcast_in_dim3A_89 : f32 to vector<16xf32>
    %swap3A_91 = arith.constant 0 : i32
    %swap3A_92 = arith.constant 1 : i32
    %swap3A_93 = arith.index_cast %swap3A_91 : i32 to index
    %swap3A_94 = arith.index_cast %swap3A_92 : i32 to index
    %swap3A_95 = arith.constant 16 : index
    %swap3A_96 = tpu.vector_load %arg11[%swap3A_93, %swap3A_94, %swap3A_95] {strides = array<i32>} : memref<2x80x128xf32, #tpu.memory_space<vmem>>, vector<1x1x16xf32>,
    %swap3A_97 = vector.shape_cast %swap3A_96 : vector<1x1x16xf32> to vector<16xf32>
    %swap3A_98 = vector.shape_cast %broadcast_in_dim3A_90 : vector<16xf32> to vector<1x1x16xf32>
    tpu.vector_store %arg11[%swap3A_93, %swap3A_94, %swap3A_95], %swap3A_98 {strides = array<i32>} : memref<2x80x128xf32, #tpu.memory_space<vmem>>, vector<1x1x16xf32>,
    %broadcast_in_dim3A_99 = arith.constant 0.000000e+00 : f32
    %broadcast_in_dim3A_100 = vector.broadcast %broadcast_in_dim3A_99 : f32 to vector<16xf32>
    %swap3A_101 = arith.constant 0 : i32
    %swap3A_102 = arith.constant 1 : i32
    %swap3A_103 = arith.index_cast %swap3A_101 : i32 to index
    %swap3A_104 = arith.index_cast %swap3A_102 : i32 to index
    %swap3A_105 = arith.constant 32 : index
    %swap3A_106 = tpu.vector_load %arg11[%swap3A_103, %swap3A_104, %swap3A_105] {strides = array<i32>} : memref<2x80x128xf32, #tpu.memory_space<vmem>>, vector<1x1x16xf32>,
    %swap3A_107 = vector.shape_cast %swap3A_106 : vector<1x1x16xf32> to vector<16xf32>
    %swap3A_108 = vector.shape_cast %broadcast_in_dim3A_100 : vector<16xf32> to vector<1x1x16xf32>
    tpu.vector_store %arg11[%swap3A_103, %swap3A_104, %swap3A_105], %swap3A_108 {strides = array<i32>} : memref<2x80x128xf32, #tpu.memory_space<vmem>>, vector<1x1x16xf32>,
    %broadcast_in_dim3A_109 = arith.constant 0.000000e+00 : f32
    %broadcast_in_dim3A_110 = vector.broadcast %broadcast_in_dim3A_109 : f32 to vector<16xf32>
    %swap3A_111 = arith.constant 0 : i32
    %swap3A_112 = arith.constant 1 : i32
    %swap3A_113 = arith.index_cast %swap3A_111 : i32 to index
    %swap3A_114 = arith.index_cast %swap3A_112 : i32 to index
    %swap3A_115 = arith.constant 48 : index
    %swap3A_116 = tpu.vector_load %arg11[%swap3A_113, %swap3A_114, %swap3A_115] {strides = array<i32>} : memref<2x80x128xf32, #tpu.memory_space<vmem>>, vector<1x1x16xf32>,
    %swap3A_117 = vector.shape_cast %swap3A_116 : vector<1x1x16xf32> to vector<16xf32>
    %swap3A_118 = vector.shape_cast %broadcast_in_dim3A_110 : vector<16xf32> to vector<1x1x16xf32>
    tpu.vector_store %arg11[%swap3A_113, %swap3A_114, %swap3A_115], %swap3A_118 {strides = array<i32>} : memref<2x80x128xf32, #tpu.memory_space<vmem>>, vector<1x1x16xf32>,
    %broadcast_in_dim3A_119 = arith.constant 0.000000e+00 : f32
    %broadcast_in_dim3A_120 = vector.broadcast %broadcast_in_dim3A_119 : f32 to vector<16xf32>
    %swap3A_121 = arith.constant 0 : i32
    %swap3A_122 = arith.constant 1 : i32
    %swap3A_123 = arith.index_cast %swap3A_121 : i32 to index
    %swap3A_124 = arith.index_cast %swap3A_122 : i32 to index
    %swap3A_125 = arith.constant 64 : index
    %swap3A_126 = tpu.vector_load %arg11[%swap3A_123, %swap3A_124, %swap3A_125] {strides = array<i32>} : memref<2x80x128xf32, #tpu.memory_space<vmem>>, vector<1x1x16xf32>,
    %swap3A_127 = vector.shape_cast %swap3A_126 : vector<1x1x16xf32> to vector<16xf32>
    %swap3A_128 = vector.shape_cast %broadcast_in_dim3A_120 : vector<16xf32> to vector<1x1x16xf32>
    tpu.vector_store %arg11[%swap3A_123, %swap3A_124, %swap3A_125], %swap3A_128 {strides = array<i32>} : memref<2x80x128xf32, #tpu.memory_space<vmem>>, vector<1x1x16xf32>,
    %broadcast_in_dim3A_129 = arith.constant 0.000000e+00 : f32
    %broadcast_in_dim3A_130 = vector.broadcast %broadcast_in_dim3A_129 : f32 to vector<16xf32>
    %swap3A_131 = arith.constant 0 : i32
    %swap3A_132 = arith.constant 1 : i32
    %swap3A_133 = arith.index_cast %swap3A_131 : i32 to index
    %swap3A_134 = arith.index_cast %swap3A_132 : i32 to index
    %swap3A_135 = arith.constant 80 : index
    %swap3A_136 = tpu.vector_load %arg11[%swap3A_133, %swap3A_134, %swap3A_135] {strides = array<i32>} : memref<2x80x128xf32, #tpu.memory_space<vmem>>, vector<1x1x16xf32>,
    %swap3A_137 = vector.shape_cast %swap3A_136 : vector<1x1x16xf32> to vector<16xf32>
    %swap3A_138 = vector.shape_cast %broadcast_in_dim3A_130 : vector<16xf32> to vector<1x1x16xf32>
    tpu.vector_store %arg11[%swap3A_133, %swap3A_134, %swap3A_135], %swap3A_138 {strides = array<i32>} : memref<2x80x128xf32, #tpu.memory_space<vmem>>, vector<1x1x16xf32>,
    %broadcast_in_dim3A_139 = arith.constant 0.000000e+00 : f32
    %broadcast_in_dim3A_140 = vector.broadcast %broadcast_in_dim3A_139 : f32 to vector<16xf32>
    %swap3A_141 = arith.constant 0 : i32
    %swap3A_142 = arith.constant 1 : i32
    %swap3A_143 = arith.index_cast %swap3A_141 : i32 to index
    %swap3A_144 = arith.index_cast %swap3A_142 : i32 to index
    %swap3A_145 = arith.constant 96 : index
    %swap3A_146 = tpu.vector_load %arg11[%swap3A_143, %swap3A_144, %swap3A_145] {strides = array<i32>} : memref<2x80x128xf32, #tpu.memory_space<vmem>>, vector<1x1x16xf32>,
    %swap3A_147 = vector.shape_cast %swap3A_146 : vector<1x1x16xf32> to vector<16xf32>
    %swap3A_148 = vector.shape_cast %broadcast_in_dim3A_140 : vector<16xf32> to vector<1x1x16xf32>
    tpu.vector_store %arg11[%swap3A_143, %swap3A_144, %swap3A_145], %swap3A_148 {strides = array<i32>} : memref<2x80x128xf32, #tpu.memory_space<vmem>>, vector<1x1x16xf32>,
    %broadcast_in_dim3A_149 = arith.constant 0.000000e+00 : f32
    %broadcast_in_dim3A_150 = vector.broadcast %broadcast_in_dim3A_149 : f32 to vector<16xf32>
    %swap3A_151 = arith.constant 0 : i32
    %swap3A_152 = arith.constant 1 : i32
    %swap3A_153 = arith.index_cast %swap3A_151 : i32 to index
    %swap3A_154 = arith.index_cast %swap3A_152 : i32 to index
    %swap3A_155 = arith.constant 112 : index
    %swap3A_156 = tpu.vector_load %arg11[%swap3A_153, %swap3A_154, %swap3A_155] {strides = array<i32>} : memref<2x80x128xf32, #tpu.memory_space<vmem>>, vector<1x1x16xf32>,
    %swap3A_157 = vector.shape_cast %swap3A_156 : vector<1x1x16xf32> to vector<16xf32>
    %swap3A_158 = vector.shape_cast %broadcast_in_dim3A_150 : vector<16xf32> to vector<1x1x16xf32>
    tpu.vector_store %arg11[%swap3A_153, %swap3A_154, %swap3A_155], %swap3A_158 {strides = array<i32>} : memref<2x80x128xf32, #tpu.memory_space<vmem>>, vector<1x1x16xf32>,
    %broadcast_in_dim3A_159 = arith.constant 0.000000e+00 : f32
    %broadcast_in_dim3A_160 = vector.broadcast %broadcast_in_dim3A_159 : f32 to vector<16xf32>
    %swap3A_161 = arith.constant 0 : i32
    %swap3A_162 = arith.constant 2 : i32
    %swap3A_163 = arith.index_cast %swap3A_161 : i32 to index
    %swap3A_164 = arith.index_cast %swap3A_162 : i32 to index
    %swap3A_165 = arith.constant 0 : index
    %swap3A_166 = tpu.vector_load %arg11[%swap3A_163, %swap3A_164, %swap3A_165] {strides = array<i32>} : memref<2x80x128xf32, #tpu.memory_space<vmem>>, vector<1x1x16xf32>,
    %swap3A_167 = vector.shape_cast %swap3A_166 : vector<1x1x16xf32> to vector<16xf32>
    %swap3A_168 = vector.shape_cast %broadcast_in_dim3A_160 : vector<16xf32> to vector<1x1x16xf32>
    tpu.vector_store %arg11[%swap3A_163, %swap3A_164, %swap3A_165], %swap3A_168 {strides = array<i32>} : memref<2x80x128xf32, #tpu.memory_space<vmem>>, vector<1x1x16xf32>,
    %broadcast_in_dim3A_169 = arith.constant 0.000000e+00 : f32
    %broadcast_in_dim3A_170 = vector.broadcast %broadcast_in_dim3A_169 : f32 to vector<16xf32>
    %swap3A_171 = arith.constant 0 : i32
    %swap3A_172 = arith.constant 2 : i32
    %swap3A_173 = arith.index_cast %swap3A_171 : i32 to index
    %swap3A_174 = arith.index_cast %swap3A_172 : i32 to index
    %swap3A_175 = arith.constant 16 : index
    %swap3A_176 = tpu.vector_load %arg11[%swap3A_173, %swap3A_174, %swap3A_175] {strides = array<i32>} : memref<2x80x128xf32, #tpu.memory_space<vmem>>, vector<1x1x16xf32>,
    %swap3A_177 = vector.shape_cast %swap3A_176 : vector<1x1x16xf32> to vector<16xf32>
    %swap3A_178 = vector.shape_cast %broadcast_in_dim3A_170 : vector<16xf32> to vector<1x1x16xf32>
    tpu.vector_store %arg11[%swap3A_173, %swap3A_174, %swap3A_175], %swap3A_178 {strides = array<i32>} : memref<2x80x128xf32, #tpu.memory_space<vmem>>, vector<1x1x16xf32>,
    %broadcast_in_dim3A_179 = arith.constant 0.000000e+00 : f32
    %broadcast_in_dim3A_180 = vector.broadcast %broadcast_in_dim3A_179 : f32 to vector<16xf32>
    %swap3A_181 = arith.constant 0 : i32
    %swap3A_182 = arith.constant 2 : i32
    %swap3A_183 = arith.index_cast %swap3A_181 : i32 to index
    %swap3A_184 = arith.index_cast %swap3A_182 : i32 to index
    %swap3A_185 = arith.constant 32 : index
    %swap3A_186 = tpu.vector_load %arg11[%swap3A_183, %swap3A_184, %swap3A_185] {strides = array<i32>} : memref<2x80x128xf32, #tpu.memory_space<vmem>>, vector<1x1x16xf32>,
    %swap3A_187 = vector.shape_cast %swap3A_186 : vector<1x1x16xf32> to vector<16xf32>
    %swap3A_188 = vector.shape_cast %broadcast_in_dim3A_180 : vector<16xf32> to vector<1x1x16xf32>
    tpu.vector_store %arg11[%swap3A_183, %swap3A_184, %swap3A_185], %swap3A_188 {strides = array<i32>} : memref<2x80x128xf32, #tpu.memory_space<vmem>>, vector<1x1x16xf32>,
    %broadcast_in_dim3A_189 = arith.constant 0.000000e+00 : f32
    %broadcast_in_dim3A_190 = vector.broadcast %broadcast_in_dim3A_189 : f32 to vector<16xf32>
    %swap3A_191 = arith.constant 0 : i32
    %swap3A_192 = arith.constant 2 : i32
    %swap3A_193 = arith.index_cast %swap3A_191 : i32 to index
    %swap3A_194 = arith.index_cast %swap3A_192 : i32 to index
    %swap3A_195 = arith.constant 48 : index
    %swap3A_196 = tpu.vector_load %arg11[%swap3A_193, %swap3A_194, %swap3A_195] {strides = array<i32>} : memref<2x80x128xf32, #tpu.memory_space<vmem>>, vector<1x1x16xf32>,
    %swap3A_197 = vector.shape_cast %swap3A_196 : vector<1x1x16xf32> to vector<16xf32>
    %swap3A_198 = vector.shape_cast %broadcast_in_dim3A_190 : vector<16xf32> to vector<1x1x16xf32>
    tpu.vector_store %arg11[%swap3A_193, %swap3A_194, %swap3A_195], %swap3A_198 {strides = array<i32>} : memref<2x80x128xf32, #tpu.memory_space<vmem>>, vector<1x1x16xf32>,
    %broadcast_in_dim3A_199 = arith.constant 0.000000e+00 : f32
    %broadcast_in_dim3A_200 = vector.broadcast %broadcast_in_dim3A_199 : f32 to vector<16xf32>
    %swap3A_201 = arith.constant 0 : i32
    %swap3A_202 = arith.constant 2 : i32
    %swap3A_203 = arith.index_cast %swap3A_201 : i32 to index
    %swap3A_204 = arith.index_cast %swap3A_202 : i32 to index
    %swap3A_205 = arith.constant 64 : index
    %swap3A_206 = tpu.vector_load %arg11[%swap3A_203, %swap3A_204, %swap3A_205] {strides = array<i32>} : memref<2x80x128xf32, #tpu.memory_space<vmem>>, vector<1x1x16xf32>,
    %swap3A_207 = vector.shape_cast %swap3A_206 : vector<1x1x16xf32> to vector<16xf32>
    %swap3A_208 = vector.shape_cast %broadcast_in_dim3A_200 : vector<16xf32> to vector<1x1x16xf32>
    tpu.vector_store %arg11[%swap3A_203, %swap3A_204, %swap3A_205], %swap3A_208 {strides = array<i32>} : memref<2x80x128xf32, #tpu.memory_space<vmem>>, vector<1x1x16xf32>,
    %broadcast_in_dim3A_209 = arith.constant 0.000000e+00 : f32
    %broadcast_in_dim3A_210 = vector.broadcast %broadcast_in_dim3A_209 : f32 to vector<16xf32>
    %swap3A_211 = arith.constant 0 : i32
    %swap3A_212 = arith.constant 2 : i32
    %swap3A_213 = arith.index_cast %swap3A_211 : i32 to index
    %swap3A_214 = arith.index_cast %swap3A_212 : i32 to index
    %swap3A_215 = arith.constant 80 : index
    %swap3A_216 = tpu.vector_load %arg11[%swap3A_213, %swap3A_214, %swap3A_215] {strides = array<i32>} : memref<2x80x128xf32, #tpu.memory_space<vmem>>, vector<1x1x16xf32>,
    %swap3A_217 = vector.shape_cast %swap3A_216 : vector<1x1x16xf32> to vector<16xf32>
    %swap3A_218 = vector.shape_cast %broadcast_in_dim3A_210 : vector<16xf32> to vector<1x1x16xf32>
    tpu.vector_store %arg11[%swap3A_213, %swap3A_214, %swap3A_215], %swap3A_218 {strides = array<i32>} : memref<2x80x128xf32, #tpu.memory_space<vmem>>, vector<1x1x16xf32>,
    %broadcast_in_dim3A_219 = arith.constant 0.000000e+00 : f32
    %broadcast_in_dim3A_220 = vector.broadcast %broadcast_in_dim3A_219 : f32 to vector<16xf32>
    %swap3A_221 = arith.constant 0 : i32
    %swap3A_222 = arith.constant 2 : i32
    %swap3A_223 = arith.index_cast %swap3A_221 : i32 to index
    %swap3A_224 = arith.index_cast %swap3A_222 : i32 to index
    %swap3A_225 = arith.constant 96 : index
    %swap3A_226 = tpu.vector_load %arg11[%swap3A_223, %swap3A_224, %swap3A_225] {strides = array<i32>} : memref<2x80x128xf32, #tpu.memory_space<vmem>>, vector<1x1x16xf32>,
    %swap3A_227 = vector.shape_cast %swap3A_226 : vector<1x1x16xf32> to vector<16xf32>
    %swap3A_228 = vector.shape_cast %broadcast_in_dim3A_220 : vector<16xf32> to vector<1x1x16xf32>
    tpu.vector_store %arg11[%swap3A_223, %swap3A_224, %swap3A_225], %swap3A_228 {strides = array<i32>} : memref<2x80x128xf32, #tpu.memory_space<vmem>>, vector<1x1x16xf32>,
    %broadcast_in_dim3A_229 = arith.constant 0.000000e+00 : f32
    %broadcast_in_dim3A_230 = vector.broadcast %broadcast_in_dim3A_229 : f32 to vector<16xf32>
    %swap3A_231 = arith.constant 0 : i32
    %swap3A_232 = arith.constant 2 : i32
    %swap3A_233 = arith.index_cast %swap3A_231 : i32 to index
    %swap3A_234 = arith.index_cast %swap3A_232 : i32 to index
    %swap3A_235 = arith.constant 112 : index
    %swap3A_236 = tpu.vector_load %arg11[%swap3A_233, %swap3A_234, %swap3A_235] {strides = array<i32>} : memref<2x80x128xf32, #tpu.memory_space<vmem>>, vector<1x1x16xf32>,
    %swap3A_237 = vector.shape_cast %swap3A_236 : vector<1x1x16xf32> to vector<16xf32>
    %swap3A_238 = vector.shape_cast %broadcast_in_dim3A_230 : vector<16xf32> to vector<1x1x16xf32>
    tpu.vector_store %arg11[%swap3A_233, %swap3A_234, %swap3A_235], %swap3A_238 {strides = array<i32>} : memref<2x80x128xf32, #tpu.memory_space<vmem>>, vector<1x1x16xf32>,
    %broadcast_in_dim3A_239 = arith.constant 0.000000e+00 : f32
    %broadcast_in_dim3A_240 = vector.broadcast %broadcast_in_dim3A_239 : f32 to vector<16xf32>
    %swap3A_241 = arith.constant 0 : i32
    %swap3A_242 = arith.constant 3 : i32
    %swap3A_243 = arith.index_cast %swap3A_241 : i32 to index
    %swap3A_244 = arith.index_cast %swap3A_242 : i32 to index
    %swap3A_245 = arith.constant 0 : index
    %swap3A_246 = tpu.vector_load %arg11[%swap3A_243, %swap3A_244, %swap3A_245] {strides = array<i32>} : memref<2x80x128xf32, #tpu.memory_space<vmem>>, vector<1x1x16xf32>,
    %swap3A_247 = vector.shape_cast %swap3A_246 : vector<1x1x16xf32> to vector<16xf32>
    %swap3A_248 = vector.shape_cast %broadcast_in_dim3A_240 : vector<16xf32> to vector<1x1x16xf32>
    tpu.vector_store %arg11[%swap3A_243, %swap3A_244, %swap3A_245], %swap3A_248 {strides = array<i32>} : memref<2x80x128xf32, #tpu.memory_space<vmem>>, vector<1x1x16xf32>,
    %broadcast_in_dim3A_249 = arith.constant 0.000000e+00 : f32
    %broadcast_in_dim3A_250 = vector.broadcast %broadcast_in_dim3A_249 : f32 to vector<16xf32>
    %swap3A_251 = arith.constant 0 : i32
    %swap3A_252 = arith.constant 3 : i32
    %swap3A_253 = arith.index_cast %swap3A_251 : i32 to index
    %swap3A_254 = arith.index_cast %swap3A_252 : i32 to index
    %swap3A_255 = arith.constant 16 : index
    %swap3A_256 = tpu.vector_load %arg11[%swap3A_253, %swap3A_254, %swap3A_255] {strides = array<i32>} : memref<2x80x128xf32, #tpu.memory_space<vmem>>, vector<1x1x16xf32>,
    %swap3A_257 = vector.shape_cast %swap3A_256 : vector<1x1x16xf32> to vector<16xf32>
    %swap3A_258 = vector.shape_cast %broadcast_in_dim3A_250 : vector<16xf32> to vector<1x1x16xf32>
    tpu.vector_store %arg11[%swap3A_253, %swap3A_254, %swap3A_255], %swap3A_258 {strides = array<i32>} : memref<2x80x128xf32, #tpu.memory_space<vmem>>, vector<1x1x16xf32>,
    %broadcast_in_dim3A_259 = arith.constant 0.000000e+00 : f32
    %broadcast_in_dim3A_260 = vector.broadcast %broadcast_in_dim3A_259 : f32 to vector<16xf32>
    %swap3A_261 = arith.constant 0 : i32
    %swap3A_262 = arith.constant 3 : i32
    %swap3A_263 = arith.index_cast %swap3A_261 : i32 to index
    %swap3A_264 = arith.index_cast %swap3A_262 : i32 to index
    %swap3A_265 = arith.constant 32 : index
    %swap3A_266 = tpu.vector_load %arg11[%swap3A_263, %swap3A_264, %swap3A_265] {strides = array<i32>} : memref<2x80x128xf32, #tpu.memory_space<vmem>>, vector<1x1x16xf32>,
    %swap3A_267 = vector.shape_cast %swap3A_266 : vector<1x1x16xf32> to vector<16xf32>
    %swap3A_268 = vector.shape_cast %broadcast_in_dim3A_260 : vector<16xf32> to vector<1x1x16xf32>
    tpu.vector_store %arg11[%swap3A_263, %swap3A_264, %swap3A_265], %swap3A_268 {strides = array<i32>} : memref<2x80x128xf32, #tpu.memory_space<vmem>>, vector<1x1x16xf32>,
    %broadcast_in_dim3A_269 = arith.constant 0.000000e+00 : f32
    %broadcast_in_dim3A_270 = vector.broadcast %broadcast_in_dim3A_269 : f32 to vector<16xf32>
    %swap3A_271 = arith.constant 0 : i32
    %swap3A_272 = arith.constant 3 : i32
    %swap3A_273 = arith.index_cast %swap3A_271 : i32 to index
    %swap3A_274 = arith.index_cast %swap3A_272 : i32 to index
    %swap3A_275 = arith.constant 48 : index
    %swap3A_276 = tpu.vector_load %arg11[%swap3A_273, %swap3A_274, %swap3A_275] {strides = array<i32>} : memref<2x80x128xf32, #tpu.memory_space<vmem>>, vector<1x1x16xf32>,
    %swap3A_277 = vector.shape_cast %swap3A_276 : vector<1x1x16xf32> to vector<16xf32>
    %swap3A_278 = vector.shape_cast %broadcast_in_dim3A_270 : vector<16xf32> to vector<1x1x16xf32>
    tpu.vector_store %arg11[%swap3A_273, %swap3A_274, %swap3A_275], %swap3A_278 {strides = array<i32>} : memref<2x80x128xf32, #tpu.memory_space<vmem>>, vector<1x1x16xf32>,
    %broadcast_in_dim3A_279 = arith.constant 0.000000e+00 : f32
    %broadcast_in_dim3A_280 = vector.broadcast %broadcast_in_dim3A_279 : f32 to vector<16xf32>
    %swap3A_281 = arith.constant 0 : i32
    %swap3A_282 = arith.constant 3 : i32
    %swap3A_283 = arith.index_cast %swap3A_281 : i32 to index
    %swap3A_284 = arith.index_cast %swap3A_282 : i32 to index
    %swap3A_285 = arith.constant 64 : index
    %swap3A_286 = tpu.vector_load %arg11[%swap3A_283, %swap3A_284, %swap3A_285] {strides = array<i32>} : memref<2x80x128xf32, #tpu.memory_space<vmem>>, vector<1x1x16xf32>,
    %swap3A_287 = vector.shape_cast %swap3A_286 : vector<1x1x16xf32> to vector<16xf32>
    %swap3A_288 = vector.shape_cast %broadcast_in_dim3A_280 : vector<16xf32> to vector<1x1x16xf32>
    tpu.vector_store %arg11[%swap3A_283, %swap3A_284, %swap3A_285], %swap3A_288 {strides = array<i32>} : memref<2x80x128xf32, #tpu.memory_space<vmem>>, vector<1x1x16xf32>,
    %broadcast_in_dim3A_289 = arith.constant 0.000000e+00 : f32
    %broadcast_in_dim3A_290 = vector.broadcast %broadcast_in_dim3A_289 : f32 to vector<16xf32>
    %swap3A_291 = arith.constant 0 : i32
    %swap3A_292 = arith.constant 3 : i32
    %swap3A_293 = arith.index_cast %swap3A_291 : i32 to index
    %swap3A_294 = arith.index_cast %swap3A_292 : i32 to index
    %swap3A_295 = arith.constant 80 : index
    %swap3A_296 = tpu.vector_load %arg11[%swap3A_293, %swap3A_294, %swap3A_295] {strides = array<i32>} : memref<2x80x128xf32, #tpu.memory_space<vmem>>, vector<1x1x16xf32>,
    %swap3A_297 = vector.shape_cast %swap3A_296 : vector<1x1x16xf32> to vector<16xf32>
    %swap3A_298 = vector.shape_cast %broadcast_in_dim3A_290 : vector<16xf32> to vector<1x1x16xf32>
    tpu.vector_store %arg11[%swap3A_293, %swap3A_294, %swap3A_295], %swap3A_298 {strides = array<i32>} : memref<2x80x128xf32, #tpu.memory_space<vmem>>, vector<1x1x16xf32>,
    %broadcast_in_dim3A_299 = arith.constant 0.000000e+00 : f32
    %broadcast_in_dim3A_300 = vector.broadcast %broadcast_in_dim3A_299 : f32 to vector<16xf32>
    %swap3A_301 = arith.constant 0 : i32
    %swap3A_302 = arith.constant 3 : i32
    %swap3A_303 = arith.index_cast %swap3A_301 : i32 to index
    %swap3A_304 = arith.index_cast %swap3A_302 : i32 to index
    %swap3A_305 = arith.constant 96 : index
    %swap3A_306 = tpu.vector_load %arg11[%swap3A_303, %swap3A_304, %swap3A_305] {strides = array<i32>} : memref<2x80x128xf32, #tpu.memory_space<vmem>>, vector<1x1x16xf32>,
    %swap3A_307 = vector.shape_cast %swap3A_306 : vector<1x1x16xf32> to vector<16xf32>
    %swap3A_308 = vector.shape_cast %broadcast_in_dim3A_300 : vector<16xf32> to vector<1x1x16xf32>
    tpu.vector_store %arg11[%swap3A_303, %swap3A_304, %swap3A_305], %swap3A_308 {strides = array<i32>} : memref<2x80x128xf32, #tpu.memory_space<vmem>>, vector<1x1x16xf32>,
    %broadcast_in_dim3A_309 = arith.constant 0.000000e+00 : f32
    %broadcast_in_dim3A_310 = vector.broadcast %broadcast_in_dim3A_309 : f32 to vector<16xf32>
    %swap3A_311 = arith.constant 0 : i32
    %swap3A_312 = arith.constant 3 : i32
    %swap3A_313 = arith.index_cast %swap3A_311 : i32 to index
    %swap3A_314 = arith.index_cast %swap3A_312 : i32 to index
    %swap3A_315 = arith.constant 112 : index
    %swap3A_316 = tpu.vector_load %arg11[%swap3A_313, %swap3A_314, %swap3A_315] {strides = array<i32>} : memref<2x80x128xf32, #tpu.memory_space<vmem>>, vector<1x1x16xf32>,
    %swap3A_317 = vector.shape_cast %swap3A_316 : vector<1x1x16xf32> to vector<16xf32>
    %swap3A_318 = vector.shape_cast %broadcast_in_dim3A_310 : vector<16xf32> to vector<1x1x16xf32>
    tpu.vector_store %arg11[%swap3A_313, %swap3A_314, %swap3A_315], %swap3A_318 {strides = array<i32>} : memref<2x80x128xf32, #tpu.memory_space<vmem>>, vector<1x1x16xf32>,
    %broadcast_in_dim3A_319 = arith.constant 0.000000e+00 : f32
    %broadcast_in_dim3A_320 = vector.broadcast %broadcast_in_dim3A_319 : f32 to vector<16xf32>
    %swap3A_321 = arith.constant 0 : i32
    %swap3A_322 = arith.constant 4 : i32
    %swap3A_323 = arith.index_cast %swap3A_321 : i32 to index
    %swap3A_324 = arith.index_cast %swap3A_322 : i32 to index
    %swap3A_325 = arith.constant 0 : index
    %swap3A_326 = tpu.vector_load %arg11[%swap3A_323, %swap3A_324, %swap3A_325] {strides = array<i32>} : memref<2x80x128xf32, #tpu.memory_space<vmem>>, vector<1x1x16xf32>,
    %swap3A_327 = vector.shape_cast %swap3A_326 : vector<1x1x16xf32> to vector<16xf32>
    %swap3A_328 = vector.shape_cast %broadcast_in_dim3A_320 : vector<16xf32> to vector<1x1x16xf32>
    tpu.vector_store %arg11[%swap3A_323, %swap3A_324, %swap3A_325], %swap3A_328 {strides = array<i32>} : memref<2x80x128xf32, #tpu.memory_space<vmem>>, vector<1x1x16xf32>,
    %broadcast_in_dim3A_329 = arith.constant 0.000000e+00 : f32
    %broadcast_in_dim3A_330 = vector.broadcast %broadcast_in_dim3A_329 : f32 to vector<16xf32>
    %swap3A_331 = arith.constant 0 : i32
    %swap3A_332 = arith.constant 4 : i32
    %swap3A_333 = arith.index_cast %swap3A_331 : i32 to index
    %swap3A_334 = arith.index_cast %swap3A_332 : i32 to index
    %swap3A_335 = arith.constant 16 : index
    %swap3A_336 = tpu.vector_load %arg11[%swap3A_333, %swap3A_334, %swap3A_335] {strides = array<i32>} : memref<2x80x128xf32, #tpu.memory_space<vmem>>, vector<1x1x16xf32>,
    %swap3A_337 = vector.shape_cast %swap3A_336 : vector<1x1x16xf32> to vector<16xf32>
    %swap3A_338 = vector.shape_cast %broadcast_in_dim3A_330 : vector<16xf32> to vector<1x1x16xf32>
    tpu.vector_store %arg11[%swap3A_333, %swap3A_334, %swap3A_335], %swap3A_338 {strides = array<i32>} : memref<2x80x128xf32, #tpu.memory_space<vmem>>, vector<1x1x16xf32>,
    %broadcast_in_dim3A_339 = arith.constant 0.000000e+00 : f32
    %broadcast_in_dim3A_340 = vector.broadcast %broadcast_in_dim3A_339 : f32 to vector<16xf32>
    %swap3A_341 = arith.constant 0 : i32
    %swap3A_342 = arith.constant 4 : i32
    %swap3A_343 = arith.index_cast %swap3A_341 : i32 to index
    %swap3A_344 = arith.index_cast %swap3A_342 : i32 to index
    %swap3A_345 = arith.constant 32 : index
    %swap3A_346 = tpu.vector_load %arg11[%swap3A_343, %swap3A_344, %swap3A_345] {strides = array<i32>} : memref<2x80x128xf32, #tpu.memory_space<vmem>>, vector<1x1x16xf32>,
    %swap3A_347 = vector.shape_cast %swap3A_346 : vector<1x1x16xf32> to vector<16xf32>
    %swap3A_348 = vector.shape_cast %broadcast_in_dim3A_340 : vector<16xf32> to vector<1x1x16xf32>
    tpu.vector_store %arg11[%swap3A_343, %swap3A_344, %swap3A_345], %swap3A_348 {strides = array<i32>} : memref<2x80x128xf32, #tpu.memory_space<vmem>>, vector<1x1x16xf32>,
    %broadcast_in_dim3A_349 = arith.constant 0.000000e+00 : f32
    %broadcast_in_dim3A_350 = vector.broadcast %broadcast_in_dim3A_349 : f32 to vector<16xf32>
    %swap3A_351 = arith.constant 0 : i32
    %swap3A_352 = arith.constant 4 : i32
    %swap3A_353 = arith.index_cast %swap3A_351 : i32 to index
    %swap3A_354 = arith.index_cast %swap3A_352 : i32 to index
    %swap3A_355 = arith.constant 48 : index
    %swap3A_356 = tpu.vector_load %arg11[%swap3A_353, %swap3A_354, %swap3A_355] {strides = array<i32>} : memref<2x80x128xf32, #tpu.memory_space<vmem>>, vector<1x1x16xf32>,
    %swap3A_357 = vector.shape_cast %swap3A_356 : vector<1x1x16xf32> to vector<16xf32>
    %swap3A_358 = vector.shape_cast %broadcast_in_dim3A_350 : vector<16xf32> to vector<1x1x16xf32>
    tpu.vector_store %arg11[%swap3A_353, %swap3A_354, %swap3A_355], %swap3A_358 {strides = array<i32>} : memref<2x80x128xf32, #tpu.memory_space<vmem>>, vector<1x1x16xf32>,
    %broadcast_in_dim3A_359 = arith.constant 0.000000e+00 : f32
    %broadcast_in_dim3A_360 = vector.broadcast %broadcast_in_dim3A_359 : f32 to vector<16xf32>
    %swap3A_361 = arith.constant 0 : i32
    %swap3A_362 = arith.constant 4 : i32
    %swap3A_363 = arith.index_cast %swap3A_361 : i32 to index
    %swap3A_364 = arith.index_cast %swap3A_362 : i32 to index
    %swap3A_365 = arith.constant 64 : index
    %swap3A_366 = tpu.vector_load %arg11[%swap3A_363, %swap3A_364, %swap3A_365] {strides = array<i32>} : memref<2x80x128xf32, #tpu.memory_space<vmem>>, vector<1x1x16xf32>,
    %swap3A_367 = vector.shape_cast %swap3A_366 : vector<1x1x16xf32> to vector<16xf32>
    %swap3A_368 = vector.shape_cast %broadcast_in_dim3A_360 : vector<16xf32> to vector<1x1x16xf32>
    tpu.vector_store %arg11[%swap3A_363, %swap3A_364, %swap3A_365], %swap3A_368 {strides = array<i32>} : memref<2x80x128xf32, #tpu.memory_space<vmem>>, vector<1x1x16xf32>,
    %broadcast_in_dim3A_369 = arith.constant 0.000000e+00 : f32
    %broadcast_in_dim3A_370 = vector.broadcast %broadcast_in_dim3A_369 : f32 to vector<16xf32>
    %swap3A_371 = arith.constant 0 : i32
    %swap3A_372 = arith.constant 4 : i32
    %swap3A_373 = arith.index_cast %swap3A_371 : i32 to index
    %swap3A_374 = arith.index_cast %swap3A_372 : i32 to index
    %swap3A_375 = arith.constant 80 : index
    %swap3A_376 = tpu.vector_load %arg11[%swap3A_373, %swap3A_374, %swap3A_375] {strides = array<i32>} : memref<2x80x128xf32, #tpu.memory_space<vmem>>, vector<1x1x16xf32>,
    %swap3A_377 = vector.shape_cast %swap3A_376 : vector<1x1x16xf32> to vector<16xf32>
    %swap3A_378 = vector.shape_cast %broadcast_in_dim3A_370 : vector<16xf32> to vector<1x1x16xf32>
    tpu.vector_store %arg11[%swap3A_373, %swap3A_374, %swap3A_375], %swap3A_378 {strides = array<i32>} : memref<2x80x128xf32, #tpu.memory_space<vmem>>, vector<1x1x16xf32>,
    %broadcast_in_dim3A_379 = arith.constant 0.000000e+00 : f32
    %broadcast_in_dim3A_380 = vector.broadcast %broadcast_in_dim3A_379 : f32 to vector<16xf32>
    %swap3A_381 = arith.constant 0 : i32
    %swap3A_382 = arith.constant 4 : i32
    %swap3A_383 = arith.index_cast %swap3A_381 : i32 to index
    %swap3A_384 = arith.index_cast %swap3A_382 : i32 to index
    %swap3A_385 = arith.constant 96 : index
    %swap3A_386 = tpu.vector_load %arg11[%swap3A_383, %swap3A_384, %swap3A_385] {strides = array<i32>} : memref<2x80x128xf32, #tpu.memory_space<vmem>>, vector<1x1x16xf32>,
    %swap3A_387 = vector.shape_cast %swap3A_386 : vector<1x1x16xf32> to vector<16xf32>
    %swap3A_388 = vector.shape_cast %broadcast_in_dim3A_380 : vector<16xf32> to vector<1x1x16xf32>
    tpu.vector_store %arg11[%swap3A_383, %swap3A_384, %swap3A_385], %swap3A_388 {strides = array<i32>} : memref<2x80x128xf32, #tpu.memory_space<vmem>>, vector<1x1x16xf32>,
    %broadcast_in_dim3A_389 = arith.constant 0.000000e+00 : f32
    %broadcast_in_dim3A_390 = vector.broadcast %broadcast_in_dim3A_389 : f32 to vector<16xf32>
    %swap3A_391 = arith.constant 0 : i32
    %swap3A_392 = arith.constant 4 : i32
    %swap3A_393 = arith.index_cast %swap3A_391 : i32 to index
    %swap3A_394 = arith.index_cast %swap3A_392 : i32 to index
    %swap3A_395 = arith.constant 112 : index
    %swap3A_396 = tpu.vector_load %arg11[%swap3A_393, %swap3A_394, %swap3A_395] {strides = array<i32>} : memref<2x80x128xf32, #tpu.memory_space<vmem>>, vector<1x1x16xf32>,
    %swap3A_397 = vector.shape_cast %swap3A_396 : vector<1x1x16xf32> to vector<16xf32>
    %swap3A_398 = vector.shape_cast %broadcast_in_dim3A_390 : vector<16xf32> to vector<1x1x16xf32>
    tpu.vector_store %arg11[%swap3A_393, %swap3A_394, %swap3A_395], %swap3A_398 {strides = array<i32>} : memref<2x80x128xf32, #tpu.memory_space<vmem>>, vector<1x1x16xf32>,
    %broadcast_in_dim3A_399 = arith.constant 0.000000e+00 : f32
    %broadcast_in_dim3A_400 = vector.broadcast %broadcast_in_dim3A_399 : f32 to vector<16xf32>
    %swap3A_401 = arith.constant 0 : i32
    %swap3A_402 = arith.constant 5 : i32
    %swap3A_403 = arith.index_cast %swap3A_401 : i32 to index
    %swap3A_404 = arith.index_cast %swap3A_402 : i32 to index
    %swap3A_405 = arith.constant 0 : index
    %swap3A_406 = tpu.vector_load %arg11[%swap3A_403, %swap3A_404, %swap3A_405] {strides = array<i32>} : memref<2x80x128xf32, #tpu.memory_space<vmem>>, vector<1x1x16xf32>,
    %swap3A_407 = vector.shape_cast %swap3A_406 : vector<1x1x16xf32> to vector<16xf32>
    %swap3A_408 = vector.shape_cast %broadcast_in_dim3A_400 : vector<16xf32> to vector<1x1x16xf32>
    tpu.vector_store %arg11[%swap3A_403, %swap3A_404, %swap3A_405], %swap3A_408 {strides = array<i32>} : memref<2x80x128xf32, #tpu.memory_space<vmem>>, vector<1x1x16xf32>,
    %broadcast_in_dim3A_409 = arith.constant 0.000000e+00 : f32
    %broadcast_in_dim3A_410 = vector.broadcast %broadcast_in_dim3A_409 : f32 to vector<16xf32>
    %swap3A_411 = arith.constant 0 : i32
    %swap3A_412 = arith.constant 5 : i32
    %swap3A_413 = arith.index_cast %swap3A_411 : i32 to index
    %swap3A_414 = arith.index_cast %swap3A_412 : i32 to index
    %swap3A_415 = arith.constant 16 : index
    %swap3A_416 = tpu.vector_load %arg11[%swap3A_413, %swap3A_414, %swap3A_415] {strides = array<i32>} : memref<2x80x128xf32, #tpu.memory_space<vmem>>, vector<1x1x16xf32>,
    %swap3A_417 = vector.shape_cast %swap3A_416 : vector<1x1x16xf32> to vector<16xf32>
    %swap3A_418 = vector.shape_cast %broadcast_in_dim3A_410 : vector<16xf32> to vector<1x1x16xf32>
    tpu.vector_store %arg11[%swap3A_413, %swap3A_414, %swap3A_415], %swap3A_418 {strides = array<i32>} : memref<2x80x128xf32, #tpu.memory_space<vmem>>, vector<1x1x16xf32>,
    %broadcast_in_dim3A_419 = arith.constant 0.000000e+00 : f32
    %broadcast_in_dim3A_420 = vector.broadcast %broadcast_in_dim3A_419 : f32 to vector<16xf32>
    %swap3A_421 = arith.constant 0 : i32
    %swap3A_422 = arith.constant 5 : i32
    %swap3A_423 = arith.index_cast %swap3A_421 : i32 to index
    %swap3A_424 = arith.index_cast %swap3A_422 : i32 to index
    %swap3A_425 = arith.constant 32 : index
    %swap3A_426 = tpu.vector_load %arg11[%swap3A_423, %swap3A_424, %swap3A_425] {strides = array<i32>} : memref<2x80x128xf32, #tpu.memory_space<vmem>>, vector<1x1x16xf32>,
    %swap3A_427 = vector.shape_cast %swap3A_426 : vector<1x1x16xf32> to vector<16xf32>
    %swap3A_428 = vector.shape_cast %broadcast_in_dim3A_420 : vector<16xf32> to vector<1x1x16xf32>
    tpu.vector_store %arg11[%swap3A_423, %swap3A_424, %swap3A_425], %swap3A_428 {strides = array<i32>} : memref<2x80x128xf32, #tpu.memory_space<vmem>>, vector<1x1x16xf32>,
    %broadcast_in_dim3A_429 = arith.constant 0.000000e+00 : f32
    %broadcast_in_dim3A_430 = vector.broadcast %broadcast_in_dim3A_429 : f32 to vector<16xf32>
    %swap3A_431 = arith.constant 0 : i32
    %swap3A_432 = arith.constant 5 : i32
    %swap3A_433 = arith.index_cast %swap3A_431 : i32 to index
    %swap3A_434 = arith.index_cast %swap3A_432 : i32 to index
    %swap3A_435 = arith.constant 48 : index
    %swap3A_436 = tpu.vector_load %arg11[%swap3A_433, %swap3A_434, %swap3A_435] {strides = array<i32>} : memref<2x80x128xf32, #tpu.memory_space<vmem>>, vector<1x1x16xf32>,
    %swap3A_437 = vector.shape_cast %swap3A_436 : vector<1x1x16xf32> to vector<16xf32>
    %swap3A_438 = vector.shape_cast %broadcast_in_dim3A_430 : vector<16xf32> to vector<1x1x16xf32>
    tpu.vector_store %arg11[%swap3A_433, %swap3A_434, %swap3A_435], %swap3A_438 {strides = array<i32>} : memref<2x80x128xf32, #tpu.memory_space<vmem>>, vector<1x1x16xf32>,
    %broadcast_in_dim3A_439 = arith.constant 0.000000e+00 : f32
    %broadcast_in_dim3A_440 = vector.broadcast %broadcast_in_dim3A_439 : f32 to vector<16xf32>
    %swap3A_441 = arith.constant 0 : i32
    %swap3A_442 = arith.constant 5 : i32
    %swap3A_443 = arith.index_cast %swap3A_441 : i32 to index
    %swap3A_444 = arith.index_cast %swap3A_442 : i32 to index
    %swap3A_445 = arith.constant 64 : index
    %swap3A_446 = tpu.vector_load %arg11[%swap3A_443, %swap3A_444, %swap3A_445] {strides = array<i32>} : memref<2x80x128xf32, #tpu.memory_space<vmem>>, vector<1x1x16xf32>,
    %swap3A_447 = vector.shape_cast %swap3A_446 : vector<1x1x16xf32> to vector<16xf32>
    %swap3A_448 = vector.shape_cast %broadcast_in_dim3A_440 : vector<16xf32> to vector<1x1x16xf32>
    tpu.vector_store %arg11[%swap3A_443, %swap3A_444, %swap3A_445], %swap3A_448 {strides = array<i32>} : memref<2x80x128xf32, #tpu.memory_space<vmem>>, vector<1x1x16xf32>,
    %broadcast_in_dim3A_449 = arith.constant 0.000000e+00 : f32
    %broadcast_in_dim3A_450 = vector.broadcast %broadcast_in_dim3A_449 : f32 to vector<16xf32>
    %swap3A_451 = arith.constant 0 : i32
    %swap3A_452 = arith.constant 5 : i32
    %swap3A_453 = arith.index_cast %swap3A_451 : i32 to index
    %swap3A_454 = arith.index_cast %swap3A_452 : i32 to index
    %swap3A_455 = arith.constant 80 : index
    %swap3A_456 = tpu.vector_load %arg11[%swap3A_453, %swap3A_454, %swap3A_455] {strides = array<i32>} : memref<2x80x128xf32, #tpu.memory_space<vmem>>, vector<1x1x16xf32>,
    %swap3A_457 = vector.shape_cast %swap3A_456 : vector<1x1x16xf32> to vector<16xf32>
    %swap3A_458 = vector.shape_cast %broadcast_in_dim3A_450 : vector<16xf32> to vector<1x1x16xf32>
    tpu.vector_store %arg11[%swap3A_453, %swap3A_454, %swap3A_455], %swap3A_458 {strides = array<i32>} : memref<2x80x128xf32, #tpu.memory_space<vmem>>, vector<1x1x16xf32>,
    %broadcast_in_dim3A_459 = arith.constant 0.000000e+00 : f32
    %broadcast_in_dim3A_460 = vector.broadcast %broadcast_in_dim3A_459 : f32 to vector<16xf32>
    %swap3A_461 = arith.constant 0 : i32
    %swap3A_462 = arith.constant 5 : i32
    %swap3A_463 = arith.index_cast %swap3A_461 : i32 to index
    %swap3A_464 = arith.index_cast %swap3A_462 : i32 to index
    %swap3A_465 = arith.constant 96 : index
    %swap3A_466 = tpu.vector_load %arg11[%swap3A_463, %swap3A_464, %swap3A_465] {strides = array<i32>} : memref<2x80x128xf32, #tpu.memory_space<vmem>>, vector<1x1x16xf32>,
    %swap3A_467 = vector.shape_cast %swap3A_466 : vector<1x1x16xf32> to vector<16xf32>
    %swap3A_468 = vector.shape_cast %broadcast_in_dim3A_460 : vector<16xf32> to vector<1x1x16xf32>
    tpu.vector_store %arg11[%swap3A_463, %swap3A_464, %swap3A_465], %swap3A_468 {strides = array<i32>} : memref<2x80x128xf32, #tpu.memory_space<vmem>>, vector<1x1x16xf32>,
    %broadcast_in_dim3A_469 = arith.constant 0.000000e+00 : f32
    %broadcast_in_dim3A_470 = vector.broadcast %broadcast_in_dim3A_469 : f32 to vector<16xf32>
    %swap3A_471 = arith.constant 0 : i32
    %swap3A_472 = arith.constant 5 : i32
    %swap3A_473 = arith.index_cast %swap3A_471 : i32 to index
    %swap3A_474 = arith.index_cast %swap3A_472 : i32 to index
    %swap3A_475 = arith.constant 112 : index
    %swap3A_476 = tpu.vector_load %arg11[%swap3A_473, %swap3A_474, %swap3A_475] {strides = array<i32>} : memref<2x80x128xf32, #tpu.memory_space<vmem>>, vector<1x1x16xf32>,
    %swap3A_477 = vector.shape_cast %swap3A_476 : vector<1x1x16xf32> to vector<16xf32>
    %swap3A_478 = vector.shape_cast %broadcast_in_dim3A_470 : vector<16xf32> to vector<1x1x16xf32>
    tpu.vector_store %arg11[%swap3A_473, %swap3A_474, %swap3A_475], %swap3A_478 {strides = array<i32>} : memref<2x80x128xf32, #tpu.memory_space<vmem>>, vector<1x1x16xf32>,
    %broadcast_in_dim3A_479 = arith.constant 0.000000e+00 : f32
    %broadcast_in_dim3A_480 = vector.broadcast %broadcast_in_dim3A_479 : f32 to vector<16xf32>
    %swap3A_481 = arith.constant 0 : i32
    %swap3A_482 = arith.constant 6 : i32
    %swap3A_483 = arith.index_cast %swap3A_481 : i32 to index
    %swap3A_484 = arith.index_cast %swap3A_482 : i32 to index
    %swap3A_485 = arith.constant 0 : index
    %swap3A_486 = tpu.vector_load %arg11[%swap3A_483, %swap3A_484, %swap3A_485] {strides = array<i32>} : memref<2x80x128xf32, #tpu.memory_space<vmem>>, vector<1x1x16xf32>,
    %swap3A_487 = vector.shape_cast %swap3A_486 : vector<1x1x16xf32> to vector<16xf32>
    %swap3A_488 = vector.shape_cast %broadcast_in_dim3A_480 : vector<16xf32> to vector<1x1x16xf32>
    tpu.vector_store %arg11[%swap3A_483, %swap3A_484, %swap3A_485], %swap3A_488 {strides = array<i32>} : memref<2x80x128xf32, #tpu.memory_space<vmem>>, vector<1x1x16xf32>,
    %broadcast_in_dim3A_489 = arith.constant 0.000000e+00 : f32
    %broadcast_in_dim3A_490 = vector.broadcast %broadcast_in_dim3A_489 : f32 to vector<16xf32>
    %swap3A_491 = arith.constant 0 : i32
    %swap3A_492 = arith.constant 6 : i32
    %swap3A_493 = arith.index_cast %swap3A_491 : i32 to index
    %swap3A_494 = arith.index_cast %swap3A_492 : i32 to index
    %swap3A_495 = arith.constant 16 : index
    %swap3A_496 = tpu.vector_load %arg11[%swap3A_493, %swap3A_494, %swap3A_495] {strides = array<i32>} : memref<2x80x128xf32, #tpu.memory_space<vmem>>, vector<1x1x16xf32>,
    %swap3A_497 = vector.shape_cast %swap3A_496 : vector<1x1x16xf32> to vector<16xf32>
    %swap3A_498 = vector.shape_cast %broadcast_in_dim3A_490 : vector<16xf32> to vector<1x1x16xf32>
    tpu.vector_store %arg11[%swap3A_493, %swap3A_494, %swap3A_495], %swap3A_498 {strides = array<i32>} : memref<2x80x128xf32, #tpu.memory_space<vmem>>, vector<1x1x16xf32>,
    %broadcast_in_dim3A_499 = arith.constant 0.000000e+00 : f32
    %broadcast_in_dim3A_500 = vector.broadcast %broadcast_in_dim3A_499 : f32 to vector<16xf32>
    %swap3A_501 = arith.constant 0 : i32
    %swap3A_502 = arith.constant 6 : i32
    %swap3A_503 = arith.index_cast %swap3A_501 : i32 to index
    %swap3A_504 = arith.index_cast %swap3A_502 : i32 to index
    %swap3A_505 = arith.constant 32 : index
    %swap3A_506 = tpu.vector_load %arg11[%swap3A_503, %swap3A_504, %swap3A_505] {strides = array<i32>} : memref<2x80x128xf32, #tpu.memory_space<vmem>>, vector<1x1x16xf32>,
    %swap3A_507 = vector.shape_cast %swap3A_506 : vector<1x1x16xf32> to vector<16xf32>
    %swap3A_508 = vector.shape_cast %broadcast_in_dim3A_500 : vector<16xf32> to vector<1x1x16xf32>
    tpu.vector_store %arg11[%swap3A_503, %swap3A_504, %swap3A_505], %swap3A_508 {strides = array<i32>} : memref<2x80x128xf32, #tpu.memory_space<vmem>>, vector<1x1x16xf32>,
    %broadcast_in_dim3A_509 = arith.constant 0.000000e+00 : f32
    %broadcast_in_dim3A_510 = vector.broadcast %broadcast_in_dim3A_509 : f32 to vector<16xf32>
    %swap3A_511 = arith.constant 0 : i32
    %swap3A_512 = arith.constant 6 : i32
    %swap3A_513 = arith.index_cast %swap3A_511 : i32 to index
    %swap3A_514 = arith.index_cast %swap3A_512 : i32 to index
    %swap3A_515 = arith.constant 48 : index
    %swap3A_516 = tpu.vector_load %arg11[%swap3A_513, %swap3A_514, %swap3A_515] {strides = array<i32>} : memref<2x80x128xf32, #tpu.memory_space<vmem>>, vector<1x1x16xf32>,
    %swap3A_517 = vector.shape_cast %swap3A_516 : vector<1x1x16xf32> to vector<16xf32>
    %swap3A_518 = vector.shape_cast %broadcast_in_dim3A_510 : vector<16xf32> to vector<1x1x16xf32>
    tpu.vector_store %arg11[%swap3A_513, %swap3A_514, %swap3A_515], %swap3A_518 {strides = array<i32>} : memref<2x80x128xf32, #tpu.memory_space<vmem>>, vector<1x1x16xf32>,
    %broadcast_in_dim3A_519 = arith.constant 0.000000e+00 : f32
    %broadcast_in_dim3A_520 = vector.broadcast %broadcast_in_dim3A_519 : f32 to vector<16xf32>
    %swap3A_521 = arith.constant 0 : i32
    %swap3A_522 = arith.constant 6 : i32
    %swap3A_523 = arith.index_cast %swap3A_521 : i32 to index
    %swap3A_524 = arith.index_cast %swap3A_522 : i32 to index
    %swap3A_525 = arith.constant 64 : index
    %swap3A_526 = tpu.vector_load %arg11[%swap3A_523, %swap3A_524, %swap3A_525] {strides = array<i32>} : memref<2x80x128xf32, #tpu.memory_space<vmem>>, vector<1x1x16xf32>,
    %swap3A_527 = vector.shape_cast %swap3A_526 : vector<1x1x16xf32> to vector<16xf32>
    %swap3A_528 = vector.shape_cast %broadcast_in_dim3A_520 : vector<16xf32> to vector<1x1x16xf32>
    tpu.vector_store %arg11[%swap3A_523, %swap3A_524, %swap3A_525], %swap3A_528 {strides = array<i32>} : memref<2x80x128xf32, #tpu.memory_space<vmem>>, vector<1x1x16xf32>,
    %broadcast_in_dim3A_529 = arith.constant 0.000000e+00 : f32
    %broadcast_in_dim3A_530 = vector.broadcast %broadcast_in_dim3A_529 : f32 to vector<16xf32>
    %swap3A_531 = arith.constant 0 : i32
    %swap3A_532 = arith.constant 6 : i32
    %swap3A_533 = arith.index_cast %swap3A_531 : i32 to index
    %swap3A_534 = arith.index_cast %swap3A_532 : i32 to index
    %swap3A_535 = arith.constant 80 : index
    %swap3A_536 = tpu.vector_load %arg11[%swap3A_533, %swap3A_534, %swap3A_535] {strides = array<i32>} : memref<2x80x128xf32, #tpu.memory_space<vmem>>, vector<1x1x16xf32>,
    %swap3A_537 = vector.shape_cast %swap3A_536 : vector<1x1x16xf32> to vector<16xf32>
    %swap3A_538 = vector.shape_cast %broadcast_in_dim3A_530 : vector<16xf32> to vector<1x1x16xf32>
    tpu.vector_store %arg11[%swap3A_533, %swap3A_534, %swap3A_535], %swap3A_538 {strides = array<i32>} : memref<2x80x128xf32, #tpu.memory_space<vmem>>, vector<1x1x16xf32>,
    %broadcast_in_dim3A_539 = arith.constant 0.000000e+00 : f32
    %broadcast_in_dim3A_540 = vector.broadcast %broadcast_in_dim3A_539 : f32 to vector<16xf32>
    %swap3A_541 = arith.constant 0 : i32
    %swap3A_542 = arith.constant 6 : i32
    %swap3A_543 = arith.index_cast %swap3A_541 : i32 to index
    %swap3A_544 = arith.index_cast %swap3A_542 : i32 to index
    %swap3A_545 = arith.constant 96 : index
    %swap3A_546 = tpu.vector_load %arg11[%swap3A_543, %swap3A_544, %swap3A_545] {strides = array<i32>} : memref<2x80x128xf32, #tpu.memory_space<vmem>>, vector<1x1x16xf32>,
    %swap3A_547 = vector.shape_cast %swap3A_546 : vector<1x1x16xf32> to vector<16xf32>
    %swap3A_548 = vector.shape_cast %broadcast_in_dim3A_540 : vector<16xf32> to vector<1x1x16xf32>
    tpu.vector_store %arg11[%swap3A_543, %swap3A_544, %swap3A_545], %swap3A_548 {strides = array<i32>} : memref<2x80x128xf32, #tpu.memory_space<vmem>>, vector<1x1x16xf32>,
    %broadcast_in_dim3A_549 = arith.constant 0.000000e+00 : f32
    %broadcast_in_dim3A_550 = vector.broadcast %broadcast_in_dim3A_549 : f32 to vector<16xf32>
    %swap3A_551 = arith.constant 0 : i32
    %swap3A_552 = arith.constant 6 : i32
    %swap3A_553 = arith.index_cast %swap3A_551 : i32 to index
    %swap3A_554 = arith.index_cast %swap3A_552 : i32 to index
    %swap3A_555 = arith.constant 112 : index
    %swap3A_556 = tpu.vector_load %arg11[%swap3A_553, %swap3A_554, %swap3A_555] {strides = array<i32>} : memref<2x80x128xf32, #tpu.memory_space<vmem>>, vector<1x1x16xf32>,
    %swap3A_557 = vector.shape_cast %swap3A_556 : vector<1x1x16xf32> to vector<16xf32>
    %swap3A_558 = vector.shape_cast %broadcast_in_dim3A_550 : vector<16xf32> to vector<1x1x16xf32>
    tpu.vector_store %arg11[%swap3A_553, %swap3A_554, %swap3A_555], %swap3A_558 {strides = array<i32>} : memref<2x80x128xf32, #tpu.memory_space<vmem>>, vector<1x1x16xf32>,
    %broadcast_in_dim3A_559 = arith.constant 0.000000e+00 : f32
    %broadcast_in_dim3A_560 = vector.broadcast %broadcast_in_dim3A_559 : f32 to vector<16xf32>
    %swap3A_561 = arith.constant 0 : i32
    %swap3A_562 = arith.constant 7 : i32
    %swap3A_563 = arith.index_cast %swap3A_561 : i32 to index
    %swap3A_564 = arith.index_cast %swap3A_562 : i32 to index
    %swap3A_565 = arith.constant 0 : index
    %swap3A_566 = tpu.vector_load %arg11[%swap3A_563, %swap3A_564, %swap3A_565] {strides = array<i32>} : memref<2x80x128xf32, #tpu.memory_space<vmem>>, vector<1x1x16xf32>,
    %swap3A_567 = vector.shape_cast %swap3A_566 : vector<1x1x16xf32> to vector<16xf32>
    %swap3A_568 = vector.shape_cast %broadcast_in_dim3A_560 : vector<16xf32> to vector<1x1x16xf32>
    tpu.vector_store %arg11[%swap3A_563, %swap3A_564, %swap3A_565], %swap3A_568 {strides = array<i32>} : memref<2x80x128xf32, #tpu.memory_space<vmem>>, vector<1x1x16xf32>,
    %broadcast_in_dim3A_569 = arith.constant 0.000000e+00 : f32
    %broadcast_in_dim3A_570 = vector.broadcast %broadcast_in_dim3A_569 : f32 to vector<16xf32>
    %swap3A_571 = arith.constant 0 : i32
    %swap3A_572 = arith.constant 7 : i32
    %swap3A_573 = arith.index_cast %swap3A_571 : i32 to index
    %swap3A_574 = arith.index_cast %swap3A_572 : i32 to index
    %swap3A_575 = arith.constant 16 : index
    %swap3A_576 = tpu.vector_load %arg11[%swap3A_573, %swap3A_574, %swap3A_575] {strides = array<i32>} : memref<2x80x128xf32, #tpu.memory_space<vmem>>, vector<1x1x16xf32>,
    %swap3A_577 = vector.shape_cast %swap3A_576 : vector<1x1x16xf32> to vector<16xf32>
    %swap3A_578 = vector.shape_cast %broadcast_in_dim3A_570 : vector<16xf32> to vector<1x1x16xf32>
    tpu.vector_store %arg11[%swap3A_573, %swap3A_574, %swap3A_575], %swap3A_578 {strides = array<i32>} : memref<2x80x128xf32, #tpu.memory_space<vmem>>, vector<1x1x16xf32>,
    %broadcast_in_dim3A_579 = arith.constant 0.000000e+00 : f32
    %broadcast_in_dim3A_580 = vector.broadcast %broadcast_in_dim3A_579 : f32 to vector<16xf32>
    %swap3A_581 = arith.constant 0 : i32
    %swap3A_582 = arith.constant 7 : i32
    %swap3A_583 = arith.index_cast %swap3A_581 : i32 to index
    %swap3A_584 = arith.index_cast %swap3A_582 : i32 to index
    %swap3A_585 = arith.constant 32 : index
    %swap3A_586 = tpu.vector_load %arg11[%swap3A_583, %swap3A_584, %swap3A_585] {strides = array<i32>} : memref<2x80x128xf32, #tpu.memory_space<vmem>>, vector<1x1x16xf32>,
    %swap3A_587 = vector.shape_cast %swap3A_586 : vector<1x1x16xf32> to vector<16xf32>
    %swap3A_588 = vector.shape_cast %broadcast_in_dim3A_580 : vector<16xf32> to vector<1x1x16xf32>
    tpu.vector_store %arg11[%swap3A_583, %swap3A_584, %swap3A_585], %swap3A_588 {strides = array<i32>} : memref<2x80x128xf32, #tpu.memory_space<vmem>>, vector<1x1x16xf32>,
    %broadcast_in_dim3A_589 = arith.constant 0.000000e+00 : f32
    %broadcast_in_dim3A_590 = vector.broadcast %broadcast_in_dim3A_589 : f32 to vector<16xf32>
    %swap3A_591 = arith.constant 0 : i32
    %swap3A_592 = arith.constant 7 : i32
    %swap3A_593 = arith.index_cast %swap3A_591 : i32 to index
    %swap3A_594 = arith.index_cast %swap3A_592 : i32 to index
    %swap3A_595 = arith.constant 48 : index
    %swap3A_596 = tpu.vector_load %arg11[%swap3A_593, %swap3A_594, %swap3A_595] {strides = array<i32>} : memref<2x80x128xf32, #tpu.memory_space<vmem>>, vector<1x1x16xf32>,
    %swap3A_597 = vector.shape_cast %swap3A_596 : vector<1x1x16xf32> to vector<16xf32>
    %swap3A_598 = vector.shape_cast %broadcast_in_dim3A_590 : vector<16xf32> to vector<1x1x16xf32>
    tpu.vector_store %arg11[%swap3A_593, %swap3A_594, %swap3A_595], %swap3A_598 {strides = array<i32>} : memref<2x80x128xf32, #tpu.memory_space<vmem>>, vector<1x1x16xf32>,
    %broadcast_in_dim3A_599 = arith.constant 0.000000e+00 : f32
    %broadcast_in_dim3A_600 = vector.broadcast %broadcast_in_dim3A_599 : f32 to vector<16xf32>
    %swap3A_601 = arith.constant 0 : i32
    %swap3A_602 = arith.constant 7 : i32
    %swap3A_603 = arith.index_cast %swap3A_601 : i32 to index
    %swap3A_604 = arith.index_cast %swap3A_602 : i32 to index
    %swap3A_605 = arith.constant 64 : index
    %swap3A_606 = tpu.vector_load %arg11[%swap3A_603, %swap3A_604, %swap3A_605] {strides = array<i32>} : memref<2x80x128xf32, #tpu.memory_space<vmem>>, vector<1x1x16xf32>,
    %swap3A_607 = vector.shape_cast %swap3A_606 : vector<1x1x16xf32> to vector<16xf32>
    %swap3A_608 = vector.shape_cast %broadcast_in_dim3A_600 : vector<16xf32> to vector<1x1x16xf32>
    tpu.vector_store %arg11[%swap3A_603, %swap3A_604, %swap3A_605], %swap3A_608 {strides = array<i32>} : memref<2x80x128xf32, #tpu.memory_space<vmem>>, vector<1x1x16xf32>,
    %broadcast_in_dim3A_609 = arith.constant 0.000000e+00 : f32
    %broadcast_in_dim3A_610 = vector.broadcast %broadcast_in_dim3A_609 : f32 to vector<16xf32>
    %swap3A_611 = arith.constant 0 : i32
    %swap3A_612 = arith.constant 7 : i32
    %swap3A_613 = arith.index_cast %swap3A_611 : i32 to index
    %swap3A_614 = arith.index_cast %swap3A_612 : i32 to index
    %swap3A_615 = arith.constant 80 : index
    %swap3A_616 = tpu.vector_load %arg11[%swap3A_613, %swap3A_614, %swap3A_615] {strides = array<i32>} : memref<2x80x128xf32, #tpu.memory_space<vmem>>, vector<1x1x16xf32>,
    %swap3A_617 = vector.shape_cast %swap3A_616 : vector<1x1x16xf32> to vector<16xf32>
    %swap3A_618 = vector.shape_cast %broadcast_in_dim3A_610 : vector<16xf32> to vector<1x1x16xf32>
    tpu.vector_store %arg11[%swap3A_613, %swap3A_614, %swap3A_615], %swap3A_618 {strides = array<i32>} : memref<2x80x128xf32, #tpu.memory_space<vmem>>, vector<1x1x16xf32>,
    %broadcast_in_dim3A_619 = arith.constant 0.000000e+00 : f32
    %broadcast_in_dim3A_620 = vector.broadcast %broadcast_in_dim3A_619 : f32 to vector<16xf32>
    %swap3A_621 = arith.constant 0 : i32
    %swap3A_622 = arith.constant 7 : i32
    %swap3A_623 = arith.index_cast %swap3A_621 : i32 to index
    %swap3A_624 = arith.index_cast %swap3A_622 : i32 to index
    %swap3A_625 = arith.constant 96 : index
    %swap3A_626 = tpu.vector_load %arg11[%swap3A_623, %swap3A_624, %swap3A_625] {strides = array<i32>} : memref<2x80x128xf32, #tpu.memory_space<vmem>>, vector<1x1x16xf32>,
    %swap3A_627 = vector.shape_cast %swap3A_626 : vector<1x1x16xf32> to vector<16xf32>
    %swap3A_628 = vector.shape_cast %broadcast_in_dim3A_620 : vector<16xf32> to vector<1x1x16xf32>
    tpu.vector_store %arg11[%swap3A_623, %swap3A_624, %swap3A_625], %swap3A_628 {strides = array<i32>} : memref<2x80x128xf32, #tpu.memory_space<vmem>>, vector<1x1x16xf32>,
    %broadcast_in_dim3A_629 = arith.constant 0.000000e+00 : f32
    %broadcast_in_dim3A_630 = vector.broadcast %broadcast_in_dim3A_629 : f32 to vector<16xf32>
    %swap3A_631 = arith.constant 0 : i32
    %swap3A_632 = arith.constant 7 : i32
    %swap3A_633 = arith.index_cast %swap3A_631 : i32 to index
    %swap3A_634 = arith.index_cast %swap3A_632 : i32 to index
    %swap3A_635 = arith.constant 112 : index
    %swap3A_636 = tpu.vector_load %arg11[%swap3A_633, %swap3A_634, %swap3A_635] {strides = array<i32>} : memref<2x80x128xf32, #tpu.memory_space<vmem>>, vector<1x1x16xf32>,
    %swap3A_637 = vector.shape_cast %swap3A_636 : vector<1x1x16xf32> to vector<16xf32>
    %swap3A_638 = vector.shape_cast %broadcast_in_dim3A_630 : vector<16xf32> to vector<1x1x16xf32>
    tpu.vector_store %arg11[%swap3A_633, %swap3A_634, %swap3A_635], %swap3A_638 {strides = array<i32>} : memref<2x80x128xf32, #tpu.memory_space<vmem>>, vector<1x1x16xf32>,
    %broadcast_in_dim3A_639 = arith.constant 0.000000e+00 : f32
    %broadcast_in_dim3A_640 = vector.broadcast %broadcast_in_dim3A_639 : f32 to vector<16xf32>
    %swap3A_641 = arith.constant 0 : i32
    %swap3A_642 = arith.constant 8 : i32
    %swap3A_643 = arith.index_cast %swap3A_641 : i32 to index
    %swap3A_644 = arith.index_cast %swap3A_642 : i32 to index
    %swap3A_645 = arith.constant 0 : index
    %swap3A_646 = tpu.vector_load %arg11[%swap3A_643, %swap3A_644, %swap3A_645] {strides = array<i32>} : memref<2x80x128xf32, #tpu.memory_space<vmem>>, vector<1x1x16xf32>,
    %swap3A_647 = vector.shape_cast %swap3A_646 : vector<1x1x16xf32> to vector<16xf32>
    %swap3A_648 = vector.shape_cast %broadcast_in_dim3A_640 : vector<16xf32> to vector<1x1x16xf32>
    tpu.vector_store %arg11[%swap3A_643, %swap3A_644, %swap3A_645], %swap3A_648 {strides = array<i32>} : memref<2x80x128xf32, #tpu.memory_space<vmem>>, vector<1x1x16xf32>,
    %broadcast_in_dim3A_649 = arith.constant 0.000000e+00 : f32
    %broadcast_in_dim3A_650 = vector.broadcast %broadcast_in_dim3A_649 : f32 to vector<16xf32>
    %swap3A_651 = arith.constant 0 : i32
    %swap3A_652 = arith.constant 8 : i32
    %swap3A_653 = arith.index_cast %swap3A_651 : i32 to index
    %swap3A_654 = arith.index_cast %swap3A_652 : i32 to index
    %swap3A_655 = arith.constant 16 : index
    %swap3A_656 = tpu.vector_load %arg11[%swap3A_653, %swap3A_654, %swap3A_655] {strides = array<i32>} : memref<2x80x128xf32, #tpu.memory_space<vmem>>, vector<1x1x16xf32>,
    %swap3A_657 = vector.shape_cast %swap3A_656 : vector<1x1x16xf32> to vector<16xf32>
    %swap3A_658 = vector.shape_cast %broadcast_in_dim3A_650 : vector<16xf32> to vector<1x1x16xf32>
    tpu.vector_store %arg11[%swap3A_653, %swap3A_654, %swap3A_655], %swap3A_658 {strides = array<i32>} : memref<2x80x128xf32, #tpu.memory_space<vmem>>, vector<1x1x16xf32>,
    %broadcast_in_dim3A_659 = arith.constant 0.000000e+00 : f32
    %broadcast_in_dim3A_660 = vector.broadcast %broadcast_in_dim3A_659 : f32 to vector<16xf32>
    %swap3A_661 = arith.constant 0 : i32
    %swap3A_662 = arith.constant 8 : i32
    %swap3A_663 = arith.index_cast %swap3A_661 : i32 to index
    %swap3A_664 = arith.index_cast %swap3A_662 : i32 to index
    %swap3A_665 = arith.constant 32 : index
    %swap3A_666 = tpu.vector_load %arg11[%swap3A_663, %swap3A_664, %swap3A_665] {strides = array<i32>} : memref<2x80x128xf32, #tpu.memory_space<vmem>>, vector<1x1x16xf32>,
    %swap3A_667 = vector.shape_cast %swap3A_666 : vector<1x1x16xf32> to vector<16xf32>
    %swap3A_668 = vector.shape_cast %broadcast_in_dim3A_660 : vector<16xf32> to vector<1x1x16xf32>
    tpu.vector_store %arg11[%swap3A_663, %swap3A_664, %swap3A_665], %swap3A_668 {strides = array<i32>} : memref<2x80x128xf32, #tpu.memory_space<vmem>>, vector<1x1x16xf32>,
    %broadcast_in_dim3A_669 = arith.constant 0.000000e+00 : f32
    %broadcast_in_dim3A_670 = vector.broadcast %broadcast_in_dim3A_669 : f32 to vector<16xf32>
    %swap3A_671 = arith.constant 0 : i32
    %swap3A_672 = arith.constant 8 : i32
    %swap3A_673 = arith.index_cast %swap3A_671 : i32 to index
    %swap3A_674 = arith.index_cast %swap3A_672 : i32 to index
    %swap3A_675 = arith.constant 48 : index
    %swap3A_676 = tpu.vector_load %arg11[%swap3A_673, %swap3A_674, %swap3A_675] {strides = array<i32>} : memref<2x80x128xf32, #tpu.memory_space<vmem>>, vector<1x1x16xf32>,
    %swap3A_677 = vector.shape_cast %swap3A_676 : vector<1x1x16xf32> to vector<16xf32>
    %swap3A_678 = vector.shape_cast %broadcast_in_dim3A_670 : vector<16xf32> to vector<1x1x16xf32>
    tpu.vector_store %arg11[%swap3A_673, %swap3A_674, %swap3A_675], %swap3A_678 {strides = array<i32>} : memref<2x80x128xf32, #tpu.memory_space<vmem>>, vector<1x1x16xf32>,
    %broadcast_in_dim3A_679 = arith.constant 0.000000e+00 : f32
    %broadcast_in_dim3A_680 = vector.broadcast %broadcast_in_dim3A_679 : f32 to vector<16xf32>
    %swap3A_681 = arith.constant 0 : i32
    %swap3A_682 = arith.constant 8 : i32
    %swap3A_683 = arith.index_cast %swap3A_681 : i32 to index
    %swap3A_684 = arith.index_cast %swap3A_682 : i32 to index
    %swap3A_685 = arith.constant 64 : index
    %swap3A_686 = tpu.vector_load %arg11[%swap3A_683, %swap3A_684, %swap3A_685] {strides = array<i32>} : memref<2x80x128xf32, #tpu.memory_space<vmem>>, vector<1x1x16xf32>,
    %swap3A_687 = vector.shape_cast %swap3A_686 : vector<1x1x16xf32> to vector<16xf32>
    %swap3A_688 = vector.shape_cast %broadcast_in_dim3A_680 : vector<16xf32> to vector<1x1x16xf32>
    tpu.vector_store %arg11[%swap3A_683, %swap3A_684, %swap3A_685], %swap3A_688 {strides = array<i32>} : memref<2x80x128xf32, #tpu.memory_space<vmem>>, vector<1x1x16xf32>,
    %broadcast_in_dim3A_689 = arith.constant 0.000000e+00 : f32
    %broadcast_in_dim3A_690 = vector.broadcast %broadcast_in_dim3A_689 : f32 to vector<16xf32>
    %swap3A_691 = arith.constant 0 : i32
    %swap3A_692 = arith.constant 8 : i32
    %swap3A_693 = arith.index_cast %swap3A_691 : i32 to index
    %swap3A_694 = arith.index_cast %swap3A_692 : i32 to index
    %swap3A_695 = arith.constant 80 : index
    %swap3A_696 = tpu.vector_load %arg11[%swap3A_693, %swap3A_694, %swap3A_695] {strides = array<i32>} : memref<2x80x128xf32, #tpu.memory_space<vmem>>, vector<1x1x16xf32>,
    %swap3A_697 = vector.shape_cast %swap3A_696 : vector<1x1x16xf32> to vector<16xf32>
    %swap3A_698 = vector.shape_cast %broadcast_in_dim3A_690 : vector<16xf32> to vector<1x1x16xf32>
    tpu.vector_store %arg11[%swap3A_693, %swap3A_694, %swap3A_695], %swap3A_698 {strides = array<i32>} : memref<2x80x128xf32, #tpu.memory_space<vmem>>, vector<1x1x16xf32>,
    %broadcast_in_dim3A_699 = arith.constant 0.000000e+00 : f32
    %broadcast_in_dim3A_700 = vector.broadcast %broadcast_in_dim3A_699 : f32 to vector<16xf32>
    %swap3A_701 = arith.constant 0 : i32
    %swap3A_702 = arith.constant 8 : i32
    %swap3A_703 = arith.index_cast %swap3A_701 : i32 to index
    %swap3A_704 = arith.index_cast %swap3A_702 : i32 to index
    %swap3A_705 = arith.constant 96 : index
    %swap3A_706 = tpu.vector_load %arg11[%swap3A_703, %swap3A_704, %swap3A_705] {strides = array<i32>} : memref<2x80x128xf32, #tpu.memory_space<vmem>>, vector<1x1x16xf32>,
    %swap3A_707 = vector.shape_cast %swap3A_706 : vector<1x1x16xf32> to vector<16xf32>
    %swap3A_708 = vector.shape_cast %broadcast_in_dim3A_700 : vector<16xf32> to vector<1x1x16xf32>
    tpu.vector_store %arg11[%swap3A_703, %swap3A_704, %swap3A_705], %swap3A_708 {strides = array<i32>} : memref<2x80x128xf32, #tpu.memory_space<vmem>>, vector<1x1x16xf32>,
    %broadcast_in_dim3A_709 = arith.constant 0.000000e+00 : f32
    %broadcast_in_dim3A_710 = vector.broadcast %broadcast_in_dim3A_709 : f32 to vector<16xf32>
    %swap3A_711 = arith.constant 0 : i32
    %swap3A_712 = arith.constant 8 : i32
    %swap3A_713 = arith.index_cast %swap3A_711 : i32 to index
    %swap3A_714 = arith.index_cast %swap3A_712 : i32 to index
    %swap3A_715 = arith.constant 112 : index
    %swap3A_716 = tpu.vector_load %arg11[%swap3A_713, %swap3A_714, %swap3A_715] {strides = array<i32>} : memref<2x80x128xf32, #tpu.memory_space<vmem>>, vector<1x1x16xf32>,
    %swap3A_717 = vector.shape_cast %swap3A_716 : vector<1x1x16xf32> to vector<16xf32>
    %swap3A_718 = vector.shape_cast %broadcast_in_dim3A_710 : vector<16xf32> to vector<1x1x16xf32>
    tpu.vector_store %arg11[%swap3A_713, %swap3A_714, %swap3A_715], %swap3A_718 {strides = array<i32>} : memref<2x80x128xf32, #tpu.memory_space<vmem>>, vector<1x1x16xf32>,
    %broadcast_in_dim3A_719 = arith.constant 0.000000e+00 : f32
    %broadcast_in_dim3A_720 = vector.broadcast %broadcast_in_dim3A_719 : f32 to vector<16xf32>
    %swap3A_721 = arith.constant 0 : i32
    %swap3A_722 = arith.constant 9 : i32
    %swap3A_723 = arith.index_cast %swap3A_721 : i32 to index
    %swap3A_724 = arith.index_cast %swap3A_722 : i32 to index
    %swap3A_725 = arith.constant 0 : index
    %swap3A_726 = tpu.vector_load %arg11[%swap3A_723, %swap3A_724, %swap3A_725] {strides = array<i32>} : memref<2x80x128xf32, #tpu.memory_space<vmem>>, vector<1x1x16xf32>,
    %swap3A_727 = vector.shape_cast %swap3A_726 : vector<1x1x16xf32> to vector<16xf32>
    %swap3A_728 = vector.shape_cast %broadcast_in_dim3A_720 : vector<16xf32> to vector<1x1x16xf32>
    tpu.vector_store %arg11[%swap3A_723, %swap3A_724, %swap3A_725], %swap3A_728 {strides = array<i32>} : memref<2x80x128xf32, #tpu.memory_space<vmem>>, vector<1x1x16xf32>,
    %broadcast_in_dim3A_729 = arith.constant 0.000000e+00 : f32
    %broadcast_in_dim3A_730 = vector.broadcast %broadcast_in_dim3A_729 : f32 to vector<16xf32>
    %swap3A_731 = arith.constant 0 : i32
    %swap3A_732 = arith.constant 9 : i32
    %swap3A_733 = arith.index_cast %swap3A_731 : i32 to index
    %swap3A_734 = arith.index_cast %swap3A_732 : i32 to index
    %swap3A_735 = arith.constant 16 : index
    %swap3A_736 = tpu.vector_load %arg11[%swap3A_733, %swap3A_734, %swap3A_735] {strides = array<i32>} : memref<2x80x128xf32, #tpu.memory_space<vmem>>, vector<1x1x16xf32>,
    %swap3A_737 = vector.shape_cast %swap3A_736 : vector<1x1x16xf32> to vector<16xf32>
    %swap3A_738 = vector.shape_cast %broadcast_in_dim3A_730 : vector<16xf32> to vector<1x1x16xf32>
    tpu.vector_store %arg11[%swap3A_733, %swap3A_734, %swap3A_735], %swap3A_738 {strides = array<i32>} : memref<2x80x128xf32, #tpu.memory_space<vmem>>, vector<1x1x16xf32>,
    %broadcast_in_dim3A_739 = arith.constant 0.000000e+00 : f32
    %broadcast_in_dim3A_740 = vector.broadcast %broadcast_in_dim3A_739 : f32 to vector<16xf32>
    %swap3A_741 = arith.constant 0 : i32
    %swap3A_742 = arith.constant 9 : i32
    %swap3A_743 = arith.index_cast %swap3A_741 : i32 to index
    %swap3A_744 = arith.index_cast %swap3A_742 : i32 to index
    %swap3A_745 = arith.constant 32 : index
    %swap3A_746 = tpu.vector_load %arg11[%swap3A_743, %swap3A_744, %swap3A_745] {strides = array<i32>} : memref<2x80x128xf32, #tpu.memory_space<vmem>>, vector<1x1x16xf32>,
    %swap3A_747 = vector.shape_cast %swap3A_746 : vector<1x1x16xf32> to vector<16xf32>
    %swap3A_748 = vector.shape_cast %broadcast_in_dim3A_740 : vector<16xf32> to vector<1x1x16xf32>
    tpu.vector_store %arg11[%swap3A_743, %swap3A_744, %swap3A_745], %swap3A_748 {strides = array<i32>} : memref<2x80x128xf32, #tpu.memory_space<vmem>>, vector<1x1x16xf32>,
    %broadcast_in_dim3A_749 = arith.constant 0.000000e+00 : f32
    %broadcast_in_dim3A_750 = vector.broadcast %broadcast_in_dim3A_749 : f32 to vector<16xf32>
    %swap3A_751 = arith.constant 0 : i32
    %swap3A_752 = arith.constant 9 : i32
    %swap3A_753 = arith.index_cast %swap3A_751 : i32 to index
    %swap3A_754 = arith.index_cast %swap3A_752 : i32 to index
    %swap3A_755 = arith.constant 48 : index
    %swap3A_756 = tpu.vector_load %arg11[%swap3A_753, %swap3A_754, %swap3A_755] {strides = array<i32>} : memref<2x80x128xf32, #tpu.memory_space<vmem>>, vector<1x1x16xf32>,
    %swap3A_757 = vector.shape_cast %swap3A_756 : vector<1x1x16xf32> to vector<16xf32>
    %swap3A_758 = vector.shape_cast %broadcast_in_dim3A_750 : vector<16xf32> to vector<1x1x16xf32>
    tpu.vector_store %arg11[%swap3A_753, %swap3A_754, %swap3A_755], %swap3A_758 {strides = array<i32>} : memref<2x80x128xf32, #tpu.memory_space<vmem>>, vector<1x1x16xf32>,
    %broadcast_in_dim3A_759 = arith.constant 0.000000e+00 : f32
    %broadcast_in_dim3A_760 = vector.broadcast %broadcast_in_dim3A_759 : f32 to vector<16xf32>
    %swap3A_761 = arith.constant 0 : i32
    %swap3A_762 = arith.constant 9 : i32
    %swap3A_763 = arith.index_cast %swap3A_761 : i32 to index
    %swap3A_764 = arith.index_cast %swap3A_762 : i32 to index
    %swap3A_765 = arith.constant 64 : index
    %swap3A_766 = tpu.vector_load %arg11[%swap3A_763, %swap3A_764, %swap3A_765] {strides = array<i32>} : memref<2x80x128xf32, #tpu.memory_space<vmem>>, vector<1x1x16xf32>,
    %swap3A_767 = vector.shape_cast %swap3A_766 : vector<1x1x16xf32> to vector<16xf32>
    %swap3A_768 = vector.shape_cast %broadcast_in_dim3A_760 : vector<16xf32> to vector<1x1x16xf32>
    tpu.vector_store %arg11[%swap3A_763, %swap3A_764, %swap3A_765], %swap3A_768 {strides = array<i32>} : memref<2x80x128xf32, #tpu.memory_space<vmem>>, vector<1x1x16xf32>,
    %broadcast_in_dim3A_769 = arith.constant 0.000000e+00 : f32
    %broadcast_in_dim3A_770 = vector.broadcast %broadcast_in_dim3A_769 : f32 to vector<16xf32>
    %swap3A_771 = arith.constant 0 : i32
    %swap3A_772 = arith.constant 9 : i32
    %swap3A_773 = arith.index_cast %swap3A_771 : i32 to index
    %swap3A_774 = arith.index_cast %swap3A_772 : i32 to index
    %swap3A_775 = arith.constant 80 : index
    %swap3A_776 = tpu.vector_load %arg11[%swap3A_773, %swap3A_774, %swap3A_775] {strides = array<i32>} : memref<2x80x128xf32, #tpu.memory_space<vmem>>, vector<1x1x16xf32>,
    %swap3A_777 = vector.shape_cast %swap3A_776 : vector<1x1x16xf32> to vector<16xf32>
    %swap3A_778 = vector.shape_cast %broadcast_in_dim3A_770 : vector<16xf32> to vector<1x1x16xf32>
    tpu.vector_store %arg11[%swap3A_773, %swap3A_774, %swap3A_775], %swap3A_778 {strides = array<i32>} : memref<2x80x128xf32, #tpu.memory_space<vmem>>, vector<1x1x16xf32>,
    %broadcast_in_dim3A_779 = arith.constant 0.000000e+00 : f32
    %broadcast_in_dim3A_780 = vector.broadcast %broadcast_in_dim3A_779 : f32 to vector<16xf32>
    %swap3A_781 = arith.constant 0 : i32
    %swap3A_782 = arith.constant 9 : i32
    %swap3A_783 = arith.index_cast %swap3A_781 : i32 to index
    %swap3A_784 = arith.index_cast %swap3A_782 : i32 to index
    %swap3A_785 = arith.constant 96 : index
    %swap3A_786 = tpu.vector_load %arg11[%swap3A_783, %swap3A_784, %swap3A_785] {strides = array<i32>} : memref<2x80x128xf32, #tpu.memory_space<vmem>>, vector<1x1x16xf32>,
    %swap3A_787 = vector.shape_cast %swap3A_786 : vector<1x1x16xf32> to vector<16xf32>
    %swap3A_788 = vector.shape_cast %broadcast_in_dim3A_780 : vector<16xf32> to vector<1x1x16xf32>
    tpu.vector_store %arg11[%swap3A_783, %swap3A_784, %swap3A_785], %swap3A_788 {strides = array<i32>} : memref<2x80x128xf32, #tpu.memory_space<vmem>>, vector<1x1x16xf32>,
    %broadcast_in_dim3A_789 = arith.constant 0.000000e+00 : f32
    %broadcast_in_dim3A_790 = vector.broadcast %broadcast_in_dim3A_789 : f32 to vector<16xf32>
    %swap3A_791 = arith.constant 0 : i32
    %swap3A_792 = arith.constant 9 : i32
    %swap3A_793 = arith.index_cast %swap3A_791 : i32 to index
    %swap3A_794 = arith.index_cast %swap3A_792 : i32 to index
    %swap3A_795 = arith.constant 112 : index
    %swap3A_796 = tpu.vector_load %arg11[%swap3A_793, %swap3A_794, %swap3A_795] {strides = array<i32>} : memref<2x80x128xf32, #tpu.memory_space<vmem>>, vector<1x1x16xf32>,
    %swap3A_797 = vector.shape_cast %swap3A_796 : vector<1x1x16xf32> to vector<16xf32>
    %swap3A_798 = vector.shape_cast %broadcast_in_dim3A_790 : vector<16xf32> to vector<1x1x16xf32>
    tpu.vector_store %arg11[%swap3A_793, %swap3A_794, %swap3A_795], %swap3A_798 {strides = array<i32>} : memref<2x80x128xf32, #tpu.memory_space<vmem>>, vector<1x1x16xf32>,
    %broadcast_in_dim3A_799 = arith.constant 0.000000e+00 : f32
    %broadcast_in_dim3A_800 = vector.broadcast %broadcast_in_dim3A_799 : f32 to vector<16xf32>
    %swap3A_801 = arith.constant 0 : i32
    %swap3A_802 = arith.constant 10 : i32
    %swap3A_803 = arith.index_cast %swap3A_801 : i32 to index
    %swap3A_804 = arith.index_cast %swap3A_802 : i32 to index
    %swap3A_805 = arith.constant 0 : index
    %swap3A_806 = tpu.vector_load %arg11[%swap3A_803, %swap3A_804, %swap3A_805] {strides = array<i32>} : memref<2x80x128xf32, #tpu.memory_space<vmem>>, vector<1x1x16xf32>,
    %swap3A_807 = vector.shape_cast %swap3A_806 : vector<1x1x16xf32> to vector<16xf32>
    %swap3A_808 = vector.shape_cast %broadcast_in_dim3A_800 : vector<16xf32> to vector<1x1x16xf32>
    tpu.vector_store %arg11[%swap3A_803, %swap3A_804, %swap3A_805], %swap3A_808 {strides = array<i32>} : memref<2x80x128xf32, #tpu.memory_space<vmem>>, vector<1x1x16xf32>,
    %broadcast_in_dim3A_809 = arith.constant 0.000000e+00 : f32
    %broadcast_in_dim3A_810 = vector.broadcast %broadcast_in_dim3A_809 : f32 to vector<16xf32>
    %swap3A_811 = arith.constant 0 : i32
    %swap3A_812 = arith.constant 10 : i32
    %swap3A_813 = arith.index_cast %swap3A_811 : i32 to index
    %swap3A_814 = arith.index_cast %swap3A_812 : i32 to index
    %swap3A_815 = arith.constant 16 : index
    %swap3A_816 = tpu.vector_load %arg11[%swap3A_813, %swap3A_814, %swap3A_815] {strides = array<i32>} : memref<2x80x128xf32, #tpu.memory_space<vmem>>, vector<1x1x16xf32>,
    %swap3A_817 = vector.shape_cast %swap3A_816 : vector<1x1x16xf32> to vector<16xf32>
    %swap3A_818 = vector.shape_cast %broadcast_in_dim3A_810 : vector<16xf32> to vector<1x1x16xf32>
    tpu.vector_store %arg11[%swap3A_813, %swap3A_814, %swap3A_815], %swap3A_818 {strides = array<i32>} : memref<2x80x128xf32, #tpu.memory_space<vmem>>, vector<1x1x16xf32>,
    %broadcast_in_dim3A_819 = arith.constant 0.000000e+00 : f32
    %broadcast_in_dim3A_820 = vector.broadcast %broadcast_in_dim3A_819 : f32 to vector<16xf32>
    %swap3A_821 = arith.constant 0 : i32
    %swap3A_822 = arith.constant 10 : i32
    %swap3A_823 = arith.index_cast %swap3A_821 : i32 to index
    %swap3A_824 = arith.index_cast %swap3A_822 : i32 to index
    %swap3A_825 = arith.constant 32 : index
    %swap3A_826 = tpu.vector_load %arg11[%swap3A_823, %swap3A_824, %swap3A_825] {strides = array<i32>} : memref<2x80x128xf32, #tpu.memory_space<vmem>>, vector<1x1x16xf32>,
    %swap3A_827 = vector.shape_cast %swap3A_826 : vector<1x1x16xf32> to vector<16xf32>
    %swap3A_828 = vector.shape_cast %broadcast_in_dim3A_820 : vector<16xf32> to vector<1x1x16xf32>
    tpu.vector_store %arg11[%swap3A_823, %swap3A_824, %swap3A_825], %swap3A_828 {strides = array<i32>} : memref<2x80x128xf32, #tpu.memory_space<vmem>>, vector<1x1x16xf32>,
    %broadcast_in_dim3A_829 = arith.constant 0.000000e+00 : f32
    %broadcast_in_dim3A_830 = vector.broadcast %broadcast_in_dim3A_829 : f32 to vector<16xf32>
    %swap3A_831 = arith.constant 0 : i32
    %swap3A_832 = arith.constant 10 : i32
    %swap3A_833 = arith.index_cast %swap3A_831 : i32 to index
    %swap3A_834 = arith.index_cast %swap3A_832 : i32 to index
    %swap3A_835 = arith.constant 48 : index
    %swap3A_836 = tpu.vector_load %arg11[%swap3A_833, %swap3A_834, %swap3A_835] {strides = array<i32>} : memref<2x80x128xf32, #tpu.memory_space<vmem>>, vector<1x1x16xf32>,
    %swap3A_837 = vector.shape_cast %swap3A_836 : vector<1x1x16xf32> to vector<16xf32>
    %swap3A_838 = vector.shape_cast %broadcast_in_dim3A_830 : vector<16xf32> to vector<1x1x16xf32>
    tpu.vector_store %arg11[%swap3A_833, %swap3A_834, %swap3A_835], %swap3A_838 {strides = array<i32>} : memref<2x80x128xf32, #tpu.memory_space<vmem>>, vector<1x1x16xf32>,
    %broadcast_in_dim3A_839 = arith.constant 0.000000e+00 : f32
    %broadcast_in_dim3A_840 = vector.broadcast %broadcast_in_dim3A_839 : f32 to vector<16xf32>
    %swap3A_841 = arith.constant 0 : i32
    %swap3A_842 = arith.constant 10 : i32
    %swap3A_843 = arith.index_cast %swap3A_841 : i32 to index
    %swap3A_844 = arith.index_cast %swap3A_842 : i32 to index
    %swap3A_845 = arith.constant 64 : index
    %swap3A_846 = tpu.vector_load %arg11[%swap3A_843, %swap3A_844, %swap3A_845] {strides = array<i32>} : memref<2x80x128xf32, #tpu.memory_space<vmem>>, vector<1x1x16xf32>,
    %swap3A_847 = vector.shape_cast %swap3A_846 : vector<1x1x16xf32> to vector<16xf32>
    %swap3A_848 = vector.shape_cast %broadcast_in_dim3A_840 : vector<16xf32> to vector<1x1x16xf32>
    tpu.vector_store %arg11[%swap3A_843, %swap3A_844, %swap3A_845], %swap3A_848 {strides = array<i32>} : memref<2x80x128xf32, #tpu.memory_space<vmem>>, vector<1x1x16xf32>,
    %broadcast_in_dim3A_849 = arith.constant 0.000000e+00 : f32
    %broadcast_in_dim3A_850 = vector.broadcast %broadcast_in_dim3A_849 : f32 to vector<16xf32>
    %swap3A_851 = arith.constant 0 : i32
    %swap3A_852 = arith.constant 10 : i32
    %swap3A_853 = arith.index_cast %swap3A_851 : i32 to index
    %swap3A_854 = arith.index_cast %swap3A_852 : i32 to index
    %swap3A_855 = arith.constant 80 : index
    %swap3A_856 = tpu.vector_load %arg11[%swap3A_853, %swap3A_854, %swap3A_855] {strides = array<i32>} : memref<2x80x128xf32, #tpu.memory_space<vmem>>, vector<1x1x16xf32>,
    %swap3A_857 = vector.shape_cast %swap3A_856 : vector<1x1x16xf32> to vector<16xf32>
    %swap3A_858 = vector.shape_cast %broadcast_in_dim3A_850 : vector<16xf32> to vector<1x1x16xf32>
    tpu.vector_store %arg11[%swap3A_853, %swap3A_854, %swap3A_855], %swap3A_858 {strides = array<i32>} : memref<2x80x128xf32, #tpu.memory_space<vmem>>, vector<1x1x16xf32>,
    %broadcast_in_dim3A_859 = arith.constant 0.000000e+00 : f32
    %broadcast_in_dim3A_860 = vector.broadcast %broadcast_in_dim3A_859 : f32 to vector<16xf32>
    %swap3A_861 = arith.constant 0 : i32
    %swap3A_862 = arith.constant 10 : i32
    %swap3A_863 = arith.index_cast %swap3A_861 : i32 to index
    %swap3A_864 = arith.index_cast %swap3A_862 : i32 to index
    %swap3A_865 = arith.constant 96 : index
    %swap3A_866 = tpu.vector_load %arg11[%swap3A_863, %swap3A_864, %swap3A_865] {strides = array<i32>} : memref<2x80x128xf32, #tpu.memory_space<vmem>>, vector<1x1x16xf32>,
    %swap3A_867 = vector.shape_cast %swap3A_866 : vector<1x1x16xf32> to vector<16xf32>
    %swap3A_868 = vector.shape_cast %broadcast_in_dim3A_860 : vector<16xf32> to vector<1x1x16xf32>
    tpu.vector_store %arg11[%swap3A_863, %swap3A_864, %swap3A_865], %swap3A_868 {strides = array<i32>} : memref<2x80x128xf32, #tpu.memory_space<vmem>>, vector<1x1x16xf32>,
    %broadcast_in_dim3A_869 = arith.constant 0.000000e+00 : f32
    %broadcast_in_dim3A_870 = vector.broadcast %broadcast_in_dim3A_869 : f32 to vector<16xf32>
    %swap3A_871 = arith.constant 0 : i32
    %swap3A_872 = arith.constant 10 : i32
    %swap3A_873 = arith.index_cast %swap3A_871 : i32 to index
    %swap3A_874 = arith.index_cast %swap3A_872 : i32 to index
    %swap3A_875 = arith.constant 112 : index
    %swap3A_876 = tpu.vector_load %arg11[%swap3A_873, %swap3A_874, %swap3A_875] {strides = array<i32>} : memref<2x80x128xf32, #tpu.memory_space<vmem>>, vector<1x1x16xf32>,
    %swap3A_877 = vector.shape_cast %swap3A_876 : vector<1x1x16xf32> to vector<16xf32>
    %swap3A_878 = vector.shape_cast %broadcast_in_dim3A_870 : vector<16xf32> to vector<1x1x16xf32>
    tpu.vector_store %arg11[%swap3A_873, %swap3A_874, %swap3A_875], %swap3A_878 {strides = array<i32>} : memref<2x80x128xf32, #tpu.memory_space<vmem>>, vector<1x1x16xf32>,
    %broadcast_in_dim3A_879 = arith.constant 0.000000e+00 : f32
    %broadcast_in_dim3A_880 = vector.broadcast %broadcast_in_dim3A_879 : f32 to vector<16xf32>
    %swap3A_881 = arith.constant 0 : i32
    %swap3A_882 = arith.constant 11 : i32
    %swap3A_883 = arith.index_cast %swap3A_881 : i32 to index
    %swap3A_884 = arith.index_cast %swap3A_882 : i32 to index
    %swap3A_885 = arith.constant 0 : index
    %swap3A_886 = tpu.vector_load %arg11[%swap3A_883, %swap3A_884, %swap3A_885] {strides = array<i32>} : memref<2x80x128xf32, #tpu.memory_space<vmem>>, vector<1x1x16xf32>,
    %swap3A_887 = vector.shape_cast %swap3A_886 : vector<1x1x16xf32> to vector<16xf32>
    %swap3A_888 = vector.shape_cast %broadcast_in_dim3A_880 : vector<16xf32> to vector<1x1x16xf32>
    tpu.vector_store %arg11[%swap3A_883, %swap3A_884, %swap3A_885], %swap3A_888 {strides = array<i32>} : memref<2x80x128xf32, #tpu.memory_space<vmem>>, vector<1x1x16xf32>,
    %broadcast_in_dim3A_889 = arith.constant 0.000000e+00 : f32
    %broadcast_in_dim3A_890 = vector.broadcast %broadcast_in_dim3A_889 : f32 to vector<16xf32>
    %swap3A_891 = arith.constant 0 : i32
    %swap3A_892 = arith.constant 11 : i32
    %swap3A_893 = arith.index_cast %swap3A_891 : i32 to index
    %swap3A_894 = arith.index_cast %swap3A_892 : i32 to index
    %swap3A_895 = arith.constant 16 : index
    %swap3A_896 = tpu.vector_load %arg11[%swap3A_893, %swap3A_894, %swap3A_895] {strides = array<i32>} : memref<2x80x128xf32, #tpu.memory_space<vmem>>, vector<1x1x16xf32>,
    %swap3A_897 = vector.shape_cast %swap3A_896 : vector<1x1x16xf32> to vector<16xf32>
    %swap3A_898 = vector.shape_cast %broadcast_in_dim3A_890 : vector<16xf32> to vector<1x1x16xf32>
    tpu.vector_store %arg11[%swap3A_893, %swap3A_894, %swap3A_895], %swap3A_898 {strides = array<i32>} : memref<2x80x128xf32, #tpu.memory_space<vmem>>, vector<1x1x16xf32>,
    %broadcast_in_dim3A_899 = arith.constant 0.000000e+00 : f32
    %broadcast_in_dim3A_900 = vector.broadcast %broadcast_in_dim3A_899 : f32 to vector<16xf32>
    %swap3A_901 = arith.constant 0 : i32
    %swap3A_902 = arith.constant 11 : i32
    %swap3A_903 = arith.index_cast %swap3A_901 : i32 to index
    %swap3A_904 = arith.index_cast %swap3A_902 : i32 to index
    %swap3A_905 = arith.constant 32 : index
    %swap3A_906 = tpu.vector_load %arg11[%swap3A_903, %swap3A_904, %swap3A_905] {strides = array<i32>} : memref<2x80x128xf32, #tpu.memory_space<vmem>>, vector<1x1x16xf32>,
    %swap3A_907 = vector.shape_cast %swap3A_906 : vector<1x1x16xf32> to vector<16xf32>
    %swap3A_908 = vector.shape_cast %broadcast_in_dim3A_900 : vector<16xf32> to vector<1x1x16xf32>
    tpu.vector_store %arg11[%swap3A_903, %swap3A_904, %swap3A_905], %swap3A_908 {strides = array<i32>} : memref<2x80x128xf32, #tpu.memory_space<vmem>>, vector<1x1x16xf32>,
    %broadcast_in_dim3A_909 = arith.constant 0.000000e+00 : f32
    %broadcast_in_dim3A_910 = vector.broadcast %broadcast_in_dim3A_909 : f32 to vector<16xf32>
    %swap3A_911 = arith.constant 0 : i32
    %swap3A_912 = arith.constant 11 : i32
    %swap3A_913 = arith.index_cast %swap3A_911 : i32 to index
    %swap3A_914 = arith.index_cast %swap3A_912 : i32 to index
    %swap3A_915 = arith.constant 48 : index
    %swap3A_916 = tpu.vector_load %arg11[%swap3A_913, %swap3A_914, %swap3A_915] {strides = array<i32>} : memref<2x80x128xf32, #tpu.memory_space<vmem>>, vector<1x1x16xf32>,
    %swap3A_917 = vector.shape_cast %swap3A_916 : vector<1x1x16xf32> to vector<16xf32>
    %swap3A_918 = vector.shape_cast %broadcast_in_dim3A_910 : vector<16xf32> to vector<1x1x16xf32>
    tpu.vector_store %arg11[%swap3A_913, %swap3A_914, %swap3A_915], %swap3A_918 {strides = array<i32>} : memref<2x80x128xf32, #tpu.memory_space<vmem>>, vector<1x1x16xf32>,
    %broadcast_in_dim3A_919 = arith.constant 0.000000e+00 : f32
    %broadcast_in_dim3A_920 = vector.broadcast %broadcast_in_dim3A_919 : f32 to vector<16xf32>
    %swap3A_921 = arith.constant 0 : i32
    %swap3A_922 = arith.constant 11 : i32
    %swap3A_923 = arith.index_cast %swap3A_921 : i32 to index
    %swap3A_924 = arith.index_cast %swap3A_922 : i32 to index
    %swap3A_925 = arith.constant 64 : index
    %swap3A_926 = tpu.vector_load %arg11[%swap3A_923, %swap3A_924, %swap3A_925] {strides = array<i32>} : memref<2x80x128xf32, #tpu.memory_space<vmem>>, vector<1x1x16xf32>,
    %swap3A_927 = vector.shape_cast %swap3A_926 : vector<1x1x16xf32> to vector<16xf32>
    %swap3A_928 = vector.shape_cast %broadcast_in_dim3A_920 : vector<16xf32> to vector<1x1x16xf32>
    tpu.vector_store %arg11[%swap3A_923, %swap3A_924, %swap3A_925], %swap3A_928 {strides = array<i32>} : memref<2x80x128xf32, #tpu.memory_space<vmem>>, vector<1x1x16xf32>,
    %broadcast_in_dim3A_929 = arith.constant 0.000000e+00 : f32
    %broadcast_in_dim3A_930 = vector.broadcast %broadcast_in_dim3A_929 : f32 to vector<16xf32>
    %swap3A_931 = arith.constant 0 : i32
    %swap3A_932 = arith.constant 11 : i32
    %swap3A_933 = arith.index_cast %swap3A_931 : i32 to index
    %swap3A_934 = arith.index_cast %swap3A_932 : i32 to index
    %swap3A_935 = arith.constant 80 : index
    %swap3A_936 = tpu.vector_load %arg11[%swap3A_933, %swap3A_934, %swap3A_935] {strides = array<i32>} : memref<2x80x128xf32, #tpu.memory_space<vmem>>, vector<1x1x16xf32>,
    %swap3A_937 = vector.shape_cast %swap3A_936 : vector<1x1x16xf32> to vector<16xf32>
    %swap3A_938 = vector.shape_cast %broadcast_in_dim3A_930 : vector<16xf32> to vector<1x1x16xf32>
    tpu.vector_store %arg11[%swap3A_933, %swap3A_934, %swap3A_935], %swap3A_938 {strides = array<i32>} : memref<2x80x128xf32, #tpu.memory_space<vmem>>, vector<1x1x16xf32>,
    %broadcast_in_dim3A_939 = arith.constant 0.000000e+00 : f32
    %broadcast_in_dim3A_940 = vector.broadcast %broadcast_in_dim3A_939 : f32 to vector<16xf32>
    %swap3A_941 = arith.constant 0 : i32
    %swap3A_942 = arith.constant 11 : i32
    %swap3A_943 = arith.index_cast %swap3A_941 : i32 to index
    %swap3A_944 = arith.index_cast %swap3A_942 : i32 to index
    %swap3A_945 = arith.constant 96 : index
    %swap3A_946 = tpu.vector_load %arg11[%swap3A_943, %swap3A_944, %swap3A_945] {strides = array<i32>} : memref<2x80x128xf32, #tpu.memory_space<vmem>>, vector<1x1x16xf32>,
    %swap3A_947 = vector.shape_cast %swap3A_946 : vector<1x1x16xf32> to vector<16xf32>
    %swap3A_948 = vector.shape_cast %broadcast_in_dim3A_940 : vector<16xf32> to vector<1x1x16xf32>
    tpu.vector_store %arg11[%swap3A_943, %swap3A_944, %swap3A_945], %swap3A_948 {strides = array<i32>} : memref<2x80x128xf32, #tpu.memory_space<vmem>>, vector<1x1x16xf32>,
    %broadcast_in_dim3A_949 = arith.constant 0.000000e+00 : f32
    %broadcast_in_dim3A_950 = vector.broadcast %broadcast_in_dim3A_949 : f32 to vector<16xf32>
    %swap3A_951 = arith.constant 0 : i32
    %swap3A_952 = arith.constant 11 : i32
    %swap3A_953 = arith.index_cast %swap3A_951 : i32 to index
    %swap3A_954 = arith.index_cast %swap3A_952 : i32 to index
    %swap3A_955 = arith.constant 112 : index
    %swap3A_956 = tpu.vector_load %arg11[%swap3A_953, %swap3A_954, %swap3A_955] {strides = array<i32>} : memref<2x80x128xf32, #tpu.memory_space<vmem>>, vector<1x1x16xf32>,
    %swap3A_957 = vector.shape_cast %swap3A_956 : vector<1x1x16xf32> to vector<16xf32>
    %swap3A_958 = vector.shape_cast %broadcast_in_dim3A_950 : vector<16xf32> to vector<1x1x16xf32>
    tpu.vector_store %arg11[%swap3A_953, %swap3A_954, %swap3A_955], %swap3A_958 {strides = array<i32>} : memref<2x80x128xf32, #tpu.memory_space<vmem>>, vector<1x1x16xf32>,
    %broadcast_in_dim3A_959 = arith.constant 0.000000e+00 : f32
    %broadcast_in_dim3A_960 = vector.broadcast %broadcast_in_dim3A_959 : f32 to vector<16xf32>
    %swap3A_961 = arith.constant 0 : i32
    %swap3A_962 = arith.constant 12 : i32
    %swap3A_963 = arith.index_cast %swap3A_961 : i32 to index
    %swap3A_964 = arith.index_cast %swap3A_962 : i32 to index
    %swap3A_965 = arith.constant 0 : index
    %swap3A_966 = tpu.vector_load %arg11[%swap3A_963, %swap3A_964, %swap3A_965] {strides = array<i32>} : memref<2x80x128xf32, #tpu.memory_space<vmem>>, vector<1x1x16xf32>,
    %swap3A_967 = vector.shape_cast %swap3A_966 : vector<1x1x16xf32> to vector<16xf32>
    %swap3A_968 = vector.shape_cast %broadcast_in_dim3A_960 : vector<16xf32> to vector<1x1x16xf32>
    tpu.vector_store %arg11[%swap3A_963, %swap3A_964, %swap3A_965], %swap3A_968 {strides = array<i32>} : memref<2x80x128xf32, #tpu.memory_space<vmem>>, vector<1x1x16xf32>,
    %broadcast_in_dim3A_969 = arith.constant 0.000000e+00 : f32
    %broadcast_in_dim3A_970 = vector.broadcast %broadcast_in_dim3A_969 : f32 to vector<16xf32>
    %swap3A_971 = arith.constant 0 : i32
    %swap3A_972 = arith.constant 12 : i32
    %swap3A_973 = arith.index_cast %swap3A_971 : i32 to index
    %swap3A_974 = arith.index_cast %swap3A_972 : i32 to index
    %swap3A_975 = arith.constant 16 : index
    %swap3A_976 = tpu.vector_load %arg11[%swap3A_973, %swap3A_974, %swap3A_975] {strides = array<i32>} : memref<2x80x128xf32, #tpu.memory_space<vmem>>, vector<1x1x16xf32>,
    %swap3A_977 = vector.shape_cast %swap3A_976 : vector<1x1x16xf32> to vector<16xf32>
    %swap3A_978 = vector.shape_cast %broadcast_in_dim3A_970 : vector<16xf32> to vector<1x1x16xf32>
    tpu.vector_store %arg11[%swap3A_973, %swap3A_974, %swap3A_975], %swap3A_978 {strides = array<i32>} : memref<2x80x128xf32, #tpu.memory_space<vmem>>, vector<1x1x16xf32>,
    %broadcast_in_dim3A_979 = arith.constant 0.000000e+00 : f32
    %broadcast_in_dim3A_980 = vector.broadcast %broadcast_in_dim3A_979 : f32 to vector<16xf32>
    %swap3A_981 = arith.constant 0 : i32
    %swap3A_982 = arith.constant 12 : i32
    %swap3A_983 = arith.index_cast %swap3A_981 : i32 to index
    %swap3A_984 = arith.index_cast %swap3A_982 : i32 to index
    %swap3A_985 = arith.constant 32 : index
    %swap3A_986 = tpu.vector_load %arg11[%swap3A_983, %swap3A_984, %swap3A_985] {strides = array<i32>} : memref<2x80x128xf32, #tpu.memory_space<vmem>>, vector<1x1x16xf32>,
    %swap3A_987 = vector.shape_cast %swap3A_986 : vector<1x1x16xf32> to vector<16xf32>
    %swap3A_988 = vector.shape_cast %broadcast_in_dim3A_980 : vector<16xf32> to vector<1x1x16xf32>
    tpu.vector_store %arg11[%swap3A_983, %swap3A_984, %swap3A_985], %swap3A_988 {strides = array<i32>} : memref<2x80x128xf32, #tpu.memory_space<vmem>>, vector<1x1x16xf32>,
    %broadcast_in_dim3A_989 = arith.constant 0.000000e+00 : f32
    %broadcast_in_dim3A_990 = vector.broadcast %broadcast_in_dim3A_989 : f32 to vector<16xf32>
    %swap3A_991 = arith.constant 0 : i32
    %swap3A_992 = arith.constant 12 : i32
    %swap3A_993 = arith.index_cast %swap3A_991 : i32 to index
    %swap3A_994 = arith.index_cast %swap3A_992 : i32 to index
    %swap3A_995 = arith.constant 48 : index
    %swap3A_996 = tpu.vector_load %arg11[%swap3A_993, %swap3A_994, %swap3A_995] {strides = array<i32>} : memref<2x80x128xf32, #tpu.memory_space<vmem>>, vector<1x1x16xf32>,
    %swap3A_997 = vector.shape_cast %swap3A_996 : vector<1x1x16xf32> to vector<16xf32>
    %swap3A_998 = vector.shape_cast %broadcast_in_dim3A_990 : vector<16xf32> to vector<1x1x16xf32>
    tpu.vector_store %arg11[%swap3A_993, %swap3A_994, %swap3A_995], %swap3A_998 {strides = array<i32>} : memref<2x80x128xf32, #tpu.memory_space<vmem>>, vector<1x1x16xf32>,
    %broadcast_in_dim3A_999 = arith.constant 0.000000e+00 : f32
    %broadcast_in_dim3A_1000 = vector.broadcast %broadcast_in_dim3A_999 : f32 to vector<16xf32>
    %swap3A_1001 = arith.constant 0 : i32
    %swap3A_1002 = arith.constant 12 : i32
    %swap3A_1003 = arith.index_cast %swap3A_1001 : i32 to index
    %swap3A_1004 = arith.index_cast %swap3A_1002 : i32 to index
    %swap3A_1005 = arith.constant 64 : index
    %swap3A_1006 = tpu.vector_load %arg11[%swap3A_1003, %swap3A_1004, %swap3A_1005] {strides = array<i32>} : memref<2x80x128xf32, #tpu.memory_space<vmem>>, vector<1x1x16xf32>,
    %swap3A_1007 = vector.shape_cast %swap3A_1006 : vector<1x1x16xf32> to vector<16xf32>
    %swap3A_1008 = vector.shape_cast %broadcast_in_dim3A_1000 : vector<16xf32> to vector<1x1x16xf32>
    tpu.vector_store %arg11[%swap3A_1003, %swap3A_1004, %swap3A_1005], %swap3A_1008 {strides = array<i32>} : memref<2x80x128xf32, #tpu.memory_space<vmem>>, vector<1x1x16xf32>,
    %broadcast_in_dim3A_1009 = arith.constant 0.000000e+00 : f32
    %broadcast_in_dim3A_1010 = vector.broadcast %broadcast_in_dim3A_1009 : f32 to vector<16xf32>
    %swap3A_1011 = arith.constant 0 : i32
    %swap3A_1012 = arith.constant 12 : i32
    %swap3A_1013 = arith.index_cast %swap3A_1011 : i32 to index
    %swap3A_1014 = arith.index_cast %swap3A_1012 : i32 to index
    %swap3A_1015 = arith.constant 80 : index
    %swap3A_1016 = tpu.vector_load %arg11[%swap3A_1013, %swap3A_1014, %swap3A_1015] {strides = array<i32>} : memref<2x80x128xf32, #tpu.memory_space<vmem>>, vector<1x1x16xf32>,
    %swap3A_1017 = vector.shape_cast %swap3A_1016 : vector<1x1x16xf32> to vector<16xf32>
    %swap3A_1018 = vector.shape_cast %broadcast_in_dim3A_1010 : vector<16xf32> to vector<1x1x16xf32>
    tpu.vector_store %arg11[%swap3A_1013, %swap3A_1014, %swap3A_1015], %swap3A_1018 {strides = array<i32>} : memref<2x80x128xf32, #tpu.memory_space<vmem>>, vector<1x1x16xf32>,
    %broadcast_in_dim3A_1019 = arith.constant 0.000000e+00 : f32
    %broadcast_in_dim3A_1020 = vector.broadcast %broadcast_in_dim3A_1019 : f32 to vector<16xf32>
    %swap3A_1021 = arith.constant 0 : i32
    %swap3A_1022 = arith.constant 12 : i32
    %swap3A_1023 = arith.index_cast %swap3A_1021 : i32 to index
    %swap3A_1024 = arith.index_cast %swap3A_1022 : i32 to index
    %swap3A_1025 = arith.constant 96 : index
    %swap3A_1026 = tpu.vector_load %arg11[%swap3A_1023, %swap3A_1024, %swap3A_1025] {strides = array<i32>} : memref<2x80x128xf32, #tpu.memory_space<vmem>>, vector<1x1x16xf32>,
    %swap3A_1027 = vector.shape_cast %swap3A_1026 : vector<1x1x16xf32> to vector<16xf32>
    %swap3A_1028 = vector.shape_cast %broadcast_in_dim3A_1020 : vector<16xf32> to vector<1x1x16xf32>
    tpu.vector_store %arg11[%swap3A_1023, %swap3A_1024, %swap3A_1025], %swap3A_1028 {strides = array<i32>} : memref<2x80x128xf32, #tpu.memory_space<vmem>>, vector<1x1x16xf32>,
    %broadcast_in_dim3A_1029 = arith.constant 0.000000e+00 : f32
    %broadcast_in_dim3A_1030 = vector.broadcast %broadcast_in_dim3A_1029 : f32 to vector<16xf32>
    %swap3A_1031 = arith.constant 0 : i32
    %swap3A_1032 = arith.constant 12 : i32
    %swap3A_1033 = arith.index_cast %swap3A_1031 : i32 to index
    %swap3A_1034 = arith.index_cast %swap3A_1032 : i32 to index
    %swap3A_1035 = arith.constant 112 : index
    %swap3A_1036 = tpu.vector_load %arg11[%swap3A_1033, %swap3A_1034, %swap3A_1035] {strides = array<i32>} : memref<2x80x128xf32, #tpu.memory_space<vmem>>, vector<1x1x16xf32>,
    %swap3A_1037 = vector.shape_cast %swap3A_1036 : vector<1x1x16xf32> to vector<16xf32>
    %swap3A_1038 = vector.shape_cast %broadcast_in_dim3A_1030 : vector<16xf32> to vector<1x1x16xf32>
    tpu.vector_store %arg11[%swap3A_1033, %swap3A_1034, %swap3A_1035], %swap3A_1038 {strides = array<i32>} : memref<2x80x128xf32, #tpu.memory_space<vmem>>, vector<1x1x16xf32>,
    %broadcast_in_dim3A_1039 = arith.constant 0.000000e+00 : f32
    %broadcast_in_dim3A_1040 = vector.broadcast %broadcast_in_dim3A_1039 : f32 to vector<16xf32>
    %swap3A_1041 = arith.constant 0 : i32
    %swap3A_1042 = arith.constant 13 : i32
    %swap3A_1043 = arith.index_cast %swap3A_1041 : i32 to index
    %swap3A_1044 = arith.index_cast %swap3A_1042 : i32 to index
    %swap3A_1045 = arith.constant 0 : index
    %swap3A_1046 = tpu.vector_load %arg11[%swap3A_1043, %swap3A_1044, %swap3A_1045] {strides = array<i32>} : memref<2x80x128xf32, #tpu.memory_space<vmem>>, vector<1x1x16xf32>,
    %swap3A_1047 = vector.shape_cast %swap3A_1046 : vector<1x1x16xf32> to vector<16xf32>
    %swap3A_1048 = vector.shape_cast %broadcast_in_dim3A_1040 : vector<16xf32> to vector<1x1x16xf32>
    tpu.vector_store %arg11[%swap3A_1043, %swap3A_1044, %swap3A_1045], %swap3A_1048 {strides = array<i32>} : memref<2x80x128xf32, #tpu.memory_space<vmem>>, vector<1x1x16xf32>,
    %broadcast_in_dim3A_1049 = arith.constant 0.000000e+00 : f32
    %broadcast_in_dim3A_1050 = vector.broadcast %broadcast_in_dim3A_1049 : f32 to vector<16xf32>
    %swap3A_1051 = arith.constant 0 : i32
    %swap3A_1052 = arith.constant 13 : i32
    %swap3A_1053 = arith.index_cast %swap3A_1051 : i32 to index
    %swap3A_1054 = arith.index_cast %swap3A_1052 : i32 to index
    %swap3A_1055 = arith.constant 16 : index
    %swap3A_1056 = tpu.vector_load %arg11[%swap3A_1053, %swap3A_1054, %swap3A_1055] {strides = array<i32>} : memref<2x80x128xf32, #tpu.memory_space<vmem>>, vector<1x1x16xf32>,
    %swap3A_1057 = vector.shape_cast %swap3A_1056 : vector<1x1x16xf32> to vector<16xf32>
    %swap3A_1058 = vector.shape_cast %broadcast_in_dim3A_1050 : vector<16xf32> to vector<1x1x16xf32>
    tpu.vector_store %arg11[%swap3A_1053, %swap3A_1054, %swap3A_1055], %swap3A_1058 {strides = array<i32>} : memref<2x80x128xf32, #tpu.memory_space<vmem>>, vector<1x1x16xf32>,
    %broadcast_in_dim3A_1059 = arith.constant 0.000000e+00 : f32
    %broadcast_in_dim3A_1060 = vector.broadcast %broadcast_in_dim3A_1059 : f32 to vector<16xf32>
    %swap3A_1061 = arith.constant 0 : i32
    %swap3A_1062 = arith.constant 13 : i32
    %swap3A_1063 = arith.index_cast %swap3A_1061 : i32 to index
    %swap3A_1064 = arith.index_cast %swap3A_1062 : i32 to index
    %swap3A_1065 = arith.constant 32 : index
    %swap3A_1066 = tpu.vector_load %arg11[%swap3A_1063, %swap3A_1064, %swap3A_1065] {strides = array<i32>} : memref<2x80x128xf32, #tpu.memory_space<vmem>>, vector<1x1x16xf32>,
    %swap3A_1067 = vector.shape_cast %swap3A_1066 : vector<1x1x16xf32> to vector<16xf32>
    %swap3A_1068 = vector.shape_cast %broadcast_in_dim3A_1060 : vector<16xf32> to vector<1x1x16xf32>
    tpu.vector_store %arg11[%swap3A_1063, %swap3A_1064, %swap3A_1065], %swap3A_1068 {strides = array<i32>} : memref<2x80x128xf32, #tpu.memory_space<vmem>>, vector<1x1x16xf32>,
    %broadcast_in_dim3A_1069 = arith.constant 0.000000e+00 : f32
    %broadcast_in_dim3A_1070 = vector.broadcast %broadcast_in_dim3A_1069 : f32 to vector<16xf32>
    %swap3A_1071 = arith.constant 0 : i32
    %swap3A_1072 = arith.constant 13 : i32
    %swap3A_1073 = arith.index_cast %swap3A_1071 : i32 to index
    %swap3A_1074 = arith.index_cast %swap3A_1072 : i32 to index
    %swap3A_1075 = arith.constant 48 : index
    %swap3A_1076 = tpu.vector_load %arg11[%swap3A_1073, %swap3A_1074, %swap3A_1075] {strides = array<i32>} : memref<2x80x128xf32, #tpu.memory_space<vmem>>, vector<1x1x16xf32>,
    %swap3A_1077 = vector.shape_cast %swap3A_1076 : vector<1x1x16xf32> to vector<16xf32>
    %swap3A_1078 = vector.shape_cast %broadcast_in_dim3A_1070 : vector<16xf32> to vector<1x1x16xf32>
    tpu.vector_store %arg11[%swap3A_1073, %swap3A_1074, %swap3A_1075], %swap3A_1078 {strides = array<i32>} : memref<2x80x128xf32, #tpu.memory_space<vmem>>, vector<1x1x16xf32>,
    %broadcast_in_dim3A_1079 = arith.constant 0.000000e+00 : f32
    %broadcast_in_dim3A_1080 = vector.broadcast %broadcast_in_dim3A_1079 : f32 to vector<16xf32>
    %swap3A_1081 = arith.constant 0 : i32
    %swap3A_1082 = arith.constant 13 : i32
    %swap3A_1083 = arith.index_cast %swap3A_1081 : i32 to index
    %swap3A_1084 = arith.index_cast %swap3A_1082 : i32 to index
    %swap3A_1085 = arith.constant 64 : index
    %swap3A_1086 = tpu.vector_load %arg11[%swap3A_1083, %swap3A_1084, %swap3A_1085] {strides = array<i32>} : memref<2x80x128xf32, #tpu.memory_space<vmem>>, vector<1x1x16xf32>,
    %swap3A_1087 = vector.shape_cast %swap3A_1086 : vector<1x1x16xf32> to vector<16xf32>
    %swap3A_1088 = vector.shape_cast %broadcast_in_dim3A_1080 : vector<16xf32> to vector<1x1x16xf32>
    tpu.vector_store %arg11[%swap3A_1083, %swap3A_1084, %swap3A_1085], %swap3A_1088 {strides = array<i32>} : memref<2x80x128xf32, #tpu.memory_space<vmem>>, vector<1x1x16xf32>,
    %broadcast_in_dim3A_1089 = arith.constant 0.000000e+00 : f32
    %broadcast_in_dim3A_1090 = vector.broadcast %broadcast_in_dim3A_1089 : f32 to vector<16xf32>
    %swap3A_1091 = arith.constant 0 : i32
    %swap3A_1092 = arith.constant 13 : i32
    %swap3A_1093 = arith.index_cast %swap3A_1091 : i32 to index
    %swap3A_1094 = arith.index_cast %swap3A_1092 : i32 to index
    %swap3A_1095 = arith.constant 80 : index
    %swap3A_1096 = tpu.vector_load %arg11[%swap3A_1093, %swap3A_1094, %swap3A_1095] {strides = array<i32>} : memref<2x80x128xf32, #tpu.memory_space<vmem>>, vector<1x1x16xf32>,
    %swap3A_1097 = vector.shape_cast %swap3A_1096 : vector<1x1x16xf32> to vector<16xf32>
    %swap3A_1098 = vector.shape_cast %broadcast_in_dim3A_1090 : vector<16xf32> to vector<1x1x16xf32>
    tpu.vector_store %arg11[%swap3A_1093, %swap3A_1094, %swap3A_1095], %swap3A_1098 {strides = array<i32>} : memref<2x80x128xf32, #tpu.memory_space<vmem>>, vector<1x1x16xf32>,
    %broadcast_in_dim3A_1099 = arith.constant 0.000000e+00 : f32
    %broadcast_in_dim3A_1100 = vector.broadcast %broadcast_in_dim3A_1099 : f32 to vector<16xf32>
    %swap3A_1101 = arith.constant 0 : i32
    %swap3A_1102 = arith.constant 13 : i32
    %swap3A_1103 = arith.index_cast %swap3A_1101 : i32 to index
    %swap3A_1104 = arith.index_cast %swap3A_1102 : i32 to index
    %swap3A_1105 = arith.constant 96 : index
    %swap3A_1106 = tpu.vector_load %arg11[%swap3A_1103, %swap3A_1104, %swap3A_1105] {strides = array<i32>} : memref<2x80x128xf32, #tpu.memory_space<vmem>>, vector<1x1x16xf32>,
    %swap3A_1107 = vector.shape_cast %swap3A_1106 : vector<1x1x16xf32> to vector<16xf32>
    %swap3A_1108 = vector.shape_cast %broadcast_in_dim3A_1100 : vector<16xf32> to vector<1x1x16xf32>
    tpu.vector_store %arg11[%swap3A_1103, %swap3A_1104, %swap3A_1105], %swap3A_1108 {strides = array<i32>} : memref<2x80x128xf32, #tpu.memory_space<vmem>>, vector<1x1x16xf32>,
    %broadcast_in_dim3A_1109 = arith.constant 0.000000e+00 : f32
    %broadcast_in_dim3A_1110 = vector.broadcast %broadcast_in_dim3A_1109 : f32 to vector<16xf32>
    %swap3A_1111 = arith.constant 0 : i32
    %swap3A_1112 = arith.constant 13 : i32
    %swap3A_1113 = arith.index_cast %swap3A_1111 : i32 to index
    %swap3A_1114 = arith.index_cast %swap3A_1112 : i32 to index
    %swap3A_1115 = arith.constant 112 : index
    %swap3A_1116 = tpu.vector_load %arg11[%swap3A_1113, %swap3A_1114, %swap3A_1115] {strides = array<i32>} : memref<2x80x128xf32, #tpu.memory_space<vmem>>, vector<1x1x16xf32>,
    %swap3A_1117 = vector.shape_cast %swap3A_1116 : vector<1x1x16xf32> to vector<16xf32>
    %swap3A_1118 = vector.shape_cast %broadcast_in_dim3A_1110 : vector<16xf32> to vector<1x1x16xf32>
    tpu.vector_store %arg11[%swap3A_1113, %swap3A_1114, %swap3A_1115], %swap3A_1118 {strides = array<i32>} : memref<2x80x128xf32, #tpu.memory_space<vmem>>, vector<1x1x16xf32>,
    %broadcast_in_dim3A_1119 = arith.constant 0.000000e+00 : f32
    %broadcast_in_dim3A_1120 = vector.broadcast %broadcast_in_dim3A_1119 : f32 to vector<16xf32>
    %swap3A_1121 = arith.constant 0 : i32
    %swap3A_1122 = arith.constant 14 : i32
    %swap3A_1123 = arith.index_cast %swap3A_1121 : i32 to index
    %swap3A_1124 = arith.index_cast %swap3A_1122 : i32 to index
    %swap3A_1125 = arith.constant 0 : index
    %swap3A_1126 = tpu.vector_load %arg11[%swap3A_1123, %swap3A_1124, %swap3A_1125] {strides = array<i32>} : memref<2x80x128xf32, #tpu.memory_space<vmem>>, vector<1x1x16xf32>,
    %swap3A_1127 = vector.shape_cast %swap3A_1126 : vector<1x1x16xf32> to vector<16xf32>
    %swap3A_1128 = vector.shape_cast %broadcast_in_dim3A_1120 : vector<16xf32> to vector<1x1x16xf32>
    tpu.vector_store %arg11[%swap3A_1123, %swap3A_1124, %swap3A_1125], %swap3A_1128 {strides = array<i32>} : memref<2x80x128xf32, #tpu.memory_space<vmem>>, vector<1x1x16xf32>,
    %broadcast_in_dim3A_1129 = arith.constant 0.000000e+00 : f32
    %broadcast_in_dim3A_1130 = vector.broadcast %broadcast_in_dim3A_1129 : f32 to vector<16xf32>
    %swap3A_1131 = arith.constant 0 : i32
    %swap3A_1132 = arith.constant 14 : i32
    %swap3A_1133 = arith.index_cast %swap3A_1131 : i32 to index
    %swap3A_1134 = arith.index_cast %swap3A_1132 : i32 to index
    %swap3A_1135 = arith.constant 16 : index
    %swap3A_1136 = tpu.vector_load %arg11[%swap3A_1133, %swap3A_1134, %swap3A_1135] {strides = array<i32>} : memref<2x80x128xf32, #tpu.memory_space<vmem>>, vector<1x1x16xf32>,
    %swap3A_1137 = vector.shape_cast %swap3A_1136 : vector<1x1x16xf32> to vector<16xf32>
    %swap3A_1138 = vector.shape_cast %broadcast_in_dim3A_1130 : vector<16xf32> to vector<1x1x16xf32>
    tpu.vector_store %arg11[%swap3A_1133, %swap3A_1134, %swap3A_1135], %swap3A_1138 {strides = array<i32>} : memref<2x80x128xf32, #tpu.memory_space<vmem>>, vector<1x1x16xf32>,
    %broadcast_in_dim3A_1139 = arith.constant 0.000000e+00 : f32
    %broadcast_in_dim3A_1140 = vector.broadcast %broadcast_in_dim3A_1139 : f32 to vector<16xf32>
    %swap3A_1141 = arith.constant 0 : i32
    %swap3A_1142 = arith.constant 14 : i32
    %swap3A_1143 = arith.index_cast %swap3A_1141 : i32 to index
    %swap3A_1144 = arith.index_cast %swap3A_1142 : i32 to index
    %swap3A_1145 = arith.constant 32 : index
    %swap3A_1146 = tpu.vector_load %arg11[%swap3A_1143, %swap3A_1144, %swap3A_1145] {strides = array<i32>} : memref<2x80x128xf32, #tpu.memory_space<vmem>>, vector<1x1x16xf32>,
    %swap3A_1147 = vector.shape_cast %swap3A_1146 : vector<1x1x16xf32> to vector<16xf32>
    %swap3A_1148 = vector.shape_cast %broadcast_in_dim3A_1140 : vector<16xf32> to vector<1x1x16xf32>
    tpu.vector_store %arg11[%swap3A_1143, %swap3A_1144, %swap3A_1145], %swap3A_1148 {strides = array<i32>} : memref<2x80x128xf32, #tpu.memory_space<vmem>>, vector<1x1x16xf32>,
    %broadcast_in_dim3A_1149 = arith.constant 0.000000e+00 : f32
    %broadcast_in_dim3A_1150 = vector.broadcast %broadcast_in_dim3A_1149 : f32 to vector<16xf32>
    %swap3A_1151 = arith.constant 0 : i32
    %swap3A_1152 = arith.constant 14 : i32
    %swap3A_1153 = arith.index_cast %swap3A_1151 : i32 to index
    %swap3A_1154 = arith.index_cast %swap3A_1152 : i32 to index
    %swap3A_1155 = arith.constant 48 : index
    %swap3A_1156 = tpu.vector_load %arg11[%swap3A_1153, %swap3A_1154, %swap3A_1155] {strides = array<i32>} : memref<2x80x128xf32, #tpu.memory_space<vmem>>, vector<1x1x16xf32>,
    %swap3A_1157 = vector.shape_cast %swap3A_1156 : vector<1x1x16xf32> to vector<16xf32>
    %swap3A_1158 = vector.shape_cast %broadcast_in_dim3A_1150 : vector<16xf32> to vector<1x1x16xf32>
    tpu.vector_store %arg11[%swap3A_1153, %swap3A_1154, %swap3A_1155], %swap3A_1158 {strides = array<i32>} : memref<2x80x128xf32, #tpu.memory_space<vmem>>, vector<1x1x16xf32>,
    %broadcast_in_dim3A_1159 = arith.constant 0.000000e+00 : f32
    %broadcast_in_dim3A_1160 = vector.broadcast %broadcast_in_dim3A_1159 : f32 to vector<16xf32>
    %swap3A_1161 = arith.constant 0 : i32
    %swap3A_1162 = arith.constant 14 : i32
    %swap3A_1163 = arith.index_cast %swap3A_1161 : i32 to index
    %swap3A_1164 = arith.index_cast %swap3A_1162 : i32 to index
    %swap3A_1165 = arith.constant 64 : index
    %swap3A_1166 = tpu.vector_load %arg11[%swap3A_1163, %swap3A_1164, %swap3A_1165] {strides = array<i32>} : memref<2x80x128xf32, #tpu.memory_space<vmem>>, vector<1x1x16xf32>,
    %swap3A_1167 = vector.shape_cast %swap3A_1166 : vector<1x1x16xf32> to vector<16xf32>
    %swap3A_1168 = vector.shape_cast %broadcast_in_dim3A_1160 : vector<16xf32> to vector<1x1x16xf32>
    tpu.vector_store %arg11[%swap3A_1163, %swap3A_1164, %swap3A_1165], %swap3A_1168 {strides = array<i32>} : memref<2x80x128xf32, #tpu.memory_space<vmem>>, vector<1x1x16xf32>,
    %broadcast_in_dim3A_1169 = arith.constant 0.000000e+00 : f32
    %broadcast_in_dim3A_1170 = vector.broadcast %broadcast_in_dim3A_1169 : f32 to vector<16xf32>
    %swap3A_1171 = arith.constant 0 : i32
    %swap3A_1172 = arith.constant 14 : i32
    %swap3A_1173 = arith.index_cast %swap3A_1171 : i32 to index
    %swap3A_1174 = arith.index_cast %swap3A_1172 : i32 to index
    %swap3A_1175 = arith.constant 80 : index
    %swap3A_1176 = tpu.vector_load %arg11[%swap3A_1173, %swap3A_1174, %swap3A_1175] {strides = array<i32>} : memref<2x80x128xf32, #tpu.memory_space<vmem>>, vector<1x1x16xf32>,
    %swap3A_1177 = vector.shape_cast %swap3A_1176 : vector<1x1x16xf32> to vector<16xf32>
    %swap3A_1178 = vector.shape_cast %broadcast_in_dim3A_1170 : vector<16xf32> to vector<1x1x16xf32>
    tpu.vector_store %arg11[%swap3A_1173, %swap3A_1174, %swap3A_1175], %swap3A_1178 {strides = array<i32>} : memref<2x80x128xf32, #tpu.memory_space<vmem>>, vector<1x1x16xf32>,
    %broadcast_in_dim3A_1179 = arith.constant 0.000000e+00 : f32
    %broadcast_in_dim3A_1180 = vector.broadcast %broadcast_in_dim3A_1179 : f32 to vector<16xf32>
    %swap3A_1181 = arith.constant 0 : i32
    %swap3A_1182 = arith.constant 14 : i32
    %swap3A_1183 = arith.index_cast %swap3A_1181 : i32 to index
    %swap3A_1184 = arith.index_cast %swap3A_1182 : i32 to index
    %swap3A_1185 = arith.constant 96 : index
    %swap3A_1186 = tpu.vector_load %arg11[%swap3A_1183, %swap3A_1184, %swap3A_1185] {strides = array<i32>} : memref<2x80x128xf32, #tpu.memory_space<vmem>>, vector<1x1x16xf32>,
    %swap3A_1187 = vector.shape_cast %swap3A_1186 : vector<1x1x16xf32> to vector<16xf32>
    %swap3A_1188 = vector.shape_cast %broadcast_in_dim3A_1180 : vector<16xf32> to vector<1x1x16xf32>
    tpu.vector_store %arg11[%swap3A_1183, %swap3A_1184, %swap3A_1185], %swap3A_1188 {strides = array<i32>} : memref<2x80x128xf32, #tpu.memory_space<vmem>>, vector<1x1x16xf32>,
    %broadcast_in_dim3A_1189 = arith.constant 0.000000e+00 : f32
    %broadcast_in_dim3A_1190 = vector.broadcast %broadcast_in_dim3A_1189 : f32 to vector<16xf32>
    %swap3A_1191 = arith.constant 0 : i32
    %swap3A_1192 = arith.constant 14 : i32
    %swap3A_1193 = arith.index_cast %swap3A_1191 : i32 to index
    %swap3A_1194 = arith.index_cast %swap3A_1192 : i32 to index
    %swap3A_1195 = arith.constant 112 : index
    %swap3A_1196 = tpu.vector_load %arg11[%swap3A_1193, %swap3A_1194, %swap3A_1195] {strides = array<i32>} : memref<2x80x128xf32, #tpu.memory_space<vmem>>, vector<1x1x16xf32>,
    %swap3A_1197 = vector.shape_cast %swap3A_1196 : vector<1x1x16xf32> to vector<16xf32>
    %swap3A_1198 = vector.shape_cast %broadcast_in_dim3A_1190 : vector<16xf32> to vector<1x1x16xf32>
    tpu.vector_store %arg11[%swap3A_1193, %swap3A_1194, %swap3A_1195], %swap3A_1198 {strides = array<i32>} : memref<2x80x128xf32, #tpu.memory_space<vmem>>, vector<1x1x16xf32>,
    %broadcast_in_dim3A_1199 = arith.constant 0.000000e+00 : f32
    %broadcast_in_dim3A_1200 = vector.broadcast %broadcast_in_dim3A_1199 : f32 to vector<16xf32>
    %swap3A_1201 = arith.constant 0 : i32
    %swap3A_1202 = arith.constant 15 : i32
    %swap3A_1203 = arith.index_cast %swap3A_1201 : i32 to index
    %swap3A_1204 = arith.index_cast %swap3A_1202 : i32 to index
    %swap3A_1205 = arith.constant 0 : index
    %swap3A_1206 = tpu.vector_load %arg11[%swap3A_1203, %swap3A_1204, %swap3A_1205] {strides = array<i32>} : memref<2x80x128xf32, #tpu.memory_space<vmem>>, vector<1x1x16xf32>,
    %swap3A_1207 = vector.shape_cast %swap3A_1206 : vector<1x1x16xf32> to vector<16xf32>
    %swap3A_1208 = vector.shape_cast %broadcast_in_dim3A_1200 : vector<16xf32> to vector<1x1x16xf32>
    tpu.vector_store %arg11[%swap3A_1203, %swap3A_1204, %swap3A_1205], %swap3A_1208 {strides = array<i32>} : memref<2x80x128xf32, #tpu.memory_space<vmem>>, vector<1x1x16xf32>,
    %broadcast_in_dim3A_1209 = arith.constant 0.000000e+00 : f32
    %broadcast_in_dim3A_1210 = vector.broadcast %broadcast_in_dim3A_1209 : f32 to vector<16xf32>
    %swap3A_1211 = arith.constant 0 : i32
    %swap3A_1212 = arith.constant 15 : i32
    %swap3A_1213 = arith.index_cast %swap3A_1211 : i32 to index
    %swap3A_1214 = arith.index_cast %swap3A_1212 : i32 to index
    %swap3A_1215 = arith.constant 16 : index
    %swap3A_1216 = tpu.vector_load %arg11[%swap3A_1213, %swap3A_1214, %swap3A_1215] {strides = array<i32>} : memref<2x80x128xf32, #tpu.memory_space<vmem>>, vector<1x1x16xf32>,
    %swap3A_1217 = vector.shape_cast %swap3A_1216 : vector<1x1x16xf32> to vector<16xf32>
    %swap3A_1218 = vector.shape_cast %broadcast_in_dim3A_1210 : vector<16xf32> to vector<1x1x16xf32>
    tpu.vector_store %arg11[%swap3A_1213, %swap3A_1214, %swap3A_1215], %swap3A_1218 {strides = array<i32>} : memref<2x80x128xf32, #tpu.memory_space<vmem>>, vector<1x1x16xf32>,
    %broadcast_in_dim3A_1219 = arith.constant 0.000000e+00 : f32
    %broadcast_in_dim3A_1220 = vector.broadcast %broadcast_in_dim3A_1219 : f32 to vector<16xf32>
    %swap3A_1221 = arith.constant 0 : i32
    %swap3A_1222 = arith.constant 15 : i32
    %swap3A_1223 = arith.index_cast %swap3A_1221 : i32 to index
    %swap3A_1224 = arith.index_cast %swap3A_1222 : i32 to index
    %swap3A_1225 = arith.constant 32 : index
    %swap3A_1226 = tpu.vector_load %arg11[%swap3A_1223, %swap3A_1224, %swap3A_1225] {strides = array<i32>} : memref<2x80x128xf32, #tpu.memory_space<vmem>>, vector<1x1x16xf32>,
    %swap3A_1227 = vector.shape_cast %swap3A_1226 : vector<1x1x16xf32> to vector<16xf32>
    %swap3A_1228 = vector.shape_cast %broadcast_in_dim3A_1220 : vector<16xf32> to vector<1x1x16xf32>
    tpu.vector_store %arg11[%swap3A_1223, %swap3A_1224, %swap3A_1225], %swap3A_1228 {strides = array<i32>} : memref<2x80x128xf32, #tpu.memory_space<vmem>>, vector<1x1x16xf32>,
    %broadcast_in_dim3A_1229 = arith.constant 0.000000e+00 : f32
    %broadcast_in_dim3A_1230 = vector.broadcast %broadcast_in_dim3A_1229 : f32 to vector<16xf32>
    %swap3A_1231 = arith.constant 0 : i32
    %swap3A_1232 = arith.constant 15 : i32
    %swap3A_1233 = arith.index_cast %swap3A_1231 : i32 to index
    %swap3A_1234 = arith.index_cast %swap3A_1232 : i32 to index
    %swap3A_1235 = arith.constant 48 : index
    %swap3A_1236 = tpu.vector_load %arg11[%swap3A_1233, %swap3A_1234, %swap3A_1235] {strides = array<i32>} : memref<2x80x128xf32, #tpu.memory_space<vmem>>, vector<1x1x16xf32>,
    %swap3A_1237 = vector.shape_cast %swap3A_1236 : vector<1x1x16xf32> to vector<16xf32>
    %swap3A_1238 = vector.shape_cast %broadcast_in_dim3A_1230 : vector<16xf32> to vector<1x1x16xf32>
    tpu.vector_store %arg11[%swap3A_1233, %swap3A_1234, %swap3A_1235], %swap3A_1238 {strides = array<i32>} : memref<2x80x128xf32, #tpu.memory_space<vmem>>, vector<1x1x16xf32>,
    %broadcast_in_dim3A_1239 = arith.constant 0.000000e+00 : f32
    %broadcast_in_dim3A_1240 = vector.broadcast %broadcast_in_dim3A_1239 : f32 to vector<16xf32>
    %swap3A_1241 = arith.constant 0 : i32
    %swap3A_1242 = arith.constant 15 : i32
    %swap3A_1243 = arith.index_cast %swap3A_1241 : i32 to index
    %swap3A_1244 = arith.index_cast %swap3A_1242 : i32 to index
    %swap3A_1245 = arith.constant 64 : index
    %swap3A_1246 = tpu.vector_load %arg11[%swap3A_1243, %swap3A_1244, %swap3A_1245] {strides = array<i32>} : memref<2x80x128xf32, #tpu.memory_space<vmem>>, vector<1x1x16xf32>,
    %swap3A_1247 = vector.shape_cast %swap3A_1246 : vector<1x1x16xf32> to vector<16xf32>
    %swap3A_1248 = vector.shape_cast %broadcast_in_dim3A_1240 : vector<16xf32> to vector<1x1x16xf32>
    tpu.vector_store %arg11[%swap3A_1243, %swap3A_1244, %swap3A_1245], %swap3A_1248 {strides = array<i32>} : memref<2x80x128xf32, #tpu.memory_space<vmem>>, vector<1x1x16xf32>,
    %broadcast_in_dim3A_1249 = arith.constant 0.000000e+00 : f32
    %broadcast_in_dim3A_1250 = vector.broadcast %broadcast_in_dim3A_1249 : f32 to vector<16xf32>
    %swap3A_1251 = arith.constant 0 : i32
    %swap3A_1252 = arith.constant 15 : i32
    %swap3A_1253 = arith.index_cast %swap3A_1251 : i32 to index
    %swap3A_1254 = arith.index_cast %swap3A_1252 : i32 to index
    %swap3A_1255 = arith.constant 80 : index
    %swap3A_1256 = tpu.vector_load %arg11[%swap3A_1253, %swap3A_1254, %swap3A_1255] {strides = array<i32>} : memref<2x80x128xf32, #tpu.memory_space<vmem>>, vector<1x1x16xf32>,
    %swap3A_1257 = vector.shape_cast %swap3A_1256 : vector<1x1x16xf32> to vector<16xf32>
    %swap3A_1258 = vector.shape_cast %broadcast_in_dim3A_1250 : vector<16xf32> to vector<1x1x16xf32>
    tpu.vector_store %arg11[%swap3A_1253, %swap3A_1254, %swap3A_1255], %swap3A_1258 {strides = array<i32>} : memref<2x80x128xf32, #tpu.memory_space<vmem>>, vector<1x1x16xf32>,
    %broadcast_in_dim3A_1259 = arith.constant 0.000000e+00 : f32
    %broadcast_in_dim3A_1260 = vector.broadcast %broadcast_in_dim3A_1259 : f32 to vector<16xf32>
    %swap3A_1261 = arith.constant 0 : i32
    %swap3A_1262 = arith.constant 15 : i32
    %swap3A_1263 = arith.index_cast %swap3A_1261 : i32 to index
    %swap3A_1264 = arith.index_cast %swap3A_1262 : i32 to index
    %swap3A_1265 = arith.constant 96 : index
    %swap3A_1266 = tpu.vector_load %arg11[%swap3A_1263, %swap3A_1264, %swap3A_1265] {strides = array<i32>} : memref<2x80x128xf32, #tpu.memory_space<vmem>>, vector<1x1x16xf32>,
    %swap3A_1267 = vector.shape_cast %swap3A_1266 : vector<1x1x16xf32> to vector<16xf32>
    %swap3A_1268 = vector.shape_cast %broadcast_in_dim3A_1260 : vector<16xf32> to vector<1x1x16xf32>
    tpu.vector_store %arg11[%swap3A_1263, %swap3A_1264, %swap3A_1265], %swap3A_1268 {strides = array<i32>} : memref<2x80x128xf32, #tpu.memory_space<vmem>>, vector<1x1x16xf32>,
    %broadcast_in_dim3A_1269 = arith.constant 0.000000e+00 : f32
    %broadcast_in_dim3A_1270 = vector.broadcast %broadcast_in_dim3A_1269 : f32 to vector<16xf32>
    %swap3A_1271 = arith.constant 0 : i32
    %swap3A_1272 = arith.constant 15 : i32
    %swap3A_1273 = arith.index_cast %swap3A_1271 : i32 to index
    %swap3A_1274 = arith.index_cast %swap3A_1272 : i32 to index
    %swap3A_1275 = arith.constant 112 : index
    %swap3A_1276 = tpu.vector_load %arg11[%swap3A_1273, %swap3A_1274, %swap3A_1275] {strides = array<i32>} : memref<2x80x128xf32, #tpu.memory_space<vmem>>, vector<1x1x16xf32>,
    %swap3A_1277 = vector.shape_cast %swap3A_1276 : vector<1x1x16xf32> to vector<16xf32>
    %swap3A_1278 = vector.shape_cast %broadcast_in_dim3A_1270 : vector<16xf32> to vector<1x1x16xf32>
    tpu.vector_store %arg11[%swap3A_1273, %swap3A_1274, %swap3A_1275], %swap3A_1278 {strides = array<i32>} : memref<2x80x128xf32, #tpu.memory_space<vmem>>, vector<1x1x16xf32>,
    %mul3A_1279 = arith.constant 624 : i32
    %mul3A_1280 = arith.muli %arg1, %mul3A_1279 : i32
    %scan3A = arith.constant 0 : i32
    %scan3A_1281 = arith.constant 39 : i32
    %scan3A_1282 = arith.addi %scan3A, %scan3A_1281 : i32
    %scan3A_1283 = arith.constant 1 : i32
    scf.for %scan3A_1451 = %scan3A to %scan3A_1282 step %scan3A_1283  : i32 {
      %mul3A_1452 = arith.constant 1 : i32
      %mul3A_1453 = arith.muli %scan3A_1451, %mul3A_1452 : i32
      %add3A_1454 = arith.constant 0 : i32
      %add3A_1455 = arith.addi %add3A_1454, %mul3A_1453 : i32
      %mul3A_1456 = arith.constant 16 : i32
      %mul3A_1457 = arith.muli %add3A_1455, %mul3A_1456 : i32
      %add3A_1458 = arith.addi %mul3A_1280, %mul3A_1457 : i32
      %run_scoped3A = arith.constant 0 : i32
      "tpu.region"() ({
        %run_scoped3A_1459 = tpu.sem_alloc : memref<!tpu.dma_semaphore, #tpu.memory_space<semaphore_mem>>
        %dma_start3A_1460 = arith.constant 0 : i32
        %dma_start3A_1461 = arith.constant 0 : i32
        %dma_start3A_1462 = tpu.memref_slice %arg11[%run_scoped3A, %dma_start3A_1460, %dma_start3A_1461] : memref<2x80x128xf32, #tpu.memory_space<vmem>> -> memref<1x16x128xf32, #tpu.memory_space<vmem>>
        %dma_start3A_1463 = tpu.memref_squeeze %dma_start3A_1462 : memref<1x16x128xf32, #tpu.memory_space<vmem>> -> memref<16x128xf32, #tpu.memory_space<vmem>>
        %dma_start3A_1464 = arith.constant 0 : i32
        %dma_start3A_1465 = tpu.memref_slice %arg12[%add3A_1458, %dma_start3A_1464] : memref<10000x128xf32, #tpu.memory_space<vmem_shared>> -> memref<16x128xf32, #tpu.memory_space<vmem_shared>>
        %dma_start3A_1466 = arith.constant 0 : i32
        %dma_start3A_1467 = tpu.memref_slice %arg12[%add3A_1458, %dma_start3A_1466] : memref<10000x128xf32, #tpu.memory_space<vmem_shared>> -> memref<16x128xf32, #tpu.memory_space<vmem_shared>>
        %dma_start3A_1468 = arith.constant 0 : i32
        %dma_start3A_1469 = arith.constant 0 : i32
        %dma_start3A_1470 = tpu.memref_slice %arg11[%run_scoped3A, %dma_start3A_1468, %dma_start3A_1469] : memref<2x80x128xf32, #tpu.memory_space<vmem>> -> memref<1x16x128xf32, #tpu.memory_space<vmem>>
        %dma_start3A_1471 = tpu.memref_squeeze %dma_start3A_1470 : memref<1x16x128xf32, #tpu.memory_space<vmem>> -> memref<16x128xf32, #tpu.memory_space<vmem>>
        tpu.enqueue_dma source(%dma_start3A_1471 : memref<16x128xf32, #tpu.memory_space<vmem>>) target(%dma_start3A_1467 : memref<16x128xf32, #tpu.memory_space<vmem_shared>>) target_semaphore(%run_scoped3A_1459 : memref<!tpu.dma_semaphore, #tpu.memory_space<semaphore_mem>>)
        %dma_wait3A_1472 = arith.constant 0 : i32
        %dma_wait3A_1473 = arith.constant 0 : i32
        %dma_wait3A_1474 = tpu.memref_slice %arg11[%run_scoped3A, %dma_wait3A_1472, %dma_wait3A_1473] : memref<2x80x128xf32, #tpu.memory_space<vmem>> -> memref<1x16x128xf32, #tpu.memory_space<vmem>>
        %dma_wait3A_1475 = tpu.memref_squeeze %dma_wait3A_1474 : memref<1x16x128xf32, #tpu.memory_space<vmem>> -> memref<16x128xf32, #tpu.memory_space<vmem>>
        %dma_wait3A_1476 = arith.constant 0 : i32
        %dma_wait3A_1477 = tpu.memref_slice %arg12[%add3A_1458, %dma_wait3A_1476] : memref<10000x128xf32, #tpu.memory_space<vmem_shared>> -> memref<16x128xf32, #tpu.memory_space<vmem_shared>>
        %dma_wait3A_1478 = arith.constant 0 : i32
        %dma_wait3A_1479 = tpu.memref_slice %arg12[%add3A_1458, %dma_wait3A_1478] : memref<10000x128xf32, #tpu.memory_space<vmem_shared>> -> memref<16x128xf32, #tpu.memory_space<vmem_shared>>
        %dma_wait3A_1480 = arith.constant 0 : i32
        %dma_wait3A_1481 = arith.constant 0 : i32
        %dma_wait3A_1482 = tpu.memref_slice %arg11[%run_scoped3A, %dma_wait3A_1480, %dma_wait3A_1481] : memref<2x80x128xf32, #tpu.memory_space<vmem>> -> memref<1x16x128xf32, #tpu.memory_space<vmem>>
        %dma_wait3A_1483 = tpu.memref_squeeze %dma_wait3A_1482 : memref<1x16x128xf32, #tpu.memory_space<vmem>> -> memref<16x128xf32, #tpu.memory_space<vmem>>
        tpu.wait_dma2 semaphore(%run_scoped3A_1459 : memref<!tpu.dma_semaphore, #tpu.memory_space<semaphore_mem>>) src(%dma_wait3A_1483 : memref<16x128xf32, #tpu.memory_space<vmem>>) dst(%dma_wait3A_1479 : memref<16x128xf32, #tpu.memory_space<vmem_shared>>)
        tpu.yield
      }) : () -> ()
    }
    %scan3A_1284 = arith.constant 39 : i32
    %eq3A = arith.constant 15 : i32
    %eq3A_1285 = arith.cmpi eq, %arg1, %eq3A : i32
    %convert_element_type3A = arith.extui %eq3A_1285 : i1 to i32
    %cond3A = arith.constant 0 : i32
    %cond3A_1286 = arith.cmpi ne, %convert_element_type3A, %cond3A : i32
    scf.if %cond3A_1286 {
      %run_scoped3A = arith.constant 0 : i32
      "tpu.region"() ({
        %run_scoped3A_1451 = tpu.sem_alloc : memref<!tpu.dma_semaphore, #tpu.memory_space<semaphore_mem>>
        %dma_start3A_1452 = arith.constant 0 : i32
        %dma_start3A_1453 = arith.constant 0 : i32
        %dma_start3A_1454 = tpu.memref_slice %arg11[%run_scoped3A, %dma_start3A_1452, %dma_start3A_1453] : memref<2x80x128xf32, #tpu.memory_space<vmem>> -> memref<1x16x128xf32, #tpu.memory_space<vmem>>
        %dma_start3A_1455 = tpu.memref_squeeze %dma_start3A_1454 : memref<1x16x128xf32, #tpu.memory_space<vmem>> -> memref<16x128xf32, #tpu.memory_space<vmem>>
        %dma_start3A_1456 = arith.constant 9984 : i32
        %dma_start3A_1457 = arith.constant 0 : i32
        %dma_start3A_1458 = tpu.memref_slice %arg12[%dma_start3A_1456, %dma_start3A_1457] : memref<10000x128xf32, #tpu.memory_space<vmem_shared>> -> memref<16x128xf32, #tpu.memory_space<vmem_shared>>
        %dma_start3A_1459 = arith.constant 9984 : i32
        %dma_start3A_1460 = arith.constant 0 : i32
        %dma_start3A_1461 = tpu.memref_slice %arg12[%dma_start3A_1459, %dma_start3A_1460] : memref<10000x128xf32, #tpu.memory_space<vmem_shared>> -> memref<16x128xf32, #tpu.memory_space<vmem_shared>>
        %dma_start3A_1462 = arith.constant 0 : i32
        %dma_start3A_1463 = arith.constant 0 : i32
        %dma_start3A_1464 = tpu.memref_slice %arg11[%run_scoped3A, %dma_start3A_1462, %dma_start3A_1463] : memref<2x80x128xf32, #tpu.memory_space<vmem>> -> memref<1x16x128xf32, #tpu.memory_space<vmem>>
        %dma_start3A_1465 = tpu.memref_squeeze %dma_start3A_1464 : memref<1x16x128xf32, #tpu.memory_space<vmem>> -> memref<16x128xf32, #tpu.memory_space<vmem>>
        tpu.enqueue_dma source(%dma_start3A_1465 : memref<16x128xf32, #tpu.memory_space<vmem>>) target(%dma_start3A_1461 : memref<16x128xf32, #tpu.memory_space<vmem_shared>>) target_semaphore(%run_scoped3A_1451 : memref<!tpu.dma_semaphore, #tpu.memory_space<semaphore_mem>>)
        %dma_wait3A_1466 = arith.constant 0 : i32
        %dma_wait3A_1467 = arith.constant 0 : i32
        %dma_wait3A_1468 = tpu.memref_slice %arg11[%run_scoped3A, %dma_wait3A_1466, %dma_wait3A_1467] : memref<2x80x128xf32, #tpu.memory_space<vmem>> -> memref<1x16x128xf32, #tpu.memory_space<vmem>>
        %dma_wait3A_1469 = tpu.memref_squeeze %dma_wait3A_1468 : memref<1x16x128xf32, #tpu.memory_space<vmem>> -> memref<16x128xf32, #tpu.memory_space<vmem>>
        %dma_wait3A_1470 = arith.constant 9984 : i32
        %dma_wait3A_1471 = arith.constant 0 : i32
        %dma_wait3A_1472 = tpu.memref_slice %arg12[%dma_wait3A_1470, %dma_wait3A_1471] : memref<10000x128xf32, #tpu.memory_space<vmem_shared>> -> memref<16x128xf32, #tpu.memory_space<vmem_shared>>
        %dma_wait3A_1473 = arith.constant 9984 : i32
        %dma_wait3A_1474 = arith.constant 0 : i32
        %dma_wait3A_1475 = tpu.memref_slice %arg12[%dma_wait3A_1473, %dma_wait3A_1474] : memref<10000x128xf32, #tpu.memory_space<vmem_shared>> -> memref<16x128xf32, #tpu.memory_space<vmem_shared>>
        %dma_wait3A_1476 = arith.constant 0 : i32
        %dma_wait3A_1477 = arith.constant 0 : i32
        %dma_wait3A_1478 = tpu.memref_slice %arg11[%run_scoped3A, %dma_wait3A_1476, %dma_wait3A_1477] : memref<2x80x128xf32, #tpu.memory_space<vmem>> -> memref<1x16x128xf32, #tpu.memory_space<vmem>>
        %dma_wait3A_1479 = tpu.memref_squeeze %dma_wait3A_1478 : memref<1x16x128xf32, #tpu.memory_space<vmem>> -> memref<16x128xf32, #tpu.memory_space<vmem>>
        tpu.wait_dma2 semaphore(%run_scoped3A_1451 : memref<!tpu.dma_semaphore, #tpu.memory_space<semaphore_mem>>) src(%dma_wait3A_1479 : memref<16x128xf32, #tpu.memory_space<vmem>>) dst(%dma_wait3A_1475 : memref<16x128xf32, #tpu.memory_space<vmem_shared>>)
        tpu.yield
      }) : () -> ()
    } else {
    }
    %barrier3A = arith.constant 0 : index
    tpu.barrier barrier_id(%barrier3A)
    %mul3A_1287 = arith.constant 10000 : i32
    %mul3A_1288 = arith.muli %add3A, %mul3A_1287 : i32
    %add3A_1289 = arith.constant 0 : i32
    %add3A_1290 = arith.addi %mul3A_1288, %add3A_1289 : i32
    %dma_start3A = arith.constant 0 : i32
    %dma_start3A_1291 = arith.constant 0 : i32
    %dma_start3A_1292 = arith.constant 0 : i32
    %dma_start3A_1293 = tpu.memref_slice %arg8[%dma_start3A, %dma_start3A_1292] : memref<2x80xi32, #tpu.memory_space<vmem>> -> memref<1x80xi32, #tpu.memory_space<vmem>>
    %dma_start3A_1294 = tpu.memref_squeeze %dma_start3A_1293 : memref<1x80xi32, #tpu.memory_space<vmem>> -> memref<80xi32, #tpu.memory_space<vmem>>
    %dma_start3A_1295 = tpu.memref_slice %arg4[%add3A_1290] : memref<320000xi32, #tpu.memory_space<hbm>> -> memref<80xi32, #tpu.memory_space<hbm>>
    %dma_start3A_1296 = tpu.memref_slice %arg13[%dma_start3A_1291] : memref<2x!tpu.dma_semaphore, #tpu.memory_space<semaphore_mem>> -> memref<1x!tpu.dma_semaphore, #tpu.memory_space<semaphore_mem>>
    %dma_start3A_1297 = tpu.memref_squeeze %dma_start3A_1296 : memref<1x!tpu.dma_semaphore, #tpu.memory_space<semaphore_mem>> -> memref<!tpu.dma_semaphore, #tpu.memory_space<semaphore_mem>>
    %dma_start3A_1298 = arith.constant 0 : i32
    %dma_start3A_1299 = tpu.memref_slice %arg8[%dma_start3A, %dma_start3A_1298] : memref<2x80xi32, #tpu.memory_space<vmem>> -> memref<1x80xi32, #tpu.memory_space<vmem>>
    %dma_start3A_1300 = tpu.memref_squeeze %dma_start3A_1299 : memref<1x80xi32, #tpu.memory_space<vmem>> -> memref<80xi32, #tpu.memory_space<vmem>>
    %dma_start3A_1301 = tpu.memref_slice %arg4[%add3A_1290] : memref<320000xi32, #tpu.memory_space<hbm>> -> memref<80xi32, #tpu.memory_space<hbm>>
    tpu.enqueue_dma source(%dma_start3A_1301 : memref<80xi32, #tpu.memory_space<hbm>>) target(%dma_start3A_1300 : memref<80xi32, #tpu.memory_space<vmem>>) target_semaphore(%dma_start3A_1297 : memref<!tpu.dma_semaphore, #tpu.memory_space<semaphore_mem>>)
    %dma_start3A_1302 = arith.constant 0 : i32
    %dma_start3A_1303 = arith.constant 0 : i32
    %dma_start3A_1304 = arith.constant 0 : i32
    %dma_start3A_1305 = tpu.memref_slice %arg9[%dma_start3A_1302, %dma_start3A_1304] : memref<2x80xi32, #tpu.memory_space<vmem>> -> memref<1x80xi32, #tpu.memory_space<vmem>>
    %dma_start3A_1306 = tpu.memref_squeeze %dma_start3A_1305 : memref<1x80xi32, #tpu.memory_space<vmem>> -> memref<80xi32, #tpu.memory_space<vmem>>
    %dma_start3A_1307 = tpu.memref_slice %arg5[%add3A_1290] : memref<320000xi32, #tpu.memory_space<hbm>> -> memref<80xi32, #tpu.memory_space<hbm>>
    %dma_start3A_1308 = tpu.memref_slice %arg13[%dma_start3A_1303] : memref<2x!tpu.dma_semaphore, #tpu.memory_space<semaphore_mem>> -> memref<1x!tpu.dma_semaphore, #tpu.memory_space<semaphore_mem>>
    %dma_start3A_1309 = tpu.memref_squeeze %dma_start3A_1308 : memref<1x!tpu.dma_semaphore, #tpu.memory_space<semaphore_mem>> -> memref<!tpu.dma_semaphore, #tpu.memory_space<semaphore_mem>>
    %dma_start3A_1310 = arith.constant 0 : i32
    %dma_start3A_1311 = tpu.memref_slice %arg9[%dma_start3A_1302, %dma_start3A_1310] : memref<2x80xi32, #tpu.memory_space<vmem>> -> memref<1x80xi32, #tpu.memory_space<vmem>>
    %dma_start3A_1312 = tpu.memref_squeeze %dma_start3A_1311 : memref<1x80xi32, #tpu.memory_space<vmem>> -> memref<80xi32, #tpu.memory_space<vmem>>
    %dma_start3A_1313 = tpu.memref_slice %arg5[%add3A_1290] : memref<320000xi32, #tpu.memory_space<hbm>> -> memref<80xi32, #tpu.memory_space<hbm>>
    tpu.enqueue_dma source(%dma_start3A_1313 : memref<80xi32, #tpu.memory_space<hbm>>) target(%dma_start3A_1312 : memref<80xi32, #tpu.memory_space<vmem>>) target_semaphore(%dma_start3A_1309 : memref<!tpu.dma_semaphore, #tpu.memory_space<semaphore_mem>>)
    %add3A_1314 = arith.constant 0 : i32
    %add3A_1315 = arith.addi %mul3A_1288, %add3A_1314 : i32
    %dma_start3A_1316 = arith.constant 0 : i32
    %dma_start3A_1317 = arith.constant 0 : i32
    %dma_start3A_1318 = arith.constant 0 : i32
    %dma_start3A_1319 = tpu.memref_slice %arg10[%dma_start3A_1316, %dma_start3A_1318] : memref<3x80xi32, #tpu.memory_space<vmem>> -> memref<1x80xi32, #tpu.memory_space<vmem>>
    %dma_start3A_1320 = tpu.memref_squeeze %dma_start3A_1319 : memref<1x80xi32, #tpu.memory_space<vmem>> -> memref<80xi32, #tpu.memory_space<vmem>>
    %dma_start3A_1321 = tpu.memref_slice %arg6[%add3A_1315] : memref<320000xi32, #tpu.memory_space<hbm>> -> memref<80xi32, #tpu.memory_space<hbm>>
    %dma_start3A_1322 = tpu.memref_slice %arg14[%dma_start3A_1317] : memref<3x!tpu.dma_semaphore, #tpu.memory_space<semaphore_mem>> -> memref<1x!tpu.dma_semaphore, #tpu.memory_space<semaphore_mem>>
    %dma_start3A_1323 = tpu.memref_squeeze %dma_start3A_1322 : memref<1x!tpu.dma_semaphore, #tpu.memory_space<semaphore_mem>> -> memref<!tpu.dma_semaphore, #tpu.memory_space<semaphore_mem>>
    %dma_start3A_1324 = arith.constant 0 : i32
    %dma_start3A_1325 = tpu.memref_slice %arg10[%dma_start3A_1316, %dma_start3A_1324] : memref<3x80xi32, #tpu.memory_space<vmem>> -> memref<1x80xi32, #tpu.memory_space<vmem>>
    %dma_start3A_1326 = tpu.memref_squeeze %dma_start3A_1325 : memref<1x80xi32, #tpu.memory_space<vmem>> -> memref<80xi32, #tpu.memory_space<vmem>>
    %dma_start3A_1327 = tpu.memref_slice %arg6[%add3A_1315] : memref<320000xi32, #tpu.memory_space<hbm>> -> memref<80xi32, #tpu.memory_space<hbm>>
    tpu.enqueue_dma source(%dma_start3A_1327 : memref<80xi32, #tpu.memory_space<hbm>>) target(%dma_start3A_1326 : memref<80xi32, #tpu.memory_space<vmem>>) target_semaphore(%dma_start3A_1323 : memref<!tpu.dma_semaphore, #tpu.memory_space<semaphore_mem>>)
    %add3A_1328 = arith.constant 80 : i32
    %add3A_1329 = arith.addi %mul3A_1288, %add3A_1328 : i32
    %dma_start3A_1330 = arith.constant 1 : i32
    %dma_start3A_1331 = arith.constant 1 : i32
    %dma_start3A_1332 = arith.constant 0 : i32
    %dma_start3A_1333 = tpu.memref_slice %arg8[%dma_start3A_1330, %dma_start3A_1332] : memref<2x80xi32, #tpu.memory_space<vmem>> -> memref<1x80xi32, #tpu.memory_space<vmem>>
    %dma_start3A_1334 = tpu.memref_squeeze %dma_start3A_1333 : memref<1x80xi32, #tpu.memory_space<vmem>> -> memref<80xi32, #tpu.memory_space<vmem>>
    %dma_start3A_1335 = tpu.memref_slice %arg4[%add3A_1329] : memref<320000xi32, #tpu.memory_space<hbm>> -> memref<80xi32, #tpu.memory_space<hbm>>
    %dma_start3A_1336 = tpu.memref_slice %arg13[%dma_start3A_1331] : memref<2x!tpu.dma_semaphore, #tpu.memory_space<semaphore_mem>> -> memref<1x!tpu.dma_semaphore, #tpu.memory_space<semaphore_mem>>
    %dma_start3A_1337 = tpu.memref_squeeze %dma_start3A_1336 : memref<1x!tpu.dma_semaphore, #tpu.memory_space<semaphore_mem>> -> memref<!tpu.dma_semaphore, #tpu.memory_space<semaphore_mem>>
    %dma_start3A_1338 = arith.constant 0 : i32
    %dma_start3A_1339 = tpu.memref_slice %arg8[%dma_start3A_1330, %dma_start3A_1338] : memref<2x80xi32, #tpu.memory_space<vmem>> -> memref<1x80xi32, #tpu.memory_space<vmem>>
    %dma_start3A_1340 = tpu.memref_squeeze %dma_start3A_1339 : memref<1x80xi32, #tpu.memory_space<vmem>> -> memref<80xi32, #tpu.memory_space<vmem>>
    %dma_start3A_1341 = tpu.memref_slice %arg4[%add3A_1329] : memref<320000xi32, #tpu.memory_space<hbm>> -> memref<80xi32, #tpu.memory_space<hbm>>
    tpu.enqueue_dma source(%dma_start3A_1341 : memref<80xi32, #tpu.memory_space<hbm>>) target(%dma_start3A_1340 : memref<80xi32, #tpu.memory_space<vmem>>) target_semaphore(%dma_start3A_1337 : memref<!tpu.dma_semaphore, #tpu.memory_space<semaphore_mem>>)
    %dma_start3A_1342 = arith.constant 1 : i32
    %dma_start3A_1343 = arith.constant 1 : i32
    %dma_start3A_1344 = arith.constant 0 : i32
    %dma_start3A_1345 = tpu.memref_slice %arg9[%dma_start3A_1342, %dma_start3A_1344] : memref<2x80xi32, #tpu.memory_space<vmem>> -> memref<1x80xi32, #tpu.memory_space<vmem>>
    %dma_start3A_1346 = tpu.memref_squeeze %dma_start3A_1345 : memref<1x80xi32, #tpu.memory_space<vmem>> -> memref<80xi32, #tpu.memory_space<vmem>>
    %dma_start3A_1347 = tpu.memref_slice %arg5[%add3A_1329] : memref<320000xi32, #tpu.memory_space<hbm>> -> memref<80xi32, #tpu.memory_space<hbm>>
    %dma_start3A_1348 = tpu.memref_slice %arg13[%dma_start3A_1343] : memref<2x!tpu.dma_semaphore, #tpu.memory_space<semaphore_mem>> -> memref<1x!tpu.dma_semaphore, #tpu.memory_space<semaphore_mem>>
    %dma_start3A_1349 = tpu.memref_squeeze %dma_start3A_1348 : memref<1x!tpu.dma_semaphore, #tpu.memory_space<semaphore_mem>> -> memref<!tpu.dma_semaphore, #tpu.memory_space<semaphore_mem>>
    %dma_start3A_1350 = arith.constant 0 : i32
    %dma_start3A_1351 = tpu.memref_slice %arg9[%dma_start3A_1342, %dma_start3A_1350] : memref<2x80xi32, #tpu.memory_space<vmem>> -> memref<1x80xi32, #tpu.memory_space<vmem>>
    %dma_start3A_1352 = tpu.memref_squeeze %dma_start3A_1351 : memref<1x80xi32, #tpu.memory_space<vmem>> -> memref<80xi32, #tpu.memory_space<vmem>>
    %dma_start3A_1353 = tpu.memref_slice %arg5[%add3A_1329] : memref<320000xi32, #tpu.memory_space<hbm>> -> memref<80xi32, #tpu.memory_space<hbm>>
    tpu.enqueue_dma source(%dma_start3A_1353 : memref<80xi32, #tpu.memory_space<hbm>>) target(%dma_start3A_1352 : memref<80xi32, #tpu.memory_space<vmem>>) target_semaphore(%dma_start3A_1349 : memref<!tpu.dma_semaphore, #tpu.memory_space<semaphore_mem>>)
    %add3A_1354 = arith.constant 80 : i32
    %add3A_1355 = arith.addi %mul3A_1288, %add3A_1354 : i32
    %dma_start3A_1356 = arith.constant 1 : i32
    %dma_start3A_1357 = arith.constant 1 : i32
    %dma_start3A_1358 = arith.constant 0 : i32
    %dma_start3A_1359 = tpu.memref_slice %arg10[%dma_start3A_1356, %dma_start3A_1358] : memref<3x80xi32, #tpu.memory_space<vmem>> -> memref<1x80xi32, #tpu.memory_space<vmem>>
    %dma_start3A_1360 = tpu.memref_squeeze %dma_start3A_1359 : memref<1x80xi32, #tpu.memory_space<vmem>> -> memref<80xi32, #tpu.memory_space<vmem>>
    %dma_start3A_1361 = tpu.memref_slice %arg6[%add3A_1355] : memref<320000xi32, #tpu.memory_space<hbm>> -> memref<80xi32, #tpu.memory_space<hbm>>
    %dma_start3A_1362 = tpu.memref_slice %arg14[%dma_start3A_1357] : memref<3x!tpu.dma_semaphore, #tpu.memory_space<semaphore_mem>> -> memref<1x!tpu.dma_semaphore, #tpu.memory_space<semaphore_mem>>
    %dma_start3A_1363 = tpu.memref_squeeze %dma_start3A_1362 : memref<1x!tpu.dma_semaphore, #tpu.memory_space<semaphore_mem>> -> memref<!tpu.dma_semaphore, #tpu.memory_space<semaphore_mem>>
    %dma_start3A_1364 = arith.constant 0 : i32
    %dma_start3A_1365 = tpu.memref_slice %arg10[%dma_start3A_1356, %dma_start3A_1364] : memref<3x80xi32, #tpu.memory_space<vmem>> -> memref<1x80xi32, #tpu.memory_space<vmem>>
    %dma_start3A_1366 = tpu.memref_squeeze %dma_start3A_1365 : memref<1x80xi32, #tpu.memory_space<vmem>> -> memref<80xi32, #tpu.memory_space<vmem>>
    %dma_start3A_1367 = tpu.memref_slice %arg6[%add3A_1355] : memref<320000xi32, #tpu.memory_space<hbm>> -> memref<80xi32, #tpu.memory_space<hbm>>
    tpu.enqueue_dma source(%dma_start3A_1367 : memref<80xi32, #tpu.memory_space<hbm>>) target(%dma_start3A_1366 : memref<80xi32, #tpu.memory_space<vmem>>) target_semaphore(%dma_start3A_1363 : memref<!tpu.dma_semaphore, #tpu.memory_space<semaphore_mem>>)
    %dma_wait3A = arith.constant 0 : i32
    %dma_wait3A_1368 = arith.constant 0 : i32
    %dma_wait3A_1369 = arith.constant 0 : i32
    %dma_wait3A_1370 = tpu.memref_slice %arg8[%dma_wait3A, %dma_wait3A_1369] : memref<2x80xi32, #tpu.memory_space<vmem>> -> memref<1x80xi32, #tpu.memory_space<vmem>>
    %dma_wait3A_1371 = tpu.memref_squeeze %dma_wait3A_1370 : memref<1x80xi32, #tpu.memory_space<vmem>> -> memref<80xi32, #tpu.memory_space<vmem>>
    %dma_wait3A_1372 = arith.constant 0 : i32
    %dma_wait3A_1373 = tpu.memref_slice %arg4[%dma_wait3A_1372] : memref<320000xi32, #tpu.memory_space<hbm>> -> memref<80xi32, #tpu.memory_space<hbm>>
    %dma_wait3A_1374 = tpu.memref_slice %arg13[%dma_wait3A_1368] : memref<2x!tpu.dma_semaphore, #tpu.memory_space<semaphore_mem>> -> memref<1x!tpu.dma_semaphore, #tpu.memory_space<semaphore_mem>>
    %dma_wait3A_1375 = tpu.memref_squeeze %dma_wait3A_1374 : memref<1x!tpu.dma_semaphore, #tpu.memory_space<semaphore_mem>> -> memref<!tpu.dma_semaphore, #tpu.memory_space<semaphore_mem>>
    %dma_wait3A_1376 = arith.constant 0 : i32
    %dma_wait3A_1377 = tpu.memref_slice %arg8[%dma_wait3A, %dma_wait3A_1376] : memref<2x80xi32, #tpu.memory_space<vmem>> -> memref<1x80xi32, #tpu.memory_space<vmem>>
    %dma_wait3A_1378 = tpu.memref_squeeze %dma_wait3A_1377 : memref<1x80xi32, #tpu.memory_space<vmem>> -> memref<80xi32, #tpu.memory_space<vmem>>
    %dma_wait3A_1379 = arith.constant 0 : i32
    %dma_wait3A_1380 = tpu.memref_slice %arg4[%dma_wait3A_1379] : memref<320000xi32, #tpu.memory_space<hbm>> -> memref<80xi32, #tpu.memory_space<hbm>>
    tpu.wait_dma2 semaphore(%dma_wait3A_1375 : memref<!tpu.dma_semaphore, #tpu.memory_space<semaphore_mem>>) src(%dma_wait3A_1380 : memref<80xi32, #tpu.memory_space<hbm>>) dst(%dma_wait3A_1378 : memref<80xi32, #tpu.memory_space<vmem>>)
    %dma_wait3A_1381 = arith.constant 0 : i32
    %dma_wait3A_1382 = arith.constant 0 : i32
    %dma_wait3A_1383 = arith.constant 0 : i32
    %dma_wait3A_1384 = tpu.memref_slice %arg9[%dma_wait3A_1381, %dma_wait3A_1383] : memref<2x80xi32, #tpu.memory_space<vmem>> -> memref<1x80xi32, #tpu.memory_space<vmem>>
    %dma_wait3A_1385 = tpu.memref_squeeze %dma_wait3A_1384 : memref<1x80xi32, #tpu.memory_space<vmem>> -> memref<80xi32, #tpu.memory_space<vmem>>
    %dma_wait3A_1386 = arith.constant 0 : i32
    %dma_wait3A_1387 = tpu.memref_slice %arg5[%dma_wait3A_1386] : memref<320000xi32, #tpu.memory_space<hbm>> -> memref<80xi32, #tpu.memory_space<hbm>>
    %dma_wait3A_1388 = tpu.memref_slice %arg13[%dma_wait3A_1382] : memref<2x!tpu.dma_semaphore, #tpu.memory_space<semaphore_mem>> -> memref<1x!tpu.dma_semaphore, #tpu.memory_space<semaphore_mem>>
    %dma_wait3A_1389 = tpu.memref_squeeze %dma_wait3A_1388 : memref<1x!tpu.dma_semaphore, #tpu.memory_space<semaphore_mem>> -> memref<!tpu.dma_semaphore, #tpu.memory_space<semaphore_mem>>
    %dma_wait3A_1390 = arith.constant 0 : i32
    %dma_wait3A_1391 = tpu.memref_slice %arg9[%dma_wait3A_1381, %dma_wait3A_1390] : memref<2x80xi32, #tpu.memory_space<vmem>> -> memref<1x80xi32, #tpu.memory_space<vmem>>
    %dma_wait3A_1392 = tpu.memref_squeeze %dma_wait3A_1391 : memref<1x80xi32, #tpu.memory_space<vmem>> -> memref<80xi32, #tpu.memory_space<vmem>>
    %dma_wait3A_1393 = arith.constant 0 : i32
    %dma_wait3A_1394 = tpu.memref_slice %arg5[%dma_wait3A_1393] : memref<320000xi32, #tpu.memory_space<hbm>> -> memref<80xi32, #tpu.memory_space<hbm>>
    tpu.wait_dma2 semaphore(%dma_wait3A_1389 : memref<!tpu.dma_semaphore, #tpu.memory_space<semaphore_mem>>) src(%dma_wait3A_1394 : memref<80xi32, #tpu.memory_space<hbm>>) dst(%dma_wait3A_1392 : memref<80xi32, #tpu.memory_space<vmem>>)
    %dma_start3A_1395 = arith.constant 0 : i32
    %dma_start3A_1396 = arith.constant 0 : i32
    %dma_start3A_1397 = arith.constant 0 : i32
    %dma_start3A_1398 = arith.constant 0 : i32
    %dma_start3A_1399 = arith.constant 0 : i32
    %dma_start3A_1400 = tpu.memref_slice %arg11[%dma_start3A_1396, %dma_start3A_1398, %dma_start3A_1399] : memref<2x80x128xf32, #tpu.memory_space<vmem>> -> memref<1x40x128xf32, #tpu.memory_space<vmem>>
    %dma_start3A_1401 = tpu.memref_squeeze %dma_start3A_1400 : memref<1x40x128xf32, #tpu.memory_space<vmem>> -> memref<40x128xf32, #tpu.memory_space<vmem>>
    %dma_start3A_1402 = arith.constant 0 : i32
    %dma_start3A_1403 = tpu.memref_slice %arg9[%dma_start3A_1395, %dma_start3A_1402] : memref<2x80xi32, #tpu.memory_space<vmem>> -> memref<1x40xi32, #tpu.memory_space<vmem>>
    %dma_start3A_1404 = tpu.memref_squeeze %dma_start3A_1403 : memref<1x40xi32, #tpu.memory_space<vmem>> -> memref<40xi32, #tpu.memory_space<vmem>>
    %dma_start3A_1405 = arith.constant 0 : i32
    %dma_start3A_1406 = arith.constant 0 : i32
    %dma_start3A_1407 = tpu.memref_slice %arg3[%dma_start3A_1405, %dma_start3A_1406] : memref<3456x128xf32, #tpu.memory_space<hbm>> -> memref<3456x128xf32, #tpu.memory_space<hbm>>
    %dma_start3A_1408 = tpu.memref_slice %arg15[%dma_start3A_1397] : memref<2x!tpu.dma_semaphore, #tpu.memory_space<semaphore_mem>> -> memref<1x!tpu.dma_semaphore, #tpu.memory_space<semaphore_mem>>
    %dma_start3A_1409 = tpu.memref_squeeze %dma_start3A_1408 : memref<1x!tpu.dma_semaphore, #tpu.memory_space<semaphore_mem>> -> memref<!tpu.dma_semaphore, #tpu.memory_space<semaphore_mem>>
    tpu.enqueue_indirect_dma source(%dma_start3A_1407 : memref<3456x128xf32, #tpu.memory_space<hbm>>) target(%dma_start3A_1401 : memref<40x128xf32, #tpu.memory_space<vmem>>) offsets(%dma_start3A_1404 : memref<40xi32, #tpu.memory_space<vmem>>) semaphore(%dma_start3A_1409 : memref<!tpu.dma_semaphore, #tpu.memory_space<semaphore_mem>>)
    %dma_start3A_1410 = arith.constant 0 : i32
    %dma_start3A_1411 = arith.constant 0 : i32
    %dma_start3A_1412 = arith.constant 0 : i32
    %dma_start3A_1413 = arith.constant 40 : i32
    %dma_start3A_1414 = arith.constant 0 : i32
    %dma_start3A_1415 = tpu.memref_slice %arg11[%dma_start3A_1411, %dma_start3A_1413, %dma_start3A_1414] : memref<2x80x128xf32, #tpu.memory_space<vmem>> -> memref<1x40x128xf32, #tpu.memory_space<vmem>>
    %dma_start3A_1416 = tpu.memref_squeeze %dma_start3A_1415 : memref<1x40x128xf32, #tpu.memory_space<vmem>> -> memref<40x128xf32, #tpu.memory_space<vmem>>
    %dma_start3A_1417 = arith.constant 40 : i32
    %dma_start3A_1418 = tpu.memref_slice %arg9[%dma_start3A_1410, %dma_start3A_1417] : memref<2x80xi32, #tpu.memory_space<vmem>> -> memref<1x40xi32, #tpu.memory_space<vmem>>
    %dma_start3A_1419 = tpu.memref_squeeze %dma_start3A_1418 : memref<1x40xi32, #tpu.memory_space<vmem>> -> memref<40xi32, #tpu.memory_space<vmem>>
    %dma_start3A_1420 = arith.constant 0 : i32
    %dma_start3A_1421 = arith.constant 0 : i32
    %dma_start3A_1422 = tpu.memref_slice %arg3[%dma_start3A_1420, %dma_start3A_1421] : memref<3456x128xf32, #tpu.memory_space<hbm>> -> memref<3456x128xf32, #tpu.memory_space<hbm>>
    %dma_start3A_1423 = tpu.memref_slice %arg16[%dma_start3A_1412] : memref<2x!tpu.dma_semaphore, #tpu.memory_space<semaphore_mem>> -> memref<1x!tpu.dma_semaphore, #tpu.memory_space<semaphore_mem>>
    %dma_start3A_1424 = tpu.memref_squeeze %dma_start3A_1423 : memref<1x!tpu.dma_semaphore, #tpu.memory_space<semaphore_mem>> -> memref<!tpu.dma_semaphore, #tpu.memory_space<semaphore_mem>>
    tpu.enqueue_indirect_dma source(%dma_start3A_1422 : memref<3456x128xf32, #tpu.memory_space<hbm>>) target(%dma_start3A_1416 : memref<40x128xf32, #tpu.memory_space<vmem>>) offsets(%dma_start3A_1419 : memref<40xi32, #tpu.memory_space<vmem>>) semaphore(%dma_start3A_1424 : memref<!tpu.dma_semaphore, #tpu.memory_space<semaphore_mem>>)
    %scan3A_1425 = arith.constant 0 : i32
    %scan3A_1426 = arith.constant 125 : i32
    %scan3A_1427 = arith.addi %scan3A_1425, %scan3A_1426 : i32
    %scan3A_1428 = arith.constant 1 : i32
    scf.for %scan3A_1451 = %scan3A_1425 to %scan3A_1427 step %scan3A_1428  : i32 {
      %mul3A_1452 = arith.constant 1 : i32
      %mul3A_1453 = arith.muli %scan3A_1451, %mul3A_1452 : i32
      %add3A_1454 = arith.constant 0 : i32
      %add3A_1455 = arith.addi %add3A_1454, %mul3A_1453 : i32
      %jit3A = arith.constant 2 : i32
      %eq3A_1456 = arith.constant 0 : i32
      %eq3A_1457 = arith.cmpi eq, %jit3A, %eq3A_1456 : i32
      %jit3A_1458 = arith.constant 1 : i32
      %select_n3A = arith.select %eq3A_1457, %jit3A_1458, %jit3A : i32
      %rem3A = arith.remsi %add3A_1455, %select_n3A : i32
      %ne3A = arith.constant 0 : i32
      %ne3A_1459 = arith.cmpi ne, %rem3A, %ne3A : i32
      %lt3A = arith.constant 0 : i32
      %lt3A_1460 = arith.cmpi slt, %rem3A, %lt3A : i32
      %lt3A_1461 = arith.constant 0 : i32
      %lt3A_1462 = arith.cmpi slt, %select_n3A, %lt3A_1461 : i32
      %ne3A_1463 = arith.xori %lt3A_1460, %lt3A_1462 : i1
      %and3A = arith.andi %ne3A_1463, %ne3A_1459 : i1
      %add3A_1464 = arith.addi %rem3A, %select_n3A : i32
      %select_n3A_1465 = arith.select %and3A, %add3A_1464, %rem3A : i32
      %sub3A = arith.constant 1 : i32
      %sub3A_1466 = arith.subi %sub3A, %select_n3A_1465 : i32
      %dma_wait3A_1467 = arith.constant 0 : i32
      %dma_wait3A_1468 = arith.constant 0 : i32
      %dma_wait3A_1469 = tpu.memref_slice %arg11[%select_n3A_1465, %dma_wait3A_1467, %dma_wait3A_1468] : memref<2x80x128xf32, #tpu.memory_space<vmem>> -> memref<1x40x128xf32, #tpu.memory_space<vmem>>
      %dma_wait3A_1470 = tpu.memref_squeeze %dma_wait3A_1469 : memref<1x40x128xf32, #tpu.memory_space<vmem>> -> memref<40x128xf32, #tpu.memory_space<vmem>>
      %dma_wait3A_1471 = arith.constant 0 : i32
      %dma_wait3A_1472 = tpu.memref_slice %arg9[%select_n3A_1465, %dma_wait3A_1471] : memref<2x80xi32, #tpu.memory_space<vmem>> -> memref<1x40xi32, #tpu.memory_space<vmem>>
      %dma_wait3A_1473 = tpu.memref_squeeze %dma_wait3A_1472 : memref<1x40xi32, #tpu.memory_space<vmem>> -> memref<40xi32, #tpu.memory_space<vmem>>
      %dma_wait3A_1474 = arith.constant 0 : i32
      %dma_wait3A_1475 = arith.constant 0 : i32
      %dma_wait3A_1476 = tpu.memref_slice %arg3[%dma_wait3A_1474, %dma_wait3A_1475] : memref<3456x128xf32, #tpu.memory_space<hbm>> -> memref<3456x128xf32, #tpu.memory_space<hbm>>
      %dma_wait3A_1477 = tpu.memref_slice %arg15[%select_n3A_1465] : memref<2x!tpu.dma_semaphore, #tpu.memory_space<semaphore_mem>> -> memref<1x!tpu.dma_semaphore, #tpu.memory_space<semaphore_mem>>
      %dma_wait3A_1478 = tpu.memref_squeeze %dma_wait3A_1477 : memref<1x!tpu.dma_semaphore, #tpu.memory_space<semaphore_mem>> -> memref<!tpu.dma_semaphore, #tpu.memory_space<semaphore_mem>>
      tpu.wait_indirect_dma semaphore(%dma_wait3A_1478 : memref<!tpu.dma_semaphore, #tpu.memory_space<semaphore_mem>>) src(%dma_wait3A_1476 : memref<3456x128xf32, #tpu.memory_space<hbm>>) dst(%dma_wait3A_1470 : memref<40x128xf32, #tpu.memory_space<vmem>>)
      %dma_start3A_1479 = arith.constant 0 : i32
      %dma_start3A_1480 = arith.constant 0 : i32
      %dma_start3A_1481 = arith.constant 0 : i32
      %dma_start3A_1482 = tpu.memref_slice %arg11[%select_n3A_1465, %dma_start3A_1480, %dma_start3A_1481] : memref<2x80x128xf32, #tpu.memory_space<vmem>> -> memref<1x40x128xf32, #tpu.memory_space<vmem>>
      %dma_start3A_1483 = tpu.memref_squeeze %dma_start3A_1482 : memref<1x40x128xf32, #tpu.memory_space<vmem>> -> memref<40x128xf32, #tpu.memory_space<vmem>>
      %dma_start3A_1484 = arith.constant 0 : i32
      %dma_start3A_1485 = tpu.memref_slice %arg8[%select_n3A_1465, %dma_start3A_1484] : memref<2x80xi32, #tpu.memory_space<vmem>> -> memref<1x40xi32, #tpu.memory_space<vmem>>
      %dma_start3A_1486 = tpu.memref_squeeze %dma_start3A_1485 : memref<1x40xi32, #tpu.memory_space<vmem>> -> memref<40xi32, #tpu.memory_space<vmem>>
      %dma_start3A_1487 = arith.constant 0 : i32
      %dma_start3A_1488 = arith.constant 0 : i32
      %dma_start3A_1489 = tpu.memref_slice %arg2[%dma_start3A_1487, %dma_start3A_1488] : memref<10000x128xf32, #tpu.memory_space<hbm>> -> memref<10000x128xf32, #tpu.memory_space<hbm>>
      %dma_start3A_1490 = tpu.memref_slice %arg17[%select_n3A_1465, %dma_start3A_1479] : memref<2x2x!tpu.dma_semaphore, #tpu.memory_space<semaphore_mem>> -> memref<1x1x!tpu.dma_semaphore, #tpu.memory_space<semaphore_mem>>
      %dma_start3A_1491 = tpu.memref_squeeze %dma_start3A_1490 : memref<1x1x!tpu.dma_semaphore, #tpu.memory_space<semaphore_mem>> -> memref<!tpu.dma_semaphore, #tpu.memory_space<semaphore_mem>>
      tpu.enqueue_indirect_dma source(%dma_start3A_1489 : memref<10000x128xf32, #tpu.memory_space<hbm>>) target(%dma_start3A_1483 : memref<40x128xf32, #tpu.memory_space<vmem>>) offsets(%dma_start3A_1486 : memref<40xi32, #tpu.memory_space<vmem>>) semaphore(%dma_start3A_1491 : memref<!tpu.dma_semaphore, #tpu.memory_space<semaphore_mem>>) {add = true}
      %dma_wait3A_1492 = arith.constant 40 : i32
      %dma_wait3A_1493 = arith.constant 0 : i32
      %dma_wait3A_1494 = tpu.memref_slice %arg11[%select_n3A_1465, %dma_wait3A_1492, %dma_wait3A_1493] : memref<2x80x128xf32, #tpu.memory_space<vmem>> -> memref<1x40x128xf32, #tpu.memory_space<vmem>>
      %dma_wait3A_1495 = tpu.memref_squeeze %dma_wait3A_1494 : memref<1x40x128xf32, #tpu.memory_space<vmem>> -> memref<40x128xf32, #tpu.memory_space<vmem>>
      %dma_wait3A_1496 = arith.constant 40 : i32
      %dma_wait3A_1497 = tpu.memref_slice %arg9[%select_n3A_1465, %dma_wait3A_1496] : memref<2x80xi32, #tpu.memory_space<vmem>> -> memref<1x40xi32, #tpu.memory_space<vmem>>
      %dma_wait3A_1498 = tpu.memref_squeeze %dma_wait3A_1497 : memref<1x40xi32, #tpu.memory_space<vmem>> -> memref<40xi32, #tpu.memory_space<vmem>>
      %dma_wait3A_1499 = arith.constant 0 : i32
      %dma_wait3A_1500 = arith.constant 0 : i32
      %dma_wait3A_1501 = tpu.memref_slice %arg3[%dma_wait3A_1499, %dma_wait3A_1500] : memref<3456x128xf32, #tpu.memory_space<hbm>> -> memref<3456x128xf32, #tpu.memory_space<hbm>>
      %dma_wait3A_1502 = tpu.memref_slice %arg16[%select_n3A_1465] : memref<2x!tpu.dma_semaphore, #tpu.memory_space<semaphore_mem>> -> memref<1x!tpu.dma_semaphore, #tpu.memory_space<semaphore_mem>>
      %dma_wait3A_1503 = tpu.memref_squeeze %dma_wait3A_1502 : memref<1x!tpu.dma_semaphore, #tpu.memory_space<semaphore_mem>> -> memref<!tpu.dma_semaphore, #tpu.memory_space<semaphore_mem>>
      tpu.wait_indirect_dma semaphore(%dma_wait3A_1503 : memref<!tpu.dma_semaphore, #tpu.memory_space<semaphore_mem>>) src(%dma_wait3A_1501 : memref<3456x128xf32, #tpu.memory_space<hbm>>) dst(%dma_wait3A_1495 : memref<40x128xf32, #tpu.memory_space<vmem>>)
      %dma_start3A_1504 = arith.constant 1 : i32
      %dma_start3A_1505 = arith.constant 40 : i32
      %dma_start3A_1506 = arith.constant 0 : i32
      %dma_start3A_1507 = tpu.memref_slice %arg11[%select_n3A_1465, %dma_start3A_1505, %dma_start3A_1506] : memref<2x80x128xf32, #tpu.memory_space<vmem>> -> memref<1x40x128xf32, #tpu.memory_space<vmem>>
      %dma_start3A_1508 = tpu.memref_squeeze %dma_start3A_1507 : memref<1x40x128xf32, #tpu.memory_space<vmem>> -> memref<40x128xf32, #tpu.memory_space<vmem>>
      %dma_start3A_1509 = arith.constant 40 : i32
      %dma_start3A_1510 = tpu.memref_slice %arg8[%select_n3A_1465, %dma_start3A_1509] : memref<2x80xi32, #tpu.memory_space<vmem>> -> memref<1x40xi32, #tpu.memory_space<vmem>>
      %dma_start3A_1511 = tpu.memref_squeeze %dma_start3A_1510 : memref<1x40xi32, #tpu.memory_space<vmem>> -> memref<40xi32, #tpu.memory_space<vmem>>
      %dma_start3A_1512 = arith.constant 0 : i32
      %dma_start3A_1513 = arith.constant 0 : i32
      %dma_start3A_1514 = tpu.memref_slice %arg2[%dma_start3A_1512, %dma_start3A_1513] : memref<10000x128xf32, #tpu.memory_space<hbm>> -> memref<10000x128xf32, #tpu.memory_space<hbm>>
      %dma_start3A_1515 = tpu.memref_slice %arg17[%select_n3A_1465, %dma_start3A_1504] : memref<2x2x!tpu.dma_semaphore, #tpu.memory_space<semaphore_mem>> -> memref<1x1x!tpu.dma_semaphore, #tpu.memory_space<semaphore_mem>>
      %dma_start3A_1516 = tpu.memref_squeeze %dma_start3A_1515 : memref<1x1x!tpu.dma_semaphore, #tpu.memory_space<semaphore_mem>> -> memref<!tpu.dma_semaphore, #tpu.memory_space<semaphore_mem>>
      tpu.enqueue_indirect_dma source(%dma_start3A_1514 : memref<10000x128xf32, #tpu.memory_space<hbm>>) target(%dma_start3A_1508 : memref<40x128xf32, #tpu.memory_space<vmem>>) offsets(%dma_start3A_1511 : memref<40xi32, #tpu.memory_space<vmem>>) semaphore(%dma_start3A_1516 : memref<!tpu.dma_semaphore, #tpu.memory_space<semaphore_mem>>) {add = true}
      %ge3A = arith.constant 1 : i32
      %ge3A_1517 = arith.cmpi sge, %add3A_1455, %ge3A : i32
      %convert_element_type3A_1518 = arith.extui %ge3A_1517 : i1 to i32
      %cond3A_1519 = arith.constant 0 : i32
      %cond3A_1520 = arith.cmpi ne, %convert_element_type3A_1518, %cond3A_1519 : i32
      scf.if %cond3A_1520 {
        %add3A_1594 = arith.constant 2 : i32
        %add3A_1595 = arith.addi %add3A_1455, %add3A_1594 : i32
        %jit3A_1596 = arith.constant 3 : i32
        %eq3A_1597 = arith.constant 0 : i32
        %eq3A_1598 = arith.cmpi eq, %jit3A_1596, %eq3A_1597 : i32
        %jit3A_1599 = arith.constant 1 : i32
        %select_n3A_1600 = arith.select %eq3A_1598, %jit3A_1599, %jit3A_1596 : i32
        %rem3A_1601 = arith.remsi %add3A_1595, %select_n3A_1600 : i32
        %ne3A_1602 = arith.constant 0 : i32
        %ne3A_1603 = arith.cmpi ne, %rem3A_1601, %ne3A_1602 : i32
        %lt3A_1604 = arith.constant 0 : i32
        %lt3A_1605 = arith.cmpi slt, %rem3A_1601, %lt3A_1604 : i32
        %lt3A_1606 = arith.constant 0 : i32
        %lt3A_1607 = arith.cmpi slt, %select_n3A_1600, %lt3A_1606 : i32
        %ne3A_1608 = arith.xori %lt3A_1605, %lt3A_1607 : i1
        %and3A_1609 = arith.andi %ne3A_1608, %ne3A_1603 : i1
        %add3A_1610 = arith.addi %rem3A_1601, %select_n3A_1600 : i32
        %select_n3A_1611 = arith.select %and3A_1609, %add3A_1610, %rem3A_1601 : i32
        %dma_wait3A_1612 = arith.constant 0 : i32
        %dma_wait3A_1613 = arith.constant 0 : i32
        %dma_wait3A_1614 = tpu.memref_slice %arg11[%sub3A_1466, %dma_wait3A_1612, %dma_wait3A_1613] : memref<2x80x128xf32, #tpu.memory_space<vmem>> -> memref<1x80x128xf32, #tpu.memory_space<vmem>>
        %dma_wait3A_1615 = tpu.memref_squeeze %dma_wait3A_1614 : memref<1x80x128xf32, #tpu.memory_space<vmem>> -> memref<80x128xf32, #tpu.memory_space<vmem>>
        %dma_wait3A_1616 = arith.constant 0 : i32
        %dma_wait3A_1617 = tpu.memref_slice %arg10[%select_n3A_1611, %dma_wait3A_1616] : memref<3x80xi32, #tpu.memory_space<vmem>> -> memref<1x80xi32, #tpu.memory_space<vmem>>
        %dma_wait3A_1618 = tpu.memref_squeeze %dma_wait3A_1617 : memref<1x80xi32, #tpu.memory_space<vmem>> -> memref<80xi32, #tpu.memory_space<vmem>>
        %dma_wait3A_1619 = arith.constant 0 : i32
        %dma_wait3A_1620 = arith.constant 0 : i32
        %dma_wait3A_1621 = tpu.memref_slice %arg12[%dma_wait3A_1619, %dma_wait3A_1620] : memref<10000x128xf32, #tpu.memory_space<vmem_shared>> -> memref<10000x128xf32, #tpu.memory_space<vmem_shared>>
        %dma_wait3A_1622 = tpu.memref_slice %arg18[%sub3A_1466] : memref<2x!tpu.dma_semaphore, #tpu.memory_space<semaphore_mem>> -> memref<1x!tpu.dma_semaphore, #tpu.memory_space<semaphore_mem>>
        %dma_wait3A_1623 = tpu.memref_squeeze %dma_wait3A_1622 : memref<1x!tpu.dma_semaphore, #tpu.memory_space<semaphore_mem>> -> memref<!tpu.dma_semaphore, #tpu.memory_space<semaphore_mem>>
        tpu.wait_indirect_dma semaphore(%dma_wait3A_1623 : memref<!tpu.dma_semaphore, #tpu.memory_space<semaphore_mem>>) src(%dma_wait3A_1615 : memref<80x128xf32, #tpu.memory_space<vmem>>) dst(%dma_wait3A_1621 : memref<10000x128xf32, #tpu.memory_space<vmem_shared>>)
      } else {
      }
      %add3A_1521 = arith.constant 1 : i32
      %add3A_1522 = arith.addi %add3A_1455, %add3A_1521 : i32
      %lt3A_1523 = arith.constant 125 : i32
      %lt3A_1524 = arith.cmpi slt, %add3A_1522, %lt3A_1523 : i32
      %convert_element_type3A_1525 = arith.extui %lt3A_1524 : i1 to i32
      %cond3A_1526 = arith.constant 0 : i32
      %cond3A_1527 = arith.cmpi ne, %convert_element_type3A_1525, %cond3A_1526 : i32
      scf.if %cond3A_1527 {
        %dma_wait3A_1594 = arith.constant 0 : i32
        %dma_wait3A_1595 = tpu.memref_slice %arg8[%sub3A_1466, %dma_wait3A_1594] : memref<2x80xi32, #tpu.memory_space<vmem>> -> memref<1x80xi32, #tpu.memory_space<vmem>>
        %dma_wait3A_1596 = tpu.memref_squeeze %dma_wait3A_1595 : memref<1x80xi32, #tpu.memory_space<vmem>> -> memref<80xi32, #tpu.memory_space<vmem>>
        %dma_wait3A_1597 = arith.constant 0 : i32
        %dma_wait3A_1598 = tpu.memref_slice %arg4[%dma_wait3A_1597] : memref<320000xi32, #tpu.memory_space<hbm>> -> memref<80xi32, #tpu.memory_space<hbm>>
        %dma_wait3A_1599 = tpu.memref_slice %arg13[%sub3A_1466] : memref<2x!tpu.dma_semaphore, #tpu.memory_space<semaphore_mem>> -> memref<1x!tpu.dma_semaphore, #tpu.memory_space<semaphore_mem>>
        %dma_wait3A_1600 = tpu.memref_squeeze %dma_wait3A_1599 : memref<1x!tpu.dma_semaphore, #tpu.memory_space<semaphore_mem>> -> memref<!tpu.dma_semaphore, #tpu.memory_space<semaphore_mem>>
        %dma_wait3A_1601 = arith.constant 0 : i32
        %dma_wait3A_1602 = tpu.memref_slice %arg8[%sub3A_1466, %dma_wait3A_1601] : memref<2x80xi32, #tpu.memory_space<vmem>> -> memref<1x80xi32, #tpu.memory_space<vmem>>
        %dma_wait3A_1603 = tpu.memref_squeeze %dma_wait3A_1602 : memref<1x80xi32, #tpu.memory_space<vmem>> -> memref<80xi32, #tpu.memory_space<vmem>>
        %dma_wait3A_1604 = arith.constant 0 : i32
        %dma_wait3A_1605 = tpu.memref_slice %arg4[%dma_wait3A_1604] : memref<320000xi32, #tpu.memory_space<hbm>> -> memref<80xi32, #tpu.memory_space<hbm>>
        tpu.wait_dma2 semaphore(%dma_wait3A_1600 : memref<!tpu.dma_semaphore, #tpu.memory_space<semaphore_mem>>) src(%dma_wait3A_1605 : memref<80xi32, #tpu.memory_space<hbm>>) dst(%dma_wait3A_1603 : memref<80xi32, #tpu.memory_space<vmem>>)
        %dma_wait3A_1606 = arith.constant 0 : i32
        %dma_wait3A_1607 = tpu.memref_slice %arg9[%sub3A_1466, %dma_wait3A_1606] : memref<2x80xi32, #tpu.memory_space<vmem>> -> memref<1x80xi32, #tpu.memory_space<vmem>>
        %dma_wait3A_1608 = tpu.memref_squeeze %dma_wait3A_1607 : memref<1x80xi32, #tpu.memory_space<vmem>> -> memref<80xi32, #tpu.memory_space<vmem>>
        %dma_wait3A_1609 = arith.constant 0 : i32
        %dma_wait3A_1610 = tpu.memref_slice %arg5[%dma_wait3A_1609] : memref<320000xi32, #tpu.memory_space<hbm>> -> memref<80xi32, #tpu.memory_space<hbm>>
        %dma_wait3A_1611 = tpu.memref_slice %arg13[%sub3A_1466] : memref<2x!tpu.dma_semaphore, #tpu.memory_space<semaphore_mem>> -> memref<1x!tpu.dma_semaphore, #tpu.memory_space<semaphore_mem>>
        %dma_wait3A_1612 = tpu.memref_squeeze %dma_wait3A_1611 : memref<1x!tpu.dma_semaphore, #tpu.memory_space<semaphore_mem>> -> memref<!tpu.dma_semaphore, #tpu.memory_space<semaphore_mem>>
        %dma_wait3A_1613 = arith.constant 0 : i32
        %dma_wait3A_1614 = tpu.memref_slice %arg9[%sub3A_1466, %dma_wait3A_1613] : memref<2x80xi32, #tpu.memory_space<vmem>> -> memref<1x80xi32, #tpu.memory_space<vmem>>
        %dma_wait3A_1615 = tpu.memref_squeeze %dma_wait3A_1614 : memref<1x80xi32, #tpu.memory_space<vmem>> -> memref<80xi32, #tpu.memory_space<vmem>>
        %dma_wait3A_1616 = arith.constant 0 : i32
        %dma_wait3A_1617 = tpu.memref_slice %arg5[%dma_wait3A_1616] : memref<320000xi32, #tpu.memory_space<hbm>> -> memref<80xi32, #tpu.memory_space<hbm>>
        tpu.wait_dma2 semaphore(%dma_wait3A_1612 : memref<!tpu.dma_semaphore, #tpu.memory_space<semaphore_mem>>) src(%dma_wait3A_1617 : memref<80xi32, #tpu.memory_space<hbm>>) dst(%dma_wait3A_1615 : memref<80xi32, #tpu.memory_space<vmem>>)
        %add3A_1618 = arith.constant 1 : i32
        %add3A_1619 = arith.addi %add3A_1455, %add3A_1618 : i32
        %jit3A_1620 = arith.constant 3 : i32
        %eq3A_1621 = arith.constant 0 : i32
        %eq3A_1622 = arith.cmpi eq, %jit3A_1620, %eq3A_1621 : i32
        %jit3A_1623 = arith.constant 1 : i32
        %select_n3A_1624 = arith.select %eq3A_1622, %jit3A_1623, %jit3A_1620 : i32
        %rem3A_1625 = arith.remsi %add3A_1619, %select_n3A_1624 : i32
        %ne3A_1626 = arith.constant 0 : i32
        %ne3A_1627 = arith.cmpi ne, %rem3A_1625, %ne3A_1626 : i32
        %lt3A_1628 = arith.constant 0 : i32
        %lt3A_1629 = arith.cmpi slt, %rem3A_1625, %lt3A_1628 : i32
        %lt3A_1630 = arith.constant 0 : i32
        %lt3A_1631 = arith.cmpi slt, %select_n3A_1624, %lt3A_1630 : i32
        %ne3A_1632 = arith.xori %lt3A_1629, %lt3A_1631 : i1
        %and3A_1633 = arith.andi %ne3A_1632, %ne3A_1627 : i1
        %add3A_1634 = arith.addi %rem3A_1625, %select_n3A_1624 : i32
        %select_n3A_1635 = arith.select %and3A_1633, %add3A_1634, %rem3A_1625 : i32
        %add3A_1636 = arith.constant 1 : i32
        %add3A_1637 = arith.addi %add3A_1455, %add3A_1636 : i32
        %jit3A_1638 = arith.constant 3 : i32
        %eq3A_1639 = arith.constant 0 : i32
        %eq3A_1640 = arith.cmpi eq, %jit3A_1638, %eq3A_1639 : i32
        %jit3A_1641 = arith.constant 1 : i32
        %select_n3A_1642 = arith.select %eq3A_1640, %jit3A_1641, %jit3A_1638 : i32
        %rem3A_1643 = arith.remsi %add3A_1637, %select_n3A_1642 : i32
        %ne3A_1644 = arith.constant 0 : i32
        %ne3A_1645 = arith.cmpi ne, %rem3A_1643, %ne3A_1644 : i32
        %lt3A_1646 = arith.constant 0 : i32
        %lt3A_1647 = arith.cmpi slt, %rem3A_1643, %lt3A_1646 : i32
        %lt3A_1648 = arith.constant 0 : i32
        %lt3A_1649 = arith.cmpi slt, %select_n3A_1642, %lt3A_1648 : i32
        %ne3A_1650 = arith.xori %lt3A_1647, %lt3A_1649 : i1
        %and3A_1651 = arith.andi %ne3A_1650, %ne3A_1645 : i1
        %add3A_1652 = arith.addi %rem3A_1643, %select_n3A_1642 : i32
        %select_n3A_1653 = arith.select %and3A_1651, %add3A_1652, %rem3A_1643 : i32
        %dma_wait3A_1654 = arith.constant 0 : i32
        %dma_wait3A_1655 = tpu.memref_slice %arg10[%select_n3A_1635, %dma_wait3A_1654] : memref<3x80xi32, #tpu.memory_space<vmem>> -> memref<1x80xi32, #tpu.memory_space<vmem>>
        %dma_wait3A_1656 = tpu.memref_squeeze %dma_wait3A_1655 : memref<1x80xi32, #tpu.memory_space<vmem>> -> memref<80xi32, #tpu.memory_space<vmem>>
        %dma_wait3A_1657 = arith.constant 0 : i32
        %dma_wait3A_1658 = tpu.memref_slice %arg6[%dma_wait3A_1657] : memref<320000xi32, #tpu.memory_space<hbm>> -> memref<80xi32, #tpu.memory_space<hbm>>
        %dma_wait3A_1659 = tpu.memref_slice %arg14[%select_n3A_1653] : memref<3x!tpu.dma_semaphore, #tpu.memory_space<semaphore_mem>> -> memref<1x!tpu.dma_semaphore, #tpu.memory_space<semaphore_mem>>
        %dma_wait3A_1660 = tpu.memref_squeeze %dma_wait3A_1659 : memref<1x!tpu.dma_semaphore, #tpu.memory_space<semaphore_mem>> -> memref<!tpu.dma_semaphore, #tpu.memory_space<semaphore_mem>>
        %dma_wait3A_1661 = arith.constant 0 : i32
        %dma_wait3A_1662 = tpu.memref_slice %arg10[%select_n3A_1635, %dma_wait3A_1661] : memref<3x80xi32, #tpu.memory_space<vmem>> -> memref<1x80xi32, #tpu.memory_space<vmem>>
        %dma_wait3A_1663 = tpu.memref_squeeze %dma_wait3A_1662 : memref<1x80xi32, #tpu.memory_space<vmem>> -> memref<80xi32, #tpu.memory_space<vmem>>
        %dma_wait3A_1664 = arith.constant 0 : i32
        %dma_wait3A_1665 = tpu.memref_slice %arg6[%dma_wait3A_1664] : memref<320000xi32, #tpu.memory_space<hbm>> -> memref<80xi32, #tpu.memory_space<hbm>>
        tpu.wait_dma2 semaphore(%dma_wait3A_1660 : memref<!tpu.dma_semaphore, #tpu.memory_space<semaphore_mem>>) src(%dma_wait3A_1665 : memref<80xi32, #tpu.memory_space<hbm>>) dst(%dma_wait3A_1663 : memref<80xi32, #tpu.memory_space<vmem>>)
        %dma_start3A_1666 = arith.constant 0 : i32
        %dma_start3A_1667 = arith.constant 0 : i32
        %dma_start3A_1668 = tpu.memref_slice %arg11[%sub3A_1466, %dma_start3A_1666, %dma_start3A_1667] : memref<2x80x128xf32, #tpu.memory_space<vmem>> -> memref<1x40x128xf32, #tpu.memory_space<vmem>>
        %dma_start3A_1669 = tpu.memref_squeeze %dma_start3A_1668 : memref<1x40x128xf32, #tpu.memory_space<vmem>> -> memref<40x128xf32, #tpu.memory_space<vmem>>
        %dma_start3A_1670 = arith.constant 0 : i32
        %dma_start3A_1671 = tpu.memref_slice %arg9[%sub3A_1466, %dma_start3A_1670] : memref<2x80xi32, #tpu.memory_space<vmem>> -> memref<1x40xi32, #tpu.memory_space<vmem>>
        %dma_start3A_1672 = tpu.memref_squeeze %dma_start3A_1671 : memref<1x40xi32, #tpu.memory_space<vmem>> -> memref<40xi32, #tpu.memory_space<vmem>>
        %dma_start3A_1673 = arith.constant 0 : i32
        %dma_start3A_1674 = arith.constant 0 : i32
        %dma_start3A_1675 = tpu.memref_slice %arg3[%dma_start3A_1673, %dma_start3A_1674] : memref<3456x128xf32, #tpu.memory_space<hbm>> -> memref<3456x128xf32, #tpu.memory_space<hbm>>
        %dma_start3A_1676 = tpu.memref_slice %arg15[%sub3A_1466] : memref<2x!tpu.dma_semaphore, #tpu.memory_space<semaphore_mem>> -> memref<1x!tpu.dma_semaphore, #tpu.memory_space<semaphore_mem>>
        %dma_start3A_1677 = tpu.memref_squeeze %dma_start3A_1676 : memref<1x!tpu.dma_semaphore, #tpu.memory_space<semaphore_mem>> -> memref<!tpu.dma_semaphore, #tpu.memory_space<semaphore_mem>>
        tpu.enqueue_indirect_dma source(%dma_start3A_1675 : memref<3456x128xf32, #tpu.memory_space<hbm>>) target(%dma_start3A_1669 : memref<40x128xf32, #tpu.memory_space<vmem>>) offsets(%dma_start3A_1672 : memref<40xi32, #tpu.memory_space<vmem>>) semaphore(%dma_start3A_1677 : memref<!tpu.dma_semaphore, #tpu.memory_space<semaphore_mem>>)
        %dma_start3A_1678 = arith.constant 40 : i32
        %dma_start3A_1679 = arith.constant 0 : i32
        %dma_start3A_1680 = tpu.memref_slice %arg11[%sub3A_1466, %dma_start3A_1678, %dma_start3A_1679] : memref<2x80x128xf32, #tpu.memory_space<vmem>> -> memref<1x40x128xf32, #tpu.memory_space<vmem>>
        %dma_start3A_1681 = tpu.memref_squeeze %dma_start3A_1680 : memref<1x40x128xf32, #tpu.memory_space<vmem>> -> memref<40x128xf32, #tpu.memory_space<vmem>>
        %dma_start3A_1682 = arith.constant 40 : i32
        %dma_start3A_1683 = tpu.memref_slice %arg9[%sub3A_1466, %dma_start3A_1682] : memref<2x80xi32, #tpu.memory_space<vmem>> -> memref<1x40xi32, #tpu.memory_space<vmem>>
        %dma_start3A_1684 = tpu.memref_squeeze %dma_start3A_1683 : memref<1x40xi32, #tpu.memory_space<vmem>> -> memref<40xi32, #tpu.memory_space<vmem>>
        %dma_start3A_1685 = arith.constant 0 : i32
        %dma_start3A_1686 = arith.constant 0 : i32
        %dma_start3A_1687 = tpu.memref_slice %arg3[%dma_start3A_1685, %dma_start3A_1686] : memref<3456x128xf32, #tpu.memory_space<hbm>> -> memref<3456x128xf32, #tpu.memory_space<hbm>>
        %dma_start3A_1688 = tpu.memref_slice %arg16[%sub3A_1466] : memref<2x!tpu.dma_semaphore, #tpu.memory_space<semaphore_mem>> -> memref<1x!tpu.dma_semaphore, #tpu.memory_space<semaphore_mem>>
        %dma_start3A_1689 = tpu.memref_squeeze %dma_start3A_1688 : memref<1x!tpu.dma_semaphore, #tpu.memory_space<semaphore_mem>> -> memref<!tpu.dma_semaphore, #tpu.memory_space<semaphore_mem>>
        tpu.enqueue_indirect_dma source(%dma_start3A_1687 : memref<3456x128xf32, #tpu.memory_space<hbm>>) target(%dma_start3A_1681 : memref<40x128xf32, #tpu.memory_space<vmem>>) offsets(%dma_start3A_1684 : memref<40xi32, #tpu.memory_space<vmem>>) semaphore(%dma_start3A_1689 : memref<!tpu.dma_semaphore, #tpu.memory_space<semaphore_mem>>)
      } else {
      }
      %dma_wait3A_1528 = arith.constant 0 : i32
      %dma_wait3A_1529 = arith.constant 0 : i32
      %dma_wait3A_1530 = arith.constant 0 : i32
      %dma_wait3A_1531 = tpu.memref_slice %arg11[%select_n3A_1465, %dma_wait3A_1529, %dma_wait3A_1530] : memref<2x80x128xf32, #tpu.memory_space<vmem>> -> memref<1x40x128xf32, #tpu.memory_space<vmem>>
      %dma_wait3A_1532 = tpu.memref_squeeze %dma_wait3A_1531 : memref<1x40x128xf32, #tpu.memory_space<vmem>> -> memref<40x128xf32, #tpu.memory_space<vmem>>
      %dma_wait3A_1533 = arith.constant 0 : i32
      %dma_wait3A_1534 = tpu.memref_slice %arg8[%select_n3A_1465, %dma_wait3A_1533] : memref<2x80xi32, #tpu.memory_space<vmem>> -> memref<1x40xi32, #tpu.memory_space<vmem>>
      %dma_wait3A_1535 = tpu.memref_squeeze %dma_wait3A_1534 : memref<1x40xi32, #tpu.memory_space<vmem>> -> memref<40xi32, #tpu.memory_space<vmem>>
      %dma_wait3A_1536 = arith.constant 0 : i32
      %dma_wait3A_1537 = arith.constant 0 : i32
      %dma_wait3A_1538 = tpu.memref_slice %arg2[%dma_wait3A_1536, %dma_wait3A_1537] : memref<10000x128xf32, #tpu.memory_space<hbm>> -> memref<10000x128xf32, #tpu.memory_space<hbm>>
      %dma_wait3A_1539 = tpu.memref_slice %arg17[%select_n3A_1465, %dma_wait3A_1528] : memref<2x2x!tpu.dma_semaphore, #tpu.memory_space<semaphore_mem>> -> memref<1x1x!tpu.dma_semaphore, #tpu.memory_space<semaphore_mem>>
      %dma_wait3A_1540 = tpu.memref_squeeze %dma_wait3A_1539 : memref<1x1x!tpu.dma_semaphore, #tpu.memory_space<semaphore_mem>> -> memref<!tpu.dma_semaphore, #tpu.memory_space<semaphore_mem>>
      tpu.wait_indirect_dma semaphore(%dma_wait3A_1540 : memref<!tpu.dma_semaphore, #tpu.memory_space<semaphore_mem>>) src(%dma_wait3A_1538 : memref<10000x128xf32, #tpu.memory_space<hbm>>) dst(%dma_wait3A_1532 : memref<40x128xf32, #tpu.memory_space<vmem>>)
      %parallel_loop3A = arith.constant 0 : i32
      %parallel_loop3A_1541 = arith.constant 40 : i32
      %parallel_loop3A_1542 = arith.constant 1 : i32
      scf.for %parallel_loop3A_1594 = %parallel_loop3A to %parallel_loop3A_1541 step %parallel_loop3A_1542  : i32 {
        %parallel_loop3A_1595 = arith.index_cast %select_n3A_1465 : i32 to index
        %parallel_loop3A_1596 = arith.index_cast %parallel_loop3A_1594 : i32 to index
        %parallel_loop3A_1597 = arith.constant 0 : index
        %parallel_loop3A_1598 = tpu.vector_load %arg11[%parallel_loop3A_1595, %parallel_loop3A_1596, %parallel_loop3A_1597] {strides = array<i32>} : memref<2x80x128xf32, #tpu.memory_space<vmem>>, vector<1x1x16xf32>,
        %parallel_loop3A_1599 = vector.shape_cast %parallel_loop3A_1598 : vector<1x1x16xf32> to vector<16xf32>
        %parallel_loop3A_1600 = arith.constant 0.000000e+00 : f32
        %parallel_loop3A_1601 = vector.broadcast %parallel_loop3A_1600 : f32 to vector<16xf32>
        %parallel_loop3A_1602 = arith.maximumf %parallel_loop3A_1599, %parallel_loop3A_1601 : vector<16xf32>
        %parallel_loop3A_1603 = arith.index_cast %select_n3A_1465 : i32 to index
        %parallel_loop3A_1604 = arith.index_cast %parallel_loop3A_1594 : i32 to index
        %parallel_loop3A_1605 = arith.constant 0 : index
        %parallel_loop3A_1606 = tpu.vector_load %arg11[%parallel_loop3A_1603, %parallel_loop3A_1604, %parallel_loop3A_1605] {strides = array<i32>} : memref<2x80x128xf32, #tpu.memory_space<vmem>>, vector<1x1x16xf32>,
        %parallel_loop3A_1607 = vector.shape_cast %parallel_loop3A_1606 : vector<1x1x16xf32> to vector<16xf32>
        %parallel_loop3A_1608 = vector.shape_cast %parallel_loop3A_1602 : vector<16xf32> to vector<1x1x16xf32>
        tpu.vector_store %arg11[%parallel_loop3A_1603, %parallel_loop3A_1604, %parallel_loop3A_1605], %parallel_loop3A_1608 {strides = array<i32>} : memref<2x80x128xf32, #tpu.memory_space<vmem>>, vector<1x1x16xf32>,
        %parallel_loop3A_1609 = arith.index_cast %select_n3A_1465 : i32 to index
        %parallel_loop3A_1610 = arith.index_cast %parallel_loop3A_1594 : i32 to index
        %parallel_loop3A_1611 = arith.constant 16 : index
        %parallel_loop3A_1612 = tpu.vector_load %arg11[%parallel_loop3A_1609, %parallel_loop3A_1610, %parallel_loop3A_1611] {strides = array<i32>} : memref<2x80x128xf32, #tpu.memory_space<vmem>>, vector<1x1x16xf32>,
        %parallel_loop3A_1613 = vector.shape_cast %parallel_loop3A_1612 : vector<1x1x16xf32> to vector<16xf32>
        %parallel_loop3A_1614 = arith.constant 0.000000e+00 : f32
        %parallel_loop3A_1615 = vector.broadcast %parallel_loop3A_1614 : f32 to vector<16xf32>
        %parallel_loop3A_1616 = arith.maximumf %parallel_loop3A_1613, %parallel_loop3A_1615 : vector<16xf32>
        %parallel_loop3A_1617 = arith.index_cast %select_n3A_1465 : i32 to index
        %parallel_loop3A_1618 = arith.index_cast %parallel_loop3A_1594 : i32 to index
        %parallel_loop3A_1619 = arith.constant 16 : index
        %parallel_loop3A_1620 = tpu.vector_load %arg11[%parallel_loop3A_1617, %parallel_loop3A_1618, %parallel_loop3A_1619] {strides = array<i32>} : memref<2x80x128xf32, #tpu.memory_space<vmem>>, vector<1x1x16xf32>,
        %parallel_loop3A_1621 = vector.shape_cast %parallel_loop3A_1620 : vector<1x1x16xf32> to vector<16xf32>
        %parallel_loop3A_1622 = vector.shape_cast %parallel_loop3A_1616 : vector<16xf32> to vector<1x1x16xf32>
        tpu.vector_store %arg11[%parallel_loop3A_1617, %parallel_loop3A_1618, %parallel_loop3A_1619], %parallel_loop3A_1622 {strides = array<i32>} : memref<2x80x128xf32, #tpu.memory_space<vmem>>, vector<1x1x16xf32>,
        %parallel_loop3A_1623 = arith.index_cast %select_n3A_1465 : i32 to index
        %parallel_loop3A_1624 = arith.index_cast %parallel_loop3A_1594 : i32 to index
        %parallel_loop3A_1625 = arith.constant 32 : index
        %parallel_loop3A_1626 = tpu.vector_load %arg11[%parallel_loop3A_1623, %parallel_loop3A_1624, %parallel_loop3A_1625] {strides = array<i32>} : memref<2x80x128xf32, #tpu.memory_space<vmem>>, vector<1x1x16xf32>,
        %parallel_loop3A_1627 = vector.shape_cast %parallel_loop3A_1626 : vector<1x1x16xf32> to vector<16xf32>
        %parallel_loop3A_1628 = arith.constant 0.000000e+00 : f32
        %parallel_loop3A_1629 = vector.broadcast %parallel_loop3A_1628 : f32 to vector<16xf32>
        %parallel_loop3A_1630 = arith.maximumf %parallel_loop3A_1627, %parallel_loop3A_1629 : vector<16xf32>
        %parallel_loop3A_1631 = arith.index_cast %select_n3A_1465 : i32 to index
        %parallel_loop3A_1632 = arith.index_cast %parallel_loop3A_1594 : i32 to index
        %parallel_loop3A_1633 = arith.constant 32 : index
        %parallel_loop3A_1634 = tpu.vector_load %arg11[%parallel_loop3A_1631, %parallel_loop3A_1632, %parallel_loop3A_1633] {strides = array<i32>} : memref<2x80x128xf32, #tpu.memory_space<vmem>>, vector<1x1x16xf32>,
        %parallel_loop3A_1635 = vector.shape_cast %parallel_loop3A_1634 : vector<1x1x16xf32> to vector<16xf32>
        %parallel_loop3A_1636 = vector.shape_cast %parallel_loop3A_1630 : vector<16xf32> to vector<1x1x16xf32>
        tpu.vector_store %arg11[%parallel_loop3A_1631, %parallel_loop3A_1632, %parallel_loop3A_1633], %parallel_loop3A_1636 {strides = array<i32>} : memref<2x80x128xf32, #tpu.memory_space<vmem>>, vector<1x1x16xf32>,
        %parallel_loop3A_1637 = arith.index_cast %select_n3A_1465 : i32 to index
        %parallel_loop3A_1638 = arith.index_cast %parallel_loop3A_1594 : i32 to index
        %parallel_loop3A_1639 = arith.constant 48 : index
        %parallel_loop3A_1640 = tpu.vector_load %arg11[%parallel_loop3A_1637, %parallel_loop3A_1638, %parallel_loop3A_1639] {strides = array<i32>} : memref<2x80x128xf32, #tpu.memory_space<vmem>>, vector<1x1x16xf32>,
        %parallel_loop3A_1641 = vector.shape_cast %parallel_loop3A_1640 : vector<1x1x16xf32> to vector<16xf32>
        %parallel_loop3A_1642 = arith.constant 0.000000e+00 : f32
        %parallel_loop3A_1643 = vector.broadcast %parallel_loop3A_1642 : f32 to vector<16xf32>
        %parallel_loop3A_1644 = arith.maximumf %parallel_loop3A_1641, %parallel_loop3A_1643 : vector<16xf32>
        %parallel_loop3A_1645 = arith.index_cast %select_n3A_1465 : i32 to index
        %parallel_loop3A_1646 = arith.index_cast %parallel_loop3A_1594 : i32 to index
        %parallel_loop3A_1647 = arith.constant 48 : index
        %parallel_loop3A_1648 = tpu.vector_load %arg11[%parallel_loop3A_1645, %parallel_loop3A_1646, %parallel_loop3A_1647] {strides = array<i32>} : memref<2x80x128xf32, #tpu.memory_space<vmem>>, vector<1x1x16xf32>,
        %parallel_loop3A_1649 = vector.shape_cast %parallel_loop3A_1648 : vector<1x1x16xf32> to vector<16xf32>
        %parallel_loop3A_1650 = vector.shape_cast %parallel_loop3A_1644 : vector<16xf32> to vector<1x1x16xf32>
        tpu.vector_store %arg11[%parallel_loop3A_1645, %parallel_loop3A_1646, %parallel_loop3A_1647], %parallel_loop3A_1650 {strides = array<i32>} : memref<2x80x128xf32, #tpu.memory_space<vmem>>, vector<1x1x16xf32>,
        %parallel_loop3A_1651 = arith.index_cast %select_n3A_1465 : i32 to index
        %parallel_loop3A_1652 = arith.index_cast %parallel_loop3A_1594 : i32 to index
        %parallel_loop3A_1653 = arith.constant 64 : index
        %parallel_loop3A_1654 = tpu.vector_load %arg11[%parallel_loop3A_1651, %parallel_loop3A_1652, %parallel_loop3A_1653] {strides = array<i32>} : memref<2x80x128xf32, #tpu.memory_space<vmem>>, vector<1x1x16xf32>,
        %parallel_loop3A_1655 = vector.shape_cast %parallel_loop3A_1654 : vector<1x1x16xf32> to vector<16xf32>
        %parallel_loop3A_1656 = arith.constant 0.000000e+00 : f32
        %parallel_loop3A_1657 = vector.broadcast %parallel_loop3A_1656 : f32 to vector<16xf32>
        %parallel_loop3A_1658 = arith.maximumf %parallel_loop3A_1655, %parallel_loop3A_1657 : vector<16xf32>
        %parallel_loop3A_1659 = arith.index_cast %select_n3A_1465 : i32 to index
        %parallel_loop3A_1660 = arith.index_cast %parallel_loop3A_1594 : i32 to index
        %parallel_loop3A_1661 = arith.constant 64 : index
        %parallel_loop3A_1662 = tpu.vector_load %arg11[%parallel_loop3A_1659, %parallel_loop3A_1660, %parallel_loop3A_1661] {strides = array<i32>} : memref<2x80x128xf32, #tpu.memory_space<vmem>>, vector<1x1x16xf32>,
        %parallel_loop3A_1663 = vector.shape_cast %parallel_loop3A_1662 : vector<1x1x16xf32> to vector<16xf32>
        %parallel_loop3A_1664 = vector.shape_cast %parallel_loop3A_1658 : vector<16xf32> to vector<1x1x16xf32>
        tpu.vector_store %arg11[%parallel_loop3A_1659, %parallel_loop3A_1660, %parallel_loop3A_1661], %parallel_loop3A_1664 {strides = array<i32>} : memref<2x80x128xf32, #tpu.memory_space<vmem>>, vector<1x1x16xf32>,
        %parallel_loop3A_1665 = arith.index_cast %select_n3A_1465 : i32 to index
        %parallel_loop3A_1666 = arith.index_cast %parallel_loop3A_1594 : i32 to index
        %parallel_loop3A_1667 = arith.constant 80 : index
        %parallel_loop3A_1668 = tpu.vector_load %arg11[%parallel_loop3A_1665, %parallel_loop3A_1666, %parallel_loop3A_1667] {strides = array<i32>} : memref<2x80x128xf32, #tpu.memory_space<vmem>>, vector<1x1x16xf32>,
        %parallel_loop3A_1669 = vector.shape_cast %parallel_loop3A_1668 : vector<1x1x16xf32> to vector<16xf32>
        %parallel_loop3A_1670 = arith.constant 0.000000e+00 : f32
        %parallel_loop3A_1671 = vector.broadcast %parallel_loop3A_1670 : f32 to vector<16xf32>
        %parallel_loop3A_1672 = arith.maximumf %parallel_loop3A_1669, %parallel_loop3A_1671 : vector<16xf32>
        %parallel_loop3A_1673 = arith.index_cast %select_n3A_1465 : i32 to index
        %parallel_loop3A_1674 = arith.index_cast %parallel_loop3A_1594 : i32 to index
        %parallel_loop3A_1675 = arith.constant 80 : index
        %parallel_loop3A_1676 = tpu.vector_load %arg11[%parallel_loop3A_1673, %parallel_loop3A_1674, %parallel_loop3A_1675] {strides = array<i32>} : memref<2x80x128xf32, #tpu.memory_space<vmem>>, vector<1x1x16xf32>,
        %parallel_loop3A_1677 = vector.shape_cast %parallel_loop3A_1676 : vector<1x1x16xf32> to vector<16xf32>
        %parallel_loop3A_1678 = vector.shape_cast %parallel_loop3A_1672 : vector<16xf32> to vector<1x1x16xf32>
        tpu.vector_store %arg11[%parallel_loop3A_1673, %parallel_loop3A_1674, %parallel_loop3A_1675], %parallel_loop3A_1678 {strides = array<i32>} : memref<2x80x128xf32, #tpu.memory_space<vmem>>, vector<1x1x16xf32>,
        %parallel_loop3A_1679 = arith.index_cast %select_n3A_1465 : i32 to index
        %parallel_loop3A_1680 = arith.index_cast %parallel_loop3A_1594 : i32 to index
        %parallel_loop3A_1681 = arith.constant 96 : index
        %parallel_loop3A_1682 = tpu.vector_load %arg11[%parallel_loop3A_1679, %parallel_loop3A_1680, %parallel_loop3A_1681] {strides = array<i32>} : memref<2x80x128xf32, #tpu.memory_space<vmem>>, vector<1x1x16xf32>,
        %parallel_loop3A_1683 = vector.shape_cast %parallel_loop3A_1682 : vector<1x1x16xf32> to vector<16xf32>
        %parallel_loop3A_1684 = arith.constant 0.000000e+00 : f32
        %parallel_loop3A_1685 = vector.broadcast %parallel_loop3A_1684 : f32 to vector<16xf32>
        %parallel_loop3A_1686 = arith.maximumf %parallel_loop3A_1683, %parallel_loop3A_1685 : vector<16xf32>
        %parallel_loop3A_1687 = arith.index_cast %select_n3A_1465 : i32 to index
        %parallel_loop3A_1688 = arith.index_cast %parallel_loop3A_1594 : i32 to index
        %parallel_loop3A_1689 = arith.constant 96 : index
        %parallel_loop3A_1690 = tpu.vector_load %arg11[%parallel_loop3A_1687, %parallel_loop3A_1688, %parallel_loop3A_1689] {strides = array<i32>} : memref<2x80x128xf32, #tpu.memory_space<vmem>>, vector<1x1x16xf32>,
        %parallel_loop3A_1691 = vector.shape_cast %parallel_loop3A_1690 : vector<1x1x16xf32> to vector<16xf32>
        %parallel_loop3A_1692 = vector.shape_cast %parallel_loop3A_1686 : vector<16xf32> to vector<1x1x16xf32>
        tpu.vector_store %arg11[%parallel_loop3A_1687, %parallel_loop3A_1688, %parallel_loop3A_1689], %parallel_loop3A_1692 {strides = array<i32>} : memref<2x80x128xf32, #tpu.memory_space<vmem>>, vector<1x1x16xf32>,
        %parallel_loop3A_1693 = arith.index_cast %select_n3A_1465 : i32 to index
        %parallel_loop3A_1694 = arith.index_cast %parallel_loop3A_1594 : i32 to index
        %parallel_loop3A_1695 = arith.constant 112 : index
        %parallel_loop3A_1696 = tpu.vector_load %arg11[%parallel_loop3A_1693, %parallel_loop3A_1694, %parallel_loop3A_1695] {strides = array<i32>} : memref<2x80x128xf32, #tpu.memory_space<vmem>>, vector<1x1x16xf32>,
        %parallel_loop3A_1697 = vector.shape_cast %parallel_loop3A_1696 : vector<1x1x16xf32> to vector<16xf32>
        %parallel_loop3A_1698 = arith.constant 0.000000e+00 : f32
        %parallel_loop3A_1699 = vector.broadcast %parallel_loop3A_1698 : f32 to vector<16xf32>
        %parallel_loop3A_1700 = arith.maximumf %parallel_loop3A_1697, %parallel_loop3A_1699 : vector<16xf32>
        %parallel_loop3A_1701 = arith.index_cast %select_n3A_1465 : i32 to index
        %parallel_loop3A_1702 = arith.index_cast %parallel_loop3A_1594 : i32 to index
        %parallel_loop3A_1703 = arith.constant 112 : index
        %parallel_loop3A_1704 = tpu.vector_load %arg11[%parallel_loop3A_1701, %parallel_loop3A_1702, %parallel_loop3A_1703] {strides = array<i32>} : memref<2x80x128xf32, #tpu.memory_space<vmem>>, vector<1x1x16xf32>,
        %parallel_loop3A_1705 = vector.shape_cast %parallel_loop3A_1704 : vector<1x1x16xf32> to vector<16xf32>
        %parallel_loop3A_1706 = vector.shape_cast %parallel_loop3A_1700 : vector<16xf32> to vector<1x1x16xf32>
        tpu.vector_store %arg11[%parallel_loop3A_1701, %parallel_loop3A_1702, %parallel_loop3A_1703], %parallel_loop3A_1706 {strides = array<i32>} : memref<2x80x128xf32, #tpu.memory_space<vmem>>, vector<1x1x16xf32>,
      } {sc.loop_unroll_factor = 8 : i64, sc.parallel_access}
      %dma_wait3A_1543 = arith.constant 1 : i32
      %dma_wait3A_1544 = arith.constant 40 : i32
      %dma_wait3A_1545 = arith.constant 0 : i32
      %dma_wait3A_1546 = tpu.memref_slice %arg11[%select_n3A_1465, %dma_wait3A_1544, %dma_wait3A_1545] : memref<2x80x128xf32, #tpu.memory_space<vmem>> -> memref<1x40x128xf32, #tpu.memory_space<vmem>>
      %dma_wait3A_1547 = tpu.memref_squeeze %dma_wait3A_1546 : memref<1x40x128xf32, #tpu.memory_space<vmem>> -> memref<40x128xf32, #tpu.memory_space<vmem>>
      %dma_wait3A_1548 = arith.constant 40 : i32
      %dma_wait3A_1549 = tpu.memref_slice %arg8[%select_n3A_1465, %dma_wait3A_1548] : memref<2x80xi32, #tpu.memory_space<vmem>> -> memref<1x40xi32, #tpu.memory_space<vmem>>
      %dma_wait3A_1550 = tpu.memref_squeeze %dma_wait3A_1549 : memref<1x40xi32, #tpu.memory_space<vmem>> -> memref<40xi32, #tpu.memory_space<vmem>>
      %dma_wait3A_1551 = arith.constant 0 : i32
      %dma_wait3A_1552 = arith.constant 0 : i32
      %dma_wait3A_1553 = tpu.memref_slice %arg2[%dma_wait3A_1551, %dma_wait3A_1552] : memref<10000x128xf32, #tpu.memory_space<hbm>> -> memref<10000x128xf32, #tpu.memory_space<hbm>>
      %dma_wait3A_1554 = tpu.memref_slice %arg17[%select_n3A_1465, %dma_wait3A_1543] : memref<2x2x!tpu.dma_semaphore, #tpu.memory_space<semaphore_mem>> -> memref<1x1x!tpu.dma_semaphore, #tpu.memory_space<semaphore_mem>>
      %dma_wait3A_1555 = tpu.memref_squeeze %dma_wait3A_1554 : memref<1x1x!tpu.dma_semaphore, #tpu.memory_space<semaphore_mem>> -> memref<!tpu.dma_semaphore, #tpu.memory_space<semaphore_mem>>
      tpu.wait_indirect_dma semaphore(%dma_wait3A_1555 : memref<!tpu.dma_semaphore, #tpu.memory_space<semaphore_mem>>) src(%dma_wait3A_1553 : memref<10000x128xf32, #tpu.memory_space<hbm>>) dst(%dma_wait3A_1547 : memref<40x128xf32, #tpu.memory_space<vmem>>)
      %add3A_1556 = arith.constant 2 : i32
      %add3A_1557 = arith.addi %add3A_1455, %add3A_1556 : i32
      %lt3A_1558 = arith.constant 125 : i32
      %lt3A_1559 = arith.cmpi slt, %add3A_1557, %lt3A_1558 : i32
      %convert_element_type3A_1560 = arith.extui %lt3A_1559 : i1 to i32
      %cond3A_1561 = arith.constant 0 : i32
      %cond3A_1562 = arith.cmpi ne, %convert_element_type3A_1560, %cond3A_1561 : i32
      scf.if %cond3A_1562 {
        %add3A_1594 = arith.constant 2 : i32
        %add3A_1595 = arith.addi %add3A_1455, %add3A_1594 : i32
        %mul3A_1596 = arith.constant 80 : i32
        %mul3A_1597 = arith.muli %add3A_1595, %mul3A_1596 : i32
        %add3A_1598 = arith.addi %mul3A_1288, %mul3A_1597 : i32
        %dma_start3A_1599 = arith.constant 0 : i32
        %dma_start3A_1600 = tpu.memref_slice %arg8[%select_n3A_1465, %dma_start3A_1599] : memref<2x80xi32, #tpu.memory_space<vmem>> -> memref<1x80xi32, #tpu.memory_space<vmem>>
        %dma_start3A_1601 = tpu.memref_squeeze %dma_start3A_1600 : memref<1x80xi32, #tpu.memory_space<vmem>> -> memref<80xi32, #tpu.memory_space<vmem>>
        %dma_start3A_1602 = tpu.memref_slice %arg4[%add3A_1598] : memref<320000xi32, #tpu.memory_space<hbm>> -> memref<80xi32, #tpu.memory_space<hbm>>
        %dma_start3A_1603 = tpu.memref_slice %arg13[%select_n3A_1465] : memref<2x!tpu.dma_semaphore, #tpu.memory_space<semaphore_mem>> -> memref<1x!tpu.dma_semaphore, #tpu.memory_space<semaphore_mem>>
        %dma_start3A_1604 = tpu.memref_squeeze %dma_start3A_1603 : memref<1x!tpu.dma_semaphore, #tpu.memory_space<semaphore_mem>> -> memref<!tpu.dma_semaphore, #tpu.memory_space<semaphore_mem>>
        %dma_start3A_1605 = arith.constant 0 : i32
        %dma_start3A_1606 = tpu.memref_slice %arg8[%select_n3A_1465, %dma_start3A_1605] : memref<2x80xi32, #tpu.memory_space<vmem>> -> memref<1x80xi32, #tpu.memory_space<vmem>>
        %dma_start3A_1607 = tpu.memref_squeeze %dma_start3A_1606 : memref<1x80xi32, #tpu.memory_space<vmem>> -> memref<80xi32, #tpu.memory_space<vmem>>
        %dma_start3A_1608 = tpu.memref_slice %arg4[%add3A_1598] : memref<320000xi32, #tpu.memory_space<hbm>> -> memref<80xi32, #tpu.memory_space<hbm>>
        tpu.enqueue_dma source(%dma_start3A_1608 : memref<80xi32, #tpu.memory_space<hbm>>) target(%dma_start3A_1607 : memref<80xi32, #tpu.memory_space<vmem>>) target_semaphore(%dma_start3A_1604 : memref<!tpu.dma_semaphore, #tpu.memory_space<semaphore_mem>>)
        %dma_start3A_1609 = arith.constant 0 : i32
        %dma_start3A_1610 = tpu.memref_slice %arg9[%select_n3A_1465, %dma_start3A_1609] : memref<2x80xi32, #tpu.memory_space<vmem>> -> memref<1x80xi32, #tpu.memory_space<vmem>>
        %dma_start3A_1611 = tpu.memref_squeeze %dma_start3A_1610 : memref<1x80xi32, #tpu.memory_space<vmem>> -> memref<80xi32, #tpu.memory_space<vmem>>
        %dma_start3A_1612 = tpu.memref_slice %arg5[%add3A_1598] : memref<320000xi32, #tpu.memory_space<hbm>> -> memref<80xi32, #tpu.memory_space<hbm>>
        %dma_start3A_1613 = tpu.memref_slice %arg13[%select_n3A_1465] : memref<2x!tpu.dma_semaphore, #tpu.memory_space<semaphore_mem>> -> memref<1x!tpu.dma_semaphore, #tpu.memory_space<semaphore_mem>>
        %dma_start3A_1614 = tpu.memref_squeeze %dma_start3A_1613 : memref<1x!tpu.dma_semaphore, #tpu.memory_space<semaphore_mem>> -> memref<!tpu.dma_semaphore, #tpu.memory_space<semaphore_mem>>
        %dma_start3A_1615 = arith.constant 0 : i32
        %dma_start3A_1616 = tpu.memref_slice %arg9[%select_n3A_1465, %dma_start3A_1615] : memref<2x80xi32, #tpu.memory_space<vmem>> -> memref<1x80xi32, #tpu.memory_space<vmem>>
        %dma_start3A_1617 = tpu.memref_squeeze %dma_start3A_1616 : memref<1x80xi32, #tpu.memory_space<vmem>> -> memref<80xi32, #tpu.memory_space<vmem>>
        %dma_start3A_1618 = tpu.memref_slice %arg5[%add3A_1598] : memref<320000xi32, #tpu.memory_space<hbm>> -> memref<80xi32, #tpu.memory_space<hbm>>
        tpu.enqueue_dma source(%dma_start3A_1618 : memref<80xi32, #tpu.memory_space<hbm>>) target(%dma_start3A_1617 : memref<80xi32, #tpu.memory_space<vmem>>) target_semaphore(%dma_start3A_1614 : memref<!tpu.dma_semaphore, #tpu.memory_space<semaphore_mem>>)
        %add3A_1619 = arith.constant 2 : i32
        %add3A_1620 = arith.addi %add3A_1455, %add3A_1619 : i32
        %mul3A_1621 = arith.constant 80 : i32
        %mul3A_1622 = arith.muli %add3A_1620, %mul3A_1621 : i32
        %add3A_1623 = arith.addi %mul3A_1288, %mul3A_1622 : i32
        %jit3A_1624 = arith.constant 3 : i32
        %eq3A_1625 = arith.constant 0 : i32
        %eq3A_1626 = arith.cmpi eq, %jit3A_1624, %eq3A_1625 : i32
        %jit3A_1627 = arith.constant 1 : i32
        %select_n3A_1628 = arith.select %eq3A_1626, %jit3A_1627, %jit3A_1624 : i32
        %rem3A_1629 = arith.remsi %add3A_1620, %select_n3A_1628 : i32
        %ne3A_1630 = arith.constant 0 : i32
        %ne3A_1631 = arith.cmpi ne, %rem3A_1629, %ne3A_1630 : i32
        %lt3A_1632 = arith.constant 0 : i32
        %lt3A_1633 = arith.cmpi slt, %rem3A_1629, %lt3A_1632 : i32
        %lt3A_1634 = arith.constant 0 : i32
        %lt3A_1635 = arith.cmpi slt, %select_n3A_1628, %lt3A_1634 : i32
        %ne3A_1636 = arith.xori %lt3A_1633, %lt3A_1635 : i1
        %and3A_1637 = arith.andi %ne3A_1636, %ne3A_1631 : i1
        %add3A_1638 = arith.addi %rem3A_1629, %select_n3A_1628 : i32
        %select_n3A_1639 = arith.select %and3A_1637, %add3A_1638, %rem3A_1629 : i32
        %jit3A_1640 = arith.constant 3 : i32
        %eq3A_1641 = arith.constant 0 : i32
        %eq3A_1642 = arith.cmpi eq, %jit3A_1640, %eq3A_1641 : i32
        %jit3A_1643 = arith.constant 1 : i32
        %select_n3A_1644 = arith.select %eq3A_1642, %jit3A_1643, %jit3A_1640 : i32
        %rem3A_1645 = arith.remsi %add3A_1620, %select_n3A_1644 : i32
        %ne3A_1646 = arith.constant 0 : i32
        %ne3A_1647 = arith.cmpi ne, %rem3A_1645, %ne3A_1646 : i32
        %lt3A_1648 = arith.constant 0 : i32
        %lt3A_1649 = arith.cmpi slt, %rem3A_1645, %lt3A_1648 : i32
        %lt3A_1650 = arith.constant 0 : i32
        %lt3A_1651 = arith.cmpi slt, %select_n3A_1644, %lt3A_1650 : i32
        %ne3A_1652 = arith.xori %lt3A_1649, %lt3A_1651 : i1
        %and3A_1653 = arith.andi %ne3A_1652, %ne3A_1647 : i1
        %add3A_1654 = arith.addi %rem3A_1645, %select_n3A_1644 : i32
        %select_n3A_1655 = arith.select %and3A_1653, %add3A_1654, %rem3A_1645 : i32
        %dma_start3A_1656 = arith.constant 0 : i32
        %dma_start3A_1657 = tpu.memref_slice %arg10[%select_n3A_1639, %dma_start3A_1656] : memref<3x80xi32, #tpu.memory_space<vmem>> -> memref<1x80xi32, #tpu.memory_space<vmem>>
        %dma_start3A_1658 = tpu.memref_squeeze %dma_start3A_1657 : memref<1x80xi32, #tpu.memory_space<vmem>> -> memref<80xi32, #tpu.memory_space<vmem>>
        %dma_start3A_1659 = tpu.memref_slice %arg6[%add3A_1623] : memref<320000xi32, #tpu.memory_space<hbm>> -> memref<80xi32, #tpu.memory_space<hbm>>
        %dma_start3A_1660 = tpu.memref_slice %arg14[%select_n3A_1655] : memref<3x!tpu.dma_semaphore, #tpu.memory_space<semaphore_mem>> -> memref<1x!tpu.dma_semaphore, #tpu.memory_space<semaphore_mem>>
        %dma_start3A_1661 = tpu.memref_squeeze %dma_start3A_1660 : memref<1x!tpu.dma_semaphore, #tpu.memory_space<semaphore_mem>> -> memref<!tpu.dma_semaphore, #tpu.memory_space<semaphore_mem>>
        %dma_start3A_1662 = arith.constant 0 : i32
        %dma_start3A_1663 = tpu.memref_slice %arg10[%select_n3A_1639, %dma_start3A_1662] : memref<3x80xi32, #tpu.memory_space<vmem>> -> memref<1x80xi32, #tpu.memory_space<vmem>>
        %dma_start3A_1664 = tpu.memref_squeeze %dma_start3A_1663 : memref<1x80xi32, #tpu.memory_space<vmem>> -> memref<80xi32, #tpu.memory_space<vmem>>
        %dma_start3A_1665 = tpu.memref_slice %arg6[%add3A_1623] : memref<320000xi32, #tpu.memory_space<hbm>> -> memref<80xi32, #tpu.memory_space<hbm>>
        tpu.enqueue_dma source(%dma_start3A_1665 : memref<80xi32, #tpu.memory_space<hbm>>) target(%dma_start3A_1664 : memref<80xi32, #tpu.memory_space<vmem>>) target_semaphore(%dma_start3A_1661 : memref<!tpu.dma_semaphore, #tpu.memory_space<semaphore_mem>>)
      } else {
      }
      %parallel_loop3A_1563 = arith.constant 40 : i32
      %parallel_loop3A_1564 = arith.constant 80 : i32
      %parallel_loop3A_1565 = arith.constant 1 : i32
      scf.for %parallel_loop3A_1594 = %parallel_loop3A_1563 to %parallel_loop3A_1564 step %parallel_loop3A_1565  : i32 {
        %parallel_loop3A_1595 = arith.index_cast %select_n3A_1465 : i32 to index
        %parallel_loop3A_1596 = arith.index_cast %parallel_loop3A_1594 : i32 to index
        %parallel_loop3A_1597 = arith.constant 0 : index
        %parallel_loop3A_1598 = tpu.vector_load %arg11[%parallel_loop3A_1595, %parallel_loop3A_1596, %parallel_loop3A_1597] {strides = array<i32>} : memref<2x80x128xf32, #tpu.memory_space<vmem>>, vector<1x1x16xf32>,
        %parallel_loop3A_1599 = vector.shape_cast %parallel_loop3A_1598 : vector<1x1x16xf32> to vector<16xf32>
        %parallel_loop3A_1600 = arith.constant 0.000000e+00 : f32
        %parallel_loop3A_1601 = vector.broadcast %parallel_loop3A_1600 : f32 to vector<16xf32>
        %parallel_loop3A_1602 = arith.maximumf %parallel_loop3A_1599, %parallel_loop3A_1601 : vector<16xf32>
        %parallel_loop3A_1603 = arith.index_cast %select_n3A_1465 : i32 to index
        %parallel_loop3A_1604 = arith.index_cast %parallel_loop3A_1594 : i32 to index
        %parallel_loop3A_1605 = arith.constant 0 : index
        %parallel_loop3A_1606 = tpu.vector_load %arg11[%parallel_loop3A_1603, %parallel_loop3A_1604, %parallel_loop3A_1605] {strides = array<i32>} : memref<2x80x128xf32, #tpu.memory_space<vmem>>, vector<1x1x16xf32>,
        %parallel_loop3A_1607 = vector.shape_cast %parallel_loop3A_1606 : vector<1x1x16xf32> to vector<16xf32>
        %parallel_loop3A_1608 = vector.shape_cast %parallel_loop3A_1602 : vector<16xf32> to vector<1x1x16xf32>
        tpu.vector_store %arg11[%parallel_loop3A_1603, %parallel_loop3A_1604, %parallel_loop3A_1605], %parallel_loop3A_1608 {strides = array<i32>} : memref<2x80x128xf32, #tpu.memory_space<vmem>>, vector<1x1x16xf32>,
        %parallel_loop3A_1609 = arith.index_cast %select_n3A_1465 : i32 to index
        %parallel_loop3A_1610 = arith.index_cast %parallel_loop3A_1594 : i32 to index
        %parallel_loop3A_1611 = arith.constant 16 : index
        %parallel_loop3A_1612 = tpu.vector_load %arg11[%parallel_loop3A_1609, %parallel_loop3A_1610, %parallel_loop3A_1611] {strides = array<i32>} : memref<2x80x128xf32, #tpu.memory_space<vmem>>, vector<1x1x16xf32>,
        %parallel_loop3A_1613 = vector.shape_cast %parallel_loop3A_1612 : vector<1x1x16xf32> to vector<16xf32>
        %parallel_loop3A_1614 = arith.constant 0.000000e+00 : f32
        %parallel_loop3A_1615 = vector.broadcast %parallel_loop3A_1614 : f32 to vector<16xf32>
        %parallel_loop3A_1616 = arith.maximumf %parallel_loop3A_1613, %parallel_loop3A_1615 : vector<16xf32>
        %parallel_loop3A_1617 = arith.index_cast %select_n3A_1465 : i32 to index
        %parallel_loop3A_1618 = arith.index_cast %parallel_loop3A_1594 : i32 to index
        %parallel_loop3A_1619 = arith.constant 16 : index
        %parallel_loop3A_1620 = tpu.vector_load %arg11[%parallel_loop3A_1617, %parallel_loop3A_1618, %parallel_loop3A_1619] {strides = array<i32>} : memref<2x80x128xf32, #tpu.memory_space<vmem>>, vector<1x1x16xf32>,
        %parallel_loop3A_1621 = vector.shape_cast %parallel_loop3A_1620 : vector<1x1x16xf32> to vector<16xf32>
        %parallel_loop3A_1622 = vector.shape_cast %parallel_loop3A_1616 : vector<16xf32> to vector<1x1x16xf32>
        tpu.vector_store %arg11[%parallel_loop3A_1617, %parallel_loop3A_1618, %parallel_loop3A_1619], %parallel_loop3A_1622 {strides = array<i32>} : memref<2x80x128xf32, #tpu.memory_space<vmem>>, vector<1x1x16xf32>,
        %parallel_loop3A_1623 = arith.index_cast %select_n3A_1465 : i32 to index
        %parallel_loop3A_1624 = arith.index_cast %parallel_loop3A_1594 : i32 to index
        %parallel_loop3A_1625 = arith.constant 32 : index
        %parallel_loop3A_1626 = tpu.vector_load %arg11[%parallel_loop3A_1623, %parallel_loop3A_1624, %parallel_loop3A_1625] {strides = array<i32>} : memref<2x80x128xf32, #tpu.memory_space<vmem>>, vector<1x1x16xf32>,
        %parallel_loop3A_1627 = vector.shape_cast %parallel_loop3A_1626 : vector<1x1x16xf32> to vector<16xf32>
        %parallel_loop3A_1628 = arith.constant 0.000000e+00 : f32
        %parallel_loop3A_1629 = vector.broadcast %parallel_loop3A_1628 : f32 to vector<16xf32>
        %parallel_loop3A_1630 = arith.maximumf %parallel_loop3A_1627, %parallel_loop3A_1629 : vector<16xf32>
        %parallel_loop3A_1631 = arith.index_cast %select_n3A_1465 : i32 to index
        %parallel_loop3A_1632 = arith.index_cast %parallel_loop3A_1594 : i32 to index
        %parallel_loop3A_1633 = arith.constant 32 : index
        %parallel_loop3A_1634 = tpu.vector_load %arg11[%parallel_loop3A_1631, %parallel_loop3A_1632, %parallel_loop3A_1633] {strides = array<i32>} : memref<2x80x128xf32, #tpu.memory_space<vmem>>, vector<1x1x16xf32>,
        %parallel_loop3A_1635 = vector.shape_cast %parallel_loop3A_1634 : vector<1x1x16xf32> to vector<16xf32>
        %parallel_loop3A_1636 = vector.shape_cast %parallel_loop3A_1630 : vector<16xf32> to vector<1x1x16xf32>
        tpu.vector_store %arg11[%parallel_loop3A_1631, %parallel_loop3A_1632, %parallel_loop3A_1633], %parallel_loop3A_1636 {strides = array<i32>} : memref<2x80x128xf32, #tpu.memory_space<vmem>>, vector<1x1x16xf32>,
        %parallel_loop3A_1637 = arith.index_cast %select_n3A_1465 : i32 to index
        %parallel_loop3A_1638 = arith.index_cast %parallel_loop3A_1594 : i32 to index
        %parallel_loop3A_1639 = arith.constant 48 : index
        %parallel_loop3A_1640 = tpu.vector_load %arg11[%parallel_loop3A_1637, %parallel_loop3A_1638, %parallel_loop3A_1639] {strides = array<i32>} : memref<2x80x128xf32, #tpu.memory_space<vmem>>, vector<1x1x16xf32>,
        %parallel_loop3A_1641 = vector.shape_cast %parallel_loop3A_1640 : vector<1x1x16xf32> to vector<16xf32>
        %parallel_loop3A_1642 = arith.constant 0.000000e+00 : f32
        %parallel_loop3A_1643 = vector.broadcast %parallel_loop3A_1642 : f32 to vector<16xf32>
        %parallel_loop3A_1644 = arith.maximumf %parallel_loop3A_1641, %parallel_loop3A_1643 : vector<16xf32>
        %parallel_loop3A_1645 = arith.index_cast %select_n3A_1465 : i32 to index
        %parallel_loop3A_1646 = arith.index_cast %parallel_loop3A_1594 : i32 to index
        %parallel_loop3A_1647 = arith.constant 48 : index
        %parallel_loop3A_1648 = tpu.vector_load %arg11[%parallel_loop3A_1645, %parallel_loop3A_1646, %parallel_loop3A_1647] {strides = array<i32>} : memref<2x80x128xf32, #tpu.memory_space<vmem>>, vector<1x1x16xf32>,
        %parallel_loop3A_1649 = vector.shape_cast %parallel_loop3A_1648 : vector<1x1x16xf32> to vector<16xf32>
        %parallel_loop3A_1650 = vector.shape_cast %parallel_loop3A_1644 : vector<16xf32> to vector<1x1x16xf32>
        tpu.vector_store %arg11[%parallel_loop3A_1645, %parallel_loop3A_1646, %parallel_loop3A_1647], %parallel_loop3A_1650 {strides = array<i32>} : memref<2x80x128xf32, #tpu.memory_space<vmem>>, vector<1x1x16xf32>,
        %parallel_loop3A_1651 = arith.index_cast %select_n3A_1465 : i32 to index
        %parallel_loop3A_1652 = arith.index_cast %parallel_loop3A_1594 : i32 to index
        %parallel_loop3A_1653 = arith.constant 64 : index
        %parallel_loop3A_1654 = tpu.vector_load %arg11[%parallel_loop3A_1651, %parallel_loop3A_1652, %parallel_loop3A_1653] {strides = array<i32>} : memref<2x80x128xf32, #tpu.memory_space<vmem>>, vector<1x1x16xf32>,
        %parallel_loop3A_1655 = vector.shape_cast %parallel_loop3A_1654 : vector<1x1x16xf32> to vector<16xf32>
        %parallel_loop3A_1656 = arith.constant 0.000000e+00 : f32
        %parallel_loop3A_1657 = vector.broadcast %parallel_loop3A_1656 : f32 to vector<16xf32>
        %parallel_loop3A_1658 = arith.maximumf %parallel_loop3A_1655, %parallel_loop3A_1657 : vector<16xf32>
        %parallel_loop3A_1659 = arith.index_cast %select_n3A_1465 : i32 to index
        %parallel_loop3A_1660 = arith.index_cast %parallel_loop3A_1594 : i32 to index
        %parallel_loop3A_1661 = arith.constant 64 : index
        %parallel_loop3A_1662 = tpu.vector_load %arg11[%parallel_loop3A_1659, %parallel_loop3A_1660, %parallel_loop3A_1661] {strides = array<i32>} : memref<2x80x128xf32, #tpu.memory_space<vmem>>, vector<1x1x16xf32>,
        %parallel_loop3A_1663 = vector.shape_cast %parallel_loop3A_1662 : vector<1x1x16xf32> to vector<16xf32>
        %parallel_loop3A_1664 = vector.shape_cast %parallel_loop3A_1658 : vector<16xf32> to vector<1x1x16xf32>
        tpu.vector_store %arg11[%parallel_loop3A_1659, %parallel_loop3A_1660, %parallel_loop3A_1661], %parallel_loop3A_1664 {strides = array<i32>} : memref<2x80x128xf32, #tpu.memory_space<vmem>>, vector<1x1x16xf32>,
        %parallel_loop3A_1665 = arith.index_cast %select_n3A_1465 : i32 to index
        %parallel_loop3A_1666 = arith.index_cast %parallel_loop3A_1594 : i32 to index
        %parallel_loop3A_1667 = arith.constant 80 : index
        %parallel_loop3A_1668 = tpu.vector_load %arg11[%parallel_loop3A_1665, %parallel_loop3A_1666, %parallel_loop3A_1667] {strides = array<i32>} : memref<2x80x128xf32, #tpu.memory_space<vmem>>, vector<1x1x16xf32>,
        %parallel_loop3A_1669 = vector.shape_cast %parallel_loop3A_1668 : vector<1x1x16xf32> to vector<16xf32>
        %parallel_loop3A_1670 = arith.constant 0.000000e+00 : f32
        %parallel_loop3A_1671 = vector.broadcast %parallel_loop3A_1670 : f32 to vector<16xf32>
        %parallel_loop3A_1672 = arith.maximumf %parallel_loop3A_1669, %parallel_loop3A_1671 : vector<16xf32>
        %parallel_loop3A_1673 = arith.index_cast %select_n3A_1465 : i32 to index
        %parallel_loop3A_1674 = arith.index_cast %parallel_loop3A_1594 : i32 to index
        %parallel_loop3A_1675 = arith.constant 80 : index
        %parallel_loop3A_1676 = tpu.vector_load %arg11[%parallel_loop3A_1673, %parallel_loop3A_1674, %parallel_loop3A_1675] {strides = array<i32>} : memref<2x80x128xf32, #tpu.memory_space<vmem>>, vector<1x1x16xf32>,
        %parallel_loop3A_1677 = vector.shape_cast %parallel_loop3A_1676 : vector<1x1x16xf32> to vector<16xf32>
        %parallel_loop3A_1678 = vector.shape_cast %parallel_loop3A_1672 : vector<16xf32> to vector<1x1x16xf32>
        tpu.vector_store %arg11[%parallel_loop3A_1673, %parallel_loop3A_1674, %parallel_loop3A_1675], %parallel_loop3A_1678 {strides = array<i32>} : memref<2x80x128xf32, #tpu.memory_space<vmem>>, vector<1x1x16xf32>,
        %parallel_loop3A_1679 = arith.index_cast %select_n3A_1465 : i32 to index
        %parallel_loop3A_1680 = arith.index_cast %parallel_loop3A_1594 : i32 to index
        %parallel_loop3A_1681 = arith.constant 96 : index
        %parallel_loop3A_1682 = tpu.vector_load %arg11[%parallel_loop3A_1679, %parallel_loop3A_1680, %parallel_loop3A_1681] {strides = array<i32>} : memref<2x80x128xf32, #tpu.memory_space<vmem>>, vector<1x1x16xf32>,
        %parallel_loop3A_1683 = vector.shape_cast %parallel_loop3A_1682 : vector<1x1x16xf32> to vector<16xf32>
        %parallel_loop3A_1684 = arith.constant 0.000000e+00 : f32
        %parallel_loop3A_1685 = vector.broadcast %parallel_loop3A_1684 : f32 to vector<16xf32>
        %parallel_loop3A_1686 = arith.maximumf %parallel_loop3A_1683, %parallel_loop3A_1685 : vector<16xf32>
        %parallel_loop3A_1687 = arith.index_cast %select_n3A_1465 : i32 to index
        %parallel_loop3A_1688 = arith.index_cast %parallel_loop3A_1594 : i32 to index
        %parallel_loop3A_1689 = arith.constant 96 : index
        %parallel_loop3A_1690 = tpu.vector_load %arg11[%parallel_loop3A_1687, %parallel_loop3A_1688, %parallel_loop3A_1689] {strides = array<i32>} : memref<2x80x128xf32, #tpu.memory_space<vmem>>, vector<1x1x16xf32>,
        %parallel_loop3A_1691 = vector.shape_cast %parallel_loop3A_1690 : vector<1x1x16xf32> to vector<16xf32>
        %parallel_loop3A_1692 = vector.shape_cast %parallel_loop3A_1686 : vector<16xf32> to vector<1x1x16xf32>
        tpu.vector_store %arg11[%parallel_loop3A_1687, %parallel_loop3A_1688, %parallel_loop3A_1689], %parallel_loop3A_1692 {strides = array<i32>} : memref<2x80x128xf32, #tpu.memory_space<vmem>>, vector<1x1x16xf32>,
        %parallel_loop3A_1693 = arith.index_cast %select_n3A_1465 : i32 to index
        %parallel_loop3A_1694 = arith.index_cast %parallel_loop3A_1594 : i32 to index
        %parallel_loop3A_1695 = arith.constant 112 : index
        %parallel_loop3A_1696 = tpu.vector_load %arg11[%parallel_loop3A_1693, %parallel_loop3A_1694, %parallel_loop3A_1695] {strides = array<i32>} : memref<2x80x128xf32, #tpu.memory_space<vmem>>, vector<1x1x16xf32>,
        %parallel_loop3A_1697 = vector.shape_cast %parallel_loop3A_1696 : vector<1x1x16xf32> to vector<16xf32>
        %parallel_loop3A_1698 = arith.constant 0.000000e+00 : f32
        %parallel_loop3A_1699 = vector.broadcast %parallel_loop3A_1698 : f32 to vector<16xf32>
        %parallel_loop3A_1700 = arith.maximumf %parallel_loop3A_1697, %parallel_loop3A_1699 : vector<16xf32>
        %parallel_loop3A_1701 = arith.index_cast %select_n3A_1465 : i32 to index
        %parallel_loop3A_1702 = arith.index_cast %parallel_loop3A_1594 : i32 to index
        %parallel_loop3A_1703 = arith.constant 112 : index
        %parallel_loop3A_1704 = tpu.vector_load %arg11[%parallel_loop3A_1701, %parallel_loop3A_1702, %parallel_loop3A_1703] {strides = array<i32>} : memref<2x80x128xf32, #tpu.memory_space<vmem>>, vector<1x1x16xf32>,
        %parallel_loop3A_1705 = vector.shape_cast %parallel_loop3A_1704 : vector<1x1x16xf32> to vector<16xf32>
        %parallel_loop3A_1706 = vector.shape_cast %parallel_loop3A_1700 : vector<16xf32> to vector<1x1x16xf32>
        tpu.vector_store %arg11[%parallel_loop3A_1701, %parallel_loop3A_1702, %parallel_loop3A_1703], %parallel_loop3A_1706 {strides = array<i32>} : memref<2x80x128xf32, #tpu.memory_space<vmem>>, vector<1x1x16xf32>,
      } {sc.loop_unroll_factor = 8 : i64, sc.parallel_access}
      %jit3A_1566 = arith.constant 3 : i32
      %eq3A_1567 = arith.constant 0 : i32
      %eq3A_1568 = arith.cmpi eq, %jit3A_1566, %eq3A_1567 : i32
      %jit3A_1569 = arith.constant 1 : i32
      %select_n3A_1570 = arith.select %eq3A_1568, %jit3A_1569, %jit3A_1566 : i32
      %rem3A_1571 = arith.remsi %add3A_1455, %select_n3A_1570 : i32
      %ne3A_1572 = arith.constant 0 : i32
      %ne3A_1573 = arith.cmpi ne, %rem3A_1571, %ne3A_1572 : i32
      %lt3A_1574 = arith.constant 0 : i32
      %lt3A_1575 = arith.cmpi slt, %rem3A_1571, %lt3A_1574 : i32
      %lt3A_1576 = arith.constant 0 : i32
      %lt3A_1577 = arith.cmpi slt, %select_n3A_1570, %lt3A_1576 : i32
      %ne3A_1578 = arith.xori %lt3A_1575, %lt3A_1577 : i1
      %and3A_1579 = arith.andi %ne3A_1578, %ne3A_1573 : i1
      %add3A_1580 = arith.addi %rem3A_1571, %select_n3A_1570 : i32
      %select_n3A_1581 = arith.select %and3A_1579, %add3A_1580, %rem3A_1571 : i32
      %dma_start3A_1582 = arith.constant 0 : i32
      %dma_start3A_1583 = arith.constant 0 : i32
      %dma_start3A_1584 = tpu.memref_slice %arg11[%select_n3A_1465, %dma_start3A_1582, %dma_start3A_1583] : memref<2x80x128xf32, #tpu.memory_space<vmem>> -> memref<1x80x128xf32, #tpu.memory_space<vmem>>
      %dma_start3A_1585 = tpu.memref_squeeze %dma_start3A_1584 : memref<1x80x128xf32, #tpu.memory_space<vmem>> -> memref<80x128xf32, #tpu.memory_space<vmem>>
      %dma_start3A_1586 = arith.constant 0 : i32
      %dma_start3A_1587 = tpu.memref_slice %arg10[%select_n3A_1581, %dma_start3A_1586] : memref<3x80xi32, #tpu.memory_space<vmem>> -> memref<1x80xi32, #tpu.memory_space<vmem>>
      %dma_start3A_1588 = tpu.memref_squeeze %dma_start3A_1587 : memref<1x80xi32, #tpu.memory_space<vmem>> -> memref<80xi32, #tpu.memory_space<vmem>>
      %dma_start3A_1589 = arith.constant 0 : i32
      %dma_start3A_1590 = arith.constant 0 : i32
      %dma_start3A_1591 = tpu.memref_slice %arg12[%dma_start3A_1589, %dma_start3A_1590] : memref<10000x128xf32, #tpu.memory_space<vmem_shared>> -> memref<10000x128xf32, #tpu.memory_space<vmem_shared>>
      %dma_start3A_1592 = tpu.memref_slice %arg18[%select_n3A_1465] : memref<2x!tpu.dma_semaphore, #tpu.memory_space<semaphore_mem>> -> memref<1x!tpu.dma_semaphore, #tpu.memory_space<semaphore_mem>>
      %dma_start3A_1593 = tpu.memref_squeeze %dma_start3A_1592 : memref<1x!tpu.dma_semaphore, #tpu.memory_space<semaphore_mem>> -> memref<!tpu.dma_semaphore, #tpu.memory_space<semaphore_mem>>
      tpu.enqueue_indirect_dma source(%dma_start3A_1585 : memref<80x128xf32, #tpu.memory_space<vmem>>) target(%dma_start3A_1591 : memref<10000x128xf32, #tpu.memory_space<vmem_shared>>) offsets(%dma_start3A_1588 : memref<80xi32, #tpu.memory_space<vmem>>) semaphore(%dma_start3A_1593 : memref<!tpu.dma_semaphore, #tpu.memory_space<semaphore_mem>>) {add = true}
    }
    %scan3A_1429 = arith.constant 125 : i32
    %dma_wait3A_1430 = arith.constant 0 : i32
    %dma_wait3A_1431 = arith.constant 1 : i32
    %dma_wait3A_1432 = arith.constant 0 : i32
    %dma_wait3A_1433 = arith.constant 0 : i32
    %dma_wait3A_1434 = arith.constant 0 : i32
    %dma_wait3A_1435 = tpu.memref_slice %arg11[%dma_wait3A_1430, %dma_wait3A_1433, %dma_wait3A_1434] : memref<2x80x128xf32, #tpu.memory_space<vmem>> -> memref<1x80x128xf32, #tpu.memory_space<vmem>>
    %dma_wait3A_1436 = tpu.memref_squeeze %dma_wait3A_1435 : memref<1x80x128xf32, #tpu.memory_space<vmem>> -> memref<80x128xf32, #tpu.memory_space<vmem>>
    %dma_wait3A_1437 = arith.constant 0 : i32
    %dma_wait3A_1438 = tpu.memref_slice %arg10[%dma_wait3A_1431, %dma_wait3A_1437] : memref<3x80xi32, #tpu.memory_space<vmem>> -> memref<1x80xi32, #tpu.memory_space<vmem>>
    %dma_wait3A_1439 = tpu.memref_squeeze %dma_wait3A_1438 : memref<1x80xi32, #tpu.memory_space<vmem>> -> memref<80xi32, #tpu.memory_space<vmem>>
    %dma_wait3A_1440 = arith.constant 0 : i32
    %dma_wait3A_1441 = arith.constant 0 : i32
    %dma_wait3A_1442 = tpu.memref_slice %arg12[%dma_wait3A_1440, %dma_wait3A_1441] : memref<10000x128xf32, #tpu.memory_space<vmem_shared>> -> memref<10000x128xf32, #tpu.memory_space<vmem_shared>>
    %dma_wait3A_1443 = tpu.memref_slice %arg18[%dma_wait3A_1432] : memref<2x!tpu.dma_semaphore, #tpu.memory_space<semaphore_mem>> -> memref<1x!tpu.dma_semaphore, #tpu.memory_space<semaphore_mem>>
    %dma_wait3A_1444 = tpu.memref_squeeze %dma_wait3A_1443 : memref<1x!tpu.dma_semaphore, #tpu.memory_space<semaphore_mem>> -> memref<!tpu.dma_semaphore, #tpu.memory_space<semaphore_mem>>
    tpu.wait_indirect_dma semaphore(%dma_wait3A_1444 : memref<!tpu.dma_semaphore, #tpu.memory_space<semaphore_mem>>) src(%dma_wait3A_1436 : memref<80x128xf32, #tpu.memory_space<vmem>>) dst(%dma_wait3A_1442 : memref<10000x128xf32, #tpu.memory_space<vmem_shared>>)
    %barrier3A_1445 = arith.constant 0 : index
    tpu.barrier barrier_id(%barrier3A_1445)
    "tpu.region"() ({
      %run_scoped3A = tpu.sem_alloc : memref<!tpu.dma_semaphore, #tpu.memory_space<semaphore_mem>>
      %dma_start3A_1451 = arith.constant 0 : i32
      %dma_start3A_1452 = tpu.memref_slice %arg7[%arg0, %mul3A_1280, %dma_start3A_1451] : memref<2x10000x128xf32, #tpu.memory_space<hbm>> -> memref<1x624x128xf32, #tpu.memory_space<hbm>>
      %dma_start3A_1453 = tpu.memref_squeeze %dma_start3A_1452 : memref<1x624x128xf32, #tpu.memory_space<hbm>> -> memref<624x128xf32, #tpu.memory_space<hbm>>
      %dma_start3A_1454 = arith.constant 0 : i32
      %dma_start3A_1455 = tpu.memref_slice %arg12[%mul3A_1280, %dma_start3A_1454] : memref<10000x128xf32, #tpu.memory_space<vmem_shared>> -> memref<624x128xf32, #tpu.memory_space<vmem_shared>>
      tpu.enqueue_dma source(%dma_start3A_1455 : memref<624x128xf32, #tpu.memory_space<vmem_shared>>) target(%dma_start3A_1453 : memref<624x128xf32, #tpu.memory_space<hbm>>) target_semaphore(%run_scoped3A : memref<!tpu.dma_semaphore, #tpu.memory_space<semaphore_mem>>)
      %dma_wait3A_1456 = arith.constant 0 : i32
      %dma_wait3A_1457 = tpu.memref_slice %arg7[%arg0, %mul3A_1280, %dma_wait3A_1456] : memref<2x10000x128xf32, #tpu.memory_space<hbm>> -> memref<1x624x128xf32, #tpu.memory_space<hbm>>
      %dma_wait3A_1458 = tpu.memref_squeeze %dma_wait3A_1457 : memref<1x624x128xf32, #tpu.memory_space<hbm>> -> memref<624x128xf32, #tpu.memory_space<hbm>>
      %dma_wait3A_1459 = arith.constant 0 : i32
      %dma_wait3A_1460 = tpu.memref_slice %arg12[%mul3A_1280, %dma_wait3A_1459] : memref<10000x128xf32, #tpu.memory_space<vmem_shared>> -> memref<624x128xf32, #tpu.memory_space<vmem_shared>>
      tpu.wait_dma2 semaphore(%run_scoped3A : memref<!tpu.dma_semaphore, #tpu.memory_space<semaphore_mem>>) src(%dma_wait3A_1460 : memref<624x128xf32, #tpu.memory_space<vmem_shared>>) dst(%dma_wait3A_1458 : memref<624x128xf32, #tpu.memory_space<hbm>>)
      tpu.yield
    }) : () -> ()
    %eq3A_1446 = arith.constant 15 : i32
    %eq3A_1447 = arith.cmpi eq, %arg1, %eq3A_1446 : i32
    %convert_element_type3A_1448 = arith.extui %eq3A_1447 : i1 to i32
    %cond3A_1449 = arith.constant 0 : i32
    %cond3A_1450 = arith.cmpi ne, %convert_element_type3A_1448, %cond3A_1449 : i32
    scf.if %cond3A_1450 {
      "tpu.region"() ({
        %run_scoped3A = tpu.sem_alloc : memref<!tpu.dma_semaphore, #tpu.memory_space<semaphore_mem>>
        %dma_start3A_1451 = arith.constant 9984 : i32
        %dma_start3A_1452 = arith.constant 0 : i32
        %dma_start3A_1453 = tpu.memref_slice %arg7[%arg0, %dma_start3A_1451, %dma_start3A_1452] : memref<2x10000x128xf32, #tpu.memory_space<hbm>> -> memref<1x16x128xf32, #tpu.memory_space<hbm>>
        %dma_start3A_1454 = tpu.memref_squeeze %dma_start3A_1453 : memref<1x16x128xf32, #tpu.memory_space<hbm>> -> memref<16x128xf32, #tpu.memory_space<hbm>>
        %dma_start3A_1455 = arith.constant 9984 : i32
        %dma_start3A_1456 = arith.constant 0 : i32
        %dma_start3A_1457 = tpu.memref_slice %arg12[%dma_start3A_1455, %dma_start3A_1456] : memref<10000x128xf32, #tpu.memory_space<vmem_shared>> -> memref<16x128xf32, #tpu.memory_space<vmem_shared>>
        tpu.enqueue_dma source(%dma_start3A_1457 : memref<16x128xf32, #tpu.memory_space<vmem_shared>>) target(%dma_start3A_1454 : memref<16x128xf32, #tpu.memory_space<hbm>>) target_semaphore(%run_scoped3A : memref<!tpu.dma_semaphore, #tpu.memory_space<semaphore_mem>>)
        %dma_wait3A_1458 = arith.constant 9984 : i32
        %dma_wait3A_1459 = arith.constant 0 : i32
        %dma_wait3A_1460 = tpu.memref_slice %arg7[%arg0, %dma_wait3A_1458, %dma_wait3A_1459] : memref<2x10000x128xf32, #tpu.memory_space<hbm>> -> memref<1x16x128xf32, #tpu.memory_space<hbm>>
        %dma_wait3A_1461 = tpu.memref_squeeze %dma_wait3A_1460 : memref<1x16x128xf32, #tpu.memory_space<hbm>> -> memref<16x128xf32, #tpu.memory_space<hbm>>
        %dma_wait3A_1462 = arith.constant 9984 : i32
        %dma_wait3A_1463 = arith.constant 0 : i32
        %dma_wait3A_1464 = tpu.memref_slice %arg12[%dma_wait3A_1462, %dma_wait3A_1463] : memref<10000x128xf32, #tpu.memory_space<vmem_shared>> -> memref<16x128xf32, #tpu.memory_space<vmem_shared>>
        tpu.wait_dma2 semaphore(%run_scoped3A : memref<!tpu.dma_semaphore, #tpu.memory_space<semaphore_mem>>) src(%dma_wait3A_1464 : memref<16x128xf32, #tpu.memory_space<vmem_shared>>) dst(%dma_wait3A_1461 : memref<16x128xf32, #tpu.memory_space<hbm>>)
        tpu.yield
      }) : () -> ()
    } else {
    }
    return
  }
}

module attributes {stable_mosaic.version = 14 : i64} {
  func.func @_xe_body(%arg0: i32, %arg1: memref<1000x128xf32, #tpu.memory_space<vmem>>, %arg2: memref<128x236xf32, #tpu.memory_space<vmem>>, %arg3: memref<1000x128xf32, #tpu.memory_space<vmem>>) attributes {dimension_semantics = [#tpu.dimension_semantics<arbitrary>], iteration_bounds = array<i64: 10>, scalar_prefetch = 0 : i64, scratch_operands = 0 : i64, tpu.core_type = #tpu.core_type<tc>, window_params = [{transform_indices = @transform_0, window_bounds = array<i64: 1000, 128>}, {pipeline_mode = #tpu.pipeline_mode<synchronous>, transform_indices = @transform_1, window_bounds = array<i64: 128, 236>}, {transform_indices = @transform_2, window_bounds = array<i64: 1000, 128>}]} {
    %get3A = arith.constant 0 : index
    %get3A_0 = arith.constant 0 : index
    %get3A_1 = vector.load %arg2[%get3A, %get3A_0] : memref<128x236xf32, #tpu.memory_space<vmem>>, vector<128x236xf32>
    %slice3A = vector.extract_strided_slice %get3A_1 {offsets = [0, 0], sizes = [128, 128], strides = [1, 1]} : vector<128x236xf32> to vector<128x128xf32>
    %get3A_2 = arith.constant 0 : index
    %get3A_3 = arith.constant 0 : index
    %get3A_4 = vector.load %arg1[%get3A_2, %get3A_3] : memref<1000x128xf32, #tpu.memory_space<vmem>>, vector<1000x128xf32>
    %dot_general3A = arith.constant dense<0.000000e+00> : vector<1000x128xf32>
    %dot_general3A_5 = tpu.matmul %get3A_4, %slice3A, %dot_general3A {dimension_numbers = #tpu.dot_dimension_numbers<[1], [1], [0], [0], [0, 0, 1, 0], [], []>, transpose_lhs_hint = false} : vector<1000x128xf32>, vector<128x128xf32>, vector<1000x128xf32> -> vector<1000x128xf32>
    %swap3A = arith.constant 0 : index
    %swap3A_6 = arith.constant 0 : index
    %swap3A_7 = vector.load %arg3[%swap3A, %swap3A_6] : memref<1000x128xf32, #tpu.memory_space<vmem>>, vector<1000x128xf32>
    tpu.vector_store %arg3[%swap3A, %swap3A_6], %dot_general3A_5 {strides = array<i32>} : memref<1000x128xf32, #tpu.memory_space<vmem>>, vector<1000x128xf32>,
    return
  }
  func.func @transform_0(%arg0: i32) -> (i32, i32) {
    %c0_i32 = arith.constant 0 : i32
    %c0_i32_0 = arith.constant 0 : i32
    return %arg0, %c0_i32 : i32, i32
  }
  func.func @transform_1(%arg0: i32) -> (i32, i32) {
    %c0_i32 = arith.constant 0 : i32
    %c0_i32_0 = arith.constant 0 : i32
    %c0_i32_1 = arith.constant 0 : i32
    return %c0_i32, %c0_i32_0 : i32, i32
  }
  func.func @transform_2(%arg0: i32) -> (i32, i32) {
    %c0_i32 = arith.constant 0 : i32
    %c0_i32_0 = arith.constant 0 : i32
    return %arg0, %c0_i32 : i32, i32
  }
}

module attributes {stable_mosaic.version = 14 : i64} {
  func.func @_etype_body(%arg0: i32, %arg1: memref<108x16000xf32, #tpu.memory_space<vmem>>, %arg2: memref<320000xi32, #tpu.memory_space<vmem>>) attributes {dimension_semantics = [#tpu.dimension_semantics<arbitrary>], iteration_bounds = array<i64: 20>, scalar_prefetch = 0 : i64, scratch_operands = 0 : i64, tpu.core_type = #tpu.core_type<tc>, window_params = [{transform_indices = @transform_0, window_bounds = array<i64: 108, 16000>}, {pipeline_mode = #tpu.pipeline_mode<synchronous>, transform_indices = @transform_1, window_bounds = array<i64: 320000>}]} {
    %get3A = arith.constant 0 : index
    %get3A_0 = arith.constant 0 : index
    %get3A_1 = vector.load %arg1[%get3A, %get3A_0] : memref<108x16000xf32, #tpu.memory_space<vmem>>, vector<108x16000xf32>
    %iota3A = tpu.iota {dimensions = array<i32: 1>} : vector<1x108xi32>
    %convert_element_type3A = arith.sitofp %iota3A : vector<1x108xi32> to vector<1x108xf32>
    %dot_general3A = arith.constant dense<0.000000e+00> : vector<1x16000xf32>
    %dot_general3A_2 = tpu.matmul %convert_element_type3A, %get3A_1, %dot_general3A {dimension_numbers = #tpu.dot_dimension_numbers<[1], [0], [0], [1], [0, 0, 1, 1], [], []>, transpose_lhs_hint = false} : vector<1x108xf32>, vector<108x16000xf32>, vector<1x16000xf32> -> vector<1x16000xf32>
    %iota3A_3 = tpu.iota {dimensions = array<i32: 1>} : vector<1x16000xi32>
    %mul3A = arith.constant 16000 : i32
    %mul3A_4 = arith.muli %arg0, %mul3A : i32
    %add3A = vector.broadcast %mul3A_4 : i32 to vector<1x16000xi32>
    %add3A_5 = arith.addi %iota3A_3, %add3A : vector<1x16000xi32>
    %jit3A = arith.constant 10000 : i32
    %div3A = vector.broadcast %jit3A : i32 to vector<1x16000xi32>
    %div3A_6 = arith.divsi %add3A_5, %div3A : vector<1x16000xi32>
    %sign3A = arith.constant 0 : i32
    %sign3A_7 = vector.broadcast %sign3A : i32 to vector<1x16000xi32>
    %sign3A_8 = arith.cmpi sgt, %add3A_5, %sign3A_7 : vector<1x16000xi32>
    %sign3A_9 = arith.extui %sign3A_8 : vector<1x16000xi1> to vector<1x16000xi32>
    %sign3A_10 = arith.constant 0 : i32
    %sign3A_11 = vector.broadcast %sign3A_10 : i32 to vector<1x16000xi32>
    %sign3A_12 = arith.cmpi slt, %add3A_5, %sign3A_11 : vector<1x16000xi32>
    %sign3A_13 = arith.extui %sign3A_12 : vector<1x16000xi1> to vector<1x16000xi32>
    %sign3A_14 = arith.subi %sign3A_9, %sign3A_13 : vector<1x16000xi32>
    %sign3A_15 = arith.constant 0 : i32
    %sign3A_16 = arith.cmpi sgt, %jit3A, %sign3A_15 : i32
    %sign3A_17 = arith.extui %sign3A_16 : i1 to i32
    %sign3A_18 = arith.constant 0 : i32
    %sign3A_19 = arith.cmpi slt, %jit3A, %sign3A_18 : i32
    %sign3A_20 = arith.extui %sign3A_19 : i1 to i32
    %sign3A_21 = arith.subi %sign3A_17, %sign3A_20 : i32
    %ne3A = vector.broadcast %sign3A_21 : i32 to vector<1x16000xi32>
    %ne3A_22 = arith.cmpi ne, %sign3A_14, %ne3A : vector<1x16000xi32>
    %rem3A = vector.broadcast %jit3A : i32 to vector<1x16000xi32>
    %rem3A_23 = arith.remsi %add3A_5, %rem3A : vector<1x16000xi32>
    %ne3A_24 = arith.constant 0 : i32
    %ne3A_25 = vector.broadcast %ne3A_24 : i32 to vector<1x16000xi32>
    %ne3A_26 = arith.cmpi ne, %rem3A_23, %ne3A_25 : vector<1x16000xi32>
    %and3A = arith.andi %ne3A_22, %ne3A_26 : vector<1x16000xi1>
    %sub3A = arith.constant 1 : i32
    %sub3A_27 = vector.broadcast %sub3A : i32 to vector<1x16000xi32>
    %sub3A_28 = arith.subi %div3A_6, %sub3A_27 : vector<1x16000xi32>
    %select_n3A = arith.select %and3A, %sub3A_28, %div3A_6 : vector<1x16000xi1>, vector<1x16000xi32>
    %mul3A_29 = arith.constant 108 : i32
    %mul3A_30 = vector.broadcast %mul3A_29 : i32 to vector<1x16000xi32>
    %mul3A_31 = arith.muli %select_n3A, %mul3A_30 : vector<1x16000xi32>
    %convert_element_type3A_32 = arith.fptosi %dot_general3A_2 : vector<1x16000xf32> to vector<1x16000xi32>
    %add3A_33 = arith.addi %convert_element_type3A_32, %mul3A_31 : vector<1x16000xi32>
    %reshape3A = vector.shape_cast %add3A_33 : vector<1x16000xi32> to vector<16000xi32>
    %mul3A_34 = arith.constant 16000 : i32
    %mul3A_35 = arith.muli %arg0, %mul3A_34 : i32
    %swap3A = arith.index_cast %mul3A_35 : i32 to index
    %swap3A_36 = vector.load %arg2[%swap3A] : memref<320000xi32, #tpu.memory_space<vmem>>, vector<16000xi32>
    tpu.vector_store %arg2[%swap3A], %reshape3A {strides = array<i32>} : memref<320000xi32, #tpu.memory_space<vmem>>, vector<16000xi32>,
    return
  }
  func.func @transform_0(%arg0: i32) -> (i32, i32) {
    %c0_i32 = arith.constant 0 : i32
    %c0_i32_0 = arith.constant 0 : i32
    return %c0_i32, %arg0 : i32, i32
  }
  func.func @transform_1(%arg0: i32) -> i32 {
    %c0_i32 = arith.constant 0 : i32
    %c0_i32_0 = arith.constant 0 : i32
    return %c0_i32 : i32
  }
}

module attributes {stable_mosaic.version = 14 : i64} {
  func.func @_post_body(%arg0: i32, %arg1: i32, %arg2: memref<1x1xf32, #tpu.memory_space<vmem>>, %arg3: memref<1000x128xf32, #tpu.memory_space<vmem>>, %arg4: memref<1000x128xf32, #tpu.memory_space<vmem>>, %arg5: memref<1000x128xf32, #tpu.memory_space<vmem>>, %arg6: memref<128x128xf32, #tpu.memory_space<vmem>>, %arg7: memref<128x128xf32, #tpu.memory_space<vmem>>, %arg8: memref<1x128xf32, #tpu.memory_space<vmem>>, %arg9: memref<1x128xf32, #tpu.memory_space<vmem>>, %arg10: memref<1000x128xf32, #tpu.memory_space<vmem>>, %arg11: memref<10000x128xf32, #tpu.memory_space<vmem>>, %arg12: memref<8x128xf32, #tpu.memory_space<vmem>>) attributes {dimension_semantics = [#tpu.dimension_semantics<arbitrary>, #tpu.dimension_semantics<arbitrary>], iteration_bounds = array<i64: 2, 10>, scalar_prefetch = 0 : i64, scratch_operands = 2 : i64, tpu.core_type = #tpu.core_type<tc>, window_params = [{pipeline_mode = #tpu.pipeline_mode<synchronous>, transform_indices = @transform_0, window_bounds = array<i64: 1, 1>}, {transform_indices = @transform_1, window_bounds = array<i64: 1000, 128>}, {transform_indices = @transform_2, window_bounds = array<i64: 1000, 128>}, {transform_indices = @transform_3, window_bounds = array<i64: 1000, 128>}, {pipeline_mode = #tpu.pipeline_mode<synchronous>, transform_indices = @transform_4, window_bounds = array<i64: 128, 128>}, {pipeline_mode = #tpu.pipeline_mode<synchronous>, transform_indices = @transform_5, window_bounds = array<i64: 128, 128>}, {pipeline_mode = #tpu.pipeline_mode<synchronous>, transform_indices = @transform_6, window_bounds = array<i64: 1, 128>}, {pipeline_mode = #tpu.pipeline_mode<synchronous>, transform_indices = @transform_7, window_bounds = array<i64: 1, 128>}, {transform_indices = @transform_8, window_bounds = array<i64: 1000, 128>}]} {
    %eq3A = arith.constant 0 : i32
    %eq3A_0 = arith.cmpi eq, %arg0, %eq3A : i32
    %convert_element_type3A = arith.extui %eq3A_0 : i1 to i32
    %cond3A = arith.constant 0 : i32
    %cond3A_1 = arith.cmpi ne, %convert_element_type3A, %cond3A : i32
    scf.if %cond3A_1 {
      %get3A = arith.constant 0 : index
      %get3A_7 = arith.constant 0 : index
      %get3A_8 = vector.load %arg2[%get3A, %get3A_7] : memref<1x1xf32, #tpu.memory_space<vmem>>, vector<1x1xf32>
      %get3A_9 = vector.extract %get3A_8[0, 0] : f32 from vector<1x1xf32>
      %add3A = arith.constant 1.000000e+00 : f32
      %add3A_10 = arith.addf %add3A, %get3A_9 : f32
      %get3A_11 = arith.constant 0 : index
      %get3A_12 = arith.constant 0 : index
      %get3A_13 = vector.load %arg3[%get3A_11, %get3A_12] : memref<1000x128xf32, #tpu.memory_space<vmem>>, vector<1000x128xf32>
      %mul3A = vector.broadcast %add3A_10 : f32 to vector<1000x128xf32>
      %mul3A_14 = arith.mulf %mul3A, %get3A_13 : vector<1000x128xf32>
      %get3A_15 = arith.constant 0 : index
      %get3A_16 = arith.constant 0 : index
      %get3A_17 = vector.load %arg4[%get3A_15, %get3A_16] : memref<1000x128xf32, #tpu.memory_space<vmem>>, vector<1000x128xf32>
      %add3A_18 = arith.addf %mul3A_14, %get3A_17 : vector<1000x128xf32>
      %get3A_19 = arith.constant 0 : index
      %get3A_20 = arith.constant 0 : index
      %get3A_21 = vector.load %arg5[%get3A_19, %get3A_20] : memref<1000x128xf32, #tpu.memory_space<vmem>>, vector<1000x128xf32>
      %add3A_22 = arith.addf %add3A_18, %get3A_21 : vector<1000x128xf32>
      %get3A_23 = arith.constant 0 : index
      %get3A_24 = arith.constant 0 : index
      %get3A_25 = vector.load %arg6[%get3A_23, %get3A_24] : memref<128x128xf32, #tpu.memory_space<vmem>>, vector<128x128xf32>
      %dot_general3A = arith.constant dense<0.000000e+00> : vector<1000x128xf32>
      %dot_general3A_26 = tpu.matmul %add3A_22, %get3A_25, %dot_general3A {dimension_numbers = #tpu.dot_dimension_numbers<[1], [1], [0], [0], [0, 0, 1, 0], [], []>, transpose_lhs_hint = false} : vector<1000x128xf32>, vector<128x128xf32>, vector<1000x128xf32> -> vector<1000x128xf32>
      %mul3A_27 = arith.constant 1000 : i32
      %mul3A_28 = arith.muli %arg1, %mul3A_27 : i32
      %swap3A = arith.index_cast %mul3A_28 : i32 to index
      %swap3A_29 = arith.constant 0 : index
      %swap3A_30 = vector.load %arg11[%swap3A, %swap3A_29] : memref<10000x128xf32, #tpu.memory_space<vmem>>, vector<1000x128xf32>
      tpu.vector_store %arg11[%swap3A, %swap3A_29], %dot_general3A_26 {strides = array<i32>} : memref<10000x128xf32, #tpu.memory_space<vmem>>, vector<1000x128xf32>,
      %eq3A_31 = arith.constant 0 : i32
      %eq3A_32 = arith.cmpi eq, %arg1, %eq3A_31 : i32
      %convert_element_type3A_33 = arith.extui %eq3A_32 : i1 to i32
      %cond3A_34 = arith.constant 0 : i32
      %cond3A_35 = arith.cmpi ne, %convert_element_type3A_33, %cond3A_34 : i32
      scf.if %cond3A_35 {
        %broadcast_in_dim3A_58 = arith.constant 0.000000e+00 : f32
        %broadcast_in_dim3A_59 = vector.broadcast %broadcast_in_dim3A_58 : f32 to vector<8x128xf32>
        %swap3A_60 = arith.constant 0 : index
        %swap3A_61 = arith.constant 0 : index
        %swap3A_62 = vector.load %arg12[%swap3A_60, %swap3A_61] : memref<8x128xf32, #tpu.memory_space<vmem>>, vector<8x128xf32>
        tpu.vector_store %arg12[%swap3A_60, %swap3A_61], %broadcast_in_dim3A_59 {strides = array<i32>} : memref<8x128xf32, #tpu.memory_space<vmem>>, vector<8x128xf32>,
      } else {
      }
      %get3A_36 = arith.constant 0 : index
      %get3A_37 = arith.constant 0 : index
      %get3A_38 = vector.load %arg12[%get3A_36, %get3A_37] : memref<8x128xf32, #tpu.memory_space<vmem>>, vector<1x128xf32>
      %reduce_sum3A = arith.constant dense<0.000000e+00> : vector<128xf32>
      %reduce_sum3A_39 = vector.multi_reduction <add>, %dot_general3A_26, %reduce_sum3A [0] : vector<1000x128xf32> to vector<128xf32>
      %broadcast_in_dim3A = vector.shape_cast %reduce_sum3A_39 : vector<128xf32> to vector<1x128xf32>
      %add3A_40 = arith.addf %get3A_38, %broadcast_in_dim3A : vector<1x128xf32>
      %swap3A_41 = arith.constant 0 : index
      %swap3A_42 = arith.constant 0 : index
      %swap3A_43 = vector.load %arg12[%swap3A_41, %swap3A_42] : memref<8x128xf32, #tpu.memory_space<vmem>>, vector<1x128xf32>
      tpu.vector_store %arg12[%swap3A_41, %swap3A_42], %add3A_40 {strides = array<i32>} : memref<8x128xf32, #tpu.memory_space<vmem>>, vector<1x128xf32>,
      %get3A_44 = arith.constant 1 : index
      %get3A_45 = arith.constant 0 : index
      %get3A_46 = vector.load %arg12[%get3A_44, %get3A_45] : memref<8x128xf32, #tpu.memory_space<vmem>>, vector<1x128xf32>
      %mul3A_47 = arith.mulf %dot_general3A_26, %dot_general3A_26 : vector<1000x128xf32>
      %reduce_sum3A_48 = arith.constant dense<0.000000e+00> : vector<128xf32>
      %reduce_sum3A_49 = vector.multi_reduction <add>, %mul3A_47, %reduce_sum3A_48 [0] : vector<1000x128xf32> to vector<128xf32>
      %broadcast_in_dim3A_50 = vector.shape_cast %reduce_sum3A_49 : vector<128xf32> to vector<1x128xf32>
      %add3A_51 = arith.addf %get3A_46, %broadcast_in_dim3A_50 : vector<1x128xf32>
      %swap3A_52 = arith.constant 1 : index
      %swap3A_53 = arith.constant 0 : index
      %swap3A_54 = vector.load %arg12[%swap3A_52, %swap3A_53] : memref<8x128xf32, #tpu.memory_space<vmem>>, vector<1x128xf32>
      tpu.vector_store %arg12[%swap3A_52, %swap3A_53], %add3A_51 {strides = array<i32>} : memref<8x128xf32, #tpu.memory_space<vmem>>, vector<1x128xf32>,
      %swap3A_55 = arith.constant 0 : index
      %swap3A_56 = arith.constant 0 : index
      %swap3A_57 = vector.load %arg10[%swap3A_55, %swap3A_56] : memref<1000x128xf32, #tpu.memory_space<vmem>>, vector<1000x128xf32>
      tpu.vector_store %arg10[%swap3A_55, %swap3A_56], %dot_general3A_26 {strides = array<i32>} : memref<1000x128xf32, #tpu.memory_space<vmem>>, vector<1000x128xf32>,
    } else {
    }
    %eq3A_2 = arith.constant 1 : i32
    %eq3A_3 = arith.cmpi eq, %arg0, %eq3A_2 : i32
    %convert_element_type3A_4 = arith.extui %eq3A_3 : i1 to i32
    %cond3A_5 = arith.constant 0 : i32
    %cond3A_6 = arith.cmpi ne, %convert_element_type3A_4, %cond3A_5 : i32
    scf.if %cond3A_6 {
      %get3A = arith.constant 0 : index
      %get3A_7 = arith.constant 0 : index
      %get3A_8 = vector.load %arg12[%get3A, %get3A_7] : memref<8x128xf32, #tpu.memory_space<vmem>>, vector<1x128xf32>
      %div3A = arith.constant 1.000000e+04 : f32
      %div3A_9 = vector.broadcast %div3A : f32 to vector<1x128xf32>
      %div3A_10 = arith.divf %get3A_8, %div3A_9 : vector<1x128xf32>
      %get3A_11 = arith.constant 1 : index
      %get3A_12 = arith.constant 0 : index
      %get3A_13 = vector.load %arg12[%get3A_11, %get3A_12] : memref<8x128xf32, #tpu.memory_space<vmem>>, vector<1x128xf32>
      %div3A_14 = arith.constant 1.000000e+04 : f32
      %div3A_15 = vector.broadcast %div3A_14 : f32 to vector<1x128xf32>
      %div3A_16 = arith.divf %get3A_13, %div3A_15 : vector<1x128xf32>
      %mul3A = arith.mulf %div3A_10, %div3A_10 : vector<1x128xf32>
      %sub3A = arith.subf %div3A_16, %mul3A : vector<1x128xf32>
      %add3A = arith.constant 9.99999974E-6 : f32
      %add3A_17 = vector.broadcast %add3A : f32 to vector<1x128xf32>
      %add3A_18 = arith.addf %sub3A, %add3A_17 : vector<1x128xf32>
      %rsqrt3A = math.rsqrt %add3A_18 : vector<1x128xf32>
      %mul3A_19 = arith.constant 1000 : i32
      %mul3A_20 = arith.muli %arg1, %mul3A_19 : i32
      %get3A_21 = arith.index_cast %mul3A_20 : i32 to index
      %get3A_22 = arith.constant 0 : index
      %get3A_23 = vector.load %arg11[%get3A_21, %get3A_22] : memref<10000x128xf32, #tpu.memory_space<vmem>>, vector<1000x128xf32>
      %sub3A_24 = vector.broadcast %div3A_10 : vector<1x128xf32> to vector<1000x128xf32>
      %sub3A_25 = arith.subf %get3A_23, %sub3A_24 : vector<1000x128xf32>
      %get3A_26 = arith.constant 0 : index
      %get3A_27 = arith.constant 0 : index
      %get3A_28 = vector.load %arg8[%get3A_26, %get3A_27] : memref<1x128xf32, #tpu.memory_space<vmem>>, vector<1x128xf32>
      %mul3A_29 = arith.mulf %rsqrt3A, %get3A_28 : vector<1x128xf32>
      %mul3A_30 = vector.broadcast %mul3A_29 : vector<1x128xf32> to vector<1000x128xf32>
      %mul3A_31 = arith.mulf %sub3A_25, %mul3A_30 : vector<1000x128xf32>
      %get3A_32 = arith.constant 0 : index
      %get3A_33 = arith.constant 0 : index
      %get3A_34 = vector.load %arg9[%get3A_32, %get3A_33] : memref<1x128xf32, #tpu.memory_space<vmem>>, vector<1x128xf32>
      %add3A_35 = vector.broadcast %get3A_34 : vector<1x128xf32> to vector<1000x128xf32>
      %add3A_36 = arith.addf %mul3A_31, %add3A_35 : vector<1000x128xf32>
      %max3A = arith.constant 0.000000e+00 : f32
      %max3A_37 = vector.broadcast %max3A : f32 to vector<1000x128xf32>
      %max3A_38 = arith.maximumf %add3A_36, %max3A_37 : vector<1000x128xf32>
      %get3A_39 = arith.constant 0 : index
      %get3A_40 = arith.constant 0 : index
      %get3A_41 = vector.load %arg7[%get3A_39, %get3A_40] : memref<128x128xf32, #tpu.memory_space<vmem>>, vector<128x128xf32>
      %dot_general3A = arith.constant dense<0.000000e+00> : vector<1000x128xf32>
      %dot_general3A_42 = tpu.matmul %max3A_38, %get3A_41, %dot_general3A {dimension_numbers = #tpu.dot_dimension_numbers<[1], [1], [0], [0], [0, 0, 1, 0], [], []>, transpose_lhs_hint = false} : vector<1000x128xf32>, vector<128x128xf32>, vector<1000x128xf32> -> vector<1000x128xf32>
      %swap3A = arith.constant 0 : index
      %swap3A_43 = arith.constant 0 : index
      %swap3A_44 = vector.load %arg10[%swap3A, %swap3A_43] : memref<1000x128xf32, #tpu.memory_space<vmem>>, vector<1000x128xf32>
      tpu.vector_store %arg10[%swap3A, %swap3A_43], %dot_general3A_42 {strides = array<i32>} : memref<1000x128xf32, #tpu.memory_space<vmem>>, vector<1000x128xf32>,
    } else {
    }
    return
  }
  func.func @transform_0(%arg0: i32, %arg1: i32) -> (i32, i32) {
    %c0_i32 = arith.constant 0 : i32
    %c0_i32_0 = arith.constant 0 : i32
    %c0_i32_1 = arith.constant 0 : i32
    return %c0_i32, %c0_i32_0 : i32, i32
  }
  func.func @transform_1(%arg0: i32, %arg1: i32) -> (i32, i32) {
    %c0_i32 = arith.constant 0 : i32
    %c0_i32_0 = arith.constant 0 : i32
    return %arg1, %c0_i32 : i32, i32
  }
  func.func @transform_2(%arg0: i32, %arg1: i32) -> (i32, i32) {
    %c0_i32 = arith.constant 0 : i32
    %c0_i32_0 = arith.constant 0 : i32
    return %arg1, %c0_i32 : i32, i32
  }
  func.func @transform_3(%arg0: i32, %arg1: i32) -> (i32, i32) {
    %c0_i32 = arith.constant 0 : i32
    %c0_i32_0 = arith.constant 0 : i32
    return %arg1, %c0_i32 : i32, i32
  }
  func.func @transform_4(%arg0: i32, %arg1: i32) -> (i32, i32) {
    %c0_i32 = arith.constant 0 : i32
    %c0_i32_0 = arith.constant 0 : i32
    %c0_i32_1 = arith.constant 0 : i32
    return %c0_i32, %c0_i32_0 : i32, i32
  }
  func.func @transform_5(%arg0: i32, %arg1: i32) -> (i32, i32) {
    %c0_i32 = arith.constant 0 : i32
    %c0_i32_0 = arith.constant 0 : i32
    %c0_i32_1 = arith.constant 0 : i32
    return %c0_i32, %c0_i32_0 : i32, i32
  }
  func.func @transform_6(%arg0: i32, %arg1: i32) -> (i32, i32) {
    %c0_i32 = arith.constant 0 : i32
    %c0_i32_0 = arith.constant 0 : i32
    %c0_i32_1 = arith.constant 0 : i32
    return %c0_i32, %c0_i32_0 : i32, i32
  }
  func.func @transform_7(%arg0: i32, %arg1: i32) -> (i32, i32) {
    %c0_i32 = arith.constant 0 : i32
    %c0_i32_0 = arith.constant 0 : i32
    %c0_i32_1 = arith.constant 0 : i32
    return %c0_i32, %c0_i32_0 : i32, i32
  }
  func.func @transform_8(%arg0: i32, %arg1: i32) -> (i32, i32) {
    %c0_i32 = arith.constant 0 : i32
    %c0_i32_0 = arith.constant 0 : i32
    return %arg1, %c0_i32 : i32, i32
  }
}

</mosaic_0001>

<sc_bundles>
// kernel: kernel.6.cloned.1.call-start
scs
__scs_entry_jumppad:
0x0: {  	(pc) =	sbr.rel $0x88, $3  }
0x1: {  	(tag) =	ssettag $0x0;
	lr =	simm.s32 $0x1  }
0x2: {  	[smem:$0x3F97] =	sst lr;
	_ =	strace $0xD0000000  }
0x3: {  	_ = 	snop  }
0x4: {  	_ = 	snop  }
0x5: {  	_ = 	snop  }
0x6: {  	_ = 	snop  }
0x7: {  	_ = 	snop  }
__scs_overlays_trampoline_lowered:
0x8: {  	[smem:$0x3FA6] =	sst s0  }
0x9: {  	[smem:$0x3FA7] =	sst s1  }
0xa: {  	[smem:$0x3FA8] =	sst s2  }
0xb: {  	[smem:$0x3FA9] =	sst s3  }
0xc: {  	[smem:$0x3FAA] =	sst s4  }
0xd: {  	[smem:$0x3FAB] =	sst s5  }
0xe: {  	[smem:$0x3FAC] =	sst s6  }
0xf: {  	[smem:$0x3FAD] =	sst s7  }
0x10: {  	[smem:$0x3FAE] =	sst s8  }
0x11: {  	[smem:$0x3FAF] =	sst s9;
	s0 =	simm.s32 @!p0 $0x0  }
0x12: {  	s1 =	sld [smem:$0x3F95];
	s0 =	simm.s32 @p0 $0x1  }
0x13: {  	[smem:$0x3FB0] =	sst s0;
	s0 =	simm.s32 @!p1 $0x0  }
0x14: {  	s2 =	sld [smem:$0x3F94];
	s0 =	simm.s32 @p1 $0x1  }
0x15: {  	[smem:$0x3FB1] =	sst s0;
	s0 =	simm.s32 @!p2 $0x0  }
0x16: {  	s3 =	sld [smem:$0x3FDB];
	s0 =	simm.s32 @p2 $0x1  }
0x17: {  	s4 =	simm.s32 $0x1BF5;
	[smem:$0x3FB3] =	sst s0  }
0x18: {  	s0 =	sld [smem:$0x3F96];
	_ =	swait.ge [sflag:s4], $0x0  }
0x19: {  	s7 =	sld [smem:$0x3F97]  }
0x1a: {  	s8 =	sadd.s32 $0xFFFFE003, lr  }
0x1b: {  	s9 =	sadd.s32 $0xFFFFFEF7, lr;
	s5 =	simm.s32 $0xFFFFFFFF;
	p2 =	slt.u32 s8, $0xFFFFF086  }
0x1c: {  	p1 =	slt.u32 s9, $0xF7A;
	s5 =	simm.s32 @!p2 $0x0  }
0x1d: {  	s5 =	simm.s32 @p1 $0x1;
	p0 =	seq.s32 s7, s2  }
0x1e: {  	s7 =	smul.u32 @!p0 $0xF7A, s2;
	p2 =	seq.s32 @!p0 s5, $0x0  }
0x1f: {  	s9 =	smul.u32 $0xF7A, s1;
	s8 =	simm.s32 @!p0 $0x1BF5;
	p2 =	por !p2, p0  }
0x20: {  	[sflag:s8] =	ssyncset.s32 @!p0 $0xFFFFF086;
	s6 =	sadd.s32 @!p0 s3, s7;
	s7 =	simm.s32 @!p0 $0x108  }
0x21: {  	s3 =	sadd.s32 s3, s9;
	s6 =	sadd.s32 @!p0 $0x88, s6;
	s7 =	simm.s32 @p2 $0x1082  }
0x22: {  	[simem:s7], [sflag:s8] =	dma.local @!p0 [hbm:s6], $0xF7A  }
0x23: {  	s9 =	sor.u32 $0xD0000000, s2;
	s6 =	simm.s32 $0x108;
	_ =	swait.ge @!p0 [sflag:s8], $0x0  }
0x24: {  	s3 =	sadd.s32 $0x88, s3;
	s6 =	simm.s32 @!p1 $0x1082;
	[sflag:s4] =	ssyncset.s32 $0xFFFFF086  }
0x25: {  	[simem:s6], [sflag:s4] =	dma.local [hbm:s3], $0xF7A  }
0x26: {  	[smem:$0x3F97] =	sst s1;
	(tag) =	ssettag s2;
	_ =	strace s9  }
0x27: {  	s1 =	sld [smem:$0x3FA7]  }
0x28: {  	s2 =	sld [smem:$0x3FA8]  }
0x29: {  	s4 =	sld [smem:$0x3FAA]  }
0x2a: {  	p0 =	seq.s32 s5, $0x0;
	s5 =	sld [smem:$0x3FAB]  }
0x2b: {  	s6 =	sld [smem:$0x3FAC]  }
0x2c: {  	s7 =	sld [smem:$0x3FAD]  }
0x2d: {  	s3 =	simm.s32 $0x108;
	s8 =	sld [smem:$0x3FAE]  }
0x2e: {  	s3 =	simm.s32 @!p0 $0x1082;
	s9 =	sld [smem:$0x3FAF]  }
0x2f: {  	lr =	sadd.s32 s0, s3;
	s0 =	sld [smem:$0x3FA6]  }
0x30: {  	s3 =	sld [smem:$0x3FA9]  }
0x31: {  	[smem:$0x3FB2] =	sst s10  }
0x32: {  	s10 =	sld [smem:$0x3FB0];
	_ =	sdelay $0x3  }
0x33: {  	p0 =	seq.s32 s10, $0x1;
	s10 =	sld [smem:$0x3FB2];
	_ =	sdelay $0x3  }
0x34: {  	[smem:$0x3FB2] =	sst s10  }
0x35: {  	s10 =	sld [smem:$0x3FB1];
	_ =	sdelay $0x3  }
0x36: {  	p1 =	seq.s32 s10, $0x1;
	s10 =	sld [smem:$0x3FB2];
	_ =	sdelay $0x3  }
0x37: {  	[smem:$0x3FB2] =	sst s10  }
0x38: {  	s10 =	sld [smem:$0x3FB3]  }
0x39: {  	_ = 	snop;
	(pc) =	sbr.ind lr, $3  }
0x3a: {  	_ = 	snop  }
0x3b: {  	_ = 	snop  }
0x3c: {  	p2 =	seq.s32 s10, $0x1;
	s10 =	sld [smem:$0x3FB2]  }
0x3d: {  	_ =	shalt  }
0x3e: {  	_ =	shalt  }
0x3f: {  	_ =	shalt  }
0x40: {  	_ =	shalt  }
0x41: {  	_ =	shalt  }
0x42: {  	_ =	shalt  }
0x43: {  	_ =	shalt  }
0x44: {  	_ =	shalt  }
0x45: {  	_ =	shalt  }
0x46: {  	_ =	shalt  }
0x47: {  	_ =	shalt  }
0x48: {  	_ =	shalt  }
0x49: {  	_ =	shalt  }
0x4a: {  	_ =	shalt  }
0x4b: {  	_ =	shalt  }
0x4c: {  	_ =	shalt  }
0x4d: {  	_ =	shalt  }
0x4e: {  	_ =	shalt  }
0x4f: {  	_ =	shalt  }
0x50: {  	_ =	shalt  }
0x51: {  	_ =	shalt  }
0x52: {  	_ =	shalt  }
0x53: {  	_ =	shalt  }
0x54: {  	_ =	shalt  }
0x55: {  	_ =	shalt  }
0x56: {  	_ =	shalt  }
0x57: {  	_ =	shalt  }
0x58: {  	_ =	shalt  }
0x59: {  	_ =	shalt  }
0x5a: {  	_ =	shalt  }
0x5b: {  	_ =	shalt  }
0x5c: {  	_ =	shalt  }
0x5d: {  	_ =	shalt  }
0x5e: {  	_ =	shalt  }
0x5f: {  	_ =	shalt  }
0x60: {  	_ =	shalt  }
0x61: {  	_ =	shalt  }
0x62: {  	_ =	shalt  }
0x63: {  	_ =	shalt  }
0x64: {  	_ =	shalt  }
0x65: {  	_ =	shalt  }
0x66: {  	_ =	shalt  }
0x67: {  	_ =	shalt  }
0x68: {  	_ =	shalt  }
0x69: {  	_ =	shalt  }
0x6a: {  	_ =	shalt  }
0x6b: {  	_ =	shalt  }
0x6c: {  	_ =	shalt  }
0x6d: {  	_ =	shalt  }
0x6e: {  	_ =	shalt  }
0x6f: {  	_ =	shalt  }
0x70: {  	_ =	shalt  }
0x71: {  	_ =	shalt  }
0x72: {  	_ =	shalt  }
0x73: {  	_ =	shalt  }
0x74: {  	_ =	shalt  }
0x75: {  	_ =	shalt  }
0x76: {  	_ =	shalt  }
0x77: {  	_ =	shalt  }
0x78: {  	_ =	shalt  }
0x79: {  	_ =	shalt  }
0x7a: {  	_ =	shalt  }
0x7b: {  	_ =	shalt  }
0x7c: {  	_ =	shalt  }
0x7d: {  	_ =	shalt  }
0x7e: {  	_ =	shalt  }
0x7f: {  	_ =	shalt  }
0x80: {  	_ =	shalt  }
0x81: {  	_ =	shalt  }
0x82: {  	_ =	shalt  }
0x83: {  	_ =	shalt  }
0x84: {  	_ =	shalt  }
0x85: {  	_ =	shalt  }
0x86: {  	_ =	shalt  }
0x87: {  	_ =	shalt  }
.Lfunc_end0:
.L_simem_size_0:
called_computation_lowered:
.L_overlay_start_0:
0x88: {  	s2 =	sld [smem:$0x3FD9]  }
0x89: {  	s3 =	sld [smem:$0x3FFE];
	_ =	sdelay $0x1  }
0x8a: {  	s1 =	srdreg.scid  }
0x8b: {  	s0 =	sand.u32 $0x1, s1  }
0x8c: {  	s17 =	sshll.u32 s0, $0xA;
	s2 =	sadd.s32 s3, s2  }
0x8d: {  	s2 =	sadd.s32 s2, s17  }
0x8e: {  	[smem:$0x3FBE] =	sst s2  }
0x8f: {  	_ = 	snop  }
0x90: {  	s2 =	sld [smem:$0x3FD0];
	(tm) =	ssettm $0x1  }
0x91: {  	s18 =	sld [smem:$0x3FFB];
	_ =	sdelay $0x3  }
0x92: {  	_ =	strace s18  }
0x93: {  	s3 =	sld [smem:$0x3FFC];
	_ =	sdelay $0x3  }
0x94: {  	_ =	strace s3  }
0x95: {  	s3 =	sld [smem:$0x3FFD];
	_ =	sdelay $0x3  }
0x96: {  	_ =	strace s3  }
0x97: {  	_ =	strace $0x8FFFFFFF  }
0x98: {  	s19 =	sld [smem:$0x3FDB];
	_ =	sdelay $0x1  }
0x99: {  	s4 =	simm.s32 $_scs_section_size  }
0x9a: {  	s5 =	simm.s32 $_size__tile_overlayer_lowered;
	s6 =	simm.s32 $_tile_overlayer_lowered  }
0x9b: {  	s22 =	simm.s32 $0x1BFF;
	s21 =	sshll.u32 s6, $0x1;
	s3 =	sadd.s32 s4, s19  }
0x9c: {  	s7 =	simm.s32 $0x0;
	s20 =	sshll.u32 s5, $0x1;
	s5 =	sadd.s32 s21, s3  }
0x9d: {  	[timem:s7], [sflag:s22] =	dma.local [hbm:s5], s20  }
0x9e: {  	_ =	swait.ge [sflag:s22], s20  }
0x9f: {  	s4 =	ssub.s32 $0x0, s20;
	[sflag:s22] =	ssyncset.done $0x0  }
0xa0: {  	[sflag:s22] =	ssyncadd.s32 s4;
	_ =	sdelay $0x1  }
0xa1: {  	s23 =	simm.s32 $0x1B8B  }
0xa2: {  	_ =	swait.ge [sflag:s23], $0x1  }
0xa3: {  	[sflag:s23] =	ssyncset.done $0x0  }
0xa4: {  	s25 =	simm.s32 $0x1B8E;
	s24 =	sld [smem:$0x3FFE];
	[sflag:s23] =	ssyncadd.s32 $0xFFFFFFFF  }
0xa5: {  	s26 =	simm.s32 $execute0_lowered;
	[smem:$0x3FD2] =	sst s25  }
0xa6: {  	s5 =	sshll.u32 s26, $0x1;
	_ =	strace $0x80000046;
	[dreg:$0x1] =	wrdreg $0xFFFFFFFF  }
0xa7: {  	s28 =	simm.s32 $_size_execute0_lowered;
	s3 =	sadd.s32 s3, s5;
	[dreg:$0x0] =	wrdreg $0x0  }
0xa8: {  	s5 =	sshll.u32 s28, $0x1;
	[dreg:$0x2] =	wrdreg s3  }
0xa9: {  	[dreg:$0x3] =	wrdreg s5  }
0xaa: {  	[dreg:$0x4] =	wrdreg $0xC0  }
0xab: {  	_ =	task [dreg:s7], $0x5FFFF  }
0xac: {  	[dreg:$0x1] =	wrdreg $0xFFFFFFFF  }
0xad: {  	[dreg:$0x0] =	wrdreg $0x60  }
0xae: {  	[dreg:$0x2] =	wrdreg s2  }
0xaf: {  	[dreg:$0x3] =	wrdreg s24  }
0xb0: {  	[dreg:$0x4] =	wrdreg $0x54000  }
0xb1: {  	[dreg:$0x5] =	wrdreg $0x9  }
0xb2: {  	_ =	task.clear_ibuf [dreg:s7], $0x6FFFF;
	_ =	strace $0x90000046  }
0xb3: {  	s29 =	simm.s32 $0x9;
	_ =	strace $0x80000048  }
0xb4: {  	_ =	swait.ge [sflag:s29], $0x1  }
0xb5: {  	[sflag:s29] =	ssyncadd.s32 $0xFFFFFFFF  }
0xb6: {  	_ =	strace $0x90000048  }
0xb7: {  	_ =	sfence  }
0xb8: {  	s30 =	sld [smem:$0x0];
	_ =	sdelay $0x2  }
0xb9: {  	s31 =	sshll.u32 s1, $0xD;
	s1 =	sshrl.u32 s1, $0x2  }
0xba: {  	s3 =	sand.u32 $0x4000, s31;
	s1 =	sadd.s32 s1, s30  }
0xbb: {  	s0 =	sor.u32 s3, s0;
	s1 =	sshll.u32 s1, $0x11  }
0xbc: {  	s0 =	sor.u32 s1, s0  }
0xbd: {  	s0 =	sadd.s32 $0x8F2B, s0  }
0xbe: {  	[sflag:s0] =	ssyncadd.remote.s32 $0x1  }
0xbf: {  	_ =	sfence.sel $0xFFFF  }
0xc0: {  	[dreg:$0x0] =	wrdreg $0xFFFFFFFF;
	(pc) =	sbr.abs _section_cstart, $3  }
0xc1: {  	[dreg:$0x1] =	wrdreg $0xFFFFFFFF  }
0xc2: {  	_ =	task.clear_ibuf [dreg:s7], $0x2FFFF;
	_ =	strace $0x9FFFFFFF  }
0xc3: {  	(tm) =	ssettm $0x7FFFFFFF  }
tec
execute0_lowered:
.L_overlay_start_1:
0x0: {  	(tag) =	ssettag $0x1  }
0x1: {  	s1 =	rddreg [dreg:$0x0]  }
0x2: {  	s0 =	rddreg [dreg:$0x1]  }
0x3: {  	s2 =	rddreg [dreg:$0x2];
	s3 =	simm.s32 $0x0;
	s4 =	srdreg.scid  }
0x4: {  	s15 =	stileid.u32;
	s21 =	simm.s32 $0x400;
	s22 =	simm.s32 $0x10  }
0x5: {  	s29 =	simm.s32 $0x1;
	s30 =	simm.s32 $0x28;
	[smem:$0x7FF] =	sst s3  }
0x6: {  	s5 =	sadd.s32 $0x15200, s0;
	s6 =	sadd.s32 $0xB400, s0;
	s4 =	sand.u32 $0x1, s4  }
0x7: {  	s7 =	sadd.s32 $0x22A00, s0;
	s11 =	smul.u32 $0x4E000, s15;
	s8 =	sshll.u32 s4, $0x4  }
0x8: {  	s24 =	smul.u32 $0x13800, s15;
	p0 =	sne.s32 s15, $0xF;
	s9 =	sor.u32 s15, s8  }
0x9: {  	_ =	strace $0x80000047;
	s10 =	ssub.s32 $0x2, s4;
	s9 =	smul.u32 $0x2710, s9  }
0xa: {  	s4 =	smul.u32 $0x138800, s4;
	s8 =	sadd.s32 $0x1600, s0;
	s12 =	sshrl.u32 s10, $0x1  }
0xb: {  	s0 =	sadd.s32 $0x2C800, s0;
	s23 =	sshrl.u32 s11, $0x2;
	s13 =	sshrl.u32 s9, $0x3  }
0xc: {  	s11 =	sadd.s32 $0x138000, s2;
	s12 =	ssub.s32 s10, s12;
	s14 =	sadd.s32 s6, s13  }
0xd: {  	s10 =	sadd.s32 s23, s2;
	s16 =	sadd.s32 s7, s13;
	[dreg:$0x4] =	wrdreg s14  }
0xe: {  	s25 =	sadd.s32 s8, s13;
	s13 =	sadd.s32 $0xA, s13;
	[dreg:$0x5] =	wrdreg s16  }
0xf: {  	[dreg:$0x6] =	wrdreg s25;
	s26 =	sadd.s32 s6, s13;
	s14 =	sadd.s32 s24, s4  }
0x10: {  	s4 =	sshrl.u32 s4, $0x3;
	s28 =	sadd.s32 s7, s13;
	[dreg:$0x7] =	wrdreg s26  }
0x11: {  	s13 =	sadd.s32 s8, s13;
	[dreg:$0x8] =	wrdreg s28;
	s14 =	sshrl.u32 s14, $0x3  }
0x12: {  	s4 =	sadd.s32 s0, s4;
	[dreg:$0x9] =	wrdreg s13;
	s0 =	sadd.s32 s0, s14  }
0x13: {  	s20 =	smax.u32 s12, $0x1;
	s31 =	sadd.s32 $0x27000, s4;
	[dreg:$0xa] =	wrdreg s0  }
0x14: {  	v0 =	vimm.f32 $0.0e+00;
	s24 =	simm.s32 $0x50;
	s25 =	simm.s32 $0xE;
	[dreg:$0xb] =	wrdreg s31  }
.LBB2_1:
0x15: {  	[tilespmem:$0x400] =	vst v0  }
0x16: {  	[tilespmem:$0x410] =	vst v0  }
0x17: {  	[tilespmem:$0x420] =	vst v0  }
0x18: {  	[tilespmem:$0x430] =	vst v0  }
0x19: {  	[tilespmem:$0x440] =	vst v0  }
0x1a: {  	[tilespmem:$0x450] =	vst v0  }
0x1b: {  	[tilespmem:$0x460] =	vst v0  }
0x1c: {  	[tilespmem:$0x470] =	vst v0  }
0x1d: {  	[tilespmem:$0x480] =	vst v0  }
0x1e: {  	[tilespmem:$0x490] =	vst v0  }
0x1f: {  	[tilespmem:$0x4A0] =	vst v0  }
0x20: {  	[tilespmem:$0x4B0] =	vst v0  }
0x21: {  	[tilespmem:$0x4C0] =	vst v0  }
0x22: {  	[tilespmem:$0x4D0] =	vst v0  }
0x23: {  	[tilespmem:$0x4E0] =	vst v0  }
0x24: {  	[tilespmem:$0x4F0] =	vst v0  }
0x25: {  	[tilespmem:$0x500] =	vst v0  }
0x26: {  	[tilespmem:$0x510] =	vst v0  }
0x27: {  	[tilespmem:$0x520] =	vst v0  }
0x28: {  	[tilespmem:$0x530] =	vst v0  }
0x29: {  	[tilespmem:$0x540] =	vst v0  }
0x2a: {  	[tilespmem:$0x550] =	vst v0  }
0x2b: {  	[tilespmem:$0x560] =	vst v0  }
0x2c: {  	[tilespmem:$0x570] =	vst v0  }
0x2d: {  	[tilespmem:$0x580] =	vst v0  }
0x2e: {  	[tilespmem:$0x590] =	vst v0  }
0x2f: {  	[tilespmem:$0x5A0] =	vst v0  }
0x30: {  	[tilespmem:$0x5B0] =	vst v0  }
0x31: {  	[tilespmem:$0x5C0] =	vst v0  }
0x32: {  	[tilespmem:$0x5D0] =	vst v0  }
0x33: {  	[tilespmem:$0x5E0] =	vst v0  }
0x34: {  	[tilespmem:$0x5F0] =	vst v0  }
0x35: {  	[tilespmem:$0x600] =	vst v0  }
0x36: {  	[tilespmem:$0x610] =	vst v0  }
0x37: {  	[tilespmem:$0x620] =	vst v0  }
0x38: {  	[tilespmem:$0x630] =	vst v0  }
0x39: {  	[tilespmem:$0x640] =	vst v0  }
0x3a: {  	[tilespmem:$0x650] =	vst v0  }
0x3b: {  	[tilespmem:$0x660] =	vst v0  }
0x3c: {  	[tilespmem:$0x670] =	vst v0  }
0x3d: {  	[tilespmem:$0x680] =	vst v0  }
0x3e: {  	[tilespmem:$0x690] =	vst v0  }
0x3f: {  	[tilespmem:$0x6A0] =	vst v0  }
0x40: {  	[tilespmem:$0x6B0] =	vst v0  }
0x41: {  	[tilespmem:$0x6C0] =	vst v0  }
0x42: {  	[tilespmem:$0x6D0] =	vst v0  }
0x43: {  	[tilespmem:$0x6E0] =	vst v0  }
0x44: {  	[tilespmem:$0x6F0] =	vst v0  }
0x45: {  	[tilespmem:$0x700] =	vst v0  }
0x46: {  	[tilespmem:$0x710] =	vst v0  }
0x47: {  	[tilespmem:$0x720] =	vst v0  }
0x48: {  	[tilespmem:$0x730] =	vst v0  }
0x49: {  	[tilespmem:$0x740] =	vst v0  }
0x4a: {  	[tilespmem:$0x750] =	vst v0  }
0x4b: {  	[tilespmem:$0x760] =	vst v0  }
0x4c: {  	[tilespmem:$0x770] =	vst v0  }
0x4d: {  	[tilespmem:$0x780] =	vst v0  }
0x4e: {  	[tilespmem:$0x790] =	vst v0  }
0x4f: {  	[tilespmem:$0x7A0] =	vst v0  }
0x50: {  	[tilespmem:$0x7B0] =	vst v0  }
0x51: {  	[tilespmem:$0x7C0] =	vst v0  }
0x52: {  	[tilespmem:$0x7D0] =	vst v0  }
0x53: {  	[tilespmem:$0x7E0] =	vst v0  }
0x54: {  	[tilespmem:$0x7F0] =	vst v0  }
0x55: {  	[tilespmem:$0x800] =	vst v0  }
0x56: {  	[tilespmem:$0x810] =	vst v0  }
0x57: {  	[tilespmem:$0x820] =	vst v0  }
0x58: {  	[tilespmem:$0x830] =	vst v0  }
0x59: {  	[tilespmem:$0x840] =	vst v0  }
0x5a: {  	[tilespmem:$0x850] =	vst v0  }
0x5b: {  	[tilespmem:$0x860] =	vst v0  }
0x5c: {  	[tilespmem:$0x870] =	vst v0  }
0x5d: {  	[tilespmem:$0x880] =	vst v0  }
0x5e: {  	[tilespmem:$0x890] =	vst v0  }
0x5f: {  	[tilespmem:$0x8A0] =	vst v0  }
0x60: {  	[tilespmem:$0x8B0] =	vst v0  }
0x61: {  	[tilespmem:$0x8C0] =	vst v0  }
0x62: {  	[tilespmem:$0x8D0] =	vst v0  }
0x63: {  	[tilespmem:$0x8E0] =	vst v0  }
0x64: {  	[tilespmem:$0x8F0] =	vst v0  }
0x65: {  	[tilespmem:$0x900] =	vst v0  }
0x66: {  	[tilespmem:$0x910] =	vst v0  }
0x67: {  	[tilespmem:$0x920] =	vst v0  }
0x68: {  	[tilespmem:$0x930] =	vst v0  }
0x69: {  	[tilespmem:$0x940] =	vst v0  }
0x6a: {  	[tilespmem:$0x950] =	vst v0  }
0x6b: {  	[tilespmem:$0x960] =	vst v0  }
0x6c: {  	[tilespmem:$0x970] =	vst v0  }
0x6d: {  	[tilespmem:$0x980] =	vst v0  }
0x6e: {  	[tilespmem:$0x990] =	vst v0  }
0x6f: {  	[tilespmem:$0x9A0] =	vst v0  }
0x70: {  	[tilespmem:$0x9B0] =	vst v0  }
0x71: {  	[tilespmem:$0x9C0] =	vst v0  }
0x72: {  	[tilespmem:$0x9D0] =	vst v0  }
0x73: {  	[tilespmem:$0x9E0] =	vst v0  }
0x74: {  	[tilespmem:$0x9F0] =	vst v0  }
0x75: {  	[tilespmem:$0xA00] =	vst v0  }
0x76: {  	[tilespmem:$0xA10] =	vst v0  }
0x77: {  	[tilespmem:$0xA20] =	vst v0  }
0x78: {  	[tilespmem:$0xA30] =	vst v0  }
0x79: {  	[tilespmem:$0xA40] =	vst v0  }
0x7a: {  	[tilespmem:$0xA50] =	vst v0  }
0x7b: {  	[tilespmem:$0xA60] =	vst v0  }
0x7c: {  	[tilespmem:$0xA70] =	vst v0  }
0x7d: {  	[tilespmem:$0xA80] =	vst v0  }
0x7e: {  	[tilespmem:$0xA90] =	vst v0  }
0x7f: {  	[tilespmem:$0xAA0] =	vst v0  }
0x80: {  	[tilespmem:$0xAB0] =	vst v0  }
0x81: {  	[tilespmem:$0xAC0] =	vst v0  }
0x82: {  	[tilespmem:$0xAD0] =	vst v0  }
0x83: {  	[tilespmem:$0xAE0] =	vst v0  }
0x84: {  	[tilespmem:$0xAF0] =	vst v0  }
0x85: {  	[tilespmem:$0xB00] =	vst v0  }
0x86: {  	[tilespmem:$0xB10] =	vst v0  }
0x87: {  	[tilespmem:$0xB20] =	vst v0  }
0x88: {  	[tilespmem:$0xB30] =	vst v0  }
0x89: {  	[tilespmem:$0xB40] =	vst v0  }
0x8a: {  	[tilespmem:$0xB50] =	vst v0  }
0x8b: {  	[tilespmem:$0xB60] =	vst v0  }
0x8c: {  	[tilespmem:$0xB70] =	vst v0  }
0x8d: {  	[tilespmem:$0xB80] =	vst v0  }
0x8e: {  	[tilespmem:$0xB90] =	vst v0  }
0x8f: {  	[tilespmem:$0xBA0] =	vst v0  }
0x90: {  	[tilespmem:$0xBB0] =	vst v0  }
0x91: {  	[tilespmem:$0xBC0] =	vst v0  }
0x92: {  	[tilespmem:$0xBD0] =	vst v0  }
0x93: {  	[tilespmem:$0xBE0] =	vst v0  }
0x94: {  	[tilespmem:$0xBF0] =	vst v0;
	s0 =	sadd.s32 $0x0, s10  }
0x95: {  	[spmem:s0] =	stream.linear.scatter [tilespmem:s21], [sflag:$0x10], $0x800, $0x38;
	[tilespmem:$0x18C80] =	vst v63  }
0x96: {  	s0 =	simm.s32 $0x2000;
	_ =	swait.ge [sflag:s22], $0x800  }
.LBB2_2:
0x97: {  	s4 =	sshra.s32 s0, $0x2;
	[sflag:s22] =	ssyncset.done $0x0;
	p1 =	sne.s32 s0, $0x4C000  }
.Ltmp0:
0x98: {  	s4 =	sadd.s32 s4, s10;
	[sflag:s22] =	ssyncadd.s32 $0xFFFFF800;
	(pc) =	sbr.rel @p1 .LBB2_2-.Ltmp0, $3  }
0x99: {  	[spmem:s4] =	stream.linear.scatter [tilespmem:s21], [sflag:$0x10], $0x800, $0x38;
	[tilespmem:$0x18C80] =	vst v63  }
0x9a: {  	s0 =	sadd.s32 $0x2000, s0;
	_ =	sdelay $0x1  }
0x9b: {  	_ =	swait.ge [sflag:s22], $0x800  }
0x9c: {  	[sflag:s22] =	ssyncset.done $0x0  }
0x9d: {  	s0 =	simm.s32 @!p0 $0x400;
	[sflag:s22] =	ssyncadd.s32 $0xFFFFF800  }
0x9e: {  	[spmem:s11] =	stream.linear.scatter @!p0 [tilespmem:s0], [sflag:$0x10], $0x800, $0x38;
	[tilespmem:$0x18C80] =	vst v63  }
0x9f: {  	s0 =	simm.s32 @!p0 $0x10  }
0xa0: {  	_ =	swait.ge @!p0 [sflag:s0], $0x800  }
0xa1: {  	[sflag:s0] =	ssyncset.done @!p0 $0x0  }
0xa2: {  	[sflag:s0] =	ssyncadd.s32 @!p0 $0xFFFFF800  }
0xa3: {  	[bflag:$0x0] =	sbarrier.arrive $0xFFFF  }
0xa4: {  	s26 =	simm.s32 $0x0;
	s12 =	rddreg [dreg:$0x4]  }
0xa5: {  	[tilespmem:s26], [sflag:$0x1] =	stream.linear.gather [hbm4b:s12+s26], $0x50, $0x38;
	[tilespmem:$0x18C80] =	vst v63  }
0xa6: {  	s4 =	simm.s32 $0x100;
	s13 =	rddreg [dreg:$0x5]  }
0xa7: {  	[tilespmem:s4], [sflag:$0x1] =	stream.linear.gather [hbm4b:s13+s26], $0x50, $0x38;
	[tilespmem:$0x18C80] =	vst v63  }
0xa8: {  	s14 =	rddreg [dreg:$0x6];
	s12 =	simm.s32 $0x200  }
0xa9: {  	[tilespmem:s12], [sflag:$0x3] =	stream.linear.gather [hbm4b:s14+s26], $0x50, $0x38;
	[tilespmem:$0x18C80] =	vst v63  }
0xaa: {  	s16 =	simm.s32 $0x80;
	s15 =	rddreg [dreg:$0x7]  }
0xab: {  	[tilespmem:s16], [sflag:$0x2] =	stream.linear.gather [hbm4b:s15+s26], $0x50, $0x38;
	[tilespmem:$0x18C80] =	vst v63  }
0xac: {  	s18 =	simm.s32 $0x180;
	s17 =	rddreg [dreg:$0x8]  }
0xad: {  	[tilespmem:s18], [sflag:$0x2] =	stream.linear.gather [hbm4b:s17+s26], $0x50, $0x38;
	[tilespmem:$0x18C80] =	vst v63  }
0xae: {  	s23 =	simm.s32 $0x280;
	s19 =	rddreg [dreg:$0x9]  }
0xaf: {  	[tilespmem:s23], [sflag:$0x4] =	stream.linear.gather [hbm4b:s19+s26], $0x50, $0x38;
	[tilespmem:$0x18C80] =	vst v63  }
0xb0: {  	_ =	swait.ge [sflag:s29], $0x50  }
0xb1: {  	[sflag:s29] =	ssyncset.done $0x0  }
0xb2: {  	[sflag:s29] =	ssyncadd.s32 $0xFFFFFFB0  }
0xb3: {  	_ =	swait.ge [sflag:s29], $0x50  }
0xb4: {  	[sflag:s29] =	ssyncset.done $0x0  }
0xb5: {  	[sflag:s29] =	ssyncadd.s32 $0xFFFFFFB0  }
0xb6: {  	[tilespmem:s21], [sflag:$0x6] =	stream.indirect.gather [hbm4b:s5+s30], $0x80, s4, s30, $0xb8;
	[tilespmem:$0x18C80] =	vst v63  }
0xb7: {  	s28 =	simm.s32 $0x128;
	s31 =	simm.s32 $0x1800  }
0xb8: {  	[tilespmem:s31], [sflag:$0x8] =	stream.indirect.gather [hbm4b:s5+s30], $0x80, s28, s30, $0xb8;
	[tilespmem:$0x18C80] =	vst v63  }
.LBB2_4:
0xb9: {  	s28 =	sand.u32 $0x1, s26  }
0xba: {  	p1 =	seq.s32 s26, $0x0;
	s0 =	smul.u32 $0xA000, s28;
	s12 =	sor.u32 $0x6, s28  }
0xbb: {  	s18 =	sshll.u32 s28, $0x1;
	s23 =	sshll.u32 s28, $0x7;
	_ =	swait.ge [sflag:s12], $0x1400  }
0xbc: {  	s19 =	sor.u32 $0x8, s28;
	s4 =	sshrl.u32 s0, $0x2;
	[sflag:s12] =	ssyncset.done $0x0  }
0xbd: {  	s13 =	sadd.s32 $0xA, s18;
	s31 =	sor.u32 $0x400, s4;
	[sflag:s12] =	ssyncadd.s32 $0xFFFFEC00  }
0xbe: {  	[tilespmem:s31], [sflag:s13] =	stream.indirect.gather.add.f32 [hbm:s1], $0x80, s23, s30, $0xb8;
	[tilespmem:$0x18C80] =	vst v63  }
0xbf: {  	p2 =	seq.s32 @!p1 s26, $0x7C;
	_ =	swait.ge [sflag:s19], $0x1400  }
0xc0: {  	s15 =	sor.u32 $0x28, s23;
	p2 =	por p1, !p2;
	[sflag:s19] =	ssyncset.done $0x0  }
0xc1: {  	s14 =	sadd.s32 $0x1800, s4;
	s12 =	sadd.s32 $0xB, s18;
	[sflag:s19] =	ssyncadd.s32 $0xFFFFEC00  }
0xc2: {  	[tilespmem:s14], [sflag:s12] =	stream.indirect.gather.add.f32 [hbm:s1], $0x80, s15, s30, $0xb8;
	[tilespmem:$0x18C80] =	vst v63  }
.Ltmp1:
0xc3: {  	s14 =	sxor.u32 $0x1, s28;
	(pc) =	sbr.rel @!p2 .LBB2_6-.Ltmp1, $4  }
0xc4: {  	s0 =	sor.u32 @!p1 $0xE, s14  }
0xc5: {  	_ =	swait.ge @!p1 [sflag:s0], $0x2800  }
0xc6: {  	[sflag:s0] =	ssyncset.done @!p1 $0x0  }
0xc7: {  	[sflag:s0] =	ssyncadd.s32 @!p1 $0xFFFFD800;
	s0 =	simm.s32 @!p1 $0x7D  }
0xc8: {  	s0 =	sadd.s32 @!p1 $0x1, s26  }
0xc9: {  	s0 =	simm.s32 @p1 $0x1  }
0xca: {  	s15 =	smul.u32 $0xAB, s0;
	_ =	sdelay $0x1  }
0xcb: {  	s16 =	sadd.s32 $0x1, s14;
	s15 =	sshrl.u32 s15, $0x9  }
0xcc: {  	_ =	swait.ge [sflag:s16], $0x50;
	s15 =	sand.u32 $0x7F, s15  }
0xcd: {  	[sflag:s16] =	ssyncset.done $0x0;
	s15 =	smul.u32 $0x3, s15  }
0xce: {  	[sflag:s16] =	ssyncadd.s32 $0xFFFFFFB0  }
0xcf: {  	_ =	swait.ge [sflag:s16], $0x50;
	s15 =	ssub.s32 s0, s15  }
0xd0: {  	[sflag:s16] =	ssyncset.done $0x0;
	s15 =	sand.u32 $0xFF, s15  }
0xd1: {  	[sflag:s16] =	ssyncadd.s32 $0xFFFFFFB0;
	s15 =	sadd.s32 $0x3, s15  }
0xd2: {  	s18 =	smul.u32 $0xA000, s14;
	_ =	swait.ge [sflag:s15], $0x50  }
0xd3: {  	[sflag:s15] =	ssyncset.done $0x0  }
0xd4: {  	s16 =	sshll.u32 s14, $0x7;
	[sflag:s15] =	ssyncadd.s32 $0xFFFFFFB0;
	s15 =	sshrl.u32 s18, $0x2  }
0xd5: {  	s19 =	sor.u32 $0x6, s14;
	s18 =	sor.u32 $0x100, s16;
	s17 =	sor.u32 $0x400, s15  }
0xd6: {  	[tilespmem:s17], [sflag:s19] =	stream.indirect.gather [hbm4b:s5+s30], $0x80, s18, s30, $0xb8;
	[tilespmem:$0x18C80] =	vst v63  }
0xd7: {  	s16 =	sor.u32 $0x128, s16;
	s15 =	sadd.s32 $0x1800, s15;
	s19 =	sor.u32 $0x8, s14  }
0xd8: {  	[tilespmem:s15], [sflag:s19] =	stream.indirect.gather [hbm4b:s5+s30], $0x80, s16, s30, $0xb8;
	[tilespmem:$0x18C80] =	vst v63  }
.LBB2_6:
0xd9: {  	_ =	swait.ge [sflag:s13], $0x1400  }
0xda: {  	[sflag:s13] =	ssyncset.done $0x0  }
0xdb: {  	[sflag:s13] =	ssyncadd.s32 $0xFFFFEC00;
	s13 =	sadd.s32 $0x600, s4  }
0xdc: {  	v1 =	vld [tilespmem:s13+$0xFFFFFE10]  }
0xdd: {  	v2 =	vld [tilespmem:s13+$0xFFFFFE20]  }
0xde: {  	v7 =	vld [tilespmem:s13+$0x1F0]  }
0xdf: {  	v3 =	vld [tilespmem:s13+$0xFFFFFE30]  }
0xe0: {  	v9 =	vld [tilespmem:s13+$0xFFFFFE90]  }
0xe1: {  	v10 =	vld [tilespmem:s13+$0xFFFFFEA0]  }
0xe2: {  	v4 =	vld [tilespmem:s13+$0xFFFFFE40];
	v1 =	vmax.f32 v1, $0.0e+00  }
0xe3: {  	v5 =	vld [tilespmem:s13+$0xFFFFFE50];
	v7 =	vmax.f32 v7, $0.0e+00;
	[tilespmem:s13+$0xFFFFFE10] =	vst v1  }
0xe4: {  	v11 =	vld [tilespmem:s13+$0xFFFFFEB0];
	v2 =	vmax.f32 v2, $0.0e+00;
	[tilespmem:s13+$0x1F0] =	vst v7  }
0xe5: {  	v9 =	vmax.f32 v9, $0.0e+00;
	v1 =	vld [tilespmem:s13+$0xFFFFFE70];
	[tilespmem:s13+$0xFFFFFE20] =	vst v2  }
0xe6: {  	v10 =	vmax.f32 v10, $0.0e+00;
	v7 =	vld [tilespmem:s13+$0xFFFFFEC0];
	[tilespmem:s13+$0xFFFFFE90] =	vst v9  }
0xe7: {  	v8 =	vld [tilespmem:s13+$0xFFFFFE80];
	v2 =	vmax.f32 v3, $0.0e+00;
	[tilespmem:s13+$0xFFFFFEA0] =	vst v10  }
0xe8: {  	[tilespmem:s13+$0xFFFFFE30] =	vst v2;
	v2 =	vmax.f32 v4, $0.0e+00;
	v4 =	vld [tilespmem:s13+$0xFFFFFF00]  }
0xe9: {  	v56 =	vmax.f32 v11, $0.0e+00;
	[tilespmem:s13+$0xFFFFFE40] =	vst v2;
	v2 =	vmax.f32 v5, $0.0e+00;
	v5 =	vld [tilespmem:s13+$0xFFFFFF10]  }
0xea: {  	[tilespmem:s13+$0xFFFFFEB0] =	vst v56;
	v1 =	vmax.f32 v1, $0.0e+00  }
0xeb: {  	v6 =	vld [tilespmem:s13+$0xFFFFFE60];
	v7 =	vmax.f32 v7, $0.0e+00;
	[tilespmem:s13+$0xFFFFFE70] =	vst v1  }
0xec: {  	v3 =	vld [tilespmem:s13+$0xFFFFFED0];
	v1 =	vmax.f32 v8, $0.0e+00;
	[tilespmem:s13+$0xFFFFFEC0] =	vst v7  }
0xed: {  	v7 =	vld [tilespmem:s13+$0xFFFFFF90];
	[tilespmem:s13+$0xFFFFFE80] =	vst v1;
	v1 =	vmax.f32 v4, $0.0e+00  }
0xee: {  	v5 =	vmax.f32 v5, $0.0e+00;
	[tilespmem:s13+$0xFFFFFF00] =	vst v1;
	v1 =	vld [tilespmem:s13+$0xFFFFFEE0]  }
0xef: {  	[tilespmem:s13+$0xFFFFFF10] =	vst v5;
	v5 =	vld [tilespmem:s13+$0xFFFFFEF0]  }
0xf0: {  	[tilespmem:s13+$0xFFFFFE50] =	vst v2;
	v2 =	vmax.f32 v6, $0.0e+00;
	v6 =	vld [tilespmem:s13+$0xFFFFFF20]  }
0xf1: {  	[tilespmem:s13+$0xFFFFFE60] =	vst v2;
	v2 =	vld [tilespmem:s13+$0xFFFFFF30];
	v3 =	vmax.f32 v3, $0.0e+00  }
0xf2: {  	v8 =	vld [tilespmem:s13+$0xFFFFFF40];
	[tilespmem:s13+$0xFFFFFED0] =	vst v3;
	v7 =	vmax.f32 v7, $0.0e+00  }
0xf3: {  	v4 =	vld [tilespmem:s13+$0xFFFFFF50];
	[tilespmem:s13+$0xFFFFFF90] =	vst v7;
	v1 =	vmax.f32 v1, $0.0e+00  }
0xf4: {  	v55 =	vld [tilespmem:s13+$0xFFFFFF60];
	[tilespmem:s13+$0xFFFFFEE0] =	vst v1;
	v1 =	vmax.f32 v5, $0.0e+00  }
0xf5: {  	v57 =	vld [tilespmem:s13+$0xFFFFFF70];
	[tilespmem:s13+$0xFFFFFEF0] =	vst v1;
	v1 =	vmax.f32 v6, $0.0e+00  }
0xf6: {  	v58 =	vld [tilespmem:s13+$0xFFFFFF80];
	[tilespmem:s13+$0xFFFFFF20] =	vst v1;
	v1 =	vmax.f32 v2, $0.0e+00  }
0xf7: {  	[tilespmem:s13+$0xFFFFFF30] =	vst v1;
	v1 =	vmax.f32 v8, $0.0e+00;
	v8 =	vld [tilespmem:s13+$0x0]  }
0xf8: {  	[tilespmem:s13+$0xFFFFFF40] =	vst v1;
	v1 =	vmax.f32 v4, $0.0e+00;
	v4 =	vld [tilespmem:s13+$0x10]  }
0xf9: {  	v3 =	vld [tilespmem:s13+$0xFFFFFFA0];
	[tilespmem:s13+$0xFFFFFF50] =	vst v1;
	v1 =	vmax.f32 v55, $0.0e+00  }
0xfa: {  	v5 =	vld [tilespmem:s13+$0xFFFFFFB0];
	[tilespmem:s13+$0xFFFFFF60] =	vst v1;
	v1 =	vmax.f32 v57, $0.0e+00  }
0xfb: {  	v6 =	vld [tilespmem:s13+$0xFFFFFFC0];
	[tilespmem:s13+$0xFFFFFF70] =	vst v1;
	v1 =	vmax.f32 v58, $0.0e+00  }
0xfc: {  	v2 =	vld [tilespmem:s13+$0xFFFFFFD0];
	[tilespmem:s13+$0xFFFFFF80] =	vst v1;
	v1 =	vmax.f32 v8, $0.0e+00  }
0xfd: {  	[tilespmem:s13+$0x0] =	vst v1;
	v1 =	vld [tilespmem:s13+$0xFFFFFFE0];
	v4 =	vmax.f32 v4, $0.0e+00  }
0xfe: {  	v3 =	vmax.f32 v3, $0.0e+00;
	[tilespmem:s13+$0x10] =	vst v4;
	v4 =	vld [tilespmem:s13+$0xFFFFFFF0]  }
0xff: {  	v59 =	vld [tilespmem:s13+$0x20];
	[tilespmem:s13+$0xFFFFFFA0] =	vst v3;
	v3 =	vmax.f32 v5, $0.0e+00  }
0x100: {  	[tilespmem:s13+$0xFFFFFFB0] =	vst v3;
	v3 =	vmax.f32 v6, $0.0e+00;
	v6 =	vld [tilespmem:s13+$0x80]  }
0x101: {  	v60 =	vld [tilespmem:s13+$0x30];
	[tilespmem:s13+$0xFFFFFFC0] =	vst v3;
	v2 =	vmax.f32 v2, $0.0e+00  }
0x102: {  	v3 =	vld [tilespmem:s13+$0x90];
	[tilespmem:s13+$0xFFFFFFD0] =	vst v2;
	v1 =	vmax.f32 v1, $0.0e+00  }
0x103: {  	v61 =	vld [tilespmem:s13+$0x40];
	[tilespmem:s13+$0xFFFFFFE0] =	vst v1;
	v1 =	vmax.f32 v4, $0.0e+00  }
0x104: {  	v8 =	vld [tilespmem:s13+$0x50];
	[tilespmem:s13+$0xFFFFFFF0] =	vst v1;
	v1 =	vmax.f32 v59, $0.0e+00  }
0x105: {  	v7 =	vld [tilespmem:s13+$0x60];
	[tilespmem:s13+$0x20] =	vst v1;
	v1 =	vmax.f32 v6, $0.0e+00  }
0x106: {  	v5 =	vld [tilespmem:s13+$0x70];
	[tilespmem:s13+$0x80] =	vst v1;
	v1 =	vmax.f32 v60, $0.0e+00  }
0x107: {  	v2 =	vld [tilespmem:s13+$0xA0];
	[tilespmem:s13+$0x30] =	vst v1;
	v1 =	vmax.f32 v3, $0.0e+00  }
0x108: {  	v4 =	vld [tilespmem:s13+$0xB0];
	[tilespmem:s13+$0x90] =	vst v1;
	v1 =	vmax.f32 v61, $0.0e+00  }
0x109: {  	v62 =	vld [tilespmem:s13+$0xC0];
	[tilespmem:s13+$0x40] =	vst v1;
	v1 =	vmax.f32 v8, $0.0e+00  }
0x10a: {  	[tilespmem:s13+$0x50] =	vst v1;
	v1 =	vmax.f32 v7, $0.0e+00;
	v7 =	vld [tilespmem:s13+$0x100]  }
0x10b: {  	v6 =	vld [tilespmem:s13+$0xD0];
	[tilespmem:s13+$0x60] =	vst v1;
	v1 =	vmax.f32 v5, $0.0e+00  }
0x10c: {  	v5 =	vld [tilespmem:s13+$0x110];
	[tilespmem:s13+$0x70] =	vst v1;
	v1 =	vmax.f32 v2, $0.0e+00  }
0x10d: {  	v3 =	vld [tilespmem:s13+$0xE0];
	[tilespmem:s13+$0xA0] =	vst v1;
	v1 =	vmax.f32 v4, $0.0e+00  }
0x10e: {  	v8 =	vld [tilespmem:s13+$0xF0];
	[tilespmem:s13+$0xB0] =	vst v1;
	v1 =	vmax.f32 v62, $0.0e+00  }
0x10f: {  	v2 =	vld [tilespmem:s13+$0x120];
	[tilespmem:s13+$0xC0] =	vst v1;
	v1 =	vmax.f32 v7, $0.0e+00  }
0x110: {  	v7 =	vld [tilespmem:s13+$0x150];
	[tilespmem:s13+$0x100] =	vst v1;
	v1 =	vmax.f32 v6, $0.0e+00  }
0x111: {  	v4 =	vld [tilespmem:s13+$0x130];
	[tilespmem:s13+$0xD0] =	vst v1;
	v1 =	vmax.f32 v5, $0.0e+00  }
0x112: {  	v63 =	vld [tilespmem:s13+$0x140];
	[tilespmem:s13+$0x110] =	vst v1;
	v1 =	vmax.f32 v3, $0.0e+00  }
0x113: {  	v6 =	vld [tilespmem:s13+$0x170];
	[tilespmem:s13+$0xE0] =	vst v1;
	v1 =	vmax.f32 v8, $0.0e+00  }
0x114: {  	v5 =	vld [tilespmem:s13+$0x160];
	[tilespmem:s13+$0xF0] =	vst v1;
	v1 =	vmax.f32 v2, $0.0e+00  }
0x115: {  	v3 =	vld [tilespmem:s13+$0x180];
	v2 =	vmax.f32 v7, $0.0e+00;
	[tilespmem:s13+$0x120] =	vst v1  }
0x116: {  	v1 =	vmax.f32 v4, $0.0e+00;
	v4 =	vld [tilespmem:s13+$0x190];
	[tilespmem:s13+$0x150] =	vst v2  }
0x117: {  	v8 =	vld [tilespmem:s13+$0x1A0];
	[tilespmem:s13+$0x130] =	vst v1;
	v1 =	vmax.f32 v63, $0.0e+00  }
0x118: {  	v6 =	vmax.f32 v6, $0.0e+00;
	[tilespmem:s13+$0x140] =	vst v1;
	v1 =	vld [tilespmem:s13+$0x1B0]  }
0x119: {  	v2 =	vld [tilespmem:s13+$0x1C0];
	v5 =	vmax.f32 v5, $0.0e+00;
	[tilespmem:s13+$0x170] =	vst v6  }
0x11a: {  	[tilespmem:s13+$0x160] =	vst v5;
	v5 =	vmax.f32 v3, $0.0e+00;
	v3 =	vld [tilespmem:s13+$0x1D0]  }
0x11b: {  	[tilespmem:s13+$0x180] =	vst v5;
	v5 =	vld [tilespmem:s13+$0x1E0];
	v6 =	vmax.f32 v4, $0.0e+00  }
0x11c: {  	s14 =	simm.s32 $0x0;
	s15 =	sadd.s32 $0x400, s13;
	v4 =	vld [tilespmem:s13+$0xFFFFFE00];
	[tilespmem:s13+$0x190] =	vst v6;
	v6 =	vmax.f32 v8, $0.0e+00  }
.LBB2_7:
0x11d: {  	v7 =	vld [tilespmem:s15+$0x1F0];
	s14 =	sadd.s32 $0x8, s14;
	[tilespmem:s13+$0x1A0] =	vst v6;
	v1 =	vmax.f32 v1, $0.0e+00  }
0x11e: {  	v6 =	vld [tilespmem:s15+$0xFFFFFE10];
	p1 =	slt.u32 s14, $0x20;
	[tilespmem:s13+$0x1B0] =	vst v1;
	v1 =	vmax.f32 v2, $0.0e+00  }
0x11f: {  	v2 =	vld [tilespmem:s15+$0xFFFFFE20];
	[tilespmem:s13+$0x1C0] =	vst v1;
	v1 =	vmax.f32 v3, $0.0e+00  }
0x120: {  	v3 =	vld [tilespmem:s15+$0xFFFFFE30];
	[tilespmem:s13+$0x1D0] =	vst v1;
	v1 =	vmax.f32 v5, $0.0e+00  }
0x121: {  	v5 =	vld [tilespmem:s15+$0xFFFFFE40];
	v4 =	vmax.f32 v4, $0.0e+00;
	[tilespmem:s13+$0x1E0] =	vst v1  }
0x122: {  	v1 =	vld [tilespmem:s15+$0xFFFFFE50];
	v7 =	vmax.f32 v7, $0.0e+00;
	[tilespmem:s13+$0xFFFFFE00] =	vst v4;
	s13 =	smov.u32 s15  }
0x123: {  	v4 =	vmax.f32 v6, $0.0e+00;
	v6 =	vld [tilespmem:s15+$0xFFFFFE60];
	[tilespmem:s15+$0x1F0] =	vst v7  }
0x124: {  	[tilespmem:s15+$0xFFFFFE10] =	vst v4;
	v2 =	vmax.f32 v2, $0.0e+00;
	v4 =	vld [tilespmem:s15+$0xFFFFFE70]  }
0x125: {  	[tilespmem:s15+$0xFFFFFE20] =	vst v2;
	v2 =	vmax.f32 v3, $0.0e+00;
	v3 =	vld [tilespmem:s15+$0xFFFFFE80]  }
0x126: {  	[tilespmem:s15+$0xFFFFFE30] =	vst v2;
	v2 =	vmax.f32 v5, $0.0e+00;
	v5 =	vld [tilespmem:s15+$0xFFFFFE90]  }
0x127: {  	[tilespmem:s15+$0xFFFFFE40] =	vst v2;
	v1 =	vmax.f32 v1, $0.0e+00;
	v2 =	vld [tilespmem:s15+$0xFFFFFEA0]  }
0x128: {  	[tilespmem:s15+$0xFFFFFE50] =	vst v1;
	v1 =	vmax.f32 v6, $0.0e+00;
	v6 =	vld [tilespmem:s15+$0xFFFFFEB0]  }
0x129: {  	[tilespmem:s15+$0xFFFFFE60] =	vst v1;
	v1 =	vmax.f32 v4, $0.0e+00;
	v4 =	vld [tilespmem:s15+$0xFFFFFEC0]  }
0x12a: {  	[tilespmem:s15+$0xFFFFFE70] =	vst v1;
	v1 =	vmax.f32 v3, $0.0e+00;
	v3 =	vld [tilespmem:s15+$0xFFFFFED0]  }
0x12b: {  	[tilespmem:s15+$0xFFFFFE80] =	vst v1;
	v1 =	vmax.f32 v5, $0.0e+00;
	v5 =	vld [tilespmem:s15+$0xFFFFFEE0]  }
0x12c: {  	[tilespmem:s15+$0xFFFFFE90] =	vst v1;
	v1 =	vmax.f32 v2, $0.0e+00;
	v2 =	vld [tilespmem:s15+$0xFFFFFEF0]  }
0x12d: {  	[tilespmem:s15+$0xFFFFFEA0] =	vst v1;
	v1 =	vmax.f32 v6, $0.0e+00;
	v6 =	vld [tilespmem:s15+$0xFFFFFF00]  }
0x12e: {  	[tilespmem:s15+$0xFFFFFEB0] =	vst v1;
	v1 =	vmax.f32 v4, $0.0e+00;
	v4 =	vld [tilespmem:s15+$0xFFFFFF10]  }
0x12f: {  	[tilespmem:s15+$0xFFFFFEC0] =	vst v1;
	v1 =	vmax.f32 v3, $0.0e+00;
	v3 =	vld [tilespmem:s15+$0xFFFFFF20]  }
0x130: {  	[tilespmem:s15+$0xFFFFFED0] =	vst v1;
	v1 =	vmax.f32 v5, $0.0e+00;
	v5 =	vld [tilespmem:s15+$0xFFFFFF30]  }
0x131: {  	[tilespmem:s15+$0xFFFFFEE0] =	vst v1;
	v1 =	vmax.f32 v2, $0.0e+00;
	v2 =	vld [tilespmem:s15+$0xFFFFFF40]  }
0x132: {  	[tilespmem:s15+$0xFFFFFEF0] =	vst v1;
	v1 =	vmax.f32 v6, $0.0e+00;
	v6 =	vld [tilespmem:s15+$0xFFFFFF50]  }
0x133: {  	[tilespmem:s15+$0xFFFFFF00] =	vst v1;
	v1 =	vmax.f32 v4, $0.0e+00;
	v4 =	vld [tilespmem:s15+$0xFFFFFF60]  }
0x134: {  	[tilespmem:s15+$0xFFFFFF10] =	vst v1;
	v1 =	vmax.f32 v3, $0.0e+00;
	v3 =	vld [tilespmem:s15+$0xFFFFFF70]  }
0x135: {  	[tilespmem:s15+$0xFFFFFF20] =	vst v1;
	v1 =	vmax.f32 v5, $0.0e+00;
	v5 =	vld [tilespmem:s15+$0xFFFFFF80]  }
0x136: {  	[tilespmem:s15+$0xFFFFFF30] =	vst v1;
	v1 =	vmax.f32 v2, $0.0e+00;
	v2 =	vld [tilespmem:s15+$0xFFFFFF90]  }
0x137: {  	[tilespmem:s15+$0xFFFFFF40] =	vst v1;
	v1 =	vmax.f32 v6, $0.0e+00;
	v6 =	vld [tilespmem:s15+$0xFFFFFFA0]  }
0x138: {  	[tilespmem:s15+$0xFFFFFF50] =	vst v1;
	v1 =	vmax.f32 v4, $0.0e+00;
	v4 =	vld [tilespmem:s15+$0xFFFFFFB0]  }
0x139: {  	[tilespmem:s15+$0xFFFFFF60] =	vst v1;
	v1 =	vmax.f32 v3, $0.0e+00;
	v3 =	vld [tilespmem:s15+$0xFFFFFFC0]  }
0x13a: {  	[tilespmem:s15+$0xFFFFFF70] =	vst v1;
	v1 =	vmax.f32 v5, $0.0e+00;
	v5 =	vld [tilespmem:s15+$0xFFFFFFD0]  }
0x13b: {  	[tilespmem:s15+$0xFFFFFF80] =	vst v1;
	v1 =	vmax.f32 v2, $0.0e+00;
	v2 =	vld [tilespmem:s15+$0xFFFFFFE0]  }
0x13c: {  	[tilespmem:s15+$0xFFFFFF90] =	vst v1;
	v1 =	vmax.f32 v6, $0.0e+00;
	v6 =	vld [tilespmem:s15+$0xFFFFFFF0]  }
0x13d: {  	[tilespmem:s15+$0xFFFFFFA0] =	vst v1;
	v1 =	vmax.f32 v4, $0.0e+00;
	v4 =	vld [tilespmem:s15+$0x0]  }
0x13e: {  	[tilespmem:s15+$0xFFFFFFB0] =	vst v1;
	v1 =	vmax.f32 v3, $0.0e+00;
	v3 =	vld [tilespmem:s15+$0x10]  }
0x13f: {  	[tilespmem:s15+$0xFFFFFFC0] =	vst v1;
	v1 =	vmax.f32 v5, $0.0e+00;
	v5 =	vld [tilespmem:s15+$0x20]  }
0x140: {  	[tilespmem:s15+$0xFFFFFFD0] =	vst v1;
	v1 =	vmax.f32 v2, $0.0e+00;
	v2 =	vld [tilespmem:s15+$0x30]  }
0x141: {  	[tilespmem:s15+$0xFFFFFFE0] =	vst v1;
	v1 =	vmax.f32 v6, $0.0e+00;
	v6 =	vld [tilespmem:s15+$0x40]  }
0x142: {  	[tilespmem:s15+$0xFFFFFFF0] =	vst v1;
	v1 =	vmax.f32 v4, $0.0e+00;
	v4 =	vld [tilespmem:s15+$0x50]  }
0x143: {  	[tilespmem:s15+$0x0] =	vst v1;
	v1 =	vmax.f32 v3, $0.0e+00;
	v3 =	vld [tilespmem:s15+$0x60]  }
0x144: {  	[tilespmem:s15+$0x10] =	vst v1;
	v1 =	vmax.f32 v5, $0.0e+00;
	v5 =	vld [tilespmem:s15+$0x70]  }
0x145: {  	[tilespmem:s15+$0x20] =	vst v1;
	v1 =	vmax.f32 v2, $0.0e+00;
	v2 =	vld [tilespmem:s15+$0x80]  }
0x146: {  	[tilespmem:s15+$0x30] =	vst v1;
	v1 =	vmax.f32 v6, $0.0e+00;
	v6 =	vld [tilespmem:s15+$0x90]  }
0x147: {  	[tilespmem:s15+$0x40] =	vst v1;
	v1 =	vmax.f32 v4, $0.0e+00;
	v4 =	vld [tilespmem:s15+$0xA0]  }
0x148: {  	[tilespmem:s15+$0x50] =	vst v1;
	v1 =	vmax.f32 v3, $0.0e+00;
	v3 =	vld [tilespmem:s15+$0xB0]  }
0x149: {  	[tilespmem:s15+$0x60] =	vst v1;
	v1 =	vmax.f32 v5, $0.0e+00;
	v5 =	vld [tilespmem:s15+$0xC0]  }
0x14a: {  	[tilespmem:s15+$0x70] =	vst v1;
	v1 =	vmax.f32 v2, $0.0e+00;
	v2 =	vld [tilespmem:s15+$0xD0]  }
0x14b: {  	[tilespmem:s15+$0x80] =	vst v1;
	v1 =	vmax.f32 v6, $0.0e+00;
	v6 =	vld [tilespmem:s15+$0xE0]  }
0x14c: {  	[tilespmem:s15+$0x90] =	vst v1;
	v1 =	vmax.f32 v4, $0.0e+00;
	v4 =	vld [tilespmem:s15+$0xF0]  }
0x14d: {  	[tilespmem:s15+$0xA0] =	vst v1;
	v1 =	vmax.f32 v3, $0.0e+00;
	v3 =	vld [tilespmem:s15+$0x100]  }
0x14e: {  	[tilespmem:s15+$0xB0] =	vst v1;
	v1 =	vmax.f32 v5, $0.0e+00;
	v5 =	vld [tilespmem:s15+$0x110]  }
0x14f: {  	[tilespmem:s15+$0xC0] =	vst v1;
	v1 =	vmax.f32 v2, $0.0e+00;
	v2 =	vld [tilespmem:s15+$0x120]  }
0x150: {  	[tilespmem:s15+$0xD0] =	vst v1;
	v1 =	vmax.f32 v6, $0.0e+00;
	v6 =	vld [tilespmem:s15+$0x130]  }
0x151: {  	[tilespmem:s15+$0xE0] =	vst v1;
	v1 =	vmax.f32 v4, $0.0e+00;
	v4 =	vld [tilespmem:s15+$0x140]  }
0x152: {  	[tilespmem:s15+$0xF0] =	vst v1;
	v1 =	vmax.f32 v3, $0.0e+00;
	v3 =	vld [tilespmem:s15+$0x150]  }
0x153: {  	[tilespmem:s15+$0x100] =	vst v1;
	v1 =	vmax.f32 v5, $0.0e+00;
	v5 =	vld [tilespmem:s15+$0x160]  }
0x154: {  	[tilespmem:s15+$0x110] =	vst v1;
	v1 =	vmax.f32 v2, $0.0e+00;
	v2 =	vld [tilespmem:s15+$0x170]  }
0x155: {  	[tilespmem:s15+$0x120] =	vst v1;
	v1 =	vmax.f32 v6, $0.0e+00;
	v6 =	vld [tilespmem:s15+$0x180]  }
0x156: {  	[tilespmem:s15+$0x130] =	vst v1;
	v1 =	vmax.f32 v4, $0.0e+00;
	v4 =	vld [tilespmem:s15+$0x190]  }
0x157: {  	[tilespmem:s15+$0x140] =	vst v1;
	v1 =	vmax.f32 v3, $0.0e+00;
	v7 =	vld [tilespmem:s15+$0x1A0]  }
.Ltmp2:
0x158: {  	[tilespmem:s15+$0x150] =	vst v1;
	v3 =	vmax.f32 v5, $0.0e+00;
	v1 =	vld [tilespmem:s15+$0x1B0];
	(pc) =	sbr.rel @p1 .LBB2_7-.Ltmp2, $4  }
0x159: {  	[tilespmem:s15+$0x160] =	vst v3;
	v3 =	vmax.f32 v2, $0.0e+00;
	v2 =	vld [tilespmem:s15+$0x1C0]  }
0x15a: {  	[tilespmem:s15+$0x170] =	vst v3;
	v5 =	vmax.f32 v6, $0.0e+00;
	v3 =	vld [tilespmem:s15+$0x1D0]  }
0x15b: {  	[tilespmem:s15+$0x180] =	vst v5;
	v6 =	vmax.f32 v4, $0.0e+00;
	v5 =	vld [tilespmem:s15+$0x1E0]  }
0x15c: {  	s15 =	sadd.s32 $0x400, s15;
	v4 =	vld [tilespmem:s13+$0xFFFFFE00];
	[tilespmem:s13+$0x190] =	vst v6;
	v6 =	vmax.f32 v7, $0.0e+00  }
0x15d: {  	[tilespmem:s13+$0x1A0] =	vst v6;
	v1 =	vmax.f32 v1, $0.0e+00  }
0x15e: {  	[tilespmem:s13+$0x1B0] =	vst v1;
	v1 =	vmax.f32 v2, $0.0e+00  }
0x15f: {  	[tilespmem:s13+$0x1C0] =	vst v1;
	v1 =	vmax.f32 v3, $0.0e+00  }
0x160: {  	p1 =	sgt.u32 s26, $0x7A;
	[tilespmem:s13+$0x1D0] =	vst v1;
	v1 =	vmax.f32 v5, $0.0e+00  }
0x161: {  	s14 =	sadd.s32 @!p1 $0x2, s26;
	v2 =	vmax.f32 v4, $0.0e+00;
	[tilespmem:s13+$0x1E0] =	vst v1  }
0x162: {  	[tilespmem:s13+$0xFFFFFE00] =	vst v2;
	s13 =	smul.u32 @!p1 $0x50, s14;
	_ =	sdelay $0x1  }
0x163: {  	s16 =	simm.s32 @!p1 $0x0;
	_ =	swait.ge [sflag:s12], $0x1400;
	s13 =	sadd.s32 @!p1 s9, s13  }
0x164: {  	s17 =	smul.u32 @!p1 $0xAB, s14;
	[sflag:s12] =	ssyncset.done $0x0;
	s13 =	sshrl.u32 @!p1 s13, $0x3  }
0x165: {  	[sflag:s12] =	ssyncadd.s32 $0xFFFFEC00;
	s12 =	sadd.s32 @!p1 $0x1, s28;
	s15 =	sadd.s32 @!p1 s6, s13  }
0x166: {  	[tilespmem:s23], [sflag:s12] =	stream.linear.gather @!p1 [hbm4b:s15+s16], $0x50, $0x38;
	[tilespmem:$0x18C80] =	vst v63  }
0x167: {  	s15 =	sshrl.u32 @!p1 s17, $0x9  }
0x168: {  	s15 =	sand.u32 @!p1 $0x7F, s15  }
0x169: {  	s18 =	sadd.s32 @!p1 s7, s13;
	s17 =	sor.u32 @!p1 $0x100, s23;
	s15 =	smul.u32 @!p1 $0x3, s15  }
0x16a: {  	[tilespmem:s17], [sflag:s12] =	stream.linear.gather @!p1 [hbm4b:s18+s16], $0x50, $0x38;
	[tilespmem:$0x18C80] =	vst v63  }
0x16b: {  	s12 =	ssub.s32 @!p1 s14, s15  }
0x16c: {  	s12 =	sand.u32 @!p1 $0xFF, s12  }
0x16d: {  	s4 =	sadd.s32 $0x1BF0, s4;
	s14 =	sshll.u32 @!p1 s12, $0x7  }
0x16e: {  	s13 =	sadd.s32 @!p1 s8, s13;
	s12 =	sadd.s32 @!p1 $0x3, s12;
	s14 =	sor.u32 @!p1 $0x200, s14  }
0x16f: {  	[tilespmem:s14], [sflag:s12] =	stream.linear.gather @!p1 [hbm4b:s13+s16], $0x50, $0x38;
	[tilespmem:$0x18C80] =	vst v63  }
0x170: {  	v1 =	vld [tilespmem:s4+$0xFFFFFC20]  }
0x171: {  	v2 =	vld [tilespmem:s4+$0xFFFFFC30]  }
0x172: {  	v7 =	vld [tilespmem:s4+$0x0]  }
0x173: {  	v3 =	vld [tilespmem:s4+$0xFFFFFC40]  }
0x174: {  	v9 =	vld [tilespmem:s4+$0xFFFFFCA0]  }
0x175: {  	v10 =	vld [tilespmem:s4+$0xFFFFFCB0]  }
0x176: {  	v4 =	vld [tilespmem:s4+$0xFFFFFC50];
	v1 =	vmax.f32 v1, $0.0e+00  }
0x177: {  	v5 =	vld [tilespmem:s4+$0xFFFFFC60];
	v7 =	vmax.f32 v7, $0.0e+00;
	[tilespmem:s4+$0xFFFFFC20] =	vst v1  }
0x178: {  	v11 =	vld [tilespmem:s4+$0xFFFFFCC0];
	v2 =	vmax.f32 v2, $0.0e+00;
	[tilespmem:s4+$0x0] =	vst v7  }
0x179: {  	v9 =	vmax.f32 v9, $0.0e+00;
	v1 =	vld [tilespmem:s4+$0xFFFFFC80];
	[tilespmem:s4+$0xFFFFFC30] =	vst v2  }
0x17a: {  	v10 =	vmax.f32 v10, $0.0e+00;
	v7 =	vld [tilespmem:s4+$0xFFFFFCD0];
	[tilespmem:s4+$0xFFFFFCA0] =	vst v9  }
0x17b: {  	v8 =	vld [tilespmem:s4+$0xFFFFFC90];
	v2 =	vmax.f32 v3, $0.0e+00;
	[tilespmem:s4+$0xFFFFFCB0] =	vst v10  }
0x17c: {  	[tilespmem:s4+$0xFFFFFC40] =	vst v2;
	v2 =	vmax.f32 v4, $0.0e+00;
	v4 =	vld [tilespmem:s4+$0xFFFFFD10]  }
0x17d: {  	v56 =	vmax.f32 v11, $0.0e+00;
	[tilespmem:s4+$0xFFFFFC50] =	vst v2;
	v2 =	vmax.f32 v5, $0.0e+00;
	v5 =	vld [tilespmem:s4+$0xFFFFFD20]  }
0x17e: {  	[tilespmem:s4+$0xFFFFFCC0] =	vst v56;
	v1 =	vmax.f32 v1, $0.0e+00  }
0x17f: {  	v6 =	vld [tilespmem:s4+$0xFFFFFC70];
	v7 =	vmax.f32 v7, $0.0e+00;
	[tilespmem:s4+$0xFFFFFC80] =	vst v1  }
0x180: {  	v3 =	vld [tilespmem:s4+$0xFFFFFCE0];
	v1 =	vmax.f32 v8, $0.0e+00;
	[tilespmem:s4+$0xFFFFFCD0] =	vst v7  }
0x181: {  	v7 =	vld [tilespmem:s4+$0xFFFFFDA0];
	[tilespmem:s4+$0xFFFFFC90] =	vst v1;
	v1 =	vmax.f32 v4, $0.0e+00  }
0x182: {  	v5 =	vmax.f32 v5, $0.0e+00;
	[tilespmem:s4+$0xFFFFFD10] =	vst v1;
	v1 =	vld [tilespmem:s4+$0xFFFFFCF0]  }
0x183: {  	[tilespmem:s4+$0xFFFFFD20] =	vst v5;
	v5 =	vld [tilespmem:s4+$0xFFFFFD00]  }
0x184: {  	[tilespmem:s4+$0xFFFFFC60] =	vst v2;
	v2 =	vmax.f32 v6, $0.0e+00;
	v6 =	vld [tilespmem:s4+$0xFFFFFD30]  }
0x185: {  	[tilespmem:s4+$0xFFFFFC70] =	vst v2;
	v2 =	vld [tilespmem:s4+$0xFFFFFD40];
	v3 =	vmax.f32 v3, $0.0e+00  }
0x186: {  	v8 =	vld [tilespmem:s4+$0xFFFFFD50];
	[tilespmem:s4+$0xFFFFFCE0] =	vst v3;
	v7 =	vmax.f32 v7, $0.0e+00  }
0x187: {  	v4 =	vld [tilespmem:s4+$0xFFFFFD60];
	[tilespmem:s4+$0xFFFFFDA0] =	vst v7;
	v1 =	vmax.f32 v1, $0.0e+00  }
0x188: {  	v55 =	vld [tilespmem:s4+$0xFFFFFD70];
	[tilespmem:s4+$0xFFFFFCF0] =	vst v1;
	v1 =	vmax.f32 v5, $0.0e+00  }
0x189: {  	v57 =	vld [tilespmem:s4+$0xFFFFFD80];
	[tilespmem:s4+$0xFFFFFD00] =	vst v1;
	v1 =	vmax.f32 v6, $0.0e+00  }
0x18a: {  	v58 =	vld [tilespmem:s4+$0xFFFFFD90];
	[tilespmem:s4+$0xFFFFFD30] =	vst v1;
	v1 =	vmax.f32 v2, $0.0e+00  }
0x18b: {  	[tilespmem:s4+$0xFFFFFD40] =	vst v1;
	v1 =	vmax.f32 v8, $0.0e+00;
	v8 =	vld [tilespmem:s4+$0xFFFFFE10]  }
0x18c: {  	[tilespmem:s4+$0xFFFFFD50] =	vst v1;
	v1 =	vmax.f32 v4, $0.0e+00;
	v4 =	vld [tilespmem:s4+$0xFFFFFE20]  }
0x18d: {  	v3 =	vld [tilespmem:s4+$0xFFFFFDB0];
	[tilespmem:s4+$0xFFFFFD60] =	vst v1;
	v1 =	vmax.f32 v55, $0.0e+00  }
0x18e: {  	v5 =	vld [tilespmem:s4+$0xFFFFFDC0];
	[tilespmem:s4+$0xFFFFFD70] =	vst v1;
	v1 =	vmax.f32 v57, $0.0e+00  }
0x18f: {  	v6 =	vld [tilespmem:s4+$0xFFFFFDD0];
	[tilespmem:s4+$0xFFFFFD80] =	vst v1;
	v1 =	vmax.f32 v58, $0.0e+00  }
0x190: {  	v2 =	vld [tilespmem:s4+$0xFFFFFDE0];
	[tilespmem:s4+$0xFFFFFD90] =	vst v1;
	v1 =	vmax.f32 v8, $0.0e+00  }
0x191: {  	[tilespmem:s4+$0xFFFFFE10] =	vst v1;
	v1 =	vld [tilespmem:s4+$0xFFFFFDF0];
	v4 =	vmax.f32 v4, $0.0e+00  }
0x192: {  	v3 =	vmax.f32 v3, $0.0e+00;
	[tilespmem:s4+$0xFFFFFE20] =	vst v4;
	v4 =	vld [tilespmem:s4+$0xFFFFFE00]  }
0x193: {  	v59 =	vld [tilespmem:s4+$0xFFFFFE30];
	[tilespmem:s4+$0xFFFFFDB0] =	vst v3;
	v3 =	vmax.f32 v5, $0.0e+00  }
0x194: {  	[tilespmem:s4+$0xFFFFFDC0] =	vst v3;
	v3 =	vmax.f32 v6, $0.0e+00;
	v6 =	vld [tilespmem:s4+$0xFFFFFE90]  }
0x195: {  	v60 =	vld [tilespmem:s4+$0xFFFFFE40];
	[tilespmem:s4+$0xFFFFFDD0] =	vst v3;
	v2 =	vmax.f32 v2, $0.0e+00  }
0x196: {  	v3 =	vld [tilespmem:s4+$0xFFFFFEA0];
	[tilespmem:s4+$0xFFFFFDE0] =	vst v2;
	v1 =	vmax.f32 v1, $0.0e+00  }
0x197: {  	v61 =	vld [tilespmem:s4+$0xFFFFFE50];
	[tilespmem:s4+$0xFFFFFDF0] =	vst v1;
	v1 =	vmax.f32 v4, $0.0e+00  }
0x198: {  	v8 =	vld [tilespmem:s4+$0xFFFFFE60];
	[tilespmem:s4+$0xFFFFFE00] =	vst v1;
	v1 =	vmax.f32 v59, $0.0e+00  }
0x199: {  	v7 =	vld [tilespmem:s4+$0xFFFFFE70];
	[tilespmem:s4+$0xFFFFFE30] =	vst v1;
	v1 =	vmax.f32 v6, $0.0e+00  }
0x19a: {  	v5 =	vld [tilespmem:s4+$0xFFFFFE80];
	[tilespmem:s4+$0xFFFFFE90] =	vst v1;
	v1 =	vmax.f32 v60, $0.0e+00  }
0x19b: {  	v2 =	vld [tilespmem:s4+$0xFFFFFEB0];
	[tilespmem:s4+$0xFFFFFE40] =	vst v1;
	v1 =	vmax.f32 v3, $0.0e+00  }
0x19c: {  	v4 =	vld [tilespmem:s4+$0xFFFFFEC0];
	[tilespmem:s4+$0xFFFFFEA0] =	vst v1;
	v1 =	vmax.f32 v61, $0.0e+00  }
0x19d: {  	v62 =	vld [tilespmem:s4+$0xFFFFFED0];
	[tilespmem:s4+$0xFFFFFE50] =	vst v1;
	v1 =	vmax.f32 v8, $0.0e+00  }
0x19e: {  	[tilespmem:s4+$0xFFFFFE60] =	vst v1;
	v1 =	vmax.f32 v7, $0.0e+00;
	v7 =	vld [tilespmem:s4+$0xFFFFFF10]  }
0x19f: {  	v6 =	vld [tilespmem:s4+$0xFFFFFEE0];
	[tilespmem:s4+$0xFFFFFE70] =	vst v1;
	v1 =	vmax.f32 v5, $0.0e+00  }
0x1a0: {  	v5 =	vld [tilespmem:s4+$0xFFFFFF20];
	[tilespmem:s4+$0xFFFFFE80] =	vst v1;
	v1 =	vmax.f32 v2, $0.0e+00  }
0x1a1: {  	v3 =	vld [tilespmem:s4+$0xFFFFFEF0];
	[tilespmem:s4+$0xFFFFFEB0] =	vst v1;
	v1 =	vmax.f32 v4, $0.0e+00  }
0x1a2: {  	v8 =	vld [tilespmem:s4+$0xFFFFFF00];
	[tilespmem:s4+$0xFFFFFEC0] =	vst v1;
	v1 =	vmax.f32 v62, $0.0e+00  }
0x1a3: {  	v2 =	vld [tilespmem:s4+$0xFFFFFF30];
	[tilespmem:s4+$0xFFFFFED0] =	vst v1;
	v1 =	vmax.f32 v7, $0.0e+00  }
0x1a4: {  	v4 =	vld [tilespmem:s4+$0xFFFFFF40];
	[tilespmem:s4+$0xFFFFFF10] =	vst v1;
	v1 =	vmax.f32 v6, $0.0e+00  }
0x1a5: {  	v6 =	vld [tilespmem:s4+$0xFFFFFF80];
	[tilespmem:s4+$0xFFFFFEE0] =	vst v1;
	v1 =	vmax.f32 v5, $0.0e+00  }
0x1a6: {  	v63 =	vld [tilespmem:s4+$0xFFFFFF50];
	[tilespmem:s4+$0xFFFFFF20] =	vst v1;
	v1 =	vmax.f32 v3, $0.0e+00  }
0x1a7: {  	v7 =	vld [tilespmem:s4+$0xFFFFFF60];
	[tilespmem:s4+$0xFFFFFEF0] =	vst v1;
	v1 =	vmax.f32 v8, $0.0e+00  }
0x1a8: {  	v5 =	vld [tilespmem:s4+$0xFFFFFF70];
	[tilespmem:s4+$0xFFFFFF00] =	vst v1;
	v1 =	vmax.f32 v2, $0.0e+00  }
0x1a9: {  	v2 =	vld [tilespmem:s4+$0xFFFFFF90];
	[tilespmem:s4+$0xFFFFFF30] =	vst v1;
	v1 =	vmax.f32 v4, $0.0e+00  }
0x1aa: {  	v4 =	vld [tilespmem:s4+$0xFFFFFFA0];
	v6 =	vmax.f32 v6, $0.0e+00;
	[tilespmem:s4+$0xFFFFFF40] =	vst v1  }
0x1ab: {  	v8 =	vld [tilespmem:s4+$0xFFFFFFB0];
	v1 =	vmax.f32 v63, $0.0e+00;
	[tilespmem:s4+$0xFFFFFF80] =	vst v6  }
0x1ac: {  	v3 =	vld [tilespmem:s4+$0xFFFFFFC0];
	[tilespmem:s4+$0xFFFFFF50] =	vst v1;
	v1 =	vmax.f32 v7, $0.0e+00  }
0x1ad: {  	v5 =	vmax.f32 v5, $0.0e+00;
	[tilespmem:s4+$0xFFFFFF60] =	vst v1;
	v1 =	vld [tilespmem:s4+$0xFFFFFFD0]  }
0x1ae: {  	[tilespmem:s4+$0xFFFFFF70] =	vst v5;
	v5 =	vmax.f32 v2, $0.0e+00;
	v2 =	vld [tilespmem:s4+$0xFFFFFFE0]  }
0x1af: {  	[tilespmem:s4+$0xFFFFFF90] =	vst v5;
	v6 =	vmax.f32 v4, $0.0e+00;
	v5 =	vld [tilespmem:s4+$0xFFFFFFF0]  }
0x1b0: {  	s12 =	simm.s32 $0x28;
	s13 =	sadd.s32 $0x400, s4;
	v4 =	vld [tilespmem:s4+$0xFFFFFC10];
	[tilespmem:s4+$0xFFFFFFA0] =	vst v6;
	v6 =	vmax.f32 v8, $0.0e+00  }
.LBB2_9:
0x1b1: {  	v7 =	vld [tilespmem:s13+$0x0];
	s12 =	sadd.s32 $0x8, s12;
	[tilespmem:s4+$0xFFFFFFB0] =	vst v6;
	v3 =	vmax.f32 v3, $0.0e+00  }
0x1b2: {  	v6 =	vld [tilespmem:s13+$0xFFFFFC20];
	p1 =	slt.u32 s12, $0x48;
	[tilespmem:s4+$0xFFFFFFC0] =	vst v3;
	v1 =	vmax.f32 v1, $0.0e+00  }
0x1b3: {  	v3 =	vld [tilespmem:s13+$0xFFFFFC30];
	[tilespmem:s4+$0xFFFFFFD0] =	vst v1;
	v1 =	vmax.f32 v2, $0.0e+00  }
0x1b4: {  	v2 =	vld [tilespmem:s13+$0xFFFFFC40];
	[tilespmem:s4+$0xFFFFFFE0] =	vst v1;
	v1 =	vmax.f32 v5, $0.0e+00  }
0x1b5: {  	v5 =	vld [tilespmem:s13+$0xFFFFFC50];
	v4 =	vmax.f32 v4, $0.0e+00;
	[tilespmem:s4+$0xFFFFFFF0] =	vst v1  }
0x1b6: {  	v1 =	vld [tilespmem:s13+$0xFFFFFC60];
	v7 =	vmax.f32 v7, $0.0e+00;
	[tilespmem:s4+$0xFFFFFC10] =	vst v4;
	s4 =	smov.u32 s13  }
0x1b7: {  	v4 =	vmax.f32 v6, $0.0e+00;
	v6 =	vld [tilespmem:s13+$0xFFFFFC70];
	[tilespmem:s13+$0x0] =	vst v7  }
0x1b8: {  	[tilespmem:s13+$0xFFFFFC20] =	vst v4;
	v3 =	vmax.f32 v3, $0.0e+00;
	v4 =	vld [tilespmem:s13+$0xFFFFFC80]  }
0x1b9: {  	[tilespmem:s13+$0xFFFFFC30] =	vst v3;
	v2 =	vmax.f32 v2, $0.0e+00;
	v3 =	vld [tilespmem:s13+$0xFFFFFC90]  }
0x1ba: {  	[tilespmem:s13+$0xFFFFFC40] =	vst v2;
	v2 =	vmax.f32 v5, $0.0e+00;
	v5 =	vld [tilespmem:s13+$0xFFFFFCA0]  }
0x1bb: {  	[tilespmem:s13+$0xFFFFFC50] =	vst v2;
	v1 =	vmax.f32 v1, $0.0e+00;
	v2 =	vld [tilespmem:s13+$0xFFFFFCB0]  }
0x1bc: {  	[tilespmem:s13+$0xFFFFFC60] =	vst v1;
	v1 =	vmax.f32 v6, $0.0e+00;
	v6 =	vld [tilespmem:s13+$0xFFFFFCC0]  }
0x1bd: {  	[tilespmem:s13+$0xFFFFFC70] =	vst v1;
	v1 =	vmax.f32 v4, $0.0e+00;
	v4 =	vld [tilespmem:s13+$0xFFFFFCD0]  }
0x1be: {  	[tilespmem:s13+$0xFFFFFC80] =	vst v1;
	v1 =	vmax.f32 v3, $0.0e+00;
	v3 =	vld [tilespmem:s13+$0xFFFFFCE0]  }
0x1bf: {  	[tilespmem:s13+$0xFFFFFC90] =	vst v1;
	v1 =	vmax.f32 v5, $0.0e+00;
	v5 =	vld [tilespmem:s13+$0xFFFFFCF0]  }
0x1c0: {  	[tilespmem:s13+$0xFFFFFCA0] =	vst v1;
	v1 =	vmax.f32 v2, $0.0e+00;
	v2 =	vld [tilespmem:s13+$0xFFFFFD00]  }
0x1c1: {  	[tilespmem:s13+$0xFFFFFCB0] =	vst v1;
	v1 =	vmax.f32 v6, $0.0e+00;
	v6 =	vld [tilespmem:s13+$0xFFFFFD10]  }
0x1c2: {  	[tilespmem:s13+$0xFFFFFCC0] =	vst v1;
	v1 =	vmax.f32 v4, $0.0e+00;
	v4 =	vld [tilespmem:s13+$0xFFFFFD20]  }
0x1c3: {  	[tilespmem:s13+$0xFFFFFCD0] =	vst v1;
	v1 =	vmax.f32 v3, $0.0e+00;
	v3 =	vld [tilespmem:s13+$0xFFFFFD30]  }
0x1c4: {  	[tilespmem:s13+$0xFFFFFCE0] =	vst v1;
	v1 =	vmax.f32 v5, $0.0e+00;
	v5 =	vld [tilespmem:s13+$0xFFFFFD40]  }
0x1c5: {  	[tilespmem:s13+$0xFFFFFCF0] =	vst v1;
	v1 =	vmax.f32 v2, $0.0e+00;
	v2 =	vld [tilespmem:s13+$0xFFFFFD50]  }
0x1c6: {  	[tilespmem:s13+$0xFFFFFD00] =	vst v1;
	v1 =	vmax.f32 v6, $0.0e+00;
	v6 =	vld [tilespmem:s13+$0xFFFFFD60]  }
0x1c7: {  	[tilespmem:s13+$0xFFFFFD10] =	vst v1;
	v1 =	vmax.f32 v4, $0.0e+00;
	v4 =	vld [tilespmem:s13+$0xFFFFFD70]  }
0x1c8: {  	[tilespmem:s13+$0xFFFFFD20] =	vst v1;
	v1 =	vmax.f32 v3, $0.0e+00;
	v3 =	vld [tilespmem:s13+$0xFFFFFD80]  }
0x1c9: {  	[tilespmem:s13+$0xFFFFFD30] =	vst v1;
	v1 =	vmax.f32 v5, $0.0e+00;
	v5 =	vld [tilespmem:s13+$0xFFFFFD90]  }
0x1ca: {  	[tilespmem:s13+$0xFFFFFD40] =	vst v1;
	v1 =	vmax.f32 v2, $0.0e+00;
	v2 =	vld [tilespmem:s13+$0xFFFFFDA0]  }
0x1cb: {  	[tilespmem:s13+$0xFFFFFD50] =	vst v1;
	v1 =	vmax.f32 v6, $0.0e+00;
	v6 =	vld [tilespmem:s13+$0xFFFFFDB0]  }
0x1cc: {  	[tilespmem:s13+$0xFFFFFD60] =	vst v1;
	v1 =	vmax.f32 v4, $0.0e+00;
	v4 =	vld [tilespmem:s13+$0xFFFFFDC0]  }
0x1cd: {  	[tilespmem:s13+$0xFFFFFD70] =	vst v1;
	v1 =	vmax.f32 v3, $0.0e+00;
	v3 =	vld [tilespmem:s13+$0xFFFFFDD0]  }
0x1ce: {  	[tilespmem:s13+$0xFFFFFD80] =	vst v1;
	v1 =	vmax.f32 v5, $0.0e+00;
	v5 =	vld [tilespmem:s13+$0xFFFFFDE0]  }
0x1cf: {  	[tilespmem:s13+$0xFFFFFD90] =	vst v1;
	v1 =	vmax.f32 v2, $0.0e+00;
	v2 =	vld [tilespmem:s13+$0xFFFFFDF0]  }
0x1d0: {  	[tilespmem:s13+$0xFFFFFDA0] =	vst v1;
	v1 =	vmax.f32 v6, $0.0e+00;
	v6 =	vld [tilespmem:s13+$0xFFFFFE00]  }
0x1d1: {  	[tilespmem:s13+$0xFFFFFDB0] =	vst v1;
	v1 =	vmax.f32 v4, $0.0e+00;
	v4 =	vld [tilespmem:s13+$0xFFFFFE10]  }
0x1d2: {  	[tilespmem:s13+$0xFFFFFDC0] =	vst v1;
	v1 =	vmax.f32 v3, $0.0e+00;
	v3 =	vld [tilespmem:s13+$0xFFFFFE20]  }
0x1d3: {  	[tilespmem:s13+$0xFFFFFDD0] =	vst v1;
	v1 =	vmax.f32 v5, $0.0e+00;
	v5 =	vld [tilespmem:s13+$0xFFFFFE30]  }
0x1d4: {  	[tilespmem:s13+$0xFFFFFDE0] =	vst v1;
	v1 =	vmax.f32 v2, $0.0e+00;
	v2 =	vld [tilespmem:s13+$0xFFFFFE40]  }
0x1d5: {  	[tilespmem:s13+$0xFFFFFDF0] =	vst v1;
	v1 =	vmax.f32 v6, $0.0e+00;
	v6 =	vld [tilespmem:s13+$0xFFFFFE50]  }
0x1d6: {  	[tilespmem:s13+$0xFFFFFE00] =	vst v1;
	v1 =	vmax.f32 v4, $0.0e+00;
	v4 =	vld [tilespmem:s13+$0xFFFFFE60]  }
0x1d7: {  	[tilespmem:s13+$0xFFFFFE10] =	vst v1;
	v1 =	vmax.f32 v3, $0.0e+00;
	v3 =	vld [tilespmem:s13+$0xFFFFFE70]  }
0x1d8: {  	[tilespmem:s13+$0xFFFFFE20] =	vst v1;
	v1 =	vmax.f32 v5, $0.0e+00;
	v5 =	vld [tilespmem:s13+$0xFFFFFE80]  }
0x1d9: {  	[tilespmem:s13+$0xFFFFFE30] =	vst v1;
	v1 =	vmax.f32 v2, $0.0e+00;
	v2 =	vld [tilespmem:s13+$0xFFFFFE90]  }
0x1da: {  	[tilespmem:s13+$0xFFFFFE40] =	vst v1;
	v1 =	vmax.f32 v6, $0.0e+00;
	v6 =	vld [tilespmem:s13+$0xFFFFFEA0]  }
0x1db: {  	[tilespmem:s13+$0xFFFFFE50] =	vst v1;
	v1 =	vmax.f32 v4, $0.0e+00;
	v4 =	vld [tilespmem:s13+$0xFFFFFEB0]  }
0x1dc: {  	[tilespmem:s13+$0xFFFFFE60] =	vst v1;
	v1 =	vmax.f32 v3, $0.0e+00;
	v3 =	vld [tilespmem:s13+$0xFFFFFEC0]  }
0x1dd: {  	[tilespmem:s13+$0xFFFFFE70] =	vst v1;
	v1 =	vmax.f32 v5, $0.0e+00;
	v5 =	vld [tilespmem:s13+$0xFFFFFED0]  }
0x1de: {  	[tilespmem:s13+$0xFFFFFE80] =	vst v1;
	v1 =	vmax.f32 v2, $0.0e+00;
	v2 =	vld [tilespmem:s13+$0xFFFFFEE0]  }
0x1df: {  	[tilespmem:s13+$0xFFFFFE90] =	vst v1;
	v1 =	vmax.f32 v6, $0.0e+00;
	v6 =	vld [tilespmem:s13+$0xFFFFFEF0]  }
0x1e0: {  	[tilespmem:s13+$0xFFFFFEA0] =	vst v1;
	v1 =	vmax.f32 v4, $0.0e+00;
	v4 =	vld [tilespmem:s13+$0xFFFFFF00]  }
0x1e1: {  	[tilespmem:s13+$0xFFFFFEB0] =	vst v1;
	v1 =	vmax.f32 v3, $0.0e+00;
	v3 =	vld [tilespmem:s13+$0xFFFFFF10]  }
0x1e2: {  	[tilespmem:s13+$0xFFFFFEC0] =	vst v1;
	v1 =	vmax.f32 v5, $0.0e+00;
	v5 =	vld [tilespmem:s13+$0xFFFFFF20]  }
0x1e3: {  	[tilespmem:s13+$0xFFFFFED0] =	vst v1;
	v1 =	vmax.f32 v2, $0.0e+00;
	v2 =	vld [tilespmem:s13+$0xFFFFFF30]  }
0x1e4: {  	[tilespmem:s13+$0xFFFFFEE0] =	vst v1;
	v1 =	vmax.f32 v6, $0.0e+00;
	v6 =	vld [tilespmem:s13+$0xFFFFFF40]  }
0x1e5: {  	[tilespmem:s13+$0xFFFFFEF0] =	vst v1;
	v1 =	vmax.f32 v4, $0.0e+00;
	v4 =	vld [tilespmem:s13+$0xFFFFFF50]  }
0x1e6: {  	[tilespmem:s13+$0xFFFFFF00] =	vst v1;
	v1 =	vmax.f32 v3, $0.0e+00;
	v3 =	vld [tilespmem:s13+$0xFFFFFF60]  }
0x1e7: {  	[tilespmem:s13+$0xFFFFFF10] =	vst v1;
	v1 =	vmax.f32 v5, $0.0e+00;
	v5 =	vld [tilespmem:s13+$0xFFFFFF70]  }
0x1e8: {  	[tilespmem:s13+$0xFFFFFF20] =	vst v1;
	v1 =	vmax.f32 v2, $0.0e+00;
	v2 =	vld [tilespmem:s13+$0xFFFFFF80]  }
0x1e9: {  	[tilespmem:s13+$0xFFFFFF30] =	vst v1;
	v1 =	vmax.f32 v6, $0.0e+00;
	v6 =	vld [tilespmem:s13+$0xFFFFFF90]  }
0x1ea: {  	[tilespmem:s13+$0xFFFFFF40] =	vst v1;
	v1 =	vmax.f32 v4, $0.0e+00;
	v4 =	vld [tilespmem:s13+$0xFFFFFFA0]  }
0x1eb: {  	[tilespmem:s13+$0xFFFFFF50] =	vst v1;
	v1 =	vmax.f32 v3, $0.0e+00;
	v7 =	vld [tilespmem:s13+$0xFFFFFFB0]  }
.Ltmp3:
0x1ec: {  	[tilespmem:s13+$0xFFFFFF60] =	vst v1;
	v1 =	vmax.f32 v5, $0.0e+00;
	v3 =	vld [tilespmem:s13+$0xFFFFFFC0];
	(pc) =	sbr.rel @p1 .LBB2_9-.Ltmp3, $4  }
0x1ed: {  	[tilespmem:s13+$0xFFFFFF70] =	vst v1;
	v2 =	vmax.f32 v2, $0.0e+00;
	v1 =	vld [tilespmem:s13+$0xFFFFFFD0]  }
0x1ee: {  	[tilespmem:s13+$0xFFFFFF80] =	vst v2;
	v5 =	vmax.f32 v6, $0.0e+00;
	v2 =	vld [tilespmem:s13+$0xFFFFFFE0]  }
0x1ef: {  	[tilespmem:s13+$0xFFFFFF90] =	vst v5;
	v6 =	vmax.f32 v4, $0.0e+00;
	v5 =	vld [tilespmem:s13+$0xFFFFFFF0]  }
0x1f0: {  	s13 =	sadd.s32 $0x400, s13;
	v4 =	vld [tilespmem:s4+$0xFFFFFC10];
	[tilespmem:s4+$0xFFFFFFA0] =	vst v6;
	v6 =	vmax.f32 v7, $0.0e+00  }
0x1f1: {  	s12 =	smul.u32 $0xAB, s26;
	_ =	sdelay $0x1  }
0x1f2: {  	s12 =	sshrl.u32 s12, $0x9  }
0x1f3: {  	s12 =	sand.u32 $0x7F, s12  }
0x1f4: {  	[tilespmem:s4+$0xFFFFFFB0] =	vst v6;
	v3 =	vmax.f32 v3, $0.0e+00;
	s12 =	smul.u32 $0x3, s12  }
0x1f5: {  	[tilespmem:s4+$0xFFFFFFC0] =	vst v3;
	v1 =	vmax.f32 v1, $0.0e+00  }
0x1f6: {  	p1 =	slt.u32 s0, $0x7D;
	[tilespmem:s4+$0xFFFFFFD0] =	vst v1;
	v1 =	vmax.f32 v2, $0.0e+00;
	s12 =	ssub.s32 s26, s12  }
.Ltmp4:
0x1f7: {  	[tilespmem:s4+$0xFFFFFFE0] =	vst v1;
	v1 =	vmax.f32 v5, $0.0e+00;
	s12 =	sand.u32 $0xFB, s12;
	(pc) =	sbr.rel @p1 .LBB2_4-.Ltmp4, $4  }
0x1f8: {  	v2 =	vmax.f32 v4, $0.0e+00;
	[tilespmem:s4+$0xFFFFFFF0] =	vst v1;
	s12 =	sshll.u32 s12, $0x7  }
0x1f9: {  	s28 =	sor.u32 $0xE, s28;
	[tilespmem:s4+$0xFFFFFC10] =	vst v2;
	s26 =	sor.u32 $0x200, s12  }
0x1fa: {  	[spmem:s2] =	stream.indirect.scatter.add.f32 [tilespmem:s31], [sflag:s28], $0x80, s26, s24, $0xb8;
	[tilespmem:$0x18C80] =	vst v63  }
0x1fb: {  	s26 =	smov.u32 s0  }
0x1fc: {  	_ =	swait.ge [sflag:s25], $0x2800  }
0x1fd: {  	[sflag:s25] =	ssyncset.done $0x0  }
0x1fe: {  	s0 =	stileid.u32;
	[sflag:s25] =	ssyncadd.s32 $0xFFFFD800  }
0x1ff: {  	s0 =	sshll.u32 s0, $0x6;
	[bflag:$0x0] =	sbarrier.arrive $0xFFFF  }
0x200: {  	s4 =	sshrl.u32 s10, $0x3;
	s0 =	sor.u32 $0x1C10, s0;
	s12 =	rddreg [dreg:$0xa]  }
0x201: {  	[hbm:s12], [sflag:s0] =	dma.local [spmem:s4], $0x2700  }
0x202: {  	s3 =	sadd.s32 $0x1, s3;
	_ =	swait.ge [sflag:s22], $0x2700  }
0x203: {  	p1 =	sne.s32 s3, s20;
	[sflag:s22] =	ssyncset.done $0x0  }
0x204: {  	s4 =	sshrl.u32 @!p0 s11, $0x3;
	s12 =	rddreg [dreg:$0xb];
	[sflag:s22] =	ssyncadd.s32 $0xFFFFD900  }
0x205: {  	[hbm:s12], [sflag:s0] =	dma.local @!p0 [spmem:s4], $0x100  }
.Ltmp5:
0x206: {  	_ = 	snop;
	(pc) =	sbr.rel @p1 .LBB2_1-.Ltmp5, $4  }
0x207: {  	s0 =	simm.s32 @!p0 $0x10  }
0x208: {  	_ =	swait.ge @!p0 [sflag:s0], $0x100  }
0x209: {  	[sflag:s0] =	ssyncset.done @!p0 $0x0  }
0x20a: {  	[sflag:s0] =	ssyncadd.s32 @!p0 $0xFFFFFF00  }
0x20b: {  	_ =	sfence.sel $0x180000  }
0x20c: {  	[bflag:$0x0] =	sbarrier.arrive $0xFFFF  }
0x20d: {  	_ =	strace $0x90000047  }
0x20e: {  	s0 =	stileid.u32;
	[bflag:$0x2] =	sbarrier.arrive $0xFFFF  }
0x20f: {  	p0 =	sne.s32 s0, $0x0;
	s0 =	rddreg [dreg:$0x3]  }
0x210: {  	s0 =	sadd.s32 @!p0 $0x100000, s0  }
0x211: {  	[sflag:s0] =	ssyncadd.tile.s32 @!p0 $0x1;
	_ =	shalt  }
.Lfunc_end2:
_tile_overlayer_lowered:
.L_overlay_start_2:
0x212: {  	(tag) =	ssettag $0x2  }
0x213: {  	s0 =	rddreg [dreg:$0x0];
	s2 =	stileid.u32  }
0x214: {  	s1 =	rddreg [dreg:$0x1];
	p0 =	sne.s32 s2, $0x0  }
0x215: {  	s3 =	rddreg [dreg:$0x2];
	[bflag:$0x3] =	sbarrier.arrive $0xFFFF;
	s2 =	simm.s32 @!p0 $0x1C10  }
0x216: {  	[timem:s3], [sflag:s2] =	dma.local @!p0 [hbm:s0], s1  }
0x217: {  	s0 =	simm.s32 @!p0 $0x10  }
0x218: {  	_ =	swait.ge @!p0 [sflag:s0], s1  }
0x219: {  	s1 =	ssub.s32 @!p0 $0x0, s1;
	[sflag:s0] =	ssyncset.done @!p0 $0x0  }
0x21a: {  	[sflag:s0] =	ssyncadd.s32 @!p0 s1  }
0x21b: {  	[bflag:$0x3] =	sbarrier.arrive $0xFFFF  }
0x21c: {  	_ =	shalt  }

</sc_bundles>
